<compile_context>
chip_gen: v7x
topology: tpu7x:2x2x1
jax: 0.10.2.dev20260603
libtpu: 0.0.44.dev20260713+nightly
codegen_flags: <defaults>
</compile_context>

<pallas_src>
import functools

import jax
import jax.numpy as jnp
import numpy as np
from jax import lax
from jax.experimental import pallas as pl
from jax.experimental.pallas import tpu as pltpu
from jax.experimental.pallas import tpu_sc as plsc

N_PREFIX_HASH_BINS = 100000
MAX_SEQ_LEN = 200
PRIME = (1 << 31) - 1
BINS1 = N_PREFIX_HASH_BINS - 1

_rng = np.random.RandomState(42)
_A = _rng.randint(1, PRIME, size=(MAX_SEQ_LEN,)).astype(np.int64)
_B = int(_rng.randint(0, PRIME))

_PAD_LEN = 208
_A_PAD = np.zeros((_PAD_LEN,), np.int64)
_A_PAD[:MAX_SEQ_LEN] = _A
_A_LO = (_A_PAD & 0xFFFF).astype(np.int32)
_A_HI = (_A_PAD >> 16).astype(np.int32)

_NC, _NS = 2, 16
_NW = _NC * _NS
_NCHUNK = _PAD_LEN // 16


def _make_sc_kernel(batch, seqlen):
    rows_per = batch // _NW
    blk = rows_per * _PAD_LEN
    mesh = plsc.VectorSubcoreMesh(core_axis_name="c", subcore_axis_name="s")

    @functools.partial(
        pl.kernel,
        out_type=jax.ShapeDtypeStruct((batch, 2 * seqlen), jnp.int32),
        mesh=mesh,
        compiler_params=pltpu.CompilerParams(needs_layout_passes=False),
        scratch_types=[
            pltpu.VMEM((blk,), jnp.int32),
            pltpu.VMEM((rows_per, 2 * seqlen), jnp.int32),
            pltpu.VMEM((_PAD_LEN,), jnp.int32),
            pltpu.VMEM((_PAD_LEN,), jnp.int32),
        ],
    )
    def body(seq_hbm, alo_hbm, ahi_hbm, out_hbm, seq_v, out_v, alo_v, ahi_v):
        _U16 = jnp.uint32(0xFFFF)
        _U15 = jnp.uint32(0x7FFF)
        _UP = jnp.uint32(PRIME)
        _INV_BINS1 = jnp.float32(1.0 / BINS1)
        _IBINS1 = jnp.int32(BINS1)
        wid = lax.axis_index("s") * _NC + lax.axis_index("c")
        pltpu.sync_copy(seq_hbm.at[pl.ds(wid * blk, blk)], seq_v)
        pltpu.sync_copy(alo_hbm, alo_v)
        pltpu.sync_copy(ahi_hbm, ahi_v)
        pos0 = lax.iota(jnp.int32, 16)
        zeros16 = pos0 * 0
        cols_c = [jnp.minimum((pos0 + 16 * j) * 2, jnp.int32(2 * seqlen - 2))
                  for j in range(_NCHUNK)]

        _UB0 = jnp.uint32(_B & 0xFFFF)
        _UB1 = jnp.uint32(_B >> 16)

        @plsc.parallel_loop(jnp.int32(0), jnp.int32(rows_per),
                            step=jnp.int32(1), unroll=2)
        def row_body(r):
            base = r * _PAD_LEN
            rfull = jnp.full((16,), r, jnp.int32)
            n = zeros16
            c02 = _UB0
            c1 = _UB1
            for j in range(_NCHUNK):
                a0 = plsc.bitcast(alo_v[pl.ds(16 * j, 16)], jnp.uint32)
                a1 = plsc.bitcast(ahi_v[pl.ds(16 * j, 16)], jnp.uint32)
                msk = None
                lanes_ok = None
                if 16 * (j + 1) > seqlen:
                    lanes_ok = pos0 < jnp.int32(seqlen - 16 * j)
                    msk = lanes_ok
                x_i = seq_v[pl.ds(base + 16 * j, 16)]
                x = plsc.bitcast(x_i, jnp.uint32)
                x0 = x & _U16
                x1 = x >> jnp.uint32(16)
                m00 = a0 * x0
                m10 = a1 * x0
                m01 = a0 * x1
                m11 = a1 * x1
                e02 = (m00 & _U16) + ((m10 >> jnp.uint32(16)) + m11) * jnp.uint32(2)
                e1 = (m00 >> jnp.uint32(16)) + (m10 & _U16) + m01
                l02 = plsc.cumsum(e02) + c02
                l1 = plsc.cumsum(e1) + c1
                c02 = c02 + jnp.sum(e02, dtype=jnp.uint32)
                c1 = c1 + jnp.sum(e1, dtype=jnp.uint32)
                s16v = ((l1 & _U15) << jnp.uint32(16)) + (l1 >> jnp.uint32(15))
                acc = l02 + s16v
                h = (acc & _UP) + (acc >> jnp.uint32(31))
                h = jnp.where(h >= _UP, h - _UP, h)
                hi = plsc.bitcast(h, jnp.int32)
                q = (hi.astype(jnp.float32) * _INV_BINS1).astype(jnp.int32)
                rv = hi - q * _IBINS1
                rv = jnp.where(rv < 0, rv + _IBINS1, rv)
                rv = jnp.where(rv >= _IBINS1, rv - _IBINS1, rv)
                idv = rv + 1
                nzb = x_i != 0
                if lanes_ok is not None:
                    nzb = nzb & lanes_ok
                n = n + plsc.all_reduce_population_count(nzb)
                plsc.store_scatter(out_v, [rfull, cols_c[j]], idv, mask=msk)
                plsc.store_scatter(out_v, [rfull, cols_c[j] + 1], zeros16,
                                   mask=msk)
            last_idx = jnp.clip(n - 1, 0, seqlen - 1)
            last_vec = plsc.load_gather(out_v, [rfull, last_idx * 2])

            def tail_body(k, carry2):
                posk = pos0 + k * 16
                m = (posk >= n) & (posk < jnp.int32(seqlen))
                ck = jnp.minimum(posk * 2, jnp.int32(2 * seqlen - 2))
                plsc.store_scatter(out_v, [rfull, ck], last_vec, mask=m)
                return carry2

            lax.fori_loop(jnp.max(n) // jnp.int32(16), jnp.int32(_NCHUNK),
                          tail_body, jnp.int32(0))
        pltpu.sync_copy(out_v,
                        out_hbm.at[pl.ds(wid * rows_per, rows_per), :])

    return body


def kernel(sequences):
    batch, seqlen = sequences.shape
    x = sequences.astype(jnp.int32)
    xp = jnp.pad(x, ((0, 0), (0, _PAD_LEN - seqlen)))
    nsplit = 2
    part = batch // nsplit
    sc = _make_sc_kernel(part, seqlen)
    alo, ahi = jnp.asarray(_A_LO), jnp.asarray(_A_HI)
    outs = []
    for i in range(nsplit):
        pairs = sc(xp[i * part:(i + 1) * part].reshape(-1), alo, ahi)
        outs.append(jax.lax.bitcast_convert_type(
            pairs.reshape(part, seqlen, 2), jnp.int64))
    return jnp.concatenate(outs, axis=0)

# --- scband reference (transcript-rebuilt; emitter-appended) ---
"""Pipeline reference for scband-base-hash-code-61761629716551 (READ-ONLY COPY).

The authoritative reference and input builder live on the scoring server;
editing this copy changes nothing except your own understanding.
"""

import jax, jax.numpy as jnp
import numpy as np

jax.config.update("jax_enable_x64", True)

N_PREFIX_HASH_BINS = 100000
MAX_SEQ_LEN = 200
PAD_TRAILING_ZEROES = True
RANDOM_SEED = 42
MASK_ZERO = True
PRIME = (1 << 31) - 1
BATCH = 4096
VOCAB = 100000


def _draw_hash_coeffs():
    # HashFamily.draw_hash(): universal polynomial hash with per-position random
    # coefficients, deterministic given random_seed (identical hash every time).
    rng = np.random.RandomState(RANDOM_SEED)
    a = jnp.asarray(rng.randint(1, PRIME, size=(MAX_SEQ_LEN,)).astype(np.int64))
    b = np.int64(rng.randint(0, PRIME))
    return a, b


def setup_inputs(seed: int = 0) -> dict:
    key = jax.random.key(seed)
    sequences = jax.random.randint(key, (BATCH, MAX_SEQ_LEN), 0, VOCAB, dtype=jnp.int64)
    return {"sequences": sequences}


def _prefix_hash(sequences):
    # hash of every prefix [x_1..x_t]: h_t = ((sum_{j<=t} a_j * x_j) + b) mod p mod bins
    a, b = _draw_hash_coeffs()
    x = sequences.astype(jnp.int64)
    terms = (a[None, :] * x) % PRIME  # a < 2^31, x < 2^17 -> product fits int64
    acc = (jnp.cumsum(terms, axis=-1) + b) % PRIME  # sum < 2^31 * 200 fits int64
    if MASK_ZERO:
        # reserve bin 0 for padding: map into [1, bins-1]
        ids = acc % (N_PREFIX_HASH_BINS - 1) + 1
    else:
        ids = acc % N_PREFIX_HASH_BINS
    return ids


def reference(sequences):
    prefix_ids = _prefix_hash(sequences)
    if PAD_TRAILING_ZEROES:
        # vectorized equivalent of: for idx, L_i in enumerate(n_code_lengths):
        #     prefix_ids[idx, L_i:] = prefix_ids[idx, L_i - 1]
        L = sequences.shape[-1]
        n_code_lengths = (sequences != 0).sum(axis=-1)  # [B]
        last_idx = jnp.clip(n_code_lengths - 1, 0, L - 1)[:, None]
        last_vals = jnp.take_along_axis(prefix_ids, last_idx, axis=1)  # [B, 1]
        pos = jnp.arange(L)[None, :]
        prefix_ids = jnp.where(pos >= n_code_lengths[:, None], last_vals, prefix_ids)
    return prefix_ids

if __name__ == "__main__":
    import jax
    _d = setup_inputs()
    print(jax.jit(kernel)(*tuple(_d.values())))

</pallas_src>

<mosaic_0001>
#map = affine_map<(d0, d1) -> (0)>
#map1 = affine_map<(d0, d1) -> (0, 0)>
module attributes {stable_mosaic.version = 14 : i64} {
  func.func @body(%arg0: i32, %arg1: i32, %arg2: memref<425984xi32, #tpu.memory_space<hbm>>, %arg3: memref<208xi32, #tpu.memory_space<hbm>>, %arg4: memref<208xi32, #tpu.memory_space<hbm>>, %arg5: memref<2048x400xi32, #tpu.memory_space<hbm>>, %arg6: memref<13312xi32, #tpu.memory_space<vmem>>, %arg7: memref<64x400xi32, #tpu.memory_space<vmem>>, %arg8: memref<208xi32, #tpu.memory_space<vmem>>, %arg9: memref<208xi32, #tpu.memory_space<vmem>>) attributes {dimension_semantics = [#tpu.dimension_semantics<core_parallel>, #tpu.dimension_semantics<subcore_parallel>], iteration_bounds = array<i64: 2, 16>, scalar_prefetch = 0 : i64, scratch_operands = 4 : i64, tpu.core_type = #tpu.core_type<sc_vector_subcore>, window_params = [{transform_indices = #map}, {transform_indices = #map}, {transform_indices = #map}, {transform_indices = #map1}]} {
    %mul3A = arith.constant 2 : i32
    %mul3A_0 = arith.muli %arg1, %mul3A : i32
    %add3A = arith.addi %mul3A_0, %arg0 : i32
    %mul3A_1 = arith.constant 13312 : i32
    %mul3A_2 = arith.muli %add3A, %mul3A_1 : i32
    "tpu.region"() ({
      %run_scoped3A = tpu.sem_alloc : memref<!tpu.dma_semaphore, #tpu.memory_space<semaphore_mem>>
      %dma_start3A = tpu.memref_slice %arg2[%mul3A_2] : memref<425984xi32, #tpu.memory_space<hbm>> -> memref<13312xi32, #tpu.memory_space<hbm>>
      %dma_start3A_133 = tpu.memref_slice %arg2[%mul3A_2] : memref<425984xi32, #tpu.memory_space<hbm>> -> memref<13312xi32, #tpu.memory_space<hbm>>
      tpu.enqueue_dma source(%dma_start3A_133 : memref<13312xi32, #tpu.memory_space<hbm>>) target(%arg6 : memref<13312xi32, #tpu.memory_space<vmem>>) target_semaphore(%run_scoped3A : memref<!tpu.dma_semaphore, #tpu.memory_space<semaphore_mem>>)
      %dma_wait3A = tpu.memref_slice %arg2[%mul3A_2] : memref<425984xi32, #tpu.memory_space<hbm>> -> memref<13312xi32, #tpu.memory_space<hbm>>
      %dma_wait3A_134 = tpu.memref_slice %arg2[%mul3A_2] : memref<425984xi32, #tpu.memory_space<hbm>> -> memref<13312xi32, #tpu.memory_space<hbm>>
      tpu.wait_dma2 semaphore(%run_scoped3A : memref<!tpu.dma_semaphore, #tpu.memory_space<semaphore_mem>>) src(%dma_wait3A_134 : memref<13312xi32, #tpu.memory_space<hbm>>) dst(%arg6 : memref<13312xi32, #tpu.memory_space<vmem>>)
      tpu.yield
    }) : () -> ()
    "tpu.region"() ({
      %run_scoped3A = tpu.sem_alloc : memref<!tpu.dma_semaphore, #tpu.memory_space<semaphore_mem>>
      tpu.enqueue_dma source(%arg3 : memref<208xi32, #tpu.memory_space<hbm>>) target(%arg8 : memref<208xi32, #tpu.memory_space<vmem>>) target_semaphore(%run_scoped3A : memref<!tpu.dma_semaphore, #tpu.memory_space<semaphore_mem>>)
      tpu.wait_dma2 semaphore(%run_scoped3A : memref<!tpu.dma_semaphore, #tpu.memory_space<semaphore_mem>>) src(%arg3 : memref<208xi32, #tpu.memory_space<hbm>>) dst(%arg8 : memref<208xi32, #tpu.memory_space<vmem>>)
      tpu.yield
    }) : () -> ()
    "tpu.region"() ({
      %run_scoped3A = tpu.sem_alloc : memref<!tpu.dma_semaphore, #tpu.memory_space<semaphore_mem>>
      tpu.enqueue_dma source(%arg4 : memref<208xi32, #tpu.memory_space<hbm>>) target(%arg9 : memref<208xi32, #tpu.memory_space<vmem>>) target_semaphore(%run_scoped3A : memref<!tpu.dma_semaphore, #tpu.memory_space<semaphore_mem>>)
      tpu.wait_dma2 semaphore(%run_scoped3A : memref<!tpu.dma_semaphore, #tpu.memory_space<semaphore_mem>>) src(%arg4 : memref<208xi32, #tpu.memory_space<hbm>>) dst(%arg9 : memref<208xi32, #tpu.memory_space<vmem>>)
      tpu.yield
    }) : () -> ()
    %iota3A = tpu.iota {dimensions = array<i32: 0>} : vector<16xi32>
    %mul3A_3 = arith.constant 0 : i32
    %mul3A_4 = vector.broadcast %mul3A_3 : i32 to vector<16xi32>
    %mul3A_5 = arith.muli %iota3A, %mul3A_4 : vector<16xi32>
    %add3A_6 = arith.constant 0 : i32
    %add3A_7 = vector.broadcast %add3A_6 : i32 to vector<16xi32>
    %add3A_8 = arith.addi %iota3A, %add3A_7 : vector<16xi32>
    %mul3A_9 = arith.constant 2 : i32
    %mul3A_10 = vector.broadcast %mul3A_9 : i32 to vector<16xi32>
    %mul3A_11 = arith.muli %add3A_8, %mul3A_10 : vector<16xi32>
    %min3A = arith.constant 398 : i32
    %min3A_12 = vector.broadcast %min3A : i32 to vector<16xi32>
    %min3A_13 = arith.minsi %mul3A_11, %min3A_12 : vector<16xi32>
    %add3A_14 = arith.constant 16 : i32
    %add3A_15 = vector.broadcast %add3A_14 : i32 to vector<16xi32>
    %add3A_16 = arith.addi %iota3A, %add3A_15 : vector<16xi32>
    %mul3A_17 = arith.constant 2 : i32
    %mul3A_18 = vector.broadcast %mul3A_17 : i32 to vector<16xi32>
    %mul3A_19 = arith.muli %add3A_16, %mul3A_18 : vector<16xi32>
    %min3A_20 = arith.constant 398 : i32
    %min3A_21 = vector.broadcast %min3A_20 : i32 to vector<16xi32>
    %min3A_22 = arith.minsi %mul3A_19, %min3A_21 : vector<16xi32>
    %add3A_23 = arith.constant 32 : i32
    %add3A_24 = vector.broadcast %add3A_23 : i32 to vector<16xi32>
    %add3A_25 = arith.addi %iota3A, %add3A_24 : vector<16xi32>
    %mul3A_26 = arith.constant 2 : i32
    %mul3A_27 = vector.broadcast %mul3A_26 : i32 to vector<16xi32>
    %mul3A_28 = arith.muli %add3A_25, %mul3A_27 : vector<16xi32>
    %min3A_29 = arith.constant 398 : i32
    %min3A_30 = vector.broadcast %min3A_29 : i32 to vector<16xi32>
    %min3A_31 = arith.minsi %mul3A_28, %min3A_30 : vector<16xi32>
    %add3A_32 = arith.constant 48 : i32
    %add3A_33 = vector.broadcast %add3A_32 : i32 to vector<16xi32>
    %add3A_34 = arith.addi %iota3A, %add3A_33 : vector<16xi32>
    %mul3A_35 = arith.constant 2 : i32
    %mul3A_36 = vector.broadcast %mul3A_35 : i32 to vector<16xi32>
    %mul3A_37 = arith.muli %add3A_34, %mul3A_36 : vector<16xi32>
    %min3A_38 = arith.constant 398 : i32
    %min3A_39 = vector.broadcast %min3A_38 : i32 to vector<16xi32>
    %min3A_40 = arith.minsi %mul3A_37, %min3A_39 : vector<16xi32>
    %add3A_41 = arith.constant 64 : i32
    %add3A_42 = vector.broadcast %add3A_41 : i32 to vector<16xi32>
    %add3A_43 = arith.addi %iota3A, %add3A_42 : vector<16xi32>
    %mul3A_44 = arith.constant 2 : i32
    %mul3A_45 = vector.broadcast %mul3A_44 : i32 to vector<16xi32>
    %mul3A_46 = arith.muli %add3A_43, %mul3A_45 : vector<16xi32>
    %min3A_47 = arith.constant 398 : i32
    %min3A_48 = vector.broadcast %min3A_47 : i32 to vector<16xi32>
    %min3A_49 = arith.minsi %mul3A_46, %min3A_48 : vector<16xi32>
    %add3A_50 = arith.constant 80 : i32
    %add3A_51 = vector.broadcast %add3A_50 : i32 to vector<16xi32>
    %add3A_52 = arith.addi %iota3A, %add3A_51 : vector<16xi32>
    %mul3A_53 = arith.constant 2 : i32
    %mul3A_54 = vector.broadcast %mul3A_53 : i32 to vector<16xi32>
    %mul3A_55 = arith.muli %add3A_52, %mul3A_54 : vector<16xi32>
    %min3A_56 = arith.constant 398 : i32
    %min3A_57 = vector.broadcast %min3A_56 : i32 to vector<16xi32>
    %min3A_58 = arith.minsi %mul3A_55, %min3A_57 : vector<16xi32>
    %add3A_59 = arith.constant 96 : i32
    %add3A_60 = vector.broadcast %add3A_59 : i32 to vector<16xi32>
    %add3A_61 = arith.addi %iota3A, %add3A_60 : vector<16xi32>
    %mul3A_62 = arith.constant 2 : i32
    %mul3A_63 = vector.broadcast %mul3A_62 : i32 to vector<16xi32>
    %mul3A_64 = arith.muli %add3A_61, %mul3A_63 : vector<16xi32>
    %min3A_65 = arith.constant 398 : i32
    %min3A_66 = vector.broadcast %min3A_65 : i32 to vector<16xi32>
    %min3A_67 = arith.minsi %mul3A_64, %min3A_66 : vector<16xi32>
    %add3A_68 = arith.constant 112 : i32
    %add3A_69 = vector.broadcast %add3A_68 : i32 to vector<16xi32>
    %add3A_70 = arith.addi %iota3A, %add3A_69 : vector<16xi32>
    %mul3A_71 = arith.constant 2 : i32
    %mul3A_72 = vector.broadcast %mul3A_71 : i32 to vector<16xi32>
    %mul3A_73 = arith.muli %add3A_70, %mul3A_72 : vector<16xi32>
    %min3A_74 = arith.constant 398 : i32
    %min3A_75 = vector.broadcast %min3A_74 : i32 to vector<16xi32>
    %min3A_76 = arith.minsi %mul3A_73, %min3A_75 : vector<16xi32>
    %add3A_77 = arith.constant 128 : i32
    %add3A_78 = vector.broadcast %add3A_77 : i32 to vector<16xi32>
    %add3A_79 = arith.addi %iota3A, %add3A_78 : vector<16xi32>
    %mul3A_80 = arith.constant 2 : i32
    %mul3A_81 = vector.broadcast %mul3A_80 : i32 to vector<16xi32>
    %mul3A_82 = arith.muli %add3A_79, %mul3A_81 : vector<16xi32>
    %min3A_83 = arith.constant 398 : i32
    %min3A_84 = vector.broadcast %min3A_83 : i32 to vector<16xi32>
    %min3A_85 = arith.minsi %mul3A_82, %min3A_84 : vector<16xi32>
    %add3A_86 = arith.constant 144 : i32
    %add3A_87 = vector.broadcast %add3A_86 : i32 to vector<16xi32>
    %add3A_88 = arith.addi %iota3A, %add3A_87 : vector<16xi32>
    %mul3A_89 = arith.constant 2 : i32
    %mul3A_90 = vector.broadcast %mul3A_89 : i32 to vector<16xi32>
    %mul3A_91 = arith.muli %add3A_88, %mul3A_90 : vector<16xi32>
    %min3A_92 = arith.constant 398 : i32
    %min3A_93 = vector.broadcast %min3A_92 : i32 to vector<16xi32>
    %min3A_94 = arith.minsi %mul3A_91, %min3A_93 : vector<16xi32>
    %add3A_95 = arith.constant 160 : i32
    %add3A_96 = vector.broadcast %add3A_95 : i32 to vector<16xi32>
    %add3A_97 = arith.addi %iota3A, %add3A_96 : vector<16xi32>
    %mul3A_98 = arith.constant 2 : i32
    %mul3A_99 = vector.broadcast %mul3A_98 : i32 to vector<16xi32>
    %mul3A_100 = arith.muli %add3A_97, %mul3A_99 : vector<16xi32>
    %min3A_101 = arith.constant 398 : i32
    %min3A_102 = vector.broadcast %min3A_101 : i32 to vector<16xi32>
    %min3A_103 = arith.minsi %mul3A_100, %min3A_102 : vector<16xi32>
    %add3A_104 = arith.constant 176 : i32
    %add3A_105 = vector.broadcast %add3A_104 : i32 to vector<16xi32>
    %add3A_106 = arith.addi %iota3A, %add3A_105 : vector<16xi32>
    %mul3A_107 = arith.constant 2 : i32
    %mul3A_108 = vector.broadcast %mul3A_107 : i32 to vector<16xi32>
    %mul3A_109 = arith.muli %add3A_106, %mul3A_108 : vector<16xi32>
    %min3A_110 = arith.constant 398 : i32
    %min3A_111 = vector.broadcast %min3A_110 : i32 to vector<16xi32>
    %min3A_112 = arith.minsi %mul3A_109, %min3A_111 : vector<16xi32>
    %add3A_113 = arith.constant 192 : i32
    %add3A_114 = vector.broadcast %add3A_113 : i32 to vector<16xi32>
    %add3A_115 = arith.addi %iota3A, %add3A_114 : vector<16xi32>
    %mul3A_116 = arith.constant 2 : i32
    %mul3A_117 = vector.broadcast %mul3A_116 : i32 to vector<16xi32>
    %mul3A_118 = arith.muli %add3A_115, %mul3A_117 : vector<16xi32>
    %min3A_119 = arith.constant 398 : i32
    %min3A_120 = vector.broadcast %min3A_119 : i32 to vector<16xi32>
    %min3A_121 = arith.minsi %mul3A_118, %min3A_120 : vector<16xi32>
    %parallel_loop3A = arith.constant 0 : i32
    %parallel_loop3A_122 = arith.constant 64 : i32
    %parallel_loop3A_123 = arith.constant 1 : i32
    %parallel_loop3A_124 = arith.constant 65535 : i32
    %parallel_loop3A_125 = arith.constant 48702 : i32
    %parallel_loop3A_126 = arith.constant 2059 : i32
    %parallel_loop3A_127 = arith.constant 32767 : i32
    %parallel_loop3A_128 = arith.constant 2147483647 : i32
    %parallel_loop3A_129 = arith.constant 1.000010e-05 : f32
    %parallel_loop3A_130 = arith.constant 99999 : i32
    scf.for %parallel_loop3A_133 = %parallel_loop3A to %parallel_loop3A_122 step %parallel_loop3A_123  : i32 {
      %parallel_loop3A_134 = arith.constant 208 : i32
      %parallel_loop3A_135 = arith.muli %parallel_loop3A_133, %parallel_loop3A_134 : i32
      %parallel_loop3A_136 = vector.broadcast %parallel_loop3A_133 : i32 to vector<16xi32>
      %parallel_loop3A_137 = arith.constant 0 : index
      %parallel_loop3A_138 = tpu.vector_load %arg8[%parallel_loop3A_137] {strides = array<i32>} : memref<208xi32, #tpu.memory_space<vmem>>, vector<16xi32>,
      %parallel_loop3A_139 = vector.bitcast %parallel_loop3A_138 : vector<16xi32> to vector<16xi32>
      %parallel_loop3A_140 = arith.constant 0 : index
      %parallel_loop3A_141 = tpu.vector_load %arg9[%parallel_loop3A_140] {strides = array<i32>} : memref<208xi32, #tpu.memory_space<vmem>>, vector<16xi32>,
      %parallel_loop3A_142 = vector.bitcast %parallel_loop3A_141 : vector<16xi32> to vector<16xi32>
      %parallel_loop3A_143 = arith.constant 0 : i32
      %parallel_loop3A_144 = arith.addi %parallel_loop3A_135, %parallel_loop3A_143 : i32
      %parallel_loop3A_145 = arith.index_cast %parallel_loop3A_144 : i32 to index
      %parallel_loop3A_146 = tpu.vector_load %arg6[%parallel_loop3A_145] {strides = array<i32>} : memref<13312xi32, #tpu.memory_space<vmem>>, vector<16xi32>,
      %parallel_loop3A_147 = vector.bitcast %parallel_loop3A_146 : vector<16xi32> to vector<16xi32>
      %parallel_loop3A_148 = vector.broadcast %parallel_loop3A_124 : i32 to vector<16xi32>
      %parallel_loop3A_149 = arith.andi %parallel_loop3A_147, %parallel_loop3A_148 : vector<16xi32>
      %parallel_loop3A_150 = arith.constant 16 : i32
      %parallel_loop3A_151 = vector.broadcast %parallel_loop3A_150 : i32 to vector<16xi32>
      %parallel_loop3A_152 = arith.shrui %parallel_loop3A_147, %parallel_loop3A_151 : vector<16xi32>
      %parallel_loop3A_153 = arith.muli %parallel_loop3A_139, %parallel_loop3A_149 : vector<16xi32>
      %parallel_loop3A_154 = arith.muli %parallel_loop3A_142, %parallel_loop3A_149 : vector<16xi32>
      %parallel_loop3A_155 = arith.muli %parallel_loop3A_139, %parallel_loop3A_152 : vector<16xi32>
      %parallel_loop3A_156 = arith.muli %parallel_loop3A_142, %parallel_loop3A_152 : vector<16xi32>
      %parallel_loop3A_157 = vector.broadcast %parallel_loop3A_124 : i32 to vector<16xi32>
      %parallel_loop3A_158 = arith.andi %parallel_loop3A_153, %parallel_loop3A_157 : vector<16xi32>
      %parallel_loop3A_159 = arith.constant 16 : i32
      %parallel_loop3A_160 = vector.broadcast %parallel_loop3A_159 : i32 to vector<16xi32>
      %parallel_loop3A_161 = arith.shrui %parallel_loop3A_154, %parallel_loop3A_160 : vector<16xi32>
      %parallel_loop3A_162 = arith.addi %parallel_loop3A_161, %parallel_loop3A_156 : vector<16xi32>
      %parallel_loop3A_163 = arith.constant 2 : i32
      %parallel_loop3A_164 = vector.broadcast %parallel_loop3A_163 : i32 to vector<16xi32>
      %parallel_loop3A_165 = arith.muli %parallel_loop3A_162, %parallel_loop3A_164 : vector<16xi32>
      %parallel_loop3A_166 = arith.addi %parallel_loop3A_158, %parallel_loop3A_165 : vector<16xi32>
      %parallel_loop3A_167 = arith.constant 16 : i32
      %parallel_loop3A_168 = vector.broadcast %parallel_loop3A_167 : i32 to vector<16xi32>
      %parallel_loop3A_169 = arith.shrui %parallel_loop3A_153, %parallel_loop3A_168 : vector<16xi32>
      %parallel_loop3A_170 = vector.broadcast %parallel_loop3A_124 : i32 to vector<16xi32>
      %parallel_loop3A_171 = arith.andi %parallel_loop3A_154, %parallel_loop3A_170 : vector<16xi32>
      %parallel_loop3A_172 = arith.addi %parallel_loop3A_169, %parallel_loop3A_171 : vector<16xi32>
      %parallel_loop3A_173 = arith.addi %parallel_loop3A_172, %parallel_loop3A_155 : vector<16xi32>
      %parallel_loop3A_174 = arith.constant true
      %parallel_loop3A_175 = vector.broadcast %parallel_loop3A_174 : i1 to vector<16xi1>
      %parallel_loop3A_176 = tpu.scan <sum>, %parallel_loop3A_166 masked %parallel_loop3A_175 : vector<16xi32>, vector<16xi1> -> vector<16xi32>
      %parallel_loop3A_177 = vector.broadcast %parallel_loop3A_125 : i32 to vector<16xi32>
      %parallel_loop3A_178 = arith.addi %parallel_loop3A_176, %parallel_loop3A_177 : vector<16xi32>
      %parallel_loop3A_179 = arith.constant true
      %parallel_loop3A_180 = vector.broadcast %parallel_loop3A_179 : i1 to vector<16xi1>
      %parallel_loop3A_181 = tpu.scan <sum>, %parallel_loop3A_173 masked %parallel_loop3A_180 : vector<16xi32>, vector<16xi1> -> vector<16xi32>
      %parallel_loop3A_182 = vector.broadcast %parallel_loop3A_126 : i32 to vector<16xi32>
      %parallel_loop3A_183 = arith.addi %parallel_loop3A_181, %parallel_loop3A_182 : vector<16xi32>
      %parallel_loop3A_184 = arith.constant true
      %parallel_loop3A_185 = vector.broadcast %parallel_loop3A_184 : i1 to vector<16xi1>
      %parallel_loop3A_186 = tpu.scan <sum>, %parallel_loop3A_166 masked %parallel_loop3A_185 : vector<16xi32>, vector<16xi1> -> vector<16xi32>
      %parallel_loop3A_187 = vector.extract %parallel_loop3A_186[15] : i32 from vector<16xi32>
      %parallel_loop3A_188 = arith.addi %parallel_loop3A_125, %parallel_loop3A_187 : i32
      %parallel_loop3A_189 = arith.constant true
      %parallel_loop3A_190 = vector.broadcast %parallel_loop3A_189 : i1 to vector<16xi1>
      %parallel_loop3A_191 = tpu.scan <sum>, %parallel_loop3A_173 masked %parallel_loop3A_190 : vector<16xi32>, vector<16xi1> -> vector<16xi32>
      %parallel_loop3A_192 = vector.extract %parallel_loop3A_191[15] : i32 from vector<16xi32>
      %parallel_loop3A_193 = arith.addi %parallel_loop3A_126, %parallel_loop3A_192 : i32
      %parallel_loop3A_194 = vector.broadcast %parallel_loop3A_127 : i32 to vector<16xi32>
      %parallel_loop3A_195 = arith.andi %parallel_loop3A_183, %parallel_loop3A_194 : vector<16xi32>
      %parallel_loop3A_196 = arith.constant 16 : i32
      %parallel_loop3A_197 = vector.broadcast %parallel_loop3A_196 : i32 to vector<16xi32>
      %parallel_loop3A_198 = arith.shli %parallel_loop3A_195, %parallel_loop3A_197 : vector<16xi32>
      %parallel_loop3A_199 = arith.constant 15 : i32
      %parallel_loop3A_200 = vector.broadcast %parallel_loop3A_199 : i32 to vector<16xi32>
      %parallel_loop3A_201 = arith.shrui %parallel_loop3A_183, %parallel_loop3A_200 : vector<16xi32>
      %parallel_loop3A_202 = arith.addi %parallel_loop3A_198, %parallel_loop3A_201 : vector<16xi32>
      %parallel_loop3A_203 = arith.addi %parallel_loop3A_178, %parallel_loop3A_202 : vector<16xi32>
      %parallel_loop3A_204 = vector.broadcast %parallel_loop3A_128 : i32 to vector<16xi32>
      %parallel_loop3A_205 = arith.andi %parallel_loop3A_203, %parallel_loop3A_204 : vector<16xi32>
      %parallel_loop3A_206 = arith.constant 31 : i32
      %parallel_loop3A_207 = vector.broadcast %parallel_loop3A_206 : i32 to vector<16xi32>
      %parallel_loop3A_208 = arith.shrui %parallel_loop3A_203, %parallel_loop3A_207 : vector<16xi32>
      %parallel_loop3A_209 = arith.addi %parallel_loop3A_205, %parallel_loop3A_208 : vector<16xi32>
      %parallel_loop3A_210 = vector.broadcast %parallel_loop3A_128 : i32 to vector<16xi32>
      %parallel_loop3A_211 = arith.cmpi uge, %parallel_loop3A_209, %parallel_loop3A_210 : vector<16xi32>
      %parallel_loop3A_212 = vector.broadcast %parallel_loop3A_128 : i32 to vector<16xi32>
      %parallel_loop3A_213 = arith.subi %parallel_loop3A_209, %parallel_loop3A_212 : vector<16xi32>
      %parallel_loop3A_214 = arith.select %parallel_loop3A_211, %parallel_loop3A_213, %parallel_loop3A_209 : vector<16xi1>, vector<16xi32>
      %parallel_loop3A_215 = vector.bitcast %parallel_loop3A_214 : vector<16xi32> to vector<16xi32>
      %parallel_loop3A_216 = arith.sitofp %parallel_loop3A_215 : vector<16xi32> to vector<16xf32>
      %parallel_loop3A_217 = vector.broadcast %parallel_loop3A_129 : f32 to vector<16xf32>
      %parallel_loop3A_218 = arith.mulf %parallel_loop3A_216, %parallel_loop3A_217 : vector<16xf32>
      %parallel_loop3A_219 = arith.fptosi %parallel_loop3A_218 : vector<16xf32> to vector<16xi32>
      %parallel_loop3A_220 = vector.broadcast %parallel_loop3A_130 : i32 to vector<16xi32>
      %parallel_loop3A_221 = arith.muli %parallel_loop3A_219, %parallel_loop3A_220 : vector<16xi32>
      %parallel_loop3A_222 = arith.subi %parallel_loop3A_215, %parallel_loop3A_221 : vector<16xi32>
      %parallel_loop3A_223 = arith.constant 0 : i32
      %parallel_loop3A_224 = vector.broadcast %parallel_loop3A_223 : i32 to vector<16xi32>
      %parallel_loop3A_225 = arith.cmpi slt, %parallel_loop3A_222, %parallel_loop3A_224 : vector<16xi32>
      %parallel_loop3A_226 = vector.broadcast %parallel_loop3A_130 : i32 to vector<16xi32>
      %parallel_loop3A_227 = arith.addi %parallel_loop3A_222, %parallel_loop3A_226 : vector<16xi32>
      %parallel_loop3A_228 = arith.select %parallel_loop3A_225, %parallel_loop3A_227, %parallel_loop3A_222 : vector<16xi1>, vector<16xi32>
      %parallel_loop3A_229 = vector.broadcast %parallel_loop3A_130 : i32 to vector<16xi32>
      %parallel_loop3A_230 = arith.cmpi sge, %parallel_loop3A_228, %parallel_loop3A_229 : vector<16xi32>
      %parallel_loop3A_231 = vector.broadcast %parallel_loop3A_130 : i32 to vector<16xi32>
      %parallel_loop3A_232 = arith.subi %parallel_loop3A_228, %parallel_loop3A_231 : vector<16xi32>
      %parallel_loop3A_233 = arith.select %parallel_loop3A_230, %parallel_loop3A_232, %parallel_loop3A_228 : vector<16xi1>, vector<16xi32>
      %parallel_loop3A_234 = arith.constant 1 : i32
      %parallel_loop3A_235 = vector.broadcast %parallel_loop3A_234 : i32 to vector<16xi32>
      %parallel_loop3A_236 = arith.addi %parallel_loop3A_233, %parallel_loop3A_235 : vector<16xi32>
      %parallel_loop3A_237 = arith.constant 0 : i32
      %parallel_loop3A_238 = vector.broadcast %parallel_loop3A_237 : i32 to vector<16xi32>
      %parallel_loop3A_239 = arith.cmpi ne, %parallel_loop3A_146, %parallel_loop3A_238 : vector<16xi32>
      %parallel_loop3A_240 = tpu.all_reduce %parallel_loop3A_239 {dim = 0 : i64, kind = #tpu.reduction_kind<sum>} : vector<16xi1> -> vector<16xi32>
      %parallel_loop3A_241 = arith.addi %mul3A_5, %parallel_loop3A_240 : vector<16xi32>
      tpu.vector_store_idx %arg7[%parallel_loop3A_136, %min3A_13], %parallel_loop3A_236 : memref<64x400xi32, #tpu.memory_space<vmem>>[vector<16xi32>, vector<16xi32>], vector<16xi32>,
      %parallel_loop3A_242 = arith.constant 1 : i32
      %parallel_loop3A_243 = vector.broadcast %parallel_loop3A_242 : i32 to vector<16xi32>
      %parallel_loop3A_244 = arith.addi %min3A_13, %parallel_loop3A_243 : vector<16xi32>
      tpu.vector_store_idx %arg7[%parallel_loop3A_136, %parallel_loop3A_244], %mul3A_5 : memref<64x400xi32, #tpu.memory_space<vmem>>[vector<16xi32>, vector<16xi32>], vector<16xi32>,
      %parallel_loop3A_245 = arith.constant 16 : index
      %parallel_loop3A_246 = tpu.vector_load %arg8[%parallel_loop3A_245] {strides = array<i32>} : memref<208xi32, #tpu.memory_space<vmem>>, vector<16xi32>,
      %parallel_loop3A_247 = vector.bitcast %parallel_loop3A_246 : vector<16xi32> to vector<16xi32>
      %parallel_loop3A_248 = arith.constant 16 : index
      %parallel_loop3A_249 = tpu.vector_load %arg9[%parallel_loop3A_248] {strides = array<i32>} : memref<208xi32, #tpu.memory_space<vmem>>, vector<16xi32>,
      %parallel_loop3A_250 = vector.bitcast %parallel_loop3A_249 : vector<16xi32> to vector<16xi32>
      %parallel_loop3A_251 = arith.constant 16 : i32
      %parallel_loop3A_252 = arith.addi %parallel_loop3A_135, %parallel_loop3A_251 : i32
      %parallel_loop3A_253 = arith.index_cast %parallel_loop3A_252 : i32 to index
      %parallel_loop3A_254 = tpu.vector_load %arg6[%parallel_loop3A_253] {strides = array<i32>} : memref<13312xi32, #tpu.memory_space<vmem>>, vector<16xi32>,
      %parallel_loop3A_255 = vector.bitcast %parallel_loop3A_254 : vector<16xi32> to vector<16xi32>
      %parallel_loop3A_256 = vector.broadcast %parallel_loop3A_124 : i32 to vector<16xi32>
      %parallel_loop3A_257 = arith.andi %parallel_loop3A_255, %parallel_loop3A_256 : vector<16xi32>
      %parallel_loop3A_258 = arith.constant 16 : i32
      %parallel_loop3A_259 = vector.broadcast %parallel_loop3A_258 : i32 to vector<16xi32>
      %parallel_loop3A_260 = arith.shrui %parallel_loop3A_255, %parallel_loop3A_259 : vector<16xi32>
      %parallel_loop3A_261 = arith.muli %parallel_loop3A_247, %parallel_loop3A_257 : vector<16xi32>
      %parallel_loop3A_262 = arith.muli %parallel_loop3A_250, %parallel_loop3A_257 : vector<16xi32>
      %parallel_loop3A_263 = arith.muli %parallel_loop3A_247, %parallel_loop3A_260 : vector<16xi32>
      %parallel_loop3A_264 = arith.muli %parallel_loop3A_250, %parallel_loop3A_260 : vector<16xi32>
      %parallel_loop3A_265 = vector.broadcast %parallel_loop3A_124 : i32 to vector<16xi32>
      %parallel_loop3A_266 = arith.andi %parallel_loop3A_261, %parallel_loop3A_265 : vector<16xi32>
      %parallel_loop3A_267 = arith.constant 16 : i32
      %parallel_loop3A_268 = vector.broadcast %parallel_loop3A_267 : i32 to vector<16xi32>
      %parallel_loop3A_269 = arith.shrui %parallel_loop3A_262, %parallel_loop3A_268 : vector<16xi32>
      %parallel_loop3A_270 = arith.addi %parallel_loop3A_269, %parallel_loop3A_264 : vector<16xi32>
      %parallel_loop3A_271 = arith.constant 2 : i32
      %parallel_loop3A_272 = vector.broadcast %parallel_loop3A_271 : i32 to vector<16xi32>
      %parallel_loop3A_273 = arith.muli %parallel_loop3A_270, %parallel_loop3A_272 : vector<16xi32>
      %parallel_loop3A_274 = arith.addi %parallel_loop3A_266, %parallel_loop3A_273 : vector<16xi32>
      %parallel_loop3A_275 = arith.constant 16 : i32
      %parallel_loop3A_276 = vector.broadcast %parallel_loop3A_275 : i32 to vector<16xi32>
      %parallel_loop3A_277 = arith.shrui %parallel_loop3A_261, %parallel_loop3A_276 : vector<16xi32>
      %parallel_loop3A_278 = vector.broadcast %parallel_loop3A_124 : i32 to vector<16xi32>
      %parallel_loop3A_279 = arith.andi %parallel_loop3A_262, %parallel_loop3A_278 : vector<16xi32>
      %parallel_loop3A_280 = arith.addi %parallel_loop3A_277, %parallel_loop3A_279 : vector<16xi32>
      %parallel_loop3A_281 = arith.addi %parallel_loop3A_280, %parallel_loop3A_263 : vector<16xi32>
      %parallel_loop3A_282 = arith.constant true
      %parallel_loop3A_283 = vector.broadcast %parallel_loop3A_282 : i1 to vector<16xi1>
      %parallel_loop3A_284 = tpu.scan <sum>, %parallel_loop3A_274 masked %parallel_loop3A_283 : vector<16xi32>, vector<16xi1> -> vector<16xi32>
      %parallel_loop3A_285 = vector.broadcast %parallel_loop3A_188 : i32 to vector<16xi32>
      %parallel_loop3A_286 = arith.addi %parallel_loop3A_284, %parallel_loop3A_285 : vector<16xi32>
      %parallel_loop3A_287 = arith.constant true
      %parallel_loop3A_288 = vector.broadcast %parallel_loop3A_287 : i1 to vector<16xi1>
      %parallel_loop3A_289 = tpu.scan <sum>, %parallel_loop3A_281 masked %parallel_loop3A_288 : vector<16xi32>, vector<16xi1> -> vector<16xi32>
      %parallel_loop3A_290 = vector.broadcast %parallel_loop3A_193 : i32 to vector<16xi32>
      %parallel_loop3A_291 = arith.addi %parallel_loop3A_289, %parallel_loop3A_290 : vector<16xi32>
      %parallel_loop3A_292 = arith.constant true
      %parallel_loop3A_293 = vector.broadcast %parallel_loop3A_292 : i1 to vector<16xi1>
      %parallel_loop3A_294 = tpu.scan <sum>, %parallel_loop3A_274 masked %parallel_loop3A_293 : vector<16xi32>, vector<16xi1> -> vector<16xi32>
      %parallel_loop3A_295 = vector.extract %parallel_loop3A_294[15] : i32 from vector<16xi32>
      %parallel_loop3A_296 = arith.addi %parallel_loop3A_188, %parallel_loop3A_295 : i32
      %parallel_loop3A_297 = arith.constant true
      %parallel_loop3A_298 = vector.broadcast %parallel_loop3A_297 : i1 to vector<16xi1>
      %parallel_loop3A_299 = tpu.scan <sum>, %parallel_loop3A_281 masked %parallel_loop3A_298 : vector<16xi32>, vector<16xi1> -> vector<16xi32>
      %parallel_loop3A_300 = vector.extract %parallel_loop3A_299[15] : i32 from vector<16xi32>
      %parallel_loop3A_301 = arith.addi %parallel_loop3A_193, %parallel_loop3A_300 : i32
      %parallel_loop3A_302 = vector.broadcast %parallel_loop3A_127 : i32 to vector<16xi32>
      %parallel_loop3A_303 = arith.andi %parallel_loop3A_291, %parallel_loop3A_302 : vector<16xi32>
      %parallel_loop3A_304 = arith.constant 16 : i32
      %parallel_loop3A_305 = vector.broadcast %parallel_loop3A_304 : i32 to vector<16xi32>
      %parallel_loop3A_306 = arith.shli %parallel_loop3A_303, %parallel_loop3A_305 : vector<16xi32>
      %parallel_loop3A_307 = arith.constant 15 : i32
      %parallel_loop3A_308 = vector.broadcast %parallel_loop3A_307 : i32 to vector<16xi32>
      %parallel_loop3A_309 = arith.shrui %parallel_loop3A_291, %parallel_loop3A_308 : vector<16xi32>
      %parallel_loop3A_310 = arith.addi %parallel_loop3A_306, %parallel_loop3A_309 : vector<16xi32>
      %parallel_loop3A_311 = arith.addi %parallel_loop3A_286, %parallel_loop3A_310 : vector<16xi32>
      %parallel_loop3A_312 = vector.broadcast %parallel_loop3A_128 : i32 to vector<16xi32>
      %parallel_loop3A_313 = arith.andi %parallel_loop3A_311, %parallel_loop3A_312 : vector<16xi32>
      %parallel_loop3A_314 = arith.constant 31 : i32
      %parallel_loop3A_315 = vector.broadcast %parallel_loop3A_314 : i32 to vector<16xi32>
      %parallel_loop3A_316 = arith.shrui %parallel_loop3A_311, %parallel_loop3A_315 : vector<16xi32>
      %parallel_loop3A_317 = arith.addi %parallel_loop3A_313, %parallel_loop3A_316 : vector<16xi32>
      %parallel_loop3A_318 = vector.broadcast %parallel_loop3A_128 : i32 to vector<16xi32>
      %parallel_loop3A_319 = arith.cmpi uge, %parallel_loop3A_317, %parallel_loop3A_318 : vector<16xi32>
      %parallel_loop3A_320 = vector.broadcast %parallel_loop3A_128 : i32 to vector<16xi32>
      %parallel_loop3A_321 = arith.subi %parallel_loop3A_317, %parallel_loop3A_320 : vector<16xi32>
      %parallel_loop3A_322 = arith.select %parallel_loop3A_319, %parallel_loop3A_321, %parallel_loop3A_317 : vector<16xi1>, vector<16xi32>
      %parallel_loop3A_323 = vector.bitcast %parallel_loop3A_322 : vector<16xi32> to vector<16xi32>
      %parallel_loop3A_324 = arith.sitofp %parallel_loop3A_323 : vector<16xi32> to vector<16xf32>
      %parallel_loop3A_325 = vector.broadcast %parallel_loop3A_129 : f32 to vector<16xf32>
      %parallel_loop3A_326 = arith.mulf %parallel_loop3A_324, %parallel_loop3A_325 : vector<16xf32>
      %parallel_loop3A_327 = arith.fptosi %parallel_loop3A_326 : vector<16xf32> to vector<16xi32>
      %parallel_loop3A_328 = vector.broadcast %parallel_loop3A_130 : i32 to vector<16xi32>
      %parallel_loop3A_329 = arith.muli %parallel_loop3A_327, %parallel_loop3A_328 : vector<16xi32>
      %parallel_loop3A_330 = arith.subi %parallel_loop3A_323, %parallel_loop3A_329 : vector<16xi32>
      %parallel_loop3A_331 = arith.constant 0 : i32
      %parallel_loop3A_332 = vector.broadcast %parallel_loop3A_331 : i32 to vector<16xi32>
      %parallel_loop3A_333 = arith.cmpi slt, %parallel_loop3A_330, %parallel_loop3A_332 : vector<16xi32>
      %parallel_loop3A_334 = vector.broadcast %parallel_loop3A_130 : i32 to vector<16xi32>
      %parallel_loop3A_335 = arith.addi %parallel_loop3A_330, %parallel_loop3A_334 : vector<16xi32>
      %parallel_loop3A_336 = arith.select %parallel_loop3A_333, %parallel_loop3A_335, %parallel_loop3A_330 : vector<16xi1>, vector<16xi32>
      %parallel_loop3A_337 = vector.broadcast %parallel_loop3A_130 : i32 to vector<16xi32>
      %parallel_loop3A_338 = arith.cmpi sge, %parallel_loop3A_336, %parallel_loop3A_337 : vector<16xi32>
      %parallel_loop3A_339 = vector.broadcast %parallel_loop3A_130 : i32 to vector<16xi32>
      %parallel_loop3A_340 = arith.subi %parallel_loop3A_336, %parallel_loop3A_339 : vector<16xi32>
      %parallel_loop3A_341 = arith.select %parallel_loop3A_338, %parallel_loop3A_340, %parallel_loop3A_336 : vector<16xi1>, vector<16xi32>
      %parallel_loop3A_342 = arith.constant 1 : i32
      %parallel_loop3A_343 = vector.broadcast %parallel_loop3A_342 : i32 to vector<16xi32>
      %parallel_loop3A_344 = arith.addi %parallel_loop3A_341, %parallel_loop3A_343 : vector<16xi32>
      %parallel_loop3A_345 = arith.constant 0 : i32
      %parallel_loop3A_346 = vector.broadcast %parallel_loop3A_345 : i32 to vector<16xi32>
      %parallel_loop3A_347 = arith.cmpi ne, %parallel_loop3A_254, %parallel_loop3A_346 : vector<16xi32>
      %parallel_loop3A_348 = tpu.all_reduce %parallel_loop3A_347 {dim = 0 : i64, kind = #tpu.reduction_kind<sum>} : vector<16xi1> -> vector<16xi32>
      %parallel_loop3A_349 = arith.addi %parallel_loop3A_241, %parallel_loop3A_348 : vector<16xi32>
      tpu.vector_store_idx %arg7[%parallel_loop3A_136, %min3A_22], %parallel_loop3A_344 : memref<64x400xi32, #tpu.memory_space<vmem>>[vector<16xi32>, vector<16xi32>], vector<16xi32>,
      %parallel_loop3A_350 = arith.constant 1 : i32
      %parallel_loop3A_351 = vector.broadcast %parallel_loop3A_350 : i32 to vector<16xi32>
      %parallel_loop3A_352 = arith.addi %min3A_22, %parallel_loop3A_351 : vector<16xi32>
      tpu.vector_store_idx %arg7[%parallel_loop3A_136, %parallel_loop3A_352], %mul3A_5 : memref<64x400xi32, #tpu.memory_space<vmem>>[vector<16xi32>, vector<16xi32>], vector<16xi32>,
      %parallel_loop3A_353 = arith.constant 32 : index
      %parallel_loop3A_354 = tpu.vector_load %arg8[%parallel_loop3A_353] {strides = array<i32>} : memref<208xi32, #tpu.memory_space<vmem>>, vector<16xi32>,
      %parallel_loop3A_355 = vector.bitcast %parallel_loop3A_354 : vector<16xi32> to vector<16xi32>
      %parallel_loop3A_356 = arith.constant 32 : index
      %parallel_loop3A_357 = tpu.vector_load %arg9[%parallel_loop3A_356] {strides = array<i32>} : memref<208xi32, #tpu.memory_space<vmem>>, vector<16xi32>,
      %parallel_loop3A_358 = vector.bitcast %parallel_loop3A_357 : vector<16xi32> to vector<16xi32>
      %parallel_loop3A_359 = arith.constant 32 : i32
      %parallel_loop3A_360 = arith.addi %parallel_loop3A_135, %parallel_loop3A_359 : i32
      %parallel_loop3A_361 = arith.index_cast %parallel_loop3A_360 : i32 to index
      %parallel_loop3A_362 = tpu.vector_load %arg6[%parallel_loop3A_361] {strides = array<i32>} : memref<13312xi32, #tpu.memory_space<vmem>>, vector<16xi32>,
      %parallel_loop3A_363 = vector.bitcast %parallel_loop3A_362 : vector<16xi32> to vector<16xi32>
      %parallel_loop3A_364 = vector.broadcast %parallel_loop3A_124 : i32 to vector<16xi32>
      %parallel_loop3A_365 = arith.andi %parallel_loop3A_363, %parallel_loop3A_364 : vector<16xi32>
      %parallel_loop3A_366 = arith.constant 16 : i32
      %parallel_loop3A_367 = vector.broadcast %parallel_loop3A_366 : i32 to vector<16xi32>
      %parallel_loop3A_368 = arith.shrui %parallel_loop3A_363, %parallel_loop3A_367 : vector<16xi32>
      %parallel_loop3A_369 = arith.muli %parallel_loop3A_355, %parallel_loop3A_365 : vector<16xi32>
      %parallel_loop3A_370 = arith.muli %parallel_loop3A_358, %parallel_loop3A_365 : vector<16xi32>
      %parallel_loop3A_371 = arith.muli %parallel_loop3A_355, %parallel_loop3A_368 : vector<16xi32>
      %parallel_loop3A_372 = arith.muli %parallel_loop3A_358, %parallel_loop3A_368 : vector<16xi32>
      %parallel_loop3A_373 = vector.broadcast %parallel_loop3A_124 : i32 to vector<16xi32>
      %parallel_loop3A_374 = arith.andi %parallel_loop3A_369, %parallel_loop3A_373 : vector<16xi32>
      %parallel_loop3A_375 = arith.constant 16 : i32
      %parallel_loop3A_376 = vector.broadcast %parallel_loop3A_375 : i32 to vector<16xi32>
      %parallel_loop3A_377 = arith.shrui %parallel_loop3A_370, %parallel_loop3A_376 : vector<16xi32>
      %parallel_loop3A_378 = arith.addi %parallel_loop3A_377, %parallel_loop3A_372 : vector<16xi32>
      %parallel_loop3A_379 = arith.constant 2 : i32
      %parallel_loop3A_380 = vector.broadcast %parallel_loop3A_379 : i32 to vector<16xi32>
      %parallel_loop3A_381 = arith.muli %parallel_loop3A_378, %parallel_loop3A_380 : vector<16xi32>
      %parallel_loop3A_382 = arith.addi %parallel_loop3A_374, %parallel_loop3A_381 : vector<16xi32>
      %parallel_loop3A_383 = arith.constant 16 : i32
      %parallel_loop3A_384 = vector.broadcast %parallel_loop3A_383 : i32 to vector<16xi32>
      %parallel_loop3A_385 = arith.shrui %parallel_loop3A_369, %parallel_loop3A_384 : vector<16xi32>
      %parallel_loop3A_386 = vector.broadcast %parallel_loop3A_124 : i32 to vector<16xi32>
      %parallel_loop3A_387 = arith.andi %parallel_loop3A_370, %parallel_loop3A_386 : vector<16xi32>
      %parallel_loop3A_388 = arith.addi %parallel_loop3A_385, %parallel_loop3A_387 : vector<16xi32>
      %parallel_loop3A_389 = arith.addi %parallel_loop3A_388, %parallel_loop3A_371 : vector<16xi32>
      %parallel_loop3A_390 = arith.constant true
      %parallel_loop3A_391 = vector.broadcast %parallel_loop3A_390 : i1 to vector<16xi1>
      %parallel_loop3A_392 = tpu.scan <sum>, %parallel_loop3A_382 masked %parallel_loop3A_391 : vector<16xi32>, vector<16xi1> -> vector<16xi32>
      %parallel_loop3A_393 = vector.broadcast %parallel_loop3A_296 : i32 to vector<16xi32>
      %parallel_loop3A_394 = arith.addi %parallel_loop3A_392, %parallel_loop3A_393 : vector<16xi32>
      %parallel_loop3A_395 = arith.constant true
      %parallel_loop3A_396 = vector.broadcast %parallel_loop3A_395 : i1 to vector<16xi1>
      %parallel_loop3A_397 = tpu.scan <sum>, %parallel_loop3A_389 masked %parallel_loop3A_396 : vector<16xi32>, vector<16xi1> -> vector<16xi32>
      %parallel_loop3A_398 = vector.broadcast %parallel_loop3A_301 : i32 to vector<16xi32>
      %parallel_loop3A_399 = arith.addi %parallel_loop3A_397, %parallel_loop3A_398 : vector<16xi32>
      %parallel_loop3A_400 = arith.constant true
      %parallel_loop3A_401 = vector.broadcast %parallel_loop3A_400 : i1 to vector<16xi1>
      %parallel_loop3A_402 = tpu.scan <sum>, %parallel_loop3A_382 masked %parallel_loop3A_401 : vector<16xi32>, vector<16xi1> -> vector<16xi32>
      %parallel_loop3A_403 = vector.extract %parallel_loop3A_402[15] : i32 from vector<16xi32>
      %parallel_loop3A_404 = arith.addi %parallel_loop3A_296, %parallel_loop3A_403 : i32
      %parallel_loop3A_405 = arith.constant true
      %parallel_loop3A_406 = vector.broadcast %parallel_loop3A_405 : i1 to vector<16xi1>
      %parallel_loop3A_407 = tpu.scan <sum>, %parallel_loop3A_389 masked %parallel_loop3A_406 : vector<16xi32>, vector<16xi1> -> vector<16xi32>
      %parallel_loop3A_408 = vector.extract %parallel_loop3A_407[15] : i32 from vector<16xi32>
      %parallel_loop3A_409 = arith.addi %parallel_loop3A_301, %parallel_loop3A_408 : i32
      %parallel_loop3A_410 = vector.broadcast %parallel_loop3A_127 : i32 to vector<16xi32>
      %parallel_loop3A_411 = arith.andi %parallel_loop3A_399, %parallel_loop3A_410 : vector<16xi32>
      %parallel_loop3A_412 = arith.constant 16 : i32
      %parallel_loop3A_413 = vector.broadcast %parallel_loop3A_412 : i32 to vector<16xi32>
      %parallel_loop3A_414 = arith.shli %parallel_loop3A_411, %parallel_loop3A_413 : vector<16xi32>
      %parallel_loop3A_415 = arith.constant 15 : i32
      %parallel_loop3A_416 = vector.broadcast %parallel_loop3A_415 : i32 to vector<16xi32>
      %parallel_loop3A_417 = arith.shrui %parallel_loop3A_399, %parallel_loop3A_416 : vector<16xi32>
      %parallel_loop3A_418 = arith.addi %parallel_loop3A_414, %parallel_loop3A_417 : vector<16xi32>
      %parallel_loop3A_419 = arith.addi %parallel_loop3A_394, %parallel_loop3A_418 : vector<16xi32>
      %parallel_loop3A_420 = vector.broadcast %parallel_loop3A_128 : i32 to vector<16xi32>
      %parallel_loop3A_421 = arith.andi %parallel_loop3A_419, %parallel_loop3A_420 : vector<16xi32>
      %parallel_loop3A_422 = arith.constant 31 : i32
      %parallel_loop3A_423 = vector.broadcast %parallel_loop3A_422 : i32 to vector<16xi32>
      %parallel_loop3A_424 = arith.shrui %parallel_loop3A_419, %parallel_loop3A_423 : vector<16xi32>
      %parallel_loop3A_425 = arith.addi %parallel_loop3A_421, %parallel_loop3A_424 : vector<16xi32>
      %parallel_loop3A_426 = vector.broadcast %parallel_loop3A_128 : i32 to vector<16xi32>
      %parallel_loop3A_427 = arith.cmpi uge, %parallel_loop3A_425, %parallel_loop3A_426 : vector<16xi32>
      %parallel_loop3A_428 = vector.broadcast %parallel_loop3A_128 : i32 to vector<16xi32>
      %parallel_loop3A_429 = arith.subi %parallel_loop3A_425, %parallel_loop3A_428 : vector<16xi32>
      %parallel_loop3A_430 = arith.select %parallel_loop3A_427, %parallel_loop3A_429, %parallel_loop3A_425 : vector<16xi1>, vector<16xi32>
      %parallel_loop3A_431 = vector.bitcast %parallel_loop3A_430 : vector<16xi32> to vector<16xi32>
      %parallel_loop3A_432 = arith.sitofp %parallel_loop3A_431 : vector<16xi32> to vector<16xf32>
      %parallel_loop3A_433 = vector.broadcast %parallel_loop3A_129 : f32 to vector<16xf32>
      %parallel_loop3A_434 = arith.mulf %parallel_loop3A_432, %parallel_loop3A_433 : vector<16xf32>
      %parallel_loop3A_435 = arith.fptosi %parallel_loop3A_434 : vector<16xf32> to vector<16xi32>
      %parallel_loop3A_436 = vector.broadcast %parallel_loop3A_130 : i32 to vector<16xi32>
      %parallel_loop3A_437 = arith.muli %parallel_loop3A_435, %parallel_loop3A_436 : vector<16xi32>
      %parallel_loop3A_438 = arith.subi %parallel_loop3A_431, %parallel_loop3A_437 : vector<16xi32>
      %parallel_loop3A_439 = arith.constant 0 : i32
      %parallel_loop3A_440 = vector.broadcast %parallel_loop3A_439 : i32 to vector<16xi32>
      %parallel_loop3A_441 = arith.cmpi slt, %parallel_loop3A_438, %parallel_loop3A_440 : vector<16xi32>
      %parallel_loop3A_442 = vector.broadcast %parallel_loop3A_130 : i32 to vector<16xi32>
      %parallel_loop3A_443 = arith.addi %parallel_loop3A_438, %parallel_loop3A_442 : vector<16xi32>
      %parallel_loop3A_444 = arith.select %parallel_loop3A_441, %parallel_loop3A_443, %parallel_loop3A_438 : vector<16xi1>, vector<16xi32>
      %parallel_loop3A_445 = vector.broadcast %parallel_loop3A_130 : i32 to vector<16xi32>
      %parallel_loop3A_446 = arith.cmpi sge, %parallel_loop3A_444, %parallel_loop3A_445 : vector<16xi32>
      %parallel_loop3A_447 = vector.broadcast %parallel_loop3A_130 : i32 to vector<16xi32>
      %parallel_loop3A_448 = arith.subi %parallel_loop3A_444, %parallel_loop3A_447 : vector<16xi32>
      %parallel_loop3A_449 = arith.select %parallel_loop3A_446, %parallel_loop3A_448, %parallel_loop3A_444 : vector<16xi1>, vector<16xi32>
      %parallel_loop3A_450 = arith.constant 1 : i32
      %parallel_loop3A_451 = vector.broadcast %parallel_loop3A_450 : i32 to vector<16xi32>
      %parallel_loop3A_452 = arith.addi %parallel_loop3A_449, %parallel_loop3A_451 : vector<16xi32>
      %parallel_loop3A_453 = arith.constant 0 : i32
      %parallel_loop3A_454 = vector.broadcast %parallel_loop3A_453 : i32 to vector<16xi32>
      %parallel_loop3A_455 = arith.cmpi ne, %parallel_loop3A_362, %parallel_loop3A_454 : vector<16xi32>
      %parallel_loop3A_456 = tpu.all_reduce %parallel_loop3A_455 {dim = 0 : i64, kind = #tpu.reduction_kind<sum>} : vector<16xi1> -> vector<16xi32>
      %parallel_loop3A_457 = arith.addi %parallel_loop3A_349, %parallel_loop3A_456 : vector<16xi32>
      tpu.vector_store_idx %arg7[%parallel_loop3A_136, %min3A_31], %parallel_loop3A_452 : memref<64x400xi32, #tpu.memory_space<vmem>>[vector<16xi32>, vector<16xi32>], vector<16xi32>,
      %parallel_loop3A_458 = arith.constant 1 : i32
      %parallel_loop3A_459 = vector.broadcast %parallel_loop3A_458 : i32 to vector<16xi32>
      %parallel_loop3A_460 = arith.addi %min3A_31, %parallel_loop3A_459 : vector<16xi32>
      tpu.vector_store_idx %arg7[%parallel_loop3A_136, %parallel_loop3A_460], %mul3A_5 : memref<64x400xi32, #tpu.memory_space<vmem>>[vector<16xi32>, vector<16xi32>], vector<16xi32>,
      %parallel_loop3A_461 = arith.constant 48 : index
      %parallel_loop3A_462 = tpu.vector_load %arg8[%parallel_loop3A_461] {strides = array<i32>} : memref<208xi32, #tpu.memory_space<vmem>>, vector<16xi32>,
      %parallel_loop3A_463 = vector.bitcast %parallel_loop3A_462 : vector<16xi32> to vector<16xi32>
      %parallel_loop3A_464 = arith.constant 48 : index
      %parallel_loop3A_465 = tpu.vector_load %arg9[%parallel_loop3A_464] {strides = array<i32>} : memref<208xi32, #tpu.memory_space<vmem>>, vector<16xi32>,
      %parallel_loop3A_466 = vector.bitcast %parallel_loop3A_465 : vector<16xi32> to vector<16xi32>
      %parallel_loop3A_467 = arith.constant 48 : i32
      %parallel_loop3A_468 = arith.addi %parallel_loop3A_135, %parallel_loop3A_467 : i32
      %parallel_loop3A_469 = arith.index_cast %parallel_loop3A_468 : i32 to index
      %parallel_loop3A_470 = tpu.vector_load %arg6[%parallel_loop3A_469] {strides = array<i32>} : memref<13312xi32, #tpu.memory_space<vmem>>, vector<16xi32>,
      %parallel_loop3A_471 = vector.bitcast %parallel_loop3A_470 : vector<16xi32> to vector<16xi32>
      %parallel_loop3A_472 = vector.broadcast %parallel_loop3A_124 : i32 to vector<16xi32>
      %parallel_loop3A_473 = arith.andi %parallel_loop3A_471, %parallel_loop3A_472 : vector<16xi32>
      %parallel_loop3A_474 = arith.constant 16 : i32
      %parallel_loop3A_475 = vector.broadcast %parallel_loop3A_474 : i32 to vector<16xi32>
      %parallel_loop3A_476 = arith.shrui %parallel_loop3A_471, %parallel_loop3A_475 : vector<16xi32>
      %parallel_loop3A_477 = arith.muli %parallel_loop3A_463, %parallel_loop3A_473 : vector<16xi32>
      %parallel_loop3A_478 = arith.muli %parallel_loop3A_466, %parallel_loop3A_473 : vector<16xi32>
      %parallel_loop3A_479 = arith.muli %parallel_loop3A_463, %parallel_loop3A_476 : vector<16xi32>
      %parallel_loop3A_480 = arith.muli %parallel_loop3A_466, %parallel_loop3A_476 : vector<16xi32>
      %parallel_loop3A_481 = vector.broadcast %parallel_loop3A_124 : i32 to vector<16xi32>
      %parallel_loop3A_482 = arith.andi %parallel_loop3A_477, %parallel_loop3A_481 : vector<16xi32>
      %parallel_loop3A_483 = arith.constant 16 : i32
      %parallel_loop3A_484 = vector.broadcast %parallel_loop3A_483 : i32 to vector<16xi32>
      %parallel_loop3A_485 = arith.shrui %parallel_loop3A_478, %parallel_loop3A_484 : vector<16xi32>
      %parallel_loop3A_486 = arith.addi %parallel_loop3A_485, %parallel_loop3A_480 : vector<16xi32>
      %parallel_loop3A_487 = arith.constant 2 : i32
      %parallel_loop3A_488 = vector.broadcast %parallel_loop3A_487 : i32 to vector<16xi32>
      %parallel_loop3A_489 = arith.muli %parallel_loop3A_486, %parallel_loop3A_488 : vector<16xi32>
      %parallel_loop3A_490 = arith.addi %parallel_loop3A_482, %parallel_loop3A_489 : vector<16xi32>
      %parallel_loop3A_491 = arith.constant 16 : i32
      %parallel_loop3A_492 = vector.broadcast %parallel_loop3A_491 : i32 to vector<16xi32>
      %parallel_loop3A_493 = arith.shrui %parallel_loop3A_477, %parallel_loop3A_492 : vector<16xi32>
      %parallel_loop3A_494 = vector.broadcast %parallel_loop3A_124 : i32 to vector<16xi32>
      %parallel_loop3A_495 = arith.andi %parallel_loop3A_478, %parallel_loop3A_494 : vector<16xi32>
      %parallel_loop3A_496 = arith.addi %parallel_loop3A_493, %parallel_loop3A_495 : vector<16xi32>
      %parallel_loop3A_497 = arith.addi %parallel_loop3A_496, %parallel_loop3A_479 : vector<16xi32>
      %parallel_loop3A_498 = arith.constant true
      %parallel_loop3A_499 = vector.broadcast %parallel_loop3A_498 : i1 to vector<16xi1>
      %parallel_loop3A_500 = tpu.scan <sum>, %parallel_loop3A_490 masked %parallel_loop3A_499 : vector<16xi32>, vector<16xi1> -> vector<16xi32>
      %parallel_loop3A_501 = vector.broadcast %parallel_loop3A_404 : i32 to vector<16xi32>
      %parallel_loop3A_502 = arith.addi %parallel_loop3A_500, %parallel_loop3A_501 : vector<16xi32>
      %parallel_loop3A_503 = arith.constant true
      %parallel_loop3A_504 = vector.broadcast %parallel_loop3A_503 : i1 to vector<16xi1>
      %parallel_loop3A_505 = tpu.scan <sum>, %parallel_loop3A_497 masked %parallel_loop3A_504 : vector<16xi32>, vector<16xi1> -> vector<16xi32>
      %parallel_loop3A_506 = vector.broadcast %parallel_loop3A_409 : i32 to vector<16xi32>
      %parallel_loop3A_507 = arith.addi %parallel_loop3A_505, %parallel_loop3A_506 : vector<16xi32>
      %parallel_loop3A_508 = arith.constant true
      %parallel_loop3A_509 = vector.broadcast %parallel_loop3A_508 : i1 to vector<16xi1>
      %parallel_loop3A_510 = tpu.scan <sum>, %parallel_loop3A_490 masked %parallel_loop3A_509 : vector<16xi32>, vector<16xi1> -> vector<16xi32>
      %parallel_loop3A_511 = vector.extract %parallel_loop3A_510[15] : i32 from vector<16xi32>
      %parallel_loop3A_512 = arith.addi %parallel_loop3A_404, %parallel_loop3A_511 : i32
      %parallel_loop3A_513 = arith.constant true
      %parallel_loop3A_514 = vector.broadcast %parallel_loop3A_513 : i1 to vector<16xi1>
      %parallel_loop3A_515 = tpu.scan <sum>, %parallel_loop3A_497 masked %parallel_loop3A_514 : vector<16xi32>, vector<16xi1> -> vector<16xi32>
      %parallel_loop3A_516 = vector.extract %parallel_loop3A_515[15] : i32 from vector<16xi32>
      %parallel_loop3A_517 = arith.addi %parallel_loop3A_409, %parallel_loop3A_516 : i32
      %parallel_loop3A_518 = vector.broadcast %parallel_loop3A_127 : i32 to vector<16xi32>
      %parallel_loop3A_519 = arith.andi %parallel_loop3A_507, %parallel_loop3A_518 : vector<16xi32>
      %parallel_loop3A_520 = arith.constant 16 : i32
      %parallel_loop3A_521 = vector.broadcast %parallel_loop3A_520 : i32 to vector<16xi32>
      %parallel_loop3A_522 = arith.shli %parallel_loop3A_519, %parallel_loop3A_521 : vector<16xi32>
      %parallel_loop3A_523 = arith.constant 15 : i32
      %parallel_loop3A_524 = vector.broadcast %parallel_loop3A_523 : i32 to vector<16xi32>
      %parallel_loop3A_525 = arith.shrui %parallel_loop3A_507, %parallel_loop3A_524 : vector<16xi32>
      %parallel_loop3A_526 = arith.addi %parallel_loop3A_522, %parallel_loop3A_525 : vector<16xi32>
      %parallel_loop3A_527 = arith.addi %parallel_loop3A_502, %parallel_loop3A_526 : vector<16xi32>
      %parallel_loop3A_528 = vector.broadcast %parallel_loop3A_128 : i32 to vector<16xi32>
      %parallel_loop3A_529 = arith.andi %parallel_loop3A_527, %parallel_loop3A_528 : vector<16xi32>
      %parallel_loop3A_530 = arith.constant 31 : i32
      %parallel_loop3A_531 = vector.broadcast %parallel_loop3A_530 : i32 to vector<16xi32>
      %parallel_loop3A_532 = arith.shrui %parallel_loop3A_527, %parallel_loop3A_531 : vector<16xi32>
      %parallel_loop3A_533 = arith.addi %parallel_loop3A_529, %parallel_loop3A_532 : vector<16xi32>
      %parallel_loop3A_534 = vector.broadcast %parallel_loop3A_128 : i32 to vector<16xi32>
      %parallel_loop3A_535 = arith.cmpi uge, %parallel_loop3A_533, %parallel_loop3A_534 : vector<16xi32>
      %parallel_loop3A_536 = vector.broadcast %parallel_loop3A_128 : i32 to vector<16xi32>
      %parallel_loop3A_537 = arith.subi %parallel_loop3A_533, %parallel_loop3A_536 : vector<16xi32>
      %parallel_loop3A_538 = arith.select %parallel_loop3A_535, %parallel_loop3A_537, %parallel_loop3A_533 : vector<16xi1>, vector<16xi32>
      %parallel_loop3A_539 = vector.bitcast %parallel_loop3A_538 : vector<16xi32> to vector<16xi32>
      %parallel_loop3A_540 = arith.sitofp %parallel_loop3A_539 : vector<16xi32> to vector<16xf32>
      %parallel_loop3A_541 = vector.broadcast %parallel_loop3A_129 : f32 to vector<16xf32>
      %parallel_loop3A_542 = arith.mulf %parallel_loop3A_540, %parallel_loop3A_541 : vector<16xf32>
      %parallel_loop3A_543 = arith.fptosi %parallel_loop3A_542 : vector<16xf32> to vector<16xi32>
      %parallel_loop3A_544 = vector.broadcast %parallel_loop3A_130 : i32 to vector<16xi32>
      %parallel_loop3A_545 = arith.muli %parallel_loop3A_543, %parallel_loop3A_544 : vector<16xi32>
      %parallel_loop3A_546 = arith.subi %parallel_loop3A_539, %parallel_loop3A_545 : vector<16xi32>
      %parallel_loop3A_547 = arith.constant 0 : i32
      %parallel_loop3A_548 = vector.broadcast %parallel_loop3A_547 : i32 to vector<16xi32>
      %parallel_loop3A_549 = arith.cmpi slt, %parallel_loop3A_546, %parallel_loop3A_548 : vector<16xi32>
      %parallel_loop3A_550 = vector.broadcast %parallel_loop3A_130 : i32 to vector<16xi32>
      %parallel_loop3A_551 = arith.addi %parallel_loop3A_546, %parallel_loop3A_550 : vector<16xi32>
      %parallel_loop3A_552 = arith.select %parallel_loop3A_549, %parallel_loop3A_551, %parallel_loop3A_546 : vector<16xi1>, vector<16xi32>
      %parallel_loop3A_553 = vector.broadcast %parallel_loop3A_130 : i32 to vector<16xi32>
      %parallel_loop3A_554 = arith.cmpi sge, %parallel_loop3A_552, %parallel_loop3A_553 : vector<16xi32>
      %parallel_loop3A_555 = vector.broadcast %parallel_loop3A_130 : i32 to vector<16xi32>
      %parallel_loop3A_556 = arith.subi %parallel_loop3A_552, %parallel_loop3A_555 : vector<16xi32>
      %parallel_loop3A_557 = arith.select %parallel_loop3A_554, %parallel_loop3A_556, %parallel_loop3A_552 : vector<16xi1>, vector<16xi32>
      %parallel_loop3A_558 = arith.constant 1 : i32
      %parallel_loop3A_559 = vector.broadcast %parallel_loop3A_558 : i32 to vector<16xi32>
      %parallel_loop3A_560 = arith.addi %parallel_loop3A_557, %parallel_loop3A_559 : vector<16xi32>
      %parallel_loop3A_561 = arith.constant 0 : i32
      %parallel_loop3A_562 = vector.broadcast %parallel_loop3A_561 : i32 to vector<16xi32>
      %parallel_loop3A_563 = arith.cmpi ne, %parallel_loop3A_470, %parallel_loop3A_562 : vector<16xi32>
      %parallel_loop3A_564 = tpu.all_reduce %parallel_loop3A_563 {dim = 0 : i64, kind = #tpu.reduction_kind<sum>} : vector<16xi1> -> vector<16xi32>
      %parallel_loop3A_565 = arith.addi %parallel_loop3A_457, %parallel_loop3A_564 : vector<16xi32>
      tpu.vector_store_idx %arg7[%parallel_loop3A_136, %min3A_40], %parallel_loop3A_560 : memref<64x400xi32, #tpu.memory_space<vmem>>[vector<16xi32>, vector<16xi32>], vector<16xi32>,
      %parallel_loop3A_566 = arith.constant 1 : i32
      %parallel_loop3A_567 = vector.broadcast %parallel_loop3A_566 : i32 to vector<16xi32>
      %parallel_loop3A_568 = arith.addi %min3A_40, %parallel_loop3A_567 : vector<16xi32>
      tpu.vector_store_idx %arg7[%parallel_loop3A_136, %parallel_loop3A_568], %mul3A_5 : memref<64x400xi32, #tpu.memory_space<vmem>>[vector<16xi32>, vector<16xi32>], vector<16xi32>,
      %parallel_loop3A_569 = arith.constant 64 : index
      %parallel_loop3A_570 = tpu.vector_load %arg8[%parallel_loop3A_569] {strides = array<i32>} : memref<208xi32, #tpu.memory_space<vmem>>, vector<16xi32>,
      %parallel_loop3A_571 = vector.bitcast %parallel_loop3A_570 : vector<16xi32> to vector<16xi32>
      %parallel_loop3A_572 = arith.constant 64 : index
      %parallel_loop3A_573 = tpu.vector_load %arg9[%parallel_loop3A_572] {strides = array<i32>} : memref<208xi32, #tpu.memory_space<vmem>>, vector<16xi32>,
      %parallel_loop3A_574 = vector.bitcast %parallel_loop3A_573 : vector<16xi32> to vector<16xi32>
      %parallel_loop3A_575 = arith.constant 64 : i32
      %parallel_loop3A_576 = arith.addi %parallel_loop3A_135, %parallel_loop3A_575 : i32
      %parallel_loop3A_577 = arith.index_cast %parallel_loop3A_576 : i32 to index
      %parallel_loop3A_578 = tpu.vector_load %arg6[%parallel_loop3A_577] {strides = array<i32>} : memref<13312xi32, #tpu.memory_space<vmem>>, vector<16xi32>,
      %parallel_loop3A_579 = vector.bitcast %parallel_loop3A_578 : vector<16xi32> to vector<16xi32>
      %parallel_loop3A_580 = vector.broadcast %parallel_loop3A_124 : i32 to vector<16xi32>
      %parallel_loop3A_581 = arith.andi %parallel_loop3A_579, %parallel_loop3A_580 : vector<16xi32>
      %parallel_loop3A_582 = arith.constant 16 : i32
      %parallel_loop3A_583 = vector.broadcast %parallel_loop3A_582 : i32 to vector<16xi32>
      %parallel_loop3A_584 = arith.shrui %parallel_loop3A_579, %parallel_loop3A_583 : vector<16xi32>
      %parallel_loop3A_585 = arith.muli %parallel_loop3A_571, %parallel_loop3A_581 : vector<16xi32>
      %parallel_loop3A_586 = arith.muli %parallel_loop3A_574, %parallel_loop3A_581 : vector<16xi32>
      %parallel_loop3A_587 = arith.muli %parallel_loop3A_571, %parallel_loop3A_584 : vector<16xi32>
      %parallel_loop3A_588 = arith.muli %parallel_loop3A_574, %parallel_loop3A_584 : vector<16xi32>
      %parallel_loop3A_589 = vector.broadcast %parallel_loop3A_124 : i32 to vector<16xi32>
      %parallel_loop3A_590 = arith.andi %parallel_loop3A_585, %parallel_loop3A_589 : vector<16xi32>
      %parallel_loop3A_591 = arith.constant 16 : i32
      %parallel_loop3A_592 = vector.broadcast %parallel_loop3A_591 : i32 to vector<16xi32>
      %parallel_loop3A_593 = arith.shrui %parallel_loop3A_586, %parallel_loop3A_592 : vector<16xi32>
      %parallel_loop3A_594 = arith.addi %parallel_loop3A_593, %parallel_loop3A_588 : vector<16xi32>
      %parallel_loop3A_595 = arith.constant 2 : i32
      %parallel_loop3A_596 = vector.broadcast %parallel_loop3A_595 : i32 to vector<16xi32>
      %parallel_loop3A_597 = arith.muli %parallel_loop3A_594, %parallel_loop3A_596 : vector<16xi32>
      %parallel_loop3A_598 = arith.addi %parallel_loop3A_590, %parallel_loop3A_597 : vector<16xi32>
      %parallel_loop3A_599 = arith.constant 16 : i32
      %parallel_loop3A_600 = vector.broadcast %parallel_loop3A_599 : i32 to vector<16xi32>
      %parallel_loop3A_601 = arith.shrui %parallel_loop3A_585, %parallel_loop3A_600 : vector<16xi32>
      %parallel_loop3A_602 = vector.broadcast %parallel_loop3A_124 : i32 to vector<16xi32>
      %parallel_loop3A_603 = arith.andi %parallel_loop3A_586, %parallel_loop3A_602 : vector<16xi32>
      %parallel_loop3A_604 = arith.addi %parallel_loop3A_601, %parallel_loop3A_603 : vector<16xi32>
      %parallel_loop3A_605 = arith.addi %parallel_loop3A_604, %parallel_loop3A_587 : vector<16xi32>
      %parallel_loop3A_606 = arith.constant true
      %parallel_loop3A_607 = vector.broadcast %parallel_loop3A_606 : i1 to vector<16xi1>
      %parallel_loop3A_608 = tpu.scan <sum>, %parallel_loop3A_598 masked %parallel_loop3A_607 : vector<16xi32>, vector<16xi1> -> vector<16xi32>
      %parallel_loop3A_609 = vector.broadcast %parallel_loop3A_512 : i32 to vector<16xi32>
      %parallel_loop3A_610 = arith.addi %parallel_loop3A_608, %parallel_loop3A_609 : vector<16xi32>
      %parallel_loop3A_611 = arith.constant true
      %parallel_loop3A_612 = vector.broadcast %parallel_loop3A_611 : i1 to vector<16xi1>
      %parallel_loop3A_613 = tpu.scan <sum>, %parallel_loop3A_605 masked %parallel_loop3A_612 : vector<16xi32>, vector<16xi1> -> vector<16xi32>
      %parallel_loop3A_614 = vector.broadcast %parallel_loop3A_517 : i32 to vector<16xi32>
      %parallel_loop3A_615 = arith.addi %parallel_loop3A_613, %parallel_loop3A_614 : vector<16xi32>
      %parallel_loop3A_616 = arith.constant true
      %parallel_loop3A_617 = vector.broadcast %parallel_loop3A_616 : i1 to vector<16xi1>
      %parallel_loop3A_618 = tpu.scan <sum>, %parallel_loop3A_598 masked %parallel_loop3A_617 : vector<16xi32>, vector<16xi1> -> vector<16xi32>
      %parallel_loop3A_619 = vector.extract %parallel_loop3A_618[15] : i32 from vector<16xi32>
      %parallel_loop3A_620 = arith.addi %parallel_loop3A_512, %parallel_loop3A_619 : i32
      %parallel_loop3A_621 = arith.constant true
      %parallel_loop3A_622 = vector.broadcast %parallel_loop3A_621 : i1 to vector<16xi1>
      %parallel_loop3A_623 = tpu.scan <sum>, %parallel_loop3A_605 masked %parallel_loop3A_622 : vector<16xi32>, vector<16xi1> -> vector<16xi32>
      %parallel_loop3A_624 = vector.extract %parallel_loop3A_623[15] : i32 from vector<16xi32>
      %parallel_loop3A_625 = arith.addi %parallel_loop3A_517, %parallel_loop3A_624 : i32
      %parallel_loop3A_626 = vector.broadcast %parallel_loop3A_127 : i32 to vector<16xi32>
      %parallel_loop3A_627 = arith.andi %parallel_loop3A_615, %parallel_loop3A_626 : vector<16xi32>
      %parallel_loop3A_628 = arith.constant 16 : i32
      %parallel_loop3A_629 = vector.broadcast %parallel_loop3A_628 : i32 to vector<16xi32>
      %parallel_loop3A_630 = arith.shli %parallel_loop3A_627, %parallel_loop3A_629 : vector<16xi32>
      %parallel_loop3A_631 = arith.constant 15 : i32
      %parallel_loop3A_632 = vector.broadcast %parallel_loop3A_631 : i32 to vector<16xi32>
      %parallel_loop3A_633 = arith.shrui %parallel_loop3A_615, %parallel_loop3A_632 : vector<16xi32>
      %parallel_loop3A_634 = arith.addi %parallel_loop3A_630, %parallel_loop3A_633 : vector<16xi32>
      %parallel_loop3A_635 = arith.addi %parallel_loop3A_610, %parallel_loop3A_634 : vector<16xi32>
      %parallel_loop3A_636 = vector.broadcast %parallel_loop3A_128 : i32 to vector<16xi32>
      %parallel_loop3A_637 = arith.andi %parallel_loop3A_635, %parallel_loop3A_636 : vector<16xi32>
      %parallel_loop3A_638 = arith.constant 31 : i32
      %parallel_loop3A_639 = vector.broadcast %parallel_loop3A_638 : i32 to vector<16xi32>
      %parallel_loop3A_640 = arith.shrui %parallel_loop3A_635, %parallel_loop3A_639 : vector<16xi32>
      %parallel_loop3A_641 = arith.addi %parallel_loop3A_637, %parallel_loop3A_640 : vector<16xi32>
      %parallel_loop3A_642 = vector.broadcast %parallel_loop3A_128 : i32 to vector<16xi32>
      %parallel_loop3A_643 = arith.cmpi uge, %parallel_loop3A_641, %parallel_loop3A_642 : vector<16xi32>
      %parallel_loop3A_644 = vector.broadcast %parallel_loop3A_128 : i32 to vector<16xi32>
      %parallel_loop3A_645 = arith.subi %parallel_loop3A_641, %parallel_loop3A_644 : vector<16xi32>
      %parallel_loop3A_646 = arith.select %parallel_loop3A_643, %parallel_loop3A_645, %parallel_loop3A_641 : vector<16xi1>, vector<16xi32>
      %parallel_loop3A_647 = vector.bitcast %parallel_loop3A_646 : vector<16xi32> to vector<16xi32>
      %parallel_loop3A_648 = arith.sitofp %parallel_loop3A_647 : vector<16xi32> to vector<16xf32>
      %parallel_loop3A_649 = vector.broadcast %parallel_loop3A_129 : f32 to vector<16xf32>
      %parallel_loop3A_650 = arith.mulf %parallel_loop3A_648, %parallel_loop3A_649 : vector<16xf32>
      %parallel_loop3A_651 = arith.fptosi %parallel_loop3A_650 : vector<16xf32> to vector<16xi32>
      %parallel_loop3A_652 = vector.broadcast %parallel_loop3A_130 : i32 to vector<16xi32>
      %parallel_loop3A_653 = arith.muli %parallel_loop3A_651, %parallel_loop3A_652 : vector<16xi32>
      %parallel_loop3A_654 = arith.subi %parallel_loop3A_647, %parallel_loop3A_653 : vector<16xi32>
      %parallel_loop3A_655 = arith.constant 0 : i32
      %parallel_loop3A_656 = vector.broadcast %parallel_loop3A_655 : i32 to vector<16xi32>
      %parallel_loop3A_657 = arith.cmpi slt, %parallel_loop3A_654, %parallel_loop3A_656 : vector<16xi32>
      %parallel_loop3A_658 = vector.broadcast %parallel_loop3A_130 : i32 to vector<16xi32>
      %parallel_loop3A_659 = arith.addi %parallel_loop3A_654, %parallel_loop3A_658 : vector<16xi32>
      %parallel_loop3A_660 = arith.select %parallel_loop3A_657, %parallel_loop3A_659, %parallel_loop3A_654 : vector<16xi1>, vector<16xi32>
      %parallel_loop3A_661 = vector.broadcast %parallel_loop3A_130 : i32 to vector<16xi32>
      %parallel_loop3A_662 = arith.cmpi sge, %parallel_loop3A_660, %parallel_loop3A_661 : vector<16xi32>
      %parallel_loop3A_663 = vector.broadcast %parallel_loop3A_130 : i32 to vector<16xi32>
      %parallel_loop3A_664 = arith.subi %parallel_loop3A_660, %parallel_loop3A_663 : vector<16xi32>
      %parallel_loop3A_665 = arith.select %parallel_loop3A_662, %parallel_loop3A_664, %parallel_loop3A_660 : vector<16xi1>, vector<16xi32>
      %parallel_loop3A_666 = arith.constant 1 : i32
      %parallel_loop3A_667 = vector.broadcast %parallel_loop3A_666 : i32 to vector<16xi32>
      %parallel_loop3A_668 = arith.addi %parallel_loop3A_665, %parallel_loop3A_667 : vector<16xi32>
      %parallel_loop3A_669 = arith.constant 0 : i32
      %parallel_loop3A_670 = vector.broadcast %parallel_loop3A_669 : i32 to vector<16xi32>
      %parallel_loop3A_671 = arith.cmpi ne, %parallel_loop3A_578, %parallel_loop3A_670 : vector<16xi32>
      %parallel_loop3A_672 = tpu.all_reduce %parallel_loop3A_671 {dim = 0 : i64, kind = #tpu.reduction_kind<sum>} : vector<16xi1> -> vector<16xi32>
      %parallel_loop3A_673 = arith.addi %parallel_loop3A_565, %parallel_loop3A_672 : vector<16xi32>
      tpu.vector_store_idx %arg7[%parallel_loop3A_136, %min3A_49], %parallel_loop3A_668 : memref<64x400xi32, #tpu.memory_space<vmem>>[vector<16xi32>, vector<16xi32>], vector<16xi32>,
      %parallel_loop3A_674 = arith.constant 1 : i32
      %parallel_loop3A_675 = vector.broadcast %parallel_loop3A_674 : i32 to vector<16xi32>
      %parallel_loop3A_676 = arith.addi %min3A_49, %parallel_loop3A_675 : vector<16xi32>
      tpu.vector_store_idx %arg7[%parallel_loop3A_136, %parallel_loop3A_676], %mul3A_5 : memref<64x400xi32, #tpu.memory_space<vmem>>[vector<16xi32>, vector<16xi32>], vector<16xi32>,
      %parallel_loop3A_677 = arith.constant 80 : index
      %parallel_loop3A_678 = tpu.vector_load %arg8[%parallel_loop3A_677] {strides = array<i32>} : memref<208xi32, #tpu.memory_space<vmem>>, vector<16xi32>,
      %parallel_loop3A_679 = vector.bitcast %parallel_loop3A_678 : vector<16xi32> to vector<16xi32>
      %parallel_loop3A_680 = arith.constant 80 : index
      %parallel_loop3A_681 = tpu.vector_load %arg9[%parallel_loop3A_680] {strides = array<i32>} : memref<208xi32, #tpu.memory_space<vmem>>, vector<16xi32>,
      %parallel_loop3A_682 = vector.bitcast %parallel_loop3A_681 : vector<16xi32> to vector<16xi32>
      %parallel_loop3A_683 = arith.constant 80 : i32
      %parallel_loop3A_684 = arith.addi %parallel_loop3A_135, %parallel_loop3A_683 : i32
      %parallel_loop3A_685 = arith.index_cast %parallel_loop3A_684 : i32 to index
      %parallel_loop3A_686 = tpu.vector_load %arg6[%parallel_loop3A_685] {strides = array<i32>} : memref<13312xi32, #tpu.memory_space<vmem>>, vector<16xi32>,
      %parallel_loop3A_687 = vector.bitcast %parallel_loop3A_686 : vector<16xi32> to vector<16xi32>
      %parallel_loop3A_688 = vector.broadcast %parallel_loop3A_124 : i32 to vector<16xi32>
      %parallel_loop3A_689 = arith.andi %parallel_loop3A_687, %parallel_loop3A_688 : vector<16xi32>
      %parallel_loop3A_690 = arith.constant 16 : i32
      %parallel_loop3A_691 = vector.broadcast %parallel_loop3A_690 : i32 to vector<16xi32>
      %parallel_loop3A_692 = arith.shrui %parallel_loop3A_687, %parallel_loop3A_691 : vector<16xi32>
      %parallel_loop3A_693 = arith.muli %parallel_loop3A_679, %parallel_loop3A_689 : vector<16xi32>
      %parallel_loop3A_694 = arith.muli %parallel_loop3A_682, %parallel_loop3A_689 : vector<16xi32>
      %parallel_loop3A_695 = arith.muli %parallel_loop3A_679, %parallel_loop3A_692 : vector<16xi32>
      %parallel_loop3A_696 = arith.muli %parallel_loop3A_682, %parallel_loop3A_692 : vector<16xi32>
      %parallel_loop3A_697 = vector.broadcast %parallel_loop3A_124 : i32 to vector<16xi32>
      %parallel_loop3A_698 = arith.andi %parallel_loop3A_693, %parallel_loop3A_697 : vector<16xi32>
      %parallel_loop3A_699 = arith.constant 16 : i32
      %parallel_loop3A_700 = vector.broadcast %parallel_loop3A_699 : i32 to vector<16xi32>
      %parallel_loop3A_701 = arith.shrui %parallel_loop3A_694, %parallel_loop3A_700 : vector<16xi32>
      %parallel_loop3A_702 = arith.addi %parallel_loop3A_701, %parallel_loop3A_696 : vector<16xi32>
      %parallel_loop3A_703 = arith.constant 2 : i32
      %parallel_loop3A_704 = vector.broadcast %parallel_loop3A_703 : i32 to vector<16xi32>
      %parallel_loop3A_705 = arith.muli %parallel_loop3A_702, %parallel_loop3A_704 : vector<16xi32>
      %parallel_loop3A_706 = arith.addi %parallel_loop3A_698, %parallel_loop3A_705 : vector<16xi32>
      %parallel_loop3A_707 = arith.constant 16 : i32
      %parallel_loop3A_708 = vector.broadcast %parallel_loop3A_707 : i32 to vector<16xi32>
      %parallel_loop3A_709 = arith.shrui %parallel_loop3A_693, %parallel_loop3A_708 : vector<16xi32>
      %parallel_loop3A_710 = vector.broadcast %parallel_loop3A_124 : i32 to vector<16xi32>
      %parallel_loop3A_711 = arith.andi %parallel_loop3A_694, %parallel_loop3A_710 : vector<16xi32>
      %parallel_loop3A_712 = arith.addi %parallel_loop3A_709, %parallel_loop3A_711 : vector<16xi32>
      %parallel_loop3A_713 = arith.addi %parallel_loop3A_712, %parallel_loop3A_695 : vector<16xi32>
      %parallel_loop3A_714 = arith.constant true
      %parallel_loop3A_715 = vector.broadcast %parallel_loop3A_714 : i1 to vector<16xi1>
      %parallel_loop3A_716 = tpu.scan <sum>, %parallel_loop3A_706 masked %parallel_loop3A_715 : vector<16xi32>, vector<16xi1> -> vector<16xi32>
      %parallel_loop3A_717 = vector.broadcast %parallel_loop3A_620 : i32 to vector<16xi32>
      %parallel_loop3A_718 = arith.addi %parallel_loop3A_716, %parallel_loop3A_717 : vector<16xi32>
      %parallel_loop3A_719 = arith.constant true
      %parallel_loop3A_720 = vector.broadcast %parallel_loop3A_719 : i1 to vector<16xi1>
      %parallel_loop3A_721 = tpu.scan <sum>, %parallel_loop3A_713 masked %parallel_loop3A_720 : vector<16xi32>, vector<16xi1> -> vector<16xi32>
      %parallel_loop3A_722 = vector.broadcast %parallel_loop3A_625 : i32 to vector<16xi32>
      %parallel_loop3A_723 = arith.addi %parallel_loop3A_721, %parallel_loop3A_722 : vector<16xi32>
      %parallel_loop3A_724 = arith.constant true
      %parallel_loop3A_725 = vector.broadcast %parallel_loop3A_724 : i1 to vector<16xi1>
      %parallel_loop3A_726 = tpu.scan <sum>, %parallel_loop3A_706 masked %parallel_loop3A_725 : vector<16xi32>, vector<16xi1> -> vector<16xi32>
      %parallel_loop3A_727 = vector.extract %parallel_loop3A_726[15] : i32 from vector<16xi32>
      %parallel_loop3A_728 = arith.addi %parallel_loop3A_620, %parallel_loop3A_727 : i32
      %parallel_loop3A_729 = arith.constant true
      %parallel_loop3A_730 = vector.broadcast %parallel_loop3A_729 : i1 to vector<16xi1>
      %parallel_loop3A_731 = tpu.scan <sum>, %parallel_loop3A_713 masked %parallel_loop3A_730 : vector<16xi32>, vector<16xi1> -> vector<16xi32>
      %parallel_loop3A_732 = vector.extract %parallel_loop3A_731[15] : i32 from vector<16xi32>
      %parallel_loop3A_733 = arith.addi %parallel_loop3A_625, %parallel_loop3A_732 : i32
      %parallel_loop3A_734 = vector.broadcast %parallel_loop3A_127 : i32 to vector<16xi32>
      %parallel_loop3A_735 = arith.andi %parallel_loop3A_723, %parallel_loop3A_734 : vector<16xi32>
      %parallel_loop3A_736 = arith.constant 16 : i32
      %parallel_loop3A_737 = vector.broadcast %parallel_loop3A_736 : i32 to vector<16xi32>
      %parallel_loop3A_738 = arith.shli %parallel_loop3A_735, %parallel_loop3A_737 : vector<16xi32>
      %parallel_loop3A_739 = arith.constant 15 : i32
      %parallel_loop3A_740 = vector.broadcast %parallel_loop3A_739 : i32 to vector<16xi32>
      %parallel_loop3A_741 = arith.shrui %parallel_loop3A_723, %parallel_loop3A_740 : vector<16xi32>
      %parallel_loop3A_742 = arith.addi %parallel_loop3A_738, %parallel_loop3A_741 : vector<16xi32>
      %parallel_loop3A_743 = arith.addi %parallel_loop3A_718, %parallel_loop3A_742 : vector<16xi32>
      %parallel_loop3A_744 = vector.broadcast %parallel_loop3A_128 : i32 to vector<16xi32>
      %parallel_loop3A_745 = arith.andi %parallel_loop3A_743, %parallel_loop3A_744 : vector<16xi32>
      %parallel_loop3A_746 = arith.constant 31 : i32
      %parallel_loop3A_747 = vector.broadcast %parallel_loop3A_746 : i32 to vector<16xi32>
      %parallel_loop3A_748 = arith.shrui %parallel_loop3A_743, %parallel_loop3A_747 : vector<16xi32>
      %parallel_loop3A_749 = arith.addi %parallel_loop3A_745, %parallel_loop3A_748 : vector<16xi32>
      %parallel_loop3A_750 = vector.broadcast %parallel_loop3A_128 : i32 to vector<16xi32>
      %parallel_loop3A_751 = arith.cmpi uge, %parallel_loop3A_749, %parallel_loop3A_750 : vector<16xi32>
      %parallel_loop3A_752 = vector.broadcast %parallel_loop3A_128 : i32 to vector<16xi32>
      %parallel_loop3A_753 = arith.subi %parallel_loop3A_749, %parallel_loop3A_752 : vector<16xi32>
      %parallel_loop3A_754 = arith.select %parallel_loop3A_751, %parallel_loop3A_753, %parallel_loop3A_749 : vector<16xi1>, vector<16xi32>
      %parallel_loop3A_755 = vector.bitcast %parallel_loop3A_754 : vector<16xi32> to vector<16xi32>
      %parallel_loop3A_756 = arith.sitofp %parallel_loop3A_755 : vector<16xi32> to vector<16xf32>
      %parallel_loop3A_757 = vector.broadcast %parallel_loop3A_129 : f32 to vector<16xf32>
      %parallel_loop3A_758 = arith.mulf %parallel_loop3A_756, %parallel_loop3A_757 : vector<16xf32>
      %parallel_loop3A_759 = arith.fptosi %parallel_loop3A_758 : vector<16xf32> to vector<16xi32>
      %parallel_loop3A_760 = vector.broadcast %parallel_loop3A_130 : i32 to vector<16xi32>
      %parallel_loop3A_761 = arith.muli %parallel_loop3A_759, %parallel_loop3A_760 : vector<16xi32>
      %parallel_loop3A_762 = arith.subi %parallel_loop3A_755, %parallel_loop3A_761 : vector<16xi32>
      %parallel_loop3A_763 = arith.constant 0 : i32
      %parallel_loop3A_764 = vector.broadcast %parallel_loop3A_763 : i32 to vector<16xi32>
      %parallel_loop3A_765 = arith.cmpi slt, %parallel_loop3A_762, %parallel_loop3A_764 : vector<16xi32>
      %parallel_loop3A_766 = vector.broadcast %parallel_loop3A_130 : i32 to vector<16xi32>
      %parallel_loop3A_767 = arith.addi %parallel_loop3A_762, %parallel_loop3A_766 : vector<16xi32>
      %parallel_loop3A_768 = arith.select %parallel_loop3A_765, %parallel_loop3A_767, %parallel_loop3A_762 : vector<16xi1>, vector<16xi32>
      %parallel_loop3A_769 = vector.broadcast %parallel_loop3A_130 : i32 to vector<16xi32>
      %parallel_loop3A_770 = arith.cmpi sge, %parallel_loop3A_768, %parallel_loop3A_769 : vector<16xi32>
      %parallel_loop3A_771 = vector.broadcast %parallel_loop3A_130 : i32 to vector<16xi32>
      %parallel_loop3A_772 = arith.subi %parallel_loop3A_768, %parallel_loop3A_771 : vector<16xi32>
      %parallel_loop3A_773 = arith.select %parallel_loop3A_770, %parallel_loop3A_772, %parallel_loop3A_768 : vector<16xi1>, vector<16xi32>
      %parallel_loop3A_774 = arith.constant 1 : i32
      %parallel_loop3A_775 = vector.broadcast %parallel_loop3A_774 : i32 to vector<16xi32>
      %parallel_loop3A_776 = arith.addi %parallel_loop3A_773, %parallel_loop3A_775 : vector<16xi32>
      %parallel_loop3A_777 = arith.constant 0 : i32
      %parallel_loop3A_778 = vector.broadcast %parallel_loop3A_777 : i32 to vector<16xi32>
      %parallel_loop3A_779 = arith.cmpi ne, %parallel_loop3A_686, %parallel_loop3A_778 : vector<16xi32>
      %parallel_loop3A_780 = tpu.all_reduce %parallel_loop3A_779 {dim = 0 : i64, kind = #tpu.reduction_kind<sum>} : vector<16xi1> -> vector<16xi32>
      %parallel_loop3A_781 = arith.addi %parallel_loop3A_673, %parallel_loop3A_780 : vector<16xi32>
      tpu.vector_store_idx %arg7[%parallel_loop3A_136, %min3A_58], %parallel_loop3A_776 : memref<64x400xi32, #tpu.memory_space<vmem>>[vector<16xi32>, vector<16xi32>], vector<16xi32>,
      %parallel_loop3A_782 = arith.constant 1 : i32
      %parallel_loop3A_783 = vector.broadcast %parallel_loop3A_782 : i32 to vector<16xi32>
      %parallel_loop3A_784 = arith.addi %min3A_58, %parallel_loop3A_783 : vector<16xi32>
      tpu.vector_store_idx %arg7[%parallel_loop3A_136, %parallel_loop3A_784], %mul3A_5 : memref<64x400xi32, #tpu.memory_space<vmem>>[vector<16xi32>, vector<16xi32>], vector<16xi32>,
      %parallel_loop3A_785 = arith.constant 96 : index
      %parallel_loop3A_786 = tpu.vector_load %arg8[%parallel_loop3A_785] {strides = array<i32>} : memref<208xi32, #tpu.memory_space<vmem>>, vector<16xi32>,
      %parallel_loop3A_787 = vector.bitcast %parallel_loop3A_786 : vector<16xi32> to vector<16xi32>
      %parallel_loop3A_788 = arith.constant 96 : index
      %parallel_loop3A_789 = tpu.vector_load %arg9[%parallel_loop3A_788] {strides = array<i32>} : memref<208xi32, #tpu.memory_space<vmem>>, vector<16xi32>,
      %parallel_loop3A_790 = vector.bitcast %parallel_loop3A_789 : vector<16xi32> to vector<16xi32>
      %parallel_loop3A_791 = arith.constant 96 : i32
      %parallel_loop3A_792 = arith.addi %parallel_loop3A_135, %parallel_loop3A_791 : i32
      %parallel_loop3A_793 = arith.index_cast %parallel_loop3A_792 : i32 to index
      %parallel_loop3A_794 = tpu.vector_load %arg6[%parallel_loop3A_793] {strides = array<i32>} : memref<13312xi32, #tpu.memory_space<vmem>>, vector<16xi32>,
      %parallel_loop3A_795 = vector.bitcast %parallel_loop3A_794 : vector<16xi32> to vector<16xi32>
      %parallel_loop3A_796 = vector.broadcast %parallel_loop3A_124 : i32 to vector<16xi32>
      %parallel_loop3A_797 = arith.andi %parallel_loop3A_795, %parallel_loop3A_796 : vector<16xi32>
      %parallel_loop3A_798 = arith.constant 16 : i32
      %parallel_loop3A_799 = vector.broadcast %parallel_loop3A_798 : i32 to vector<16xi32>
      %parallel_loop3A_800 = arith.shrui %parallel_loop3A_795, %parallel_loop3A_799 : vector<16xi32>
      %parallel_loop3A_801 = arith.muli %parallel_loop3A_787, %parallel_loop3A_797 : vector<16xi32>
      %parallel_loop3A_802 = arith.muli %parallel_loop3A_790, %parallel_loop3A_797 : vector<16xi32>
      %parallel_loop3A_803 = arith.muli %parallel_loop3A_787, %parallel_loop3A_800 : vector<16xi32>
      %parallel_loop3A_804 = arith.muli %parallel_loop3A_790, %parallel_loop3A_800 : vector<16xi32>
      %parallel_loop3A_805 = vector.broadcast %parallel_loop3A_124 : i32 to vector<16xi32>
      %parallel_loop3A_806 = arith.andi %parallel_loop3A_801, %parallel_loop3A_805 : vector<16xi32>
      %parallel_loop3A_807 = arith.constant 16 : i32
      %parallel_loop3A_808 = vector.broadcast %parallel_loop3A_807 : i32 to vector<16xi32>
      %parallel_loop3A_809 = arith.shrui %parallel_loop3A_802, %parallel_loop3A_808 : vector<16xi32>
      %parallel_loop3A_810 = arith.addi %parallel_loop3A_809, %parallel_loop3A_804 : vector<16xi32>
      %parallel_loop3A_811 = arith.constant 2 : i32
      %parallel_loop3A_812 = vector.broadcast %parallel_loop3A_811 : i32 to vector<16xi32>
      %parallel_loop3A_813 = arith.muli %parallel_loop3A_810, %parallel_loop3A_812 : vector<16xi32>
      %parallel_loop3A_814 = arith.addi %parallel_loop3A_806, %parallel_loop3A_813 : vector<16xi32>
      %parallel_loop3A_815 = arith.constant 16 : i32
      %parallel_loop3A_816 = vector.broadcast %parallel_loop3A_815 : i32 to vector<16xi32>
      %parallel_loop3A_817 = arith.shrui %parallel_loop3A_801, %parallel_loop3A_816 : vector<16xi32>
      %parallel_loop3A_818 = vector.broadcast %parallel_loop3A_124 : i32 to vector<16xi32>
      %parallel_loop3A_819 = arith.andi %parallel_loop3A_802, %parallel_loop3A_818 : vector<16xi32>
      %parallel_loop3A_820 = arith.addi %parallel_loop3A_817, %parallel_loop3A_819 : vector<16xi32>
      %parallel_loop3A_821 = arith.addi %parallel_loop3A_820, %parallel_loop3A_803 : vector<16xi32>
      %parallel_loop3A_822 = arith.constant true
      %parallel_loop3A_823 = vector.broadcast %parallel_loop3A_822 : i1 to vector<16xi1>
      %parallel_loop3A_824 = tpu.scan <sum>, %parallel_loop3A_814 masked %parallel_loop3A_823 : vector<16xi32>, vector<16xi1> -> vector<16xi32>
      %parallel_loop3A_825 = vector.broadcast %parallel_loop3A_728 : i32 to vector<16xi32>
      %parallel_loop3A_826 = arith.addi %parallel_loop3A_824, %parallel_loop3A_825 : vector<16xi32>
      %parallel_loop3A_827 = arith.constant true
      %parallel_loop3A_828 = vector.broadcast %parallel_loop3A_827 : i1 to vector<16xi1>
      %parallel_loop3A_829 = tpu.scan <sum>, %parallel_loop3A_821 masked %parallel_loop3A_828 : vector<16xi32>, vector<16xi1> -> vector<16xi32>
      %parallel_loop3A_830 = vector.broadcast %parallel_loop3A_733 : i32 to vector<16xi32>
      %parallel_loop3A_831 = arith.addi %parallel_loop3A_829, %parallel_loop3A_830 : vector<16xi32>
      %parallel_loop3A_832 = arith.constant true
      %parallel_loop3A_833 = vector.broadcast %parallel_loop3A_832 : i1 to vector<16xi1>
      %parallel_loop3A_834 = tpu.scan <sum>, %parallel_loop3A_814 masked %parallel_loop3A_833 : vector<16xi32>, vector<16xi1> -> vector<16xi32>
      %parallel_loop3A_835 = vector.extract %parallel_loop3A_834[15] : i32 from vector<16xi32>
      %parallel_loop3A_836 = arith.addi %parallel_loop3A_728, %parallel_loop3A_835 : i32
      %parallel_loop3A_837 = arith.constant true
      %parallel_loop3A_838 = vector.broadcast %parallel_loop3A_837 : i1 to vector<16xi1>
      %parallel_loop3A_839 = tpu.scan <sum>, %parallel_loop3A_821 masked %parallel_loop3A_838 : vector<16xi32>, vector<16xi1> -> vector<16xi32>
      %parallel_loop3A_840 = vector.extract %parallel_loop3A_839[15] : i32 from vector<16xi32>
      %parallel_loop3A_841 = arith.addi %parallel_loop3A_733, %parallel_loop3A_840 : i32
      %parallel_loop3A_842 = vector.broadcast %parallel_loop3A_127 : i32 to vector<16xi32>
      %parallel_loop3A_843 = arith.andi %parallel_loop3A_831, %parallel_loop3A_842 : vector<16xi32>
      %parallel_loop3A_844 = arith.constant 16 : i32
      %parallel_loop3A_845 = vector.broadcast %parallel_loop3A_844 : i32 to vector<16xi32>
      %parallel_loop3A_846 = arith.shli %parallel_loop3A_843, %parallel_loop3A_845 : vector<16xi32>
      %parallel_loop3A_847 = arith.constant 15 : i32
      %parallel_loop3A_848 = vector.broadcast %parallel_loop3A_847 : i32 to vector<16xi32>
      %parallel_loop3A_849 = arith.shrui %parallel_loop3A_831, %parallel_loop3A_848 : vector<16xi32>
      %parallel_loop3A_850 = arith.addi %parallel_loop3A_846, %parallel_loop3A_849 : vector<16xi32>
      %parallel_loop3A_851 = arith.addi %parallel_loop3A_826, %parallel_loop3A_850 : vector<16xi32>
      %parallel_loop3A_852 = vector.broadcast %parallel_loop3A_128 : i32 to vector<16xi32>
      %parallel_loop3A_853 = arith.andi %parallel_loop3A_851, %parallel_loop3A_852 : vector<16xi32>
      %parallel_loop3A_854 = arith.constant 31 : i32
      %parallel_loop3A_855 = vector.broadcast %parallel_loop3A_854 : i32 to vector<16xi32>
      %parallel_loop3A_856 = arith.shrui %parallel_loop3A_851, %parallel_loop3A_855 : vector<16xi32>
      %parallel_loop3A_857 = arith.addi %parallel_loop3A_853, %parallel_loop3A_856 : vector<16xi32>
      %parallel_loop3A_858 = vector.broadcast %parallel_loop3A_128 : i32 to vector<16xi32>
      %parallel_loop3A_859 = arith.cmpi uge, %parallel_loop3A_857, %parallel_loop3A_858 : vector<16xi32>
      %parallel_loop3A_860 = vector.broadcast %parallel_loop3A_128 : i32 to vector<16xi32>
      %parallel_loop3A_861 = arith.subi %parallel_loop3A_857, %parallel_loop3A_860 : vector<16xi32>
      %parallel_loop3A_862 = arith.select %parallel_loop3A_859, %parallel_loop3A_861, %parallel_loop3A_857 : vector<16xi1>, vector<16xi32>
      %parallel_loop3A_863 = vector.bitcast %parallel_loop3A_862 : vector<16xi32> to vector<16xi32>
      %parallel_loop3A_864 = arith.sitofp %parallel_loop3A_863 : vector<16xi32> to vector<16xf32>
      %parallel_loop3A_865 = vector.broadcast %parallel_loop3A_129 : f32 to vector<16xf32>
      %parallel_loop3A_866 = arith.mulf %parallel_loop3A_864, %parallel_loop3A_865 : vector<16xf32>
      %parallel_loop3A_867 = arith.fptosi %parallel_loop3A_866 : vector<16xf32> to vector<16xi32>
      %parallel_loop3A_868 = vector.broadcast %parallel_loop3A_130 : i32 to vector<16xi32>
      %parallel_loop3A_869 = arith.muli %parallel_loop3A_867, %parallel_loop3A_868 : vector<16xi32>
      %parallel_loop3A_870 = arith.subi %parallel_loop3A_863, %parallel_loop3A_869 : vector<16xi32>
      %parallel_loop3A_871 = arith.constant 0 : i32
      %parallel_loop3A_872 = vector.broadcast %parallel_loop3A_871 : i32 to vector<16xi32>
      %parallel_loop3A_873 = arith.cmpi slt, %parallel_loop3A_870, %parallel_loop3A_872 : vector<16xi32>
      %parallel_loop3A_874 = vector.broadcast %parallel_loop3A_130 : i32 to vector<16xi32>
      %parallel_loop3A_875 = arith.addi %parallel_loop3A_870, %parallel_loop3A_874 : vector<16xi32>
      %parallel_loop3A_876 = arith.select %parallel_loop3A_873, %parallel_loop3A_875, %parallel_loop3A_870 : vector<16xi1>, vector<16xi32>
      %parallel_loop3A_877 = vector.broadcast %parallel_loop3A_130 : i32 to vector<16xi32>
      %parallel_loop3A_878 = arith.cmpi sge, %parallel_loop3A_876, %parallel_loop3A_877 : vector<16xi32>
      %parallel_loop3A_879 = vector.broadcast %parallel_loop3A_130 : i32 to vector<16xi32>
      %parallel_loop3A_880 = arith.subi %parallel_loop3A_876, %parallel_loop3A_879 : vector<16xi32>
      %parallel_loop3A_881 = arith.select %parallel_loop3A_878, %parallel_loop3A_880, %parallel_loop3A_876 : vector<16xi1>, vector<16xi32>
      %parallel_loop3A_882 = arith.constant 1 : i32
      %parallel_loop3A_883 = vector.broadcast %parallel_loop3A_882 : i32 to vector<16xi32>
      %parallel_loop3A_884 = arith.addi %parallel_loop3A_881, %parallel_loop3A_883 : vector<16xi32>
      %parallel_loop3A_885 = arith.constant 0 : i32
      %parallel_loop3A_886 = vector.broadcast %parallel_loop3A_885 : i32 to vector<16xi32>
      %parallel_loop3A_887 = arith.cmpi ne, %parallel_loop3A_794, %parallel_loop3A_886 : vector<16xi32>
      %parallel_loop3A_888 = tpu.all_reduce %parallel_loop3A_887 {dim = 0 : i64, kind = #tpu.reduction_kind<sum>} : vector<16xi1> -> vector<16xi32>
      %parallel_loop3A_889 = arith.addi %parallel_loop3A_781, %parallel_loop3A_888 : vector<16xi32>
      tpu.vector_store_idx %arg7[%parallel_loop3A_136, %min3A_67], %parallel_loop3A_884 : memref<64x400xi32, #tpu.memory_space<vmem>>[vector<16xi32>, vector<16xi32>], vector<16xi32>,
      %parallel_loop3A_890 = arith.constant 1 : i32
      %parallel_loop3A_891 = vector.broadcast %parallel_loop3A_890 : i32 to vector<16xi32>
      %parallel_loop3A_892 = arith.addi %min3A_67, %parallel_loop3A_891 : vector<16xi32>
      tpu.vector_store_idx %arg7[%parallel_loop3A_136, %parallel_loop3A_892], %mul3A_5 : memref<64x400xi32, #tpu.memory_space<vmem>>[vector<16xi32>, vector<16xi32>], vector<16xi32>,
      %parallel_loop3A_893 = arith.constant 112 : index
      %parallel_loop3A_894 = tpu.vector_load %arg8[%parallel_loop3A_893] {strides = array<i32>} : memref<208xi32, #tpu.memory_space<vmem>>, vector<16xi32>,
      %parallel_loop3A_895 = vector.bitcast %parallel_loop3A_894 : vector<16xi32> to vector<16xi32>
      %parallel_loop3A_896 = arith.constant 112 : index
      %parallel_loop3A_897 = tpu.vector_load %arg9[%parallel_loop3A_896] {strides = array<i32>} : memref<208xi32, #tpu.memory_space<vmem>>, vector<16xi32>,
      %parallel_loop3A_898 = vector.bitcast %parallel_loop3A_897 : vector<16xi32> to vector<16xi32>
      %parallel_loop3A_899 = arith.constant 112 : i32
      %parallel_loop3A_900 = arith.addi %parallel_loop3A_135, %parallel_loop3A_899 : i32
      %parallel_loop3A_901 = arith.index_cast %parallel_loop3A_900 : i32 to index
      %parallel_loop3A_902 = tpu.vector_load %arg6[%parallel_loop3A_901] {strides = array<i32>} : memref<13312xi32, #tpu.memory_space<vmem>>, vector<16xi32>,
      %parallel_loop3A_903 = vector.bitcast %parallel_loop3A_902 : vector<16xi32> to vector<16xi32>
      %parallel_loop3A_904 = vector.broadcast %parallel_loop3A_124 : i32 to vector<16xi32>
      %parallel_loop3A_905 = arith.andi %parallel_loop3A_903, %parallel_loop3A_904 : vector<16xi32>
      %parallel_loop3A_906 = arith.constant 16 : i32
      %parallel_loop3A_907 = vector.broadcast %parallel_loop3A_906 : i32 to vector<16xi32>
      %parallel_loop3A_908 = arith.shrui %parallel_loop3A_903, %parallel_loop3A_907 : vector<16xi32>
      %parallel_loop3A_909 = arith.muli %parallel_loop3A_895, %parallel_loop3A_905 : vector<16xi32>
      %parallel_loop3A_910 = arith.muli %parallel_loop3A_898, %parallel_loop3A_905 : vector<16xi32>
      %parallel_loop3A_911 = arith.muli %parallel_loop3A_895, %parallel_loop3A_908 : vector<16xi32>
      %parallel_loop3A_912 = arith.muli %parallel_loop3A_898, %parallel_loop3A_908 : vector<16xi32>
      %parallel_loop3A_913 = vector.broadcast %parallel_loop3A_124 : i32 to vector<16xi32>
      %parallel_loop3A_914 = arith.andi %parallel_loop3A_909, %parallel_loop3A_913 : vector<16xi32>
      %parallel_loop3A_915 = arith.constant 16 : i32
      %parallel_loop3A_916 = vector.broadcast %parallel_loop3A_915 : i32 to vector<16xi32>
      %parallel_loop3A_917 = arith.shrui %parallel_loop3A_910, %parallel_loop3A_916 : vector<16xi32>
      %parallel_loop3A_918 = arith.addi %parallel_loop3A_917, %parallel_loop3A_912 : vector<16xi32>
      %parallel_loop3A_919 = arith.constant 2 : i32
      %parallel_loop3A_920 = vector.broadcast %parallel_loop3A_919 : i32 to vector<16xi32>
      %parallel_loop3A_921 = arith.muli %parallel_loop3A_918, %parallel_loop3A_920 : vector<16xi32>
      %parallel_loop3A_922 = arith.addi %parallel_loop3A_914, %parallel_loop3A_921 : vector<16xi32>
      %parallel_loop3A_923 = arith.constant 16 : i32
      %parallel_loop3A_924 = vector.broadcast %parallel_loop3A_923 : i32 to vector<16xi32>
      %parallel_loop3A_925 = arith.shrui %parallel_loop3A_909, %parallel_loop3A_924 : vector<16xi32>
      %parallel_loop3A_926 = vector.broadcast %parallel_loop3A_124 : i32 to vector<16xi32>
      %parallel_loop3A_927 = arith.andi %parallel_loop3A_910, %parallel_loop3A_926 : vector<16xi32>
      %parallel_loop3A_928 = arith.addi %parallel_loop3A_925, %parallel_loop3A_927 : vector<16xi32>
      %parallel_loop3A_929 = arith.addi %parallel_loop3A_928, %parallel_loop3A_911 : vector<16xi32>
      %parallel_loop3A_930 = arith.constant true
      %parallel_loop3A_931 = vector.broadcast %parallel_loop3A_930 : i1 to vector<16xi1>
      %parallel_loop3A_932 = tpu.scan <sum>, %parallel_loop3A_922 masked %parallel_loop3A_931 : vector<16xi32>, vector<16xi1> -> vector<16xi32>
      %parallel_loop3A_933 = vector.broadcast %parallel_loop3A_836 : i32 to vector<16xi32>
      %parallel_loop3A_934 = arith.addi %parallel_loop3A_932, %parallel_loop3A_933 : vector<16xi32>
      %parallel_loop3A_935 = arith.constant true
      %parallel_loop3A_936 = vector.broadcast %parallel_loop3A_935 : i1 to vector<16xi1>
      %parallel_loop3A_937 = tpu.scan <sum>, %parallel_loop3A_929 masked %parallel_loop3A_936 : vector<16xi32>, vector<16xi1> -> vector<16xi32>
      %parallel_loop3A_938 = vector.broadcast %parallel_loop3A_841 : i32 to vector<16xi32>
      %parallel_loop3A_939 = arith.addi %parallel_loop3A_937, %parallel_loop3A_938 : vector<16xi32>
      %parallel_loop3A_940 = arith.constant true
      %parallel_loop3A_941 = vector.broadcast %parallel_loop3A_940 : i1 to vector<16xi1>
      %parallel_loop3A_942 = tpu.scan <sum>, %parallel_loop3A_922 masked %parallel_loop3A_941 : vector<16xi32>, vector<16xi1> -> vector<16xi32>
      %parallel_loop3A_943 = vector.extract %parallel_loop3A_942[15] : i32 from vector<16xi32>
      %parallel_loop3A_944 = arith.addi %parallel_loop3A_836, %parallel_loop3A_943 : i32
      %parallel_loop3A_945 = arith.constant true
      %parallel_loop3A_946 = vector.broadcast %parallel_loop3A_945 : i1 to vector<16xi1>
      %parallel_loop3A_947 = tpu.scan <sum>, %parallel_loop3A_929 masked %parallel_loop3A_946 : vector<16xi32>, vector<16xi1> -> vector<16xi32>
      %parallel_loop3A_948 = vector.extract %parallel_loop3A_947[15] : i32 from vector<16xi32>
      %parallel_loop3A_949 = arith.addi %parallel_loop3A_841, %parallel_loop3A_948 : i32
      %parallel_loop3A_950 = vector.broadcast %parallel_loop3A_127 : i32 to vector<16xi32>
      %parallel_loop3A_951 = arith.andi %parallel_loop3A_939, %parallel_loop3A_950 : vector<16xi32>
      %parallel_loop3A_952 = arith.constant 16 : i32
      %parallel_loop3A_953 = vector.broadcast %parallel_loop3A_952 : i32 to vector<16xi32>
      %parallel_loop3A_954 = arith.shli %parallel_loop3A_951, %parallel_loop3A_953 : vector<16xi32>
      %parallel_loop3A_955 = arith.constant 15 : i32
      %parallel_loop3A_956 = vector.broadcast %parallel_loop3A_955 : i32 to vector<16xi32>
      %parallel_loop3A_957 = arith.shrui %parallel_loop3A_939, %parallel_loop3A_956 : vector<16xi32>
      %parallel_loop3A_958 = arith.addi %parallel_loop3A_954, %parallel_loop3A_957 : vector<16xi32>
      %parallel_loop3A_959 = arith.addi %parallel_loop3A_934, %parallel_loop3A_958 : vector<16xi32>
      %parallel_loop3A_960 = vector.broadcast %parallel_loop3A_128 : i32 to vector<16xi32>
      %parallel_loop3A_961 = arith.andi %parallel_loop3A_959, %parallel_loop3A_960 : vector<16xi32>
      %parallel_loop3A_962 = arith.constant 31 : i32
      %parallel_loop3A_963 = vector.broadcast %parallel_loop3A_962 : i32 to vector<16xi32>
      %parallel_loop3A_964 = arith.shrui %parallel_loop3A_959, %parallel_loop3A_963 : vector<16xi32>
      %parallel_loop3A_965 = arith.addi %parallel_loop3A_961, %parallel_loop3A_964 : vector<16xi32>
      %parallel_loop3A_966 = vector.broadcast %parallel_loop3A_128 : i32 to vector<16xi32>
      %parallel_loop3A_967 = arith.cmpi uge, %parallel_loop3A_965, %parallel_loop3A_966 : vector<16xi32>
      %parallel_loop3A_968 = vector.broadcast %parallel_loop3A_128 : i32 to vector<16xi32>
      %parallel_loop3A_969 = arith.subi %parallel_loop3A_965, %parallel_loop3A_968 : vector<16xi32>
      %parallel_loop3A_970 = arith.select %parallel_loop3A_967, %parallel_loop3A_969, %parallel_loop3A_965 : vector<16xi1>, vector<16xi32>
      %parallel_loop3A_971 = vector.bitcast %parallel_loop3A_970 : vector<16xi32> to vector<16xi32>
      %parallel_loop3A_972 = arith.sitofp %parallel_loop3A_971 : vector<16xi32> to vector<16xf32>
      %parallel_loop3A_973 = vector.broadcast %parallel_loop3A_129 : f32 to vector<16xf32>
      %parallel_loop3A_974 = arith.mulf %parallel_loop3A_972, %parallel_loop3A_973 : vector<16xf32>
      %parallel_loop3A_975 = arith.fptosi %parallel_loop3A_974 : vector<16xf32> to vector<16xi32>
      %parallel_loop3A_976 = vector.broadcast %parallel_loop3A_130 : i32 to vector<16xi32>
      %parallel_loop3A_977 = arith.muli %parallel_loop3A_975, %parallel_loop3A_976 : vector<16xi32>
      %parallel_loop3A_978 = arith.subi %parallel_loop3A_971, %parallel_loop3A_977 : vector<16xi32>
      %parallel_loop3A_979 = arith.constant 0 : i32
      %parallel_loop3A_980 = vector.broadcast %parallel_loop3A_979 : i32 to vector<16xi32>
      %parallel_loop3A_981 = arith.cmpi slt, %parallel_loop3A_978, %parallel_loop3A_980 : vector<16xi32>
      %parallel_loop3A_982 = vector.broadcast %parallel_loop3A_130 : i32 to vector<16xi32>
      %parallel_loop3A_983 = arith.addi %parallel_loop3A_978, %parallel_loop3A_982 : vector<16xi32>
      %parallel_loop3A_984 = arith.select %parallel_loop3A_981, %parallel_loop3A_983, %parallel_loop3A_978 : vector<16xi1>, vector<16xi32>
      %parallel_loop3A_985 = vector.broadcast %parallel_loop3A_130 : i32 to vector<16xi32>
      %parallel_loop3A_986 = arith.cmpi sge, %parallel_loop3A_984, %parallel_loop3A_985 : vector<16xi32>
      %parallel_loop3A_987 = vector.broadcast %parallel_loop3A_130 : i32 to vector<16xi32>
      %parallel_loop3A_988 = arith.subi %parallel_loop3A_984, %parallel_loop3A_987 : vector<16xi32>
      %parallel_loop3A_989 = arith.select %parallel_loop3A_986, %parallel_loop3A_988, %parallel_loop3A_984 : vector<16xi1>, vector<16xi32>
      %parallel_loop3A_990 = arith.constant 1 : i32
      %parallel_loop3A_991 = vector.broadcast %parallel_loop3A_990 : i32 to vector<16xi32>
      %parallel_loop3A_992 = arith.addi %parallel_loop3A_989, %parallel_loop3A_991 : vector<16xi32>
      %parallel_loop3A_993 = arith.constant 0 : i32
      %parallel_loop3A_994 = vector.broadcast %parallel_loop3A_993 : i32 to vector<16xi32>
      %parallel_loop3A_995 = arith.cmpi ne, %parallel_loop3A_902, %parallel_loop3A_994 : vector<16xi32>
      %parallel_loop3A_996 = tpu.all_reduce %parallel_loop3A_995 {dim = 0 : i64, kind = #tpu.reduction_kind<sum>} : vector<16xi1> -> vector<16xi32>
      %parallel_loop3A_997 = arith.addi %parallel_loop3A_889, %parallel_loop3A_996 : vector<16xi32>
      tpu.vector_store_idx %arg7[%parallel_loop3A_136, %min3A_76], %parallel_loop3A_992 : memref<64x400xi32, #tpu.memory_space<vmem>>[vector<16xi32>, vector<16xi32>], vector<16xi32>,
      %parallel_loop3A_998 = arith.constant 1 : i32
      %parallel_loop3A_999 = vector.broadcast %parallel_loop3A_998 : i32 to vector<16xi32>
      %parallel_loop3A_1000 = arith.addi %min3A_76, %parallel_loop3A_999 : vector<16xi32>
      tpu.vector_store_idx %arg7[%parallel_loop3A_136, %parallel_loop3A_1000], %mul3A_5 : memref<64x400xi32, #tpu.memory_space<vmem>>[vector<16xi32>, vector<16xi32>], vector<16xi32>,
      %parallel_loop3A_1001 = arith.constant 128 : index
      %parallel_loop3A_1002 = tpu.vector_load %arg8[%parallel_loop3A_1001] {strides = array<i32>} : memref<208xi32, #tpu.memory_space<vmem>>, vector<16xi32>,
      %parallel_loop3A_1003 = vector.bitcast %parallel_loop3A_1002 : vector<16xi32> to vector<16xi32>
      %parallel_loop3A_1004 = arith.constant 128 : index
      %parallel_loop3A_1005 = tpu.vector_load %arg9[%parallel_loop3A_1004] {strides = array<i32>} : memref<208xi32, #tpu.memory_space<vmem>>, vector<16xi32>,
      %parallel_loop3A_1006 = vector.bitcast %parallel_loop3A_1005 : vector<16xi32> to vector<16xi32>
      %parallel_loop3A_1007 = arith.constant 128 : i32
      %parallel_loop3A_1008 = arith.addi %parallel_loop3A_135, %parallel_loop3A_1007 : i32
      %parallel_loop3A_1009 = arith.index_cast %parallel_loop3A_1008 : i32 to index
      %parallel_loop3A_1010 = tpu.vector_load %arg6[%parallel_loop3A_1009] {strides = array<i32>} : memref<13312xi32, #tpu.memory_space<vmem>>, vector<16xi32>,
      %parallel_loop3A_1011 = vector.bitcast %parallel_loop3A_1010 : vector<16xi32> to vector<16xi32>
      %parallel_loop3A_1012 = vector.broadcast %parallel_loop3A_124 : i32 to vector<16xi32>
      %parallel_loop3A_1013 = arith.andi %parallel_loop3A_1011, %parallel_loop3A_1012 : vector<16xi32>
      %parallel_loop3A_1014 = arith.constant 16 : i32
      %parallel_loop3A_1015 = vector.broadcast %parallel_loop3A_1014 : i32 to vector<16xi32>
      %parallel_loop3A_1016 = arith.shrui %parallel_loop3A_1011, %parallel_loop3A_1015 : vector<16xi32>
      %parallel_loop3A_1017 = arith.muli %parallel_loop3A_1003, %parallel_loop3A_1013 : vector<16xi32>
      %parallel_loop3A_1018 = arith.muli %parallel_loop3A_1006, %parallel_loop3A_1013 : vector<16xi32>
      %parallel_loop3A_1019 = arith.muli %parallel_loop3A_1003, %parallel_loop3A_1016 : vector<16xi32>
      %parallel_loop3A_1020 = arith.muli %parallel_loop3A_1006, %parallel_loop3A_1016 : vector<16xi32>
      %parallel_loop3A_1021 = vector.broadcast %parallel_loop3A_124 : i32 to vector<16xi32>
      %parallel_loop3A_1022 = arith.andi %parallel_loop3A_1017, %parallel_loop3A_1021 : vector<16xi32>
      %parallel_loop3A_1023 = arith.constant 16 : i32
      %parallel_loop3A_1024 = vector.broadcast %parallel_loop3A_1023 : i32 to vector<16xi32>
      %parallel_loop3A_1025 = arith.shrui %parallel_loop3A_1018, %parallel_loop3A_1024 : vector<16xi32>
      %parallel_loop3A_1026 = arith.addi %parallel_loop3A_1025, %parallel_loop3A_1020 : vector<16xi32>
      %parallel_loop3A_1027 = arith.constant 2 : i32
      %parallel_loop3A_1028 = vector.broadcast %parallel_loop3A_1027 : i32 to vector<16xi32>
      %parallel_loop3A_1029 = arith.muli %parallel_loop3A_1026, %parallel_loop3A_1028 : vector<16xi32>
      %parallel_loop3A_1030 = arith.addi %parallel_loop3A_1022, %parallel_loop3A_1029 : vector<16xi32>
      %parallel_loop3A_1031 = arith.constant 16 : i32
      %parallel_loop3A_1032 = vector.broadcast %parallel_loop3A_1031 : i32 to vector<16xi32>
      %parallel_loop3A_1033 = arith.shrui %parallel_loop3A_1017, %parallel_loop3A_1032 : vector<16xi32>
      %parallel_loop3A_1034 = vector.broadcast %parallel_loop3A_124 : i32 to vector<16xi32>
      %parallel_loop3A_1035 = arith.andi %parallel_loop3A_1018, %parallel_loop3A_1034 : vector<16xi32>
      %parallel_loop3A_1036 = arith.addi %parallel_loop3A_1033, %parallel_loop3A_1035 : vector<16xi32>
      %parallel_loop3A_1037 = arith.addi %parallel_loop3A_1036, %parallel_loop3A_1019 : vector<16xi32>
      %parallel_loop3A_1038 = arith.constant true
      %parallel_loop3A_1039 = vector.broadcast %parallel_loop3A_1038 : i1 to vector<16xi1>
      %parallel_loop3A_1040 = tpu.scan <sum>, %parallel_loop3A_1030 masked %parallel_loop3A_1039 : vector<16xi32>, vector<16xi1> -> vector<16xi32>
      %parallel_loop3A_1041 = vector.broadcast %parallel_loop3A_944 : i32 to vector<16xi32>
      %parallel_loop3A_1042 = arith.addi %parallel_loop3A_1040, %parallel_loop3A_1041 : vector<16xi32>
      %parallel_loop3A_1043 = arith.constant true
      %parallel_loop3A_1044 = vector.broadcast %parallel_loop3A_1043 : i1 to vector<16xi1>
      %parallel_loop3A_1045 = tpu.scan <sum>, %parallel_loop3A_1037 masked %parallel_loop3A_1044 : vector<16xi32>, vector<16xi1> -> vector<16xi32>
      %parallel_loop3A_1046 = vector.broadcast %parallel_loop3A_949 : i32 to vector<16xi32>
      %parallel_loop3A_1047 = arith.addi %parallel_loop3A_1045, %parallel_loop3A_1046 : vector<16xi32>
      %parallel_loop3A_1048 = arith.constant true
      %parallel_loop3A_1049 = vector.broadcast %parallel_loop3A_1048 : i1 to vector<16xi1>
      %parallel_loop3A_1050 = tpu.scan <sum>, %parallel_loop3A_1030 masked %parallel_loop3A_1049 : vector<16xi32>, vector<16xi1> -> vector<16xi32>
      %parallel_loop3A_1051 = vector.extract %parallel_loop3A_1050[15] : i32 from vector<16xi32>
      %parallel_loop3A_1052 = arith.addi %parallel_loop3A_944, %parallel_loop3A_1051 : i32
      %parallel_loop3A_1053 = arith.constant true
      %parallel_loop3A_1054 = vector.broadcast %parallel_loop3A_1053 : i1 to vector<16xi1>
      %parallel_loop3A_1055 = tpu.scan <sum>, %parallel_loop3A_1037 masked %parallel_loop3A_1054 : vector<16xi32>, vector<16xi1> -> vector<16xi32>
      %parallel_loop3A_1056 = vector.extract %parallel_loop3A_1055[15] : i32 from vector<16xi32>
      %parallel_loop3A_1057 = arith.addi %parallel_loop3A_949, %parallel_loop3A_1056 : i32
      %parallel_loop3A_1058 = vector.broadcast %parallel_loop3A_127 : i32 to vector<16xi32>
      %parallel_loop3A_1059 = arith.andi %parallel_loop3A_1047, %parallel_loop3A_1058 : vector<16xi32>
      %parallel_loop3A_1060 = arith.constant 16 : i32
      %parallel_loop3A_1061 = vector.broadcast %parallel_loop3A_1060 : i32 to vector<16xi32>
      %parallel_loop3A_1062 = arith.shli %parallel_loop3A_1059, %parallel_loop3A_1061 : vector<16xi32>
      %parallel_loop3A_1063 = arith.constant 15 : i32
      %parallel_loop3A_1064 = vector.broadcast %parallel_loop3A_1063 : i32 to vector<16xi32>
      %parallel_loop3A_1065 = arith.shrui %parallel_loop3A_1047, %parallel_loop3A_1064 : vector<16xi32>
      %parallel_loop3A_1066 = arith.addi %parallel_loop3A_1062, %parallel_loop3A_1065 : vector<16xi32>
      %parallel_loop3A_1067 = arith.addi %parallel_loop3A_1042, %parallel_loop3A_1066 : vector<16xi32>
      %parallel_loop3A_1068 = vector.broadcast %parallel_loop3A_128 : i32 to vector<16xi32>
      %parallel_loop3A_1069 = arith.andi %parallel_loop3A_1067, %parallel_loop3A_1068 : vector<16xi32>
      %parallel_loop3A_1070 = arith.constant 31 : i32
      %parallel_loop3A_1071 = vector.broadcast %parallel_loop3A_1070 : i32 to vector<16xi32>
      %parallel_loop3A_1072 = arith.shrui %parallel_loop3A_1067, %parallel_loop3A_1071 : vector<16xi32>
      %parallel_loop3A_1073 = arith.addi %parallel_loop3A_1069, %parallel_loop3A_1072 : vector<16xi32>
      %parallel_loop3A_1074 = vector.broadcast %parallel_loop3A_128 : i32 to vector<16xi32>
      %parallel_loop3A_1075 = arith.cmpi uge, %parallel_loop3A_1073, %parallel_loop3A_1074 : vector<16xi32>
      %parallel_loop3A_1076 = vector.broadcast %parallel_loop3A_128 : i32 to vector<16xi32>
      %parallel_loop3A_1077 = arith.subi %parallel_loop3A_1073, %parallel_loop3A_1076 : vector<16xi32>
      %parallel_loop3A_1078 = arith.select %parallel_loop3A_1075, %parallel_loop3A_1077, %parallel_loop3A_1073 : vector<16xi1>, vector<16xi32>
      %parallel_loop3A_1079 = vector.bitcast %parallel_loop3A_1078 : vector<16xi32> to vector<16xi32>
      %parallel_loop3A_1080 = arith.sitofp %parallel_loop3A_1079 : vector<16xi32> to vector<16xf32>
      %parallel_loop3A_1081 = vector.broadcast %parallel_loop3A_129 : f32 to vector<16xf32>
      %parallel_loop3A_1082 = arith.mulf %parallel_loop3A_1080, %parallel_loop3A_1081 : vector<16xf32>
      %parallel_loop3A_1083 = arith.fptosi %parallel_loop3A_1082 : vector<16xf32> to vector<16xi32>
      %parallel_loop3A_1084 = vector.broadcast %parallel_loop3A_130 : i32 to vector<16xi32>
      %parallel_loop3A_1085 = arith.muli %parallel_loop3A_1083, %parallel_loop3A_1084 : vector<16xi32>
      %parallel_loop3A_1086 = arith.subi %parallel_loop3A_1079, %parallel_loop3A_1085 : vector<16xi32>
      %parallel_loop3A_1087 = arith.constant 0 : i32
      %parallel_loop3A_1088 = vector.broadcast %parallel_loop3A_1087 : i32 to vector<16xi32>
      %parallel_loop3A_1089 = arith.cmpi slt, %parallel_loop3A_1086, %parallel_loop3A_1088 : vector<16xi32>
      %parallel_loop3A_1090 = vector.broadcast %parallel_loop3A_130 : i32 to vector<16xi32>
      %parallel_loop3A_1091 = arith.addi %parallel_loop3A_1086, %parallel_loop3A_1090 : vector<16xi32>
      %parallel_loop3A_1092 = arith.select %parallel_loop3A_1089, %parallel_loop3A_1091, %parallel_loop3A_1086 : vector<16xi1>, vector<16xi32>
      %parallel_loop3A_1093 = vector.broadcast %parallel_loop3A_130 : i32 to vector<16xi32>
      %parallel_loop3A_1094 = arith.cmpi sge, %parallel_loop3A_1092, %parallel_loop3A_1093 : vector<16xi32>
      %parallel_loop3A_1095 = vector.broadcast %parallel_loop3A_130 : i32 to vector<16xi32>
      %parallel_loop3A_1096 = arith.subi %parallel_loop3A_1092, %parallel_loop3A_1095 : vector<16xi32>
      %parallel_loop3A_1097 = arith.select %parallel_loop3A_1094, %parallel_loop3A_1096, %parallel_loop3A_1092 : vector<16xi1>, vector<16xi32>
      %parallel_loop3A_1098 = arith.constant 1 : i32
      %parallel_loop3A_1099 = vector.broadcast %parallel_loop3A_1098 : i32 to vector<16xi32>
      %parallel_loop3A_1100 = arith.addi %parallel_loop3A_1097, %parallel_loop3A_1099 : vector<16xi32>
      %parallel_loop3A_1101 = arith.constant 0 : i32
      %parallel_loop3A_1102 = vector.broadcast %parallel_loop3A_1101 : i32 to vector<16xi32>
      %parallel_loop3A_1103 = arith.cmpi ne, %parallel_loop3A_1010, %parallel_loop3A_1102 : vector<16xi32>
      %parallel_loop3A_1104 = tpu.all_reduce %parallel_loop3A_1103 {dim = 0 : i64, kind = #tpu.reduction_kind<sum>} : vector<16xi1> -> vector<16xi32>
      %parallel_loop3A_1105 = arith.addi %parallel_loop3A_997, %parallel_loop3A_1104 : vector<16xi32>
      tpu.vector_store_idx %arg7[%parallel_loop3A_136, %min3A_85], %parallel_loop3A_1100 : memref<64x400xi32, #tpu.memory_space<vmem>>[vector<16xi32>, vector<16xi32>], vector<16xi32>,
      %parallel_loop3A_1106 = arith.constant 1 : i32
      %parallel_loop3A_1107 = vector.broadcast %parallel_loop3A_1106 : i32 to vector<16xi32>
      %parallel_loop3A_1108 = arith.addi %min3A_85, %parallel_loop3A_1107 : vector<16xi32>
      tpu.vector_store_idx %arg7[%parallel_loop3A_136, %parallel_loop3A_1108], %mul3A_5 : memref<64x400xi32, #tpu.memory_space<vmem>>[vector<16xi32>, vector<16xi32>], vector<16xi32>,
      %parallel_loop3A_1109 = arith.constant 144 : index
      %parallel_loop3A_1110 = tpu.vector_load %arg8[%parallel_loop3A_1109] {strides = array<i32>} : memref<208xi32, #tpu.memory_space<vmem>>, vector<16xi32>,
      %parallel_loop3A_1111 = vector.bitcast %parallel_loop3A_1110 : vector<16xi32> to vector<16xi32>
      %parallel_loop3A_1112 = arith.constant 144 : index
      %parallel_loop3A_1113 = tpu.vector_load %arg9[%parallel_loop3A_1112] {strides = array<i32>} : memref<208xi32, #tpu.memory_space<vmem>>, vector<16xi32>,
      %parallel_loop3A_1114 = vector.bitcast %parallel_loop3A_1113 : vector<16xi32> to vector<16xi32>
      %parallel_loop3A_1115 = arith.constant 144 : i32
      %parallel_loop3A_1116 = arith.addi %parallel_loop3A_135, %parallel_loop3A_1115 : i32
      %parallel_loop3A_1117 = arith.index_cast %parallel_loop3A_1116 : i32 to index
      %parallel_loop3A_1118 = tpu.vector_load %arg6[%parallel_loop3A_1117] {strides = array<i32>} : memref<13312xi32, #tpu.memory_space<vmem>>, vector<16xi32>,
      %parallel_loop3A_1119 = vector.bitcast %parallel_loop3A_1118 : vector<16xi32> to vector<16xi32>
      %parallel_loop3A_1120 = vector.broadcast %parallel_loop3A_124 : i32 to vector<16xi32>
      %parallel_loop3A_1121 = arith.andi %parallel_loop3A_1119, %parallel_loop3A_1120 : vector<16xi32>
      %parallel_loop3A_1122 = arith.constant 16 : i32
      %parallel_loop3A_1123 = vector.broadcast %parallel_loop3A_1122 : i32 to vector<16xi32>
      %parallel_loop3A_1124 = arith.shrui %parallel_loop3A_1119, %parallel_loop3A_1123 : vector<16xi32>
      %parallel_loop3A_1125 = arith.muli %parallel_loop3A_1111, %parallel_loop3A_1121 : vector<16xi32>
      %parallel_loop3A_1126 = arith.muli %parallel_loop3A_1114, %parallel_loop3A_1121 : vector<16xi32>
      %parallel_loop3A_1127 = arith.muli %parallel_loop3A_1111, %parallel_loop3A_1124 : vector<16xi32>
      %parallel_loop3A_1128 = arith.muli %parallel_loop3A_1114, %parallel_loop3A_1124 : vector<16xi32>
      %parallel_loop3A_1129 = vector.broadcast %parallel_loop3A_124 : i32 to vector<16xi32>
      %parallel_loop3A_1130 = arith.andi %parallel_loop3A_1125, %parallel_loop3A_1129 : vector<16xi32>
      %parallel_loop3A_1131 = arith.constant 16 : i32
      %parallel_loop3A_1132 = vector.broadcast %parallel_loop3A_1131 : i32 to vector<16xi32>
      %parallel_loop3A_1133 = arith.shrui %parallel_loop3A_1126, %parallel_loop3A_1132 : vector<16xi32>
      %parallel_loop3A_1134 = arith.addi %parallel_loop3A_1133, %parallel_loop3A_1128 : vector<16xi32>
      %parallel_loop3A_1135 = arith.constant 2 : i32
      %parallel_loop3A_1136 = vector.broadcast %parallel_loop3A_1135 : i32 to vector<16xi32>
      %parallel_loop3A_1137 = arith.muli %parallel_loop3A_1134, %parallel_loop3A_1136 : vector<16xi32>
      %parallel_loop3A_1138 = arith.addi %parallel_loop3A_1130, %parallel_loop3A_1137 : vector<16xi32>
      %parallel_loop3A_1139 = arith.constant 16 : i32
      %parallel_loop3A_1140 = vector.broadcast %parallel_loop3A_1139 : i32 to vector<16xi32>
      %parallel_loop3A_1141 = arith.shrui %parallel_loop3A_1125, %parallel_loop3A_1140 : vector<16xi32>
      %parallel_loop3A_1142 = vector.broadcast %parallel_loop3A_124 : i32 to vector<16xi32>
      %parallel_loop3A_1143 = arith.andi %parallel_loop3A_1126, %parallel_loop3A_1142 : vector<16xi32>
      %parallel_loop3A_1144 = arith.addi %parallel_loop3A_1141, %parallel_loop3A_1143 : vector<16xi32>
      %parallel_loop3A_1145 = arith.addi %parallel_loop3A_1144, %parallel_loop3A_1127 : vector<16xi32>
      %parallel_loop3A_1146 = arith.constant true
      %parallel_loop3A_1147 = vector.broadcast %parallel_loop3A_1146 : i1 to vector<16xi1>
      %parallel_loop3A_1148 = tpu.scan <sum>, %parallel_loop3A_1138 masked %parallel_loop3A_1147 : vector<16xi32>, vector<16xi1> -> vector<16xi32>
      %parallel_loop3A_1149 = vector.broadcast %parallel_loop3A_1052 : i32 to vector<16xi32>
      %parallel_loop3A_1150 = arith.addi %parallel_loop3A_1148, %parallel_loop3A_1149 : vector<16xi32>
      %parallel_loop3A_1151 = arith.constant true
      %parallel_loop3A_1152 = vector.broadcast %parallel_loop3A_1151 : i1 to vector<16xi1>
      %parallel_loop3A_1153 = tpu.scan <sum>, %parallel_loop3A_1145 masked %parallel_loop3A_1152 : vector<16xi32>, vector<16xi1> -> vector<16xi32>
      %parallel_loop3A_1154 = vector.broadcast %parallel_loop3A_1057 : i32 to vector<16xi32>
      %parallel_loop3A_1155 = arith.addi %parallel_loop3A_1153, %parallel_loop3A_1154 : vector<16xi32>
      %parallel_loop3A_1156 = arith.constant true
      %parallel_loop3A_1157 = vector.broadcast %parallel_loop3A_1156 : i1 to vector<16xi1>
      %parallel_loop3A_1158 = tpu.scan <sum>, %parallel_loop3A_1138 masked %parallel_loop3A_1157 : vector<16xi32>, vector<16xi1> -> vector<16xi32>
      %parallel_loop3A_1159 = vector.extract %parallel_loop3A_1158[15] : i32 from vector<16xi32>
      %parallel_loop3A_1160 = arith.addi %parallel_loop3A_1052, %parallel_loop3A_1159 : i32
      %parallel_loop3A_1161 = arith.constant true
      %parallel_loop3A_1162 = vector.broadcast %parallel_loop3A_1161 : i1 to vector<16xi1>
      %parallel_loop3A_1163 = tpu.scan <sum>, %parallel_loop3A_1145 masked %parallel_loop3A_1162 : vector<16xi32>, vector<16xi1> -> vector<16xi32>
      %parallel_loop3A_1164 = vector.extract %parallel_loop3A_1163[15] : i32 from vector<16xi32>
      %parallel_loop3A_1165 = arith.addi %parallel_loop3A_1057, %parallel_loop3A_1164 : i32
      %parallel_loop3A_1166 = vector.broadcast %parallel_loop3A_127 : i32 to vector<16xi32>
      %parallel_loop3A_1167 = arith.andi %parallel_loop3A_1155, %parallel_loop3A_1166 : vector<16xi32>
      %parallel_loop3A_1168 = arith.constant 16 : i32
      %parallel_loop3A_1169 = vector.broadcast %parallel_loop3A_1168 : i32 to vector<16xi32>
      %parallel_loop3A_1170 = arith.shli %parallel_loop3A_1167, %parallel_loop3A_1169 : vector<16xi32>
      %parallel_loop3A_1171 = arith.constant 15 : i32
      %parallel_loop3A_1172 = vector.broadcast %parallel_loop3A_1171 : i32 to vector<16xi32>
      %parallel_loop3A_1173 = arith.shrui %parallel_loop3A_1155, %parallel_loop3A_1172 : vector<16xi32>
      %parallel_loop3A_1174 = arith.addi %parallel_loop3A_1170, %parallel_loop3A_1173 : vector<16xi32>
      %parallel_loop3A_1175 = arith.addi %parallel_loop3A_1150, %parallel_loop3A_1174 : vector<16xi32>
      %parallel_loop3A_1176 = vector.broadcast %parallel_loop3A_128 : i32 to vector<16xi32>
      %parallel_loop3A_1177 = arith.andi %parallel_loop3A_1175, %parallel_loop3A_1176 : vector<16xi32>
      %parallel_loop3A_1178 = arith.constant 31 : i32
      %parallel_loop3A_1179 = vector.broadcast %parallel_loop3A_1178 : i32 to vector<16xi32>
      %parallel_loop3A_1180 = arith.shrui %parallel_loop3A_1175, %parallel_loop3A_1179 : vector<16xi32>
      %parallel_loop3A_1181 = arith.addi %parallel_loop3A_1177, %parallel_loop3A_1180 : vector<16xi32>
      %parallel_loop3A_1182 = vector.broadcast %parallel_loop3A_128 : i32 to vector<16xi32>
      %parallel_loop3A_1183 = arith.cmpi uge, %parallel_loop3A_1181, %parallel_loop3A_1182 : vector<16xi32>
      %parallel_loop3A_1184 = vector.broadcast %parallel_loop3A_128 : i32 to vector<16xi32>
      %parallel_loop3A_1185 = arith.subi %parallel_loop3A_1181, %parallel_loop3A_1184 : vector<16xi32>
      %parallel_loop3A_1186 = arith.select %parallel_loop3A_1183, %parallel_loop3A_1185, %parallel_loop3A_1181 : vector<16xi1>, vector<16xi32>
      %parallel_loop3A_1187 = vector.bitcast %parallel_loop3A_1186 : vector<16xi32> to vector<16xi32>
      %parallel_loop3A_1188 = arith.sitofp %parallel_loop3A_1187 : vector<16xi32> to vector<16xf32>
      %parallel_loop3A_1189 = vector.broadcast %parallel_loop3A_129 : f32 to vector<16xf32>
      %parallel_loop3A_1190 = arith.mulf %parallel_loop3A_1188, %parallel_loop3A_1189 : vector<16xf32>
      %parallel_loop3A_1191 = arith.fptosi %parallel_loop3A_1190 : vector<16xf32> to vector<16xi32>
      %parallel_loop3A_1192 = vector.broadcast %parallel_loop3A_130 : i32 to vector<16xi32>
      %parallel_loop3A_1193 = arith.muli %parallel_loop3A_1191, %parallel_loop3A_1192 : vector<16xi32>
      %parallel_loop3A_1194 = arith.subi %parallel_loop3A_1187, %parallel_loop3A_1193 : vector<16xi32>
      %parallel_loop3A_1195 = arith.constant 0 : i32
      %parallel_loop3A_1196 = vector.broadcast %parallel_loop3A_1195 : i32 to vector<16xi32>
      %parallel_loop3A_1197 = arith.cmpi slt, %parallel_loop3A_1194, %parallel_loop3A_1196 : vector<16xi32>
      %parallel_loop3A_1198 = vector.broadcast %parallel_loop3A_130 : i32 to vector<16xi32>
      %parallel_loop3A_1199 = arith.addi %parallel_loop3A_1194, %parallel_loop3A_1198 : vector<16xi32>
      %parallel_loop3A_1200 = arith.select %parallel_loop3A_1197, %parallel_loop3A_1199, %parallel_loop3A_1194 : vector<16xi1>, vector<16xi32>
      %parallel_loop3A_1201 = vector.broadcast %parallel_loop3A_130 : i32 to vector<16xi32>
      %parallel_loop3A_1202 = arith.cmpi sge, %parallel_loop3A_1200, %parallel_loop3A_1201 : vector<16xi32>
      %parallel_loop3A_1203 = vector.broadcast %parallel_loop3A_130 : i32 to vector<16xi32>
      %parallel_loop3A_1204 = arith.subi %parallel_loop3A_1200, %parallel_loop3A_1203 : vector<16xi32>
      %parallel_loop3A_1205 = arith.select %parallel_loop3A_1202, %parallel_loop3A_1204, %parallel_loop3A_1200 : vector<16xi1>, vector<16xi32>
      %parallel_loop3A_1206 = arith.constant 1 : i32
      %parallel_loop3A_1207 = vector.broadcast %parallel_loop3A_1206 : i32 to vector<16xi32>
      %parallel_loop3A_1208 = arith.addi %parallel_loop3A_1205, %parallel_loop3A_1207 : vector<16xi32>
      %parallel_loop3A_1209 = arith.constant 0 : i32
      %parallel_loop3A_1210 = vector.broadcast %parallel_loop3A_1209 : i32 to vector<16xi32>
      %parallel_loop3A_1211 = arith.cmpi ne, %parallel_loop3A_1118, %parallel_loop3A_1210 : vector<16xi32>
      %parallel_loop3A_1212 = tpu.all_reduce %parallel_loop3A_1211 {dim = 0 : i64, kind = #tpu.reduction_kind<sum>} : vector<16xi1> -> vector<16xi32>
      %parallel_loop3A_1213 = arith.addi %parallel_loop3A_1105, %parallel_loop3A_1212 : vector<16xi32>
      tpu.vector_store_idx %arg7[%parallel_loop3A_136, %min3A_94], %parallel_loop3A_1208 : memref<64x400xi32, #tpu.memory_space<vmem>>[vector<16xi32>, vector<16xi32>], vector<16xi32>,
      %parallel_loop3A_1214 = arith.constant 1 : i32
      %parallel_loop3A_1215 = vector.broadcast %parallel_loop3A_1214 : i32 to vector<16xi32>
      %parallel_loop3A_1216 = arith.addi %min3A_94, %parallel_loop3A_1215 : vector<16xi32>
      tpu.vector_store_idx %arg7[%parallel_loop3A_136, %parallel_loop3A_1216], %mul3A_5 : memref<64x400xi32, #tpu.memory_space<vmem>>[vector<16xi32>, vector<16xi32>], vector<16xi32>,
      %parallel_loop3A_1217 = arith.constant 160 : index
      %parallel_loop3A_1218 = tpu.vector_load %arg8[%parallel_loop3A_1217] {strides = array<i32>} : memref<208xi32, #tpu.memory_space<vmem>>, vector<16xi32>,
      %parallel_loop3A_1219 = vector.bitcast %parallel_loop3A_1218 : vector<16xi32> to vector<16xi32>
      %parallel_loop3A_1220 = arith.constant 160 : index
      %parallel_loop3A_1221 = tpu.vector_load %arg9[%parallel_loop3A_1220] {strides = array<i32>} : memref<208xi32, #tpu.memory_space<vmem>>, vector<16xi32>,
      %parallel_loop3A_1222 = vector.bitcast %parallel_loop3A_1221 : vector<16xi32> to vector<16xi32>
      %parallel_loop3A_1223 = arith.constant 160 : i32
      %parallel_loop3A_1224 = arith.addi %parallel_loop3A_135, %parallel_loop3A_1223 : i32
      %parallel_loop3A_1225 = arith.index_cast %parallel_loop3A_1224 : i32 to index
      %parallel_loop3A_1226 = tpu.vector_load %arg6[%parallel_loop3A_1225] {strides = array<i32>} : memref<13312xi32, #tpu.memory_space<vmem>>, vector<16xi32>,
      %parallel_loop3A_1227 = vector.bitcast %parallel_loop3A_1226 : vector<16xi32> to vector<16xi32>
      %parallel_loop3A_1228 = vector.broadcast %parallel_loop3A_124 : i32 to vector<16xi32>
      %parallel_loop3A_1229 = arith.andi %parallel_loop3A_1227, %parallel_loop3A_1228 : vector<16xi32>
      %parallel_loop3A_1230 = arith.constant 16 : i32
      %parallel_loop3A_1231 = vector.broadcast %parallel_loop3A_1230 : i32 to vector<16xi32>
      %parallel_loop3A_1232 = arith.shrui %parallel_loop3A_1227, %parallel_loop3A_1231 : vector<16xi32>
      %parallel_loop3A_1233 = arith.muli %parallel_loop3A_1219, %parallel_loop3A_1229 : vector<16xi32>
      %parallel_loop3A_1234 = arith.muli %parallel_loop3A_1222, %parallel_loop3A_1229 : vector<16xi32>
      %parallel_loop3A_1235 = arith.muli %parallel_loop3A_1219, %parallel_loop3A_1232 : vector<16xi32>
      %parallel_loop3A_1236 = arith.muli %parallel_loop3A_1222, %parallel_loop3A_1232 : vector<16xi32>
      %parallel_loop3A_1237 = vector.broadcast %parallel_loop3A_124 : i32 to vector<16xi32>
      %parallel_loop3A_1238 = arith.andi %parallel_loop3A_1233, %parallel_loop3A_1237 : vector<16xi32>
      %parallel_loop3A_1239 = arith.constant 16 : i32
      %parallel_loop3A_1240 = vector.broadcast %parallel_loop3A_1239 : i32 to vector<16xi32>
      %parallel_loop3A_1241 = arith.shrui %parallel_loop3A_1234, %parallel_loop3A_1240 : vector<16xi32>
      %parallel_loop3A_1242 = arith.addi %parallel_loop3A_1241, %parallel_loop3A_1236 : vector<16xi32>
      %parallel_loop3A_1243 = arith.constant 2 : i32
      %parallel_loop3A_1244 = vector.broadcast %parallel_loop3A_1243 : i32 to vector<16xi32>
      %parallel_loop3A_1245 = arith.muli %parallel_loop3A_1242, %parallel_loop3A_1244 : vector<16xi32>
      %parallel_loop3A_1246 = arith.addi %parallel_loop3A_1238, %parallel_loop3A_1245 : vector<16xi32>
      %parallel_loop3A_1247 = arith.constant 16 : i32
      %parallel_loop3A_1248 = vector.broadcast %parallel_loop3A_1247 : i32 to vector<16xi32>
      %parallel_loop3A_1249 = arith.shrui %parallel_loop3A_1233, %parallel_loop3A_1248 : vector<16xi32>
      %parallel_loop3A_1250 = vector.broadcast %parallel_loop3A_124 : i32 to vector<16xi32>
      %parallel_loop3A_1251 = arith.andi %parallel_loop3A_1234, %parallel_loop3A_1250 : vector<16xi32>
      %parallel_loop3A_1252 = arith.addi %parallel_loop3A_1249, %parallel_loop3A_1251 : vector<16xi32>
      %parallel_loop3A_1253 = arith.addi %parallel_loop3A_1252, %parallel_loop3A_1235 : vector<16xi32>
      %parallel_loop3A_1254 = arith.constant true
      %parallel_loop3A_1255 = vector.broadcast %parallel_loop3A_1254 : i1 to vector<16xi1>
      %parallel_loop3A_1256 = tpu.scan <sum>, %parallel_loop3A_1246 masked %parallel_loop3A_1255 : vector<16xi32>, vector<16xi1> -> vector<16xi32>
      %parallel_loop3A_1257 = vector.broadcast %parallel_loop3A_1160 : i32 to vector<16xi32>
      %parallel_loop3A_1258 = arith.addi %parallel_loop3A_1256, %parallel_loop3A_1257 : vector<16xi32>
      %parallel_loop3A_1259 = arith.constant true
      %parallel_loop3A_1260 = vector.broadcast %parallel_loop3A_1259 : i1 to vector<16xi1>
      %parallel_loop3A_1261 = tpu.scan <sum>, %parallel_loop3A_1253 masked %parallel_loop3A_1260 : vector<16xi32>, vector<16xi1> -> vector<16xi32>
      %parallel_loop3A_1262 = vector.broadcast %parallel_loop3A_1165 : i32 to vector<16xi32>
      %parallel_loop3A_1263 = arith.addi %parallel_loop3A_1261, %parallel_loop3A_1262 : vector<16xi32>
      %parallel_loop3A_1264 = arith.constant true
      %parallel_loop3A_1265 = vector.broadcast %parallel_loop3A_1264 : i1 to vector<16xi1>
      %parallel_loop3A_1266 = tpu.scan <sum>, %parallel_loop3A_1246 masked %parallel_loop3A_1265 : vector<16xi32>, vector<16xi1> -> vector<16xi32>
      %parallel_loop3A_1267 = vector.extract %parallel_loop3A_1266[15] : i32 from vector<16xi32>
      %parallel_loop3A_1268 = arith.addi %parallel_loop3A_1160, %parallel_loop3A_1267 : i32
      %parallel_loop3A_1269 = arith.constant true
      %parallel_loop3A_1270 = vector.broadcast %parallel_loop3A_1269 : i1 to vector<16xi1>
      %parallel_loop3A_1271 = tpu.scan <sum>, %parallel_loop3A_1253 masked %parallel_loop3A_1270 : vector<16xi32>, vector<16xi1> -> vector<16xi32>
      %parallel_loop3A_1272 = vector.extract %parallel_loop3A_1271[15] : i32 from vector<16xi32>
      %parallel_loop3A_1273 = arith.addi %parallel_loop3A_1165, %parallel_loop3A_1272 : i32
      %parallel_loop3A_1274 = vector.broadcast %parallel_loop3A_127 : i32 to vector<16xi32>
      %parallel_loop3A_1275 = arith.andi %parallel_loop3A_1263, %parallel_loop3A_1274 : vector<16xi32>
      %parallel_loop3A_1276 = arith.constant 16 : i32
      %parallel_loop3A_1277 = vector.broadcast %parallel_loop3A_1276 : i32 to vector<16xi32>
      %parallel_loop3A_1278 = arith.shli %parallel_loop3A_1275, %parallel_loop3A_1277 : vector<16xi32>
      %parallel_loop3A_1279 = arith.constant 15 : i32
      %parallel_loop3A_1280 = vector.broadcast %parallel_loop3A_1279 : i32 to vector<16xi32>
      %parallel_loop3A_1281 = arith.shrui %parallel_loop3A_1263, %parallel_loop3A_1280 : vector<16xi32>
      %parallel_loop3A_1282 = arith.addi %parallel_loop3A_1278, %parallel_loop3A_1281 : vector<16xi32>
      %parallel_loop3A_1283 = arith.addi %parallel_loop3A_1258, %parallel_loop3A_1282 : vector<16xi32>
      %parallel_loop3A_1284 = vector.broadcast %parallel_loop3A_128 : i32 to vector<16xi32>
      %parallel_loop3A_1285 = arith.andi %parallel_loop3A_1283, %parallel_loop3A_1284 : vector<16xi32>
      %parallel_loop3A_1286 = arith.constant 31 : i32
      %parallel_loop3A_1287 = vector.broadcast %parallel_loop3A_1286 : i32 to vector<16xi32>
      %parallel_loop3A_1288 = arith.shrui %parallel_loop3A_1283, %parallel_loop3A_1287 : vector<16xi32>
      %parallel_loop3A_1289 = arith.addi %parallel_loop3A_1285, %parallel_loop3A_1288 : vector<16xi32>
      %parallel_loop3A_1290 = vector.broadcast %parallel_loop3A_128 : i32 to vector<16xi32>
      %parallel_loop3A_1291 = arith.cmpi uge, %parallel_loop3A_1289, %parallel_loop3A_1290 : vector<16xi32>
      %parallel_loop3A_1292 = vector.broadcast %parallel_loop3A_128 : i32 to vector<16xi32>
      %parallel_loop3A_1293 = arith.subi %parallel_loop3A_1289, %parallel_loop3A_1292 : vector<16xi32>
      %parallel_loop3A_1294 = arith.select %parallel_loop3A_1291, %parallel_loop3A_1293, %parallel_loop3A_1289 : vector<16xi1>, vector<16xi32>
      %parallel_loop3A_1295 = vector.bitcast %parallel_loop3A_1294 : vector<16xi32> to vector<16xi32>
      %parallel_loop3A_1296 = arith.sitofp %parallel_loop3A_1295 : vector<16xi32> to vector<16xf32>
      %parallel_loop3A_1297 = vector.broadcast %parallel_loop3A_129 : f32 to vector<16xf32>
      %parallel_loop3A_1298 = arith.mulf %parallel_loop3A_1296, %parallel_loop3A_1297 : vector<16xf32>
      %parallel_loop3A_1299 = arith.fptosi %parallel_loop3A_1298 : vector<16xf32> to vector<16xi32>
      %parallel_loop3A_1300 = vector.broadcast %parallel_loop3A_130 : i32 to vector<16xi32>
      %parallel_loop3A_1301 = arith.muli %parallel_loop3A_1299, %parallel_loop3A_1300 : vector<16xi32>
      %parallel_loop3A_1302 = arith.subi %parallel_loop3A_1295, %parallel_loop3A_1301 : vector<16xi32>
      %parallel_loop3A_1303 = arith.constant 0 : i32
      %parallel_loop3A_1304 = vector.broadcast %parallel_loop3A_1303 : i32 to vector<16xi32>
      %parallel_loop3A_1305 = arith.cmpi slt, %parallel_loop3A_1302, %parallel_loop3A_1304 : vector<16xi32>
      %parallel_loop3A_1306 = vector.broadcast %parallel_loop3A_130 : i32 to vector<16xi32>
      %parallel_loop3A_1307 = arith.addi %parallel_loop3A_1302, %parallel_loop3A_1306 : vector<16xi32>
      %parallel_loop3A_1308 = arith.select %parallel_loop3A_1305, %parallel_loop3A_1307, %parallel_loop3A_1302 : vector<16xi1>, vector<16xi32>
      %parallel_loop3A_1309 = vector.broadcast %parallel_loop3A_130 : i32 to vector<16xi32>
      %parallel_loop3A_1310 = arith.cmpi sge, %parallel_loop3A_1308, %parallel_loop3A_1309 : vector<16xi32>
      %parallel_loop3A_1311 = vector.broadcast %parallel_loop3A_130 : i32 to vector<16xi32>
      %parallel_loop3A_1312 = arith.subi %parallel_loop3A_1308, %parallel_loop3A_1311 : vector<16xi32>
      %parallel_loop3A_1313 = arith.select %parallel_loop3A_1310, %parallel_loop3A_1312, %parallel_loop3A_1308 : vector<16xi1>, vector<16xi32>
      %parallel_loop3A_1314 = arith.constant 1 : i32
      %parallel_loop3A_1315 = vector.broadcast %parallel_loop3A_1314 : i32 to vector<16xi32>
      %parallel_loop3A_1316 = arith.addi %parallel_loop3A_1313, %parallel_loop3A_1315 : vector<16xi32>
      %parallel_loop3A_1317 = arith.constant 0 : i32
      %parallel_loop3A_1318 = vector.broadcast %parallel_loop3A_1317 : i32 to vector<16xi32>
      %parallel_loop3A_1319 = arith.cmpi ne, %parallel_loop3A_1226, %parallel_loop3A_1318 : vector<16xi32>
      %parallel_loop3A_1320 = tpu.all_reduce %parallel_loop3A_1319 {dim = 0 : i64, kind = #tpu.reduction_kind<sum>} : vector<16xi1> -> vector<16xi32>
      %parallel_loop3A_1321 = arith.addi %parallel_loop3A_1213, %parallel_loop3A_1320 : vector<16xi32>
      tpu.vector_store_idx %arg7[%parallel_loop3A_136, %min3A_103], %parallel_loop3A_1316 : memref<64x400xi32, #tpu.memory_space<vmem>>[vector<16xi32>, vector<16xi32>], vector<16xi32>,
      %parallel_loop3A_1322 = arith.constant 1 : i32
      %parallel_loop3A_1323 = vector.broadcast %parallel_loop3A_1322 : i32 to vector<16xi32>
      %parallel_loop3A_1324 = arith.addi %min3A_103, %parallel_loop3A_1323 : vector<16xi32>
      tpu.vector_store_idx %arg7[%parallel_loop3A_136, %parallel_loop3A_1324], %mul3A_5 : memref<64x400xi32, #tpu.memory_space<vmem>>[vector<16xi32>, vector<16xi32>], vector<16xi32>,
      %parallel_loop3A_1325 = arith.constant 176 : index
      %parallel_loop3A_1326 = tpu.vector_load %arg8[%parallel_loop3A_1325] {strides = array<i32>} : memref<208xi32, #tpu.memory_space<vmem>>, vector<16xi32>,
      %parallel_loop3A_1327 = vector.bitcast %parallel_loop3A_1326 : vector<16xi32> to vector<16xi32>
      %parallel_loop3A_1328 = arith.constant 176 : index
      %parallel_loop3A_1329 = tpu.vector_load %arg9[%parallel_loop3A_1328] {strides = array<i32>} : memref<208xi32, #tpu.memory_space<vmem>>, vector<16xi32>,
      %parallel_loop3A_1330 = vector.bitcast %parallel_loop3A_1329 : vector<16xi32> to vector<16xi32>
      %parallel_loop3A_1331 = arith.constant 176 : i32
      %parallel_loop3A_1332 = arith.addi %parallel_loop3A_135, %parallel_loop3A_1331 : i32
      %parallel_loop3A_1333 = arith.index_cast %parallel_loop3A_1332 : i32 to index
      %parallel_loop3A_1334 = tpu.vector_load %arg6[%parallel_loop3A_1333] {strides = array<i32>} : memref<13312xi32, #tpu.memory_space<vmem>>, vector<16xi32>,
      %parallel_loop3A_1335 = vector.bitcast %parallel_loop3A_1334 : vector<16xi32> to vector<16xi32>
      %parallel_loop3A_1336 = vector.broadcast %parallel_loop3A_124 : i32 to vector<16xi32>
      %parallel_loop3A_1337 = arith.andi %parallel_loop3A_1335, %parallel_loop3A_1336 : vector<16xi32>
      %parallel_loop3A_1338 = arith.constant 16 : i32
      %parallel_loop3A_1339 = vector.broadcast %parallel_loop3A_1338 : i32 to vector<16xi32>
      %parallel_loop3A_1340 = arith.shrui %parallel_loop3A_1335, %parallel_loop3A_1339 : vector<16xi32>
      %parallel_loop3A_1341 = arith.muli %parallel_loop3A_1327, %parallel_loop3A_1337 : vector<16xi32>
      %parallel_loop3A_1342 = arith.muli %parallel_loop3A_1330, %parallel_loop3A_1337 : vector<16xi32>
      %parallel_loop3A_1343 = arith.muli %parallel_loop3A_1327, %parallel_loop3A_1340 : vector<16xi32>
      %parallel_loop3A_1344 = arith.muli %parallel_loop3A_1330, %parallel_loop3A_1340 : vector<16xi32>
      %parallel_loop3A_1345 = vector.broadcast %parallel_loop3A_124 : i32 to vector<16xi32>
      %parallel_loop3A_1346 = arith.andi %parallel_loop3A_1341, %parallel_loop3A_1345 : vector<16xi32>
      %parallel_loop3A_1347 = arith.constant 16 : i32
      %parallel_loop3A_1348 = vector.broadcast %parallel_loop3A_1347 : i32 to vector<16xi32>
      %parallel_loop3A_1349 = arith.shrui %parallel_loop3A_1342, %parallel_loop3A_1348 : vector<16xi32>
      %parallel_loop3A_1350 = arith.addi %parallel_loop3A_1349, %parallel_loop3A_1344 : vector<16xi32>
      %parallel_loop3A_1351 = arith.constant 2 : i32
      %parallel_loop3A_1352 = vector.broadcast %parallel_loop3A_1351 : i32 to vector<16xi32>
      %parallel_loop3A_1353 = arith.muli %parallel_loop3A_1350, %parallel_loop3A_1352 : vector<16xi32>
      %parallel_loop3A_1354 = arith.addi %parallel_loop3A_1346, %parallel_loop3A_1353 : vector<16xi32>
      %parallel_loop3A_1355 = arith.constant 16 : i32
      %parallel_loop3A_1356 = vector.broadcast %parallel_loop3A_1355 : i32 to vector<16xi32>
      %parallel_loop3A_1357 = arith.shrui %parallel_loop3A_1341, %parallel_loop3A_1356 : vector<16xi32>
      %parallel_loop3A_1358 = vector.broadcast %parallel_loop3A_124 : i32 to vector<16xi32>
      %parallel_loop3A_1359 = arith.andi %parallel_loop3A_1342, %parallel_loop3A_1358 : vector<16xi32>
      %parallel_loop3A_1360 = arith.addi %parallel_loop3A_1357, %parallel_loop3A_1359 : vector<16xi32>
      %parallel_loop3A_1361 = arith.addi %parallel_loop3A_1360, %parallel_loop3A_1343 : vector<16xi32>
      %parallel_loop3A_1362 = arith.constant true
      %parallel_loop3A_1363 = vector.broadcast %parallel_loop3A_1362 : i1 to vector<16xi1>
      %parallel_loop3A_1364 = tpu.scan <sum>, %parallel_loop3A_1354 masked %parallel_loop3A_1363 : vector<16xi32>, vector<16xi1> -> vector<16xi32>
      %parallel_loop3A_1365 = vector.broadcast %parallel_loop3A_1268 : i32 to vector<16xi32>
      %parallel_loop3A_1366 = arith.addi %parallel_loop3A_1364, %parallel_loop3A_1365 : vector<16xi32>
      %parallel_loop3A_1367 = arith.constant true
      %parallel_loop3A_1368 = vector.broadcast %parallel_loop3A_1367 : i1 to vector<16xi1>
      %parallel_loop3A_1369 = tpu.scan <sum>, %parallel_loop3A_1361 masked %parallel_loop3A_1368 : vector<16xi32>, vector<16xi1> -> vector<16xi32>
      %parallel_loop3A_1370 = vector.broadcast %parallel_loop3A_1273 : i32 to vector<16xi32>
      %parallel_loop3A_1371 = arith.addi %parallel_loop3A_1369, %parallel_loop3A_1370 : vector<16xi32>
      %parallel_loop3A_1372 = arith.constant true
      %parallel_loop3A_1373 = vector.broadcast %parallel_loop3A_1372 : i1 to vector<16xi1>
      %parallel_loop3A_1374 = tpu.scan <sum>, %parallel_loop3A_1354 masked %parallel_loop3A_1373 : vector<16xi32>, vector<16xi1> -> vector<16xi32>
      %parallel_loop3A_1375 = vector.extract %parallel_loop3A_1374[15] : i32 from vector<16xi32>
      %parallel_loop3A_1376 = arith.addi %parallel_loop3A_1268, %parallel_loop3A_1375 : i32
      %parallel_loop3A_1377 = arith.constant true
      %parallel_loop3A_1378 = vector.broadcast %parallel_loop3A_1377 : i1 to vector<16xi1>
      %parallel_loop3A_1379 = tpu.scan <sum>, %parallel_loop3A_1361 masked %parallel_loop3A_1378 : vector<16xi32>, vector<16xi1> -> vector<16xi32>
      %parallel_loop3A_1380 = vector.extract %parallel_loop3A_1379[15] : i32 from vector<16xi32>
      %parallel_loop3A_1381 = arith.addi %parallel_loop3A_1273, %parallel_loop3A_1380 : i32
      %parallel_loop3A_1382 = vector.broadcast %parallel_loop3A_127 : i32 to vector<16xi32>
      %parallel_loop3A_1383 = arith.andi %parallel_loop3A_1371, %parallel_loop3A_1382 : vector<16xi32>
      %parallel_loop3A_1384 = arith.constant 16 : i32
      %parallel_loop3A_1385 = vector.broadcast %parallel_loop3A_1384 : i32 to vector<16xi32>
      %parallel_loop3A_1386 = arith.shli %parallel_loop3A_1383, %parallel_loop3A_1385 : vector<16xi32>
      %parallel_loop3A_1387 = arith.constant 15 : i32
      %parallel_loop3A_1388 = vector.broadcast %parallel_loop3A_1387 : i32 to vector<16xi32>
      %parallel_loop3A_1389 = arith.shrui %parallel_loop3A_1371, %parallel_loop3A_1388 : vector<16xi32>
      %parallel_loop3A_1390 = arith.addi %parallel_loop3A_1386, %parallel_loop3A_1389 : vector<16xi32>
      %parallel_loop3A_1391 = arith.addi %parallel_loop3A_1366, %parallel_loop3A_1390 : vector<16xi32>
      %parallel_loop3A_1392 = vector.broadcast %parallel_loop3A_128 : i32 to vector<16xi32>
      %parallel_loop3A_1393 = arith.andi %parallel_loop3A_1391, %parallel_loop3A_1392 : vector<16xi32>
      %parallel_loop3A_1394 = arith.constant 31 : i32
      %parallel_loop3A_1395 = vector.broadcast %parallel_loop3A_1394 : i32 to vector<16xi32>
      %parallel_loop3A_1396 = arith.shrui %parallel_loop3A_1391, %parallel_loop3A_1395 : vector<16xi32>
      %parallel_loop3A_1397 = arith.addi %parallel_loop3A_1393, %parallel_loop3A_1396 : vector<16xi32>
      %parallel_loop3A_1398 = vector.broadcast %parallel_loop3A_128 : i32 to vector<16xi32>
      %parallel_loop3A_1399 = arith.cmpi uge, %parallel_loop3A_1397, %parallel_loop3A_1398 : vector<16xi32>
      %parallel_loop3A_1400 = vector.broadcast %parallel_loop3A_128 : i32 to vector<16xi32>
      %parallel_loop3A_1401 = arith.subi %parallel_loop3A_1397, %parallel_loop3A_1400 : vector<16xi32>
      %parallel_loop3A_1402 = arith.select %parallel_loop3A_1399, %parallel_loop3A_1401, %parallel_loop3A_1397 : vector<16xi1>, vector<16xi32>
      %parallel_loop3A_1403 = vector.bitcast %parallel_loop3A_1402 : vector<16xi32> to vector<16xi32>
      %parallel_loop3A_1404 = arith.sitofp %parallel_loop3A_1403 : vector<16xi32> to vector<16xf32>
      %parallel_loop3A_1405 = vector.broadcast %parallel_loop3A_129 : f32 to vector<16xf32>
      %parallel_loop3A_1406 = arith.mulf %parallel_loop3A_1404, %parallel_loop3A_1405 : vector<16xf32>
      %parallel_loop3A_1407 = arith.fptosi %parallel_loop3A_1406 : vector<16xf32> to vector<16xi32>
      %parallel_loop3A_1408 = vector.broadcast %parallel_loop3A_130 : i32 to vector<16xi32>
      %parallel_loop3A_1409 = arith.muli %parallel_loop3A_1407, %parallel_loop3A_1408 : vector<16xi32>
      %parallel_loop3A_1410 = arith.subi %parallel_loop3A_1403, %parallel_loop3A_1409 : vector<16xi32>
      %parallel_loop3A_1411 = arith.constant 0 : i32
      %parallel_loop3A_1412 = vector.broadcast %parallel_loop3A_1411 : i32 to vector<16xi32>
      %parallel_loop3A_1413 = arith.cmpi slt, %parallel_loop3A_1410, %parallel_loop3A_1412 : vector<16xi32>
      %parallel_loop3A_1414 = vector.broadcast %parallel_loop3A_130 : i32 to vector<16xi32>
      %parallel_loop3A_1415 = arith.addi %parallel_loop3A_1410, %parallel_loop3A_1414 : vector<16xi32>
      %parallel_loop3A_1416 = arith.select %parallel_loop3A_1413, %parallel_loop3A_1415, %parallel_loop3A_1410 : vector<16xi1>, vector<16xi32>
      %parallel_loop3A_1417 = vector.broadcast %parallel_loop3A_130 : i32 to vector<16xi32>
      %parallel_loop3A_1418 = arith.cmpi sge, %parallel_loop3A_1416, %parallel_loop3A_1417 : vector<16xi32>
      %parallel_loop3A_1419 = vector.broadcast %parallel_loop3A_130 : i32 to vector<16xi32>
      %parallel_loop3A_1420 = arith.subi %parallel_loop3A_1416, %parallel_loop3A_1419 : vector<16xi32>
      %parallel_loop3A_1421 = arith.select %parallel_loop3A_1418, %parallel_loop3A_1420, %parallel_loop3A_1416 : vector<16xi1>, vector<16xi32>
      %parallel_loop3A_1422 = arith.constant 1 : i32
      %parallel_loop3A_1423 = vector.broadcast %parallel_loop3A_1422 : i32 to vector<16xi32>
      %parallel_loop3A_1424 = arith.addi %parallel_loop3A_1421, %parallel_loop3A_1423 : vector<16xi32>
      %parallel_loop3A_1425 = arith.constant 0 : i32
      %parallel_loop3A_1426 = vector.broadcast %parallel_loop3A_1425 : i32 to vector<16xi32>
      %parallel_loop3A_1427 = arith.cmpi ne, %parallel_loop3A_1334, %parallel_loop3A_1426 : vector<16xi32>
      %parallel_loop3A_1428 = tpu.all_reduce %parallel_loop3A_1427 {dim = 0 : i64, kind = #tpu.reduction_kind<sum>} : vector<16xi1> -> vector<16xi32>
      %parallel_loop3A_1429 = arith.addi %parallel_loop3A_1321, %parallel_loop3A_1428 : vector<16xi32>
      tpu.vector_store_idx %arg7[%parallel_loop3A_136, %min3A_112], %parallel_loop3A_1424 : memref<64x400xi32, #tpu.memory_space<vmem>>[vector<16xi32>, vector<16xi32>], vector<16xi32>,
      %parallel_loop3A_1430 = arith.constant 1 : i32
      %parallel_loop3A_1431 = vector.broadcast %parallel_loop3A_1430 : i32 to vector<16xi32>
      %parallel_loop3A_1432 = arith.addi %min3A_112, %parallel_loop3A_1431 : vector<16xi32>
      tpu.vector_store_idx %arg7[%parallel_loop3A_136, %parallel_loop3A_1432], %mul3A_5 : memref<64x400xi32, #tpu.memory_space<vmem>>[vector<16xi32>, vector<16xi32>], vector<16xi32>,
      %parallel_loop3A_1433 = arith.constant 192 : index
      %parallel_loop3A_1434 = tpu.vector_load %arg8[%parallel_loop3A_1433] {strides = array<i32>} : memref<208xi32, #tpu.memory_space<vmem>>, vector<16xi32>,
      %parallel_loop3A_1435 = vector.bitcast %parallel_loop3A_1434 : vector<16xi32> to vector<16xi32>
      %parallel_loop3A_1436 = arith.constant 192 : index
      %parallel_loop3A_1437 = tpu.vector_load %arg9[%parallel_loop3A_1436] {strides = array<i32>} : memref<208xi32, #tpu.memory_space<vmem>>, vector<16xi32>,
      %parallel_loop3A_1438 = vector.bitcast %parallel_loop3A_1437 : vector<16xi32> to vector<16xi32>
      %parallel_loop3A_1439 = arith.constant 8 : i32
      %parallel_loop3A_1440 = vector.broadcast %parallel_loop3A_1439 : i32 to vector<16xi32>
      %parallel_loop3A_1441 = arith.cmpi slt, %iota3A, %parallel_loop3A_1440 : vector<16xi32>
      %parallel_loop3A_1442 = arith.constant 192 : i32
      %parallel_loop3A_1443 = arith.addi %parallel_loop3A_135, %parallel_loop3A_1442 : i32
      %parallel_loop3A_1444 = arith.index_cast %parallel_loop3A_1443 : i32 to index
      %parallel_loop3A_1445 = tpu.vector_load %arg6[%parallel_loop3A_1444] {strides = array<i32>} : memref<13312xi32, #tpu.memory_space<vmem>>, vector<16xi32>,
      %parallel_loop3A_1446 = vector.bitcast %parallel_loop3A_1445 : vector<16xi32> to vector<16xi32>
      %parallel_loop3A_1447 = vector.broadcast %parallel_loop3A_124 : i32 to vector<16xi32>
      %parallel_loop3A_1448 = arith.andi %parallel_loop3A_1446, %parallel_loop3A_1447 : vector<16xi32>
      %parallel_loop3A_1449 = arith.constant 16 : i32
      %parallel_loop3A_1450 = vector.broadcast %parallel_loop3A_1449 : i32 to vector<16xi32>
      %parallel_loop3A_1451 = arith.shrui %parallel_loop3A_1446, %parallel_loop3A_1450 : vector<16xi32>
      %parallel_loop3A_1452 = arith.muli %parallel_loop3A_1435, %parallel_loop3A_1448 : vector<16xi32>
      %parallel_loop3A_1453 = arith.muli %parallel_loop3A_1438, %parallel_loop3A_1448 : vector<16xi32>
      %parallel_loop3A_1454 = arith.muli %parallel_loop3A_1435, %parallel_loop3A_1451 : vector<16xi32>
      %parallel_loop3A_1455 = arith.muli %parallel_loop3A_1438, %parallel_loop3A_1451 : vector<16xi32>
      %parallel_loop3A_1456 = vector.broadcast %parallel_loop3A_124 : i32 to vector<16xi32>
      %parallel_loop3A_1457 = arith.andi %parallel_loop3A_1452, %parallel_loop3A_1456 : vector<16xi32>
      %parallel_loop3A_1458 = arith.constant 16 : i32
      %parallel_loop3A_1459 = vector.broadcast %parallel_loop3A_1458 : i32 to vector<16xi32>
      %parallel_loop3A_1460 = arith.shrui %parallel_loop3A_1453, %parallel_loop3A_1459 : vector<16xi32>
      %parallel_loop3A_1461 = arith.addi %parallel_loop3A_1460, %parallel_loop3A_1455 : vector<16xi32>
      %parallel_loop3A_1462 = arith.constant 2 : i32
      %parallel_loop3A_1463 = vector.broadcast %parallel_loop3A_1462 : i32 to vector<16xi32>
      %parallel_loop3A_1464 = arith.muli %parallel_loop3A_1461, %parallel_loop3A_1463 : vector<16xi32>
      %parallel_loop3A_1465 = arith.addi %parallel_loop3A_1457, %parallel_loop3A_1464 : vector<16xi32>
      %parallel_loop3A_1466 = arith.constant 16 : i32
      %parallel_loop3A_1467 = vector.broadcast %parallel_loop3A_1466 : i32 to vector<16xi32>
      %parallel_loop3A_1468 = arith.shrui %parallel_loop3A_1452, %parallel_loop3A_1467 : vector<16xi32>
      %parallel_loop3A_1469 = vector.broadcast %parallel_loop3A_124 : i32 to vector<16xi32>
      %parallel_loop3A_1470 = arith.andi %parallel_loop3A_1453, %parallel_loop3A_1469 : vector<16xi32>
      %parallel_loop3A_1471 = arith.addi %parallel_loop3A_1468, %parallel_loop3A_1470 : vector<16xi32>
      %parallel_loop3A_1472 = arith.addi %parallel_loop3A_1471, %parallel_loop3A_1454 : vector<16xi32>
      %parallel_loop3A_1473 = arith.constant true
      %parallel_loop3A_1474 = vector.broadcast %parallel_loop3A_1473 : i1 to vector<16xi1>
      %parallel_loop3A_1475 = tpu.scan <sum>, %parallel_loop3A_1465 masked %parallel_loop3A_1474 : vector<16xi32>, vector<16xi1> -> vector<16xi32>
      %parallel_loop3A_1476 = vector.broadcast %parallel_loop3A_1376 : i32 to vector<16xi32>
      %parallel_loop3A_1477 = arith.addi %parallel_loop3A_1475, %parallel_loop3A_1476 : vector<16xi32>
      %parallel_loop3A_1478 = arith.constant true
      %parallel_loop3A_1479 = vector.broadcast %parallel_loop3A_1478 : i1 to vector<16xi1>
      %parallel_loop3A_1480 = tpu.scan <sum>, %parallel_loop3A_1472 masked %parallel_loop3A_1479 : vector<16xi32>, vector<16xi1> -> vector<16xi32>
      %parallel_loop3A_1481 = vector.broadcast %parallel_loop3A_1381 : i32 to vector<16xi32>
      %parallel_loop3A_1482 = arith.addi %parallel_loop3A_1480, %parallel_loop3A_1481 : vector<16xi32>
      %parallel_loop3A_1483 = arith.constant true
      %parallel_loop3A_1484 = vector.broadcast %parallel_loop3A_1483 : i1 to vector<16xi1>
      %parallel_loop3A_1485 = tpu.scan <sum>, %parallel_loop3A_1465 masked %parallel_loop3A_1484 : vector<16xi32>, vector<16xi1> -> vector<16xi32>
      %parallel_loop3A_1486 = vector.extract %parallel_loop3A_1485[15] : i32 from vector<16xi32>
      %parallel_loop3A_1487 = arith.addi %parallel_loop3A_1376, %parallel_loop3A_1486 : i32
      %parallel_loop3A_1488 = arith.constant true
      %parallel_loop3A_1489 = vector.broadcast %parallel_loop3A_1488 : i1 to vector<16xi1>
      %parallel_loop3A_1490 = tpu.scan <sum>, %parallel_loop3A_1472 masked %parallel_loop3A_1489 : vector<16xi32>, vector<16xi1> -> vector<16xi32>
      %parallel_loop3A_1491 = vector.extract %parallel_loop3A_1490[15] : i32 from vector<16xi32>
      %parallel_loop3A_1492 = arith.addi %parallel_loop3A_1381, %parallel_loop3A_1491 : i32
      %parallel_loop3A_1493 = vector.broadcast %parallel_loop3A_127 : i32 to vector<16xi32>
      %parallel_loop3A_1494 = arith.andi %parallel_loop3A_1482, %parallel_loop3A_1493 : vector<16xi32>
      %parallel_loop3A_1495 = arith.constant 16 : i32
      %parallel_loop3A_1496 = vector.broadcast %parallel_loop3A_1495 : i32 to vector<16xi32>
      %parallel_loop3A_1497 = arith.shli %parallel_loop3A_1494, %parallel_loop3A_1496 : vector<16xi32>
      %parallel_loop3A_1498 = arith.constant 15 : i32
      %parallel_loop3A_1499 = vector.broadcast %parallel_loop3A_1498 : i32 to vector<16xi32>
      %parallel_loop3A_1500 = arith.shrui %parallel_loop3A_1482, %parallel_loop3A_1499 : vector<16xi32>
      %parallel_loop3A_1501 = arith.addi %parallel_loop3A_1497, %parallel_loop3A_1500 : vector<16xi32>
      %parallel_loop3A_1502 = arith.addi %parallel_loop3A_1477, %parallel_loop3A_1501 : vector<16xi32>
      %parallel_loop3A_1503 = vector.broadcast %parallel_loop3A_128 : i32 to vector<16xi32>
      %parallel_loop3A_1504 = arith.andi %parallel_loop3A_1502, %parallel_loop3A_1503 : vector<16xi32>
      %parallel_loop3A_1505 = arith.constant 31 : i32
      %parallel_loop3A_1506 = vector.broadcast %parallel_loop3A_1505 : i32 to vector<16xi32>
      %parallel_loop3A_1507 = arith.shrui %parallel_loop3A_1502, %parallel_loop3A_1506 : vector<16xi32>
      %parallel_loop3A_1508 = arith.addi %parallel_loop3A_1504, %parallel_loop3A_1507 : vector<16xi32>
      %parallel_loop3A_1509 = vector.broadcast %parallel_loop3A_128 : i32 to vector<16xi32>
      %parallel_loop3A_1510 = arith.cmpi uge, %parallel_loop3A_1508, %parallel_loop3A_1509 : vector<16xi32>
      %parallel_loop3A_1511 = vector.broadcast %parallel_loop3A_128 : i32 to vector<16xi32>
      %parallel_loop3A_1512 = arith.subi %parallel_loop3A_1508, %parallel_loop3A_1511 : vector<16xi32>
      %parallel_loop3A_1513 = arith.select %parallel_loop3A_1510, %parallel_loop3A_1512, %parallel_loop3A_1508 : vector<16xi1>, vector<16xi32>
      %parallel_loop3A_1514 = vector.bitcast %parallel_loop3A_1513 : vector<16xi32> to vector<16xi32>
      %parallel_loop3A_1515 = arith.sitofp %parallel_loop3A_1514 : vector<16xi32> to vector<16xf32>
      %parallel_loop3A_1516 = vector.broadcast %parallel_loop3A_129 : f32 to vector<16xf32>
      %parallel_loop3A_1517 = arith.mulf %parallel_loop3A_1515, %parallel_loop3A_1516 : vector<16xf32>
      %parallel_loop3A_1518 = arith.fptosi %parallel_loop3A_1517 : vector<16xf32> to vector<16xi32>
      %parallel_loop3A_1519 = vector.broadcast %parallel_loop3A_130 : i32 to vector<16xi32>
      %parallel_loop3A_1520 = arith.muli %parallel_loop3A_1518, %parallel_loop3A_1519 : vector<16xi32>
      %parallel_loop3A_1521 = arith.subi %parallel_loop3A_1514, %parallel_loop3A_1520 : vector<16xi32>
      %parallel_loop3A_1522 = arith.constant 0 : i32
      %parallel_loop3A_1523 = vector.broadcast %parallel_loop3A_1522 : i32 to vector<16xi32>
      %parallel_loop3A_1524 = arith.cmpi slt, %parallel_loop3A_1521, %parallel_loop3A_1523 : vector<16xi32>
      %parallel_loop3A_1525 = vector.broadcast %parallel_loop3A_130 : i32 to vector<16xi32>
      %parallel_loop3A_1526 = arith.addi %parallel_loop3A_1521, %parallel_loop3A_1525 : vector<16xi32>
      %parallel_loop3A_1527 = arith.select %parallel_loop3A_1524, %parallel_loop3A_1526, %parallel_loop3A_1521 : vector<16xi1>, vector<16xi32>
      %parallel_loop3A_1528 = vector.broadcast %parallel_loop3A_130 : i32 to vector<16xi32>
      %parallel_loop3A_1529 = arith.cmpi sge, %parallel_loop3A_1527, %parallel_loop3A_1528 : vector<16xi32>
      %parallel_loop3A_1530 = vector.broadcast %parallel_loop3A_130 : i32 to vector<16xi32>
      %parallel_loop3A_1531 = arith.subi %parallel_loop3A_1527, %parallel_loop3A_1530 : vector<16xi32>
      %parallel_loop3A_1532 = arith.select %parallel_loop3A_1529, %parallel_loop3A_1531, %parallel_loop3A_1527 : vector<16xi1>, vector<16xi32>
      %parallel_loop3A_1533 = arith.constant 1 : i32
      %parallel_loop3A_1534 = vector.broadcast %parallel_loop3A_1533 : i32 to vector<16xi32>
      %parallel_loop3A_1535 = arith.addi %parallel_loop3A_1532, %parallel_loop3A_1534 : vector<16xi32>
      %parallel_loop3A_1536 = arith.constant 0 : i32
      %parallel_loop3A_1537 = vector.broadcast %parallel_loop3A_1536 : i32 to vector<16xi32>
      %parallel_loop3A_1538 = arith.cmpi ne, %parallel_loop3A_1445, %parallel_loop3A_1537 : vector<16xi32>
      %parallel_loop3A_1539 = arith.andi %parallel_loop3A_1538, %parallel_loop3A_1441 : vector<16xi1>
      %parallel_loop3A_1540 = tpu.all_reduce %parallel_loop3A_1539 {dim = 0 : i64, kind = #tpu.reduction_kind<sum>} : vector<16xi1> -> vector<16xi32>
      %parallel_loop3A_1541 = arith.addi %parallel_loop3A_1429, %parallel_loop3A_1540 : vector<16xi32>
      tpu.vector_store_idx %arg7[%parallel_loop3A_136, %min3A_121], %parallel_loop3A_1535 masked %parallel_loop3A_1441 : memref<64x400xi32, #tpu.memory_space<vmem>>[vector<16xi32>, vector<16xi32>], vector<16xi32>, vector<16xi1>
      %parallel_loop3A_1542 = arith.constant 1 : i32
      %parallel_loop3A_1543 = vector.broadcast %parallel_loop3A_1542 : i32 to vector<16xi32>
      %parallel_loop3A_1544 = arith.addi %min3A_121, %parallel_loop3A_1543 : vector<16xi32>
      tpu.vector_store_idx %arg7[%parallel_loop3A_136, %parallel_loop3A_1544], %mul3A_5 masked %parallel_loop3A_1441 : memref<64x400xi32, #tpu.memory_space<vmem>>[vector<16xi32>, vector<16xi32>], vector<16xi32>, vector<16xi1>
      %parallel_loop3A_1545 = arith.constant 1 : i32
      %parallel_loop3A_1546 = vector.broadcast %parallel_loop3A_1545 : i32 to vector<16xi32>
      %parallel_loop3A_1547 = arith.subi %parallel_loop3A_1541, %parallel_loop3A_1546 : vector<16xi32>
      %parallel_loop3A_1548 = arith.constant 0 : i64
      %parallel_loop3A_1549 = arith.constant 199 : i64
      %parallel_loop3A_1550 = arith.trunci %parallel_loop3A_1548 : i64 to i32
      %parallel_loop3A_1551 = vector.broadcast %parallel_loop3A_1550 : i32 to vector<16xi32>
      %parallel_loop3A_1552 = arith.maxsi %parallel_loop3A_1551, %parallel_loop3A_1547 : vector<16xi32>
      %parallel_loop3A_1553 = arith.trunci %parallel_loop3A_1549 : i64 to i32
      %parallel_loop3A_1554 = vector.broadcast %parallel_loop3A_1553 : i32 to vector<16xi32>
      %parallel_loop3A_1555 = arith.minsi %parallel_loop3A_1554, %parallel_loop3A_1552 : vector<16xi32>
      %parallel_loop3A_1556 = arith.constant 2 : i32
      %parallel_loop3A_1557 = vector.broadcast %parallel_loop3A_1556 : i32 to vector<16xi32>
      %parallel_loop3A_1558 = arith.muli %parallel_loop3A_1555, %parallel_loop3A_1557 : vector<16xi32>
      %parallel_loop3A_1559 = tpu.vector_load_idx %arg7[%parallel_loop3A_136, %parallel_loop3A_1558] : memref<64x400xi32, #tpu.memory_space<vmem>>[vector<16xi32>, vector<16xi32>], vector<16xi32>,
      %parallel_loop3A_1560 = arith.constant true
      %parallel_loop3A_1561 = vector.broadcast %parallel_loop3A_1560 : i1 to vector<16xi1>
      %parallel_loop3A_1562 = arith.constant -2147483648 : i32
      %parallel_loop3A_1563 = vector.broadcast %parallel_loop3A_1562 : i32 to vector<16xi32>
      %parallel_loop3A_1564 = arith.xori %parallel_loop3A_1541, %parallel_loop3A_1563 : vector<16xi32>
      %parallel_loop3A_1565 = tpu.scan <max>, %parallel_loop3A_1564 masked %parallel_loop3A_1561 : vector<16xi32>, vector<16xi1> -> vector<16xi32>
      %parallel_loop3A_1566 = arith.xori %parallel_loop3A_1565, %parallel_loop3A_1563 : vector<16xi32>
      %parallel_loop3A_1567 = vector.extract %parallel_loop3A_1566[15] : i32 from vector<16xi32>
      %parallel_loop3A_1568 = arith.constant 16 : i32
      %parallel_loop3A_1569 = arith.divsi %parallel_loop3A_1567, %parallel_loop3A_1568 : i32
      %parallel_loop3A_1570 = arith.constant 0 : i32
      %parallel_loop3A_1571 = arith.cmpi sgt, %parallel_loop3A_1567, %parallel_loop3A_1570 : i32
      %parallel_loop3A_1572 = arith.extui %parallel_loop3A_1571 : i1 to i32
      %parallel_loop3A_1573 = arith.constant 0 : i32
      %parallel_loop3A_1574 = arith.cmpi slt, %parallel_loop3A_1567, %parallel_loop3A_1573 : i32
      %parallel_loop3A_1575 = arith.extui %parallel_loop3A_1574 : i1 to i32
      %parallel_loop3A_1576 = arith.subi %parallel_loop3A_1572, %parallel_loop3A_1575 : i32
      %parallel_loop3A_1577 = arith.constant 0 : i32
      %parallel_loop3A_1578 = arith.cmpi sgt, %parallel_loop3A_1568, %parallel_loop3A_1577 : i32
      %parallel_loop3A_1579 = arith.extui %parallel_loop3A_1578 : i1 to i32
      %parallel_loop3A_1580 = arith.constant 0 : i32
      %parallel_loop3A_1581 = arith.cmpi slt, %parallel_loop3A_1568, %parallel_loop3A_1580 : i32
      %parallel_loop3A_1582 = arith.extui %parallel_loop3A_1581 : i1 to i32
      %parallel_loop3A_1583 = arith.subi %parallel_loop3A_1579, %parallel_loop3A_1582 : i32
      %parallel_loop3A_1584 = arith.cmpi ne, %parallel_loop3A_1576, %parallel_loop3A_1583 : i32
      %parallel_loop3A_1585 = arith.remsi %parallel_loop3A_1567, %parallel_loop3A_1568 : i32
      %parallel_loop3A_1586 = arith.constant 0 : i32
      %parallel_loop3A_1587 = arith.cmpi ne, %parallel_loop3A_1585, %parallel_loop3A_1586 : i32
      %parallel_loop3A_1588 = arith.andi %parallel_loop3A_1584, %parallel_loop3A_1587 : i1
      %parallel_loop3A_1589 = arith.constant 1 : i32
      %parallel_loop3A_1590 = arith.subi %parallel_loop3A_1569, %parallel_loop3A_1589 : i32
      %parallel_loop3A_1591 = arith.select %parallel_loop3A_1588, %parallel_loop3A_1590, %parallel_loop3A_1569 : i32
      %parallel_loop3A_1592 = arith.constant 0 : i32
      %parallel_loop3A_1593 = arith.constant 13 : i32
      %parallel_loop3A_1594 = arith.subi %parallel_loop3A_1593, %parallel_loop3A_1591 : i32
      %parallel_loop3A_1595 = arith.addi %parallel_loop3A_1591, %parallel_loop3A_1594 : i32
      %parallel_loop3A_1596 = arith.constant 1 : i32
      %parallel_loop3A_1597 = arith.divsi %parallel_loop3A_1594, %parallel_loop3A_1596 : i32
      %parallel_loop3A_1598 = arith.muli %parallel_loop3A_1597, %parallel_loop3A_1596 : i32
      %parallel_loop3A_1599 = arith.addi %parallel_loop3A_1591, %parallel_loop3A_1598 : i32
      %parallel_loop3A_1600 = arith.constant 1 : i32
      scf.for %while3A = %parallel_loop3A_1591 to %parallel_loop3A_1599 step %parallel_loop3A_1600  : i32 {
        %parallel_loop3A_1602 = arith.constant 16 : i32
        %parallel_loop3A_1603 = arith.muli %while3A, %parallel_loop3A_1602 : i32
        %parallel_loop3A_1604 = vector.broadcast %parallel_loop3A_1603 : i32 to vector<16xi32>
        %parallel_loop3A_1605 = arith.addi %iota3A, %parallel_loop3A_1604 : vector<16xi32>
        %parallel_loop3A_1606 = arith.cmpi sge, %parallel_loop3A_1605, %parallel_loop3A_1541 : vector<16xi32>
        %parallel_loop3A_1607 = arith.constant 200 : i32
        %parallel_loop3A_1608 = vector.broadcast %parallel_loop3A_1607 : i32 to vector<16xi32>
        %parallel_loop3A_1609 = arith.cmpi slt, %parallel_loop3A_1605, %parallel_loop3A_1608 : vector<16xi32>
        %parallel_loop3A_1610 = arith.andi %parallel_loop3A_1606, %parallel_loop3A_1609 : vector<16xi1>
        %parallel_loop3A_1611 = arith.constant 2 : i32
        %parallel_loop3A_1612 = vector.broadcast %parallel_loop3A_1611 : i32 to vector<16xi32>
        %parallel_loop3A_1613 = arith.muli %parallel_loop3A_1605, %parallel_loop3A_1612 : vector<16xi32>
        %parallel_loop3A_1614 = arith.constant 398 : i32
        %parallel_loop3A_1615 = vector.broadcast %parallel_loop3A_1614 : i32 to vector<16xi32>
        %parallel_loop3A_1616 = arith.minsi %parallel_loop3A_1613, %parallel_loop3A_1615 : vector<16xi32>
        tpu.vector_store_idx %arg7[%parallel_loop3A_136, %parallel_loop3A_1616], %parallel_loop3A_1559 masked %parallel_loop3A_1610 : memref<64x400xi32, #tpu.memory_space<vmem>>[vector<16xi32>, vector<16xi32>], vector<16xi32>, vector<16xi1>
      }
      %parallel_loop3A_1601 = arith.constant 1 : i32
      scf.for %while3A = %parallel_loop3A_1599 to %parallel_loop3A_1595 step %parallel_loop3A_1601  : i32 {
        %parallel_loop3A_1602 = arith.constant 16 : i32
        %parallel_loop3A_1603 = arith.muli %while3A, %parallel_loop3A_1602 : i32
        %parallel_loop3A_1604 = vector.broadcast %parallel_loop3A_1603 : i32 to vector<16xi32>
        %parallel_loop3A_1605 = arith.addi %iota3A, %parallel_loop3A_1604 : vector<16xi32>
        %parallel_loop3A_1606 = arith.cmpi sge, %parallel_loop3A_1605, %parallel_loop3A_1541 : vector<16xi32>
        %parallel_loop3A_1607 = arith.constant 200 : i32
        %parallel_loop3A_1608 = vector.broadcast %parallel_loop3A_1607 : i32 to vector<16xi32>
        %parallel_loop3A_1609 = arith.cmpi slt, %parallel_loop3A_1605, %parallel_loop3A_1608 : vector<16xi32>
        %parallel_loop3A_1610 = arith.andi %parallel_loop3A_1606, %parallel_loop3A_1609 : vector<16xi1>
        %parallel_loop3A_1611 = arith.constant 2 : i32
        %parallel_loop3A_1612 = vector.broadcast %parallel_loop3A_1611 : i32 to vector<16xi32>
        %parallel_loop3A_1613 = arith.muli %parallel_loop3A_1605, %parallel_loop3A_1612 : vector<16xi32>
        %parallel_loop3A_1614 = arith.constant 398 : i32
        %parallel_loop3A_1615 = vector.broadcast %parallel_loop3A_1614 : i32 to vector<16xi32>
        %parallel_loop3A_1616 = arith.minsi %parallel_loop3A_1613, %parallel_loop3A_1615 : vector<16xi32>
        tpu.vector_store_idx %arg7[%parallel_loop3A_136, %parallel_loop3A_1616], %parallel_loop3A_1559 masked %parallel_loop3A_1610 : memref<64x400xi32, #tpu.memory_space<vmem>>[vector<16xi32>, vector<16xi32>], vector<16xi32>, vector<16xi1>
      }
    } {sc.loop_unroll_factor = 2 : i64, sc.parallel_access}
    %mul3A_131 = arith.constant 64 : i32
    %mul3A_132 = arith.muli %add3A, %mul3A_131 : i32
    "tpu.region"() ({
      %run_scoped3A = tpu.sem_alloc : memref<!tpu.dma_semaphore, #tpu.memory_space<semaphore_mem>>
      %dma_start3A = arith.constant 0 : i32
      %dma_start3A_133 = tpu.memref_slice %arg5[%mul3A_132, %dma_start3A] : memref<2048x400xi32, #tpu.memory_space<hbm>> -> memref<64x400xi32, #tpu.memory_space<hbm>>
      %dma_start3A_134 = arith.constant 0 : i32
      %dma_start3A_135 = tpu.memref_slice %arg5[%mul3A_132, %dma_start3A_134] : memref<2048x400xi32, #tpu.memory_space<hbm>> -> memref<64x400xi32, #tpu.memory_space<hbm>>
      tpu.enqueue_dma source(%arg7 : memref<64x400xi32, #tpu.memory_space<vmem>>) target(%dma_start3A_135 : memref<64x400xi32, #tpu.memory_space<hbm>>) target_semaphore(%run_scoped3A : memref<!tpu.dma_semaphore, #tpu.memory_space<semaphore_mem>>)
      %dma_wait3A = arith.constant 0 : i32
      %dma_wait3A_136 = tpu.memref_slice %arg5[%mul3A_132, %dma_wait3A] : memref<2048x400xi32, #tpu.memory_space<hbm>> -> memref<64x400xi32, #tpu.memory_space<hbm>>
      %dma_wait3A_137 = arith.constant 0 : i32
      %dma_wait3A_138 = tpu.memref_slice %arg5[%mul3A_132, %dma_wait3A_137] : memref<2048x400xi32, #tpu.memory_space<hbm>> -> memref<64x400xi32, #tpu.memory_space<hbm>>
      tpu.wait_dma2 semaphore(%run_scoped3A : memref<!tpu.dma_semaphore, #tpu.memory_space<semaphore_mem>>) src(%arg7 : memref<64x400xi32, #tpu.memory_space<vmem>>) dst(%dma_wait3A_138 : memref<64x400xi32, #tpu.memory_space<hbm>>)
      tpu.yield
    }) : () -> ()
    return
  }
}

#map = affine_map<(d0, d1) -> (0)>
#map1 = affine_map<(d0, d1) -> (0, 0)>
module attributes {stable_mosaic.version = 14 : i64} {
  func.func @body(%arg0: i32, %arg1: i32, %arg2: memref<425984xi32, #tpu.memory_space<hbm>>, %arg3: memref<208xi32, #tpu.memory_space<hbm>>, %arg4: memref<208xi32, #tpu.memory_space<hbm>>, %arg5: memref<2048x400xi32, #tpu.memory_space<hbm>>, %arg6: memref<13312xi32, #tpu.memory_space<vmem>>, %arg7: memref<64x400xi32, #tpu.memory_space<vmem>>, %arg8: memref<208xi32, #tpu.memory_space<vmem>>, %arg9: memref<208xi32, #tpu.memory_space<vmem>>) attributes {dimension_semantics = [#tpu.dimension_semantics<core_parallel>, #tpu.dimension_semantics<subcore_parallel>], iteration_bounds = array<i64: 2, 16>, scalar_prefetch = 0 : i64, scratch_operands = 4 : i64, tpu.core_type = #tpu.core_type<sc_vector_subcore>, window_params = [{transform_indices = #map}, {transform_indices = #map}, {transform_indices = #map}, {transform_indices = #map1}]} {
    %mul3A = arith.constant 2 : i32
    %mul3A_0 = arith.muli %arg1, %mul3A : i32
    %add3A = arith.addi %mul3A_0, %arg0 : i32
    %mul3A_1 = arith.constant 13312 : i32
    %mul3A_2 = arith.muli %add3A, %mul3A_1 : i32
    "tpu.region"() ({
      %run_scoped3A = tpu.sem_alloc : memref<!tpu.dma_semaphore, #tpu.memory_space<semaphore_mem>>
      %dma_start3A = tpu.memref_slice %arg2[%mul3A_2] : memref<425984xi32, #tpu.memory_space<hbm>> -> memref<13312xi32, #tpu.memory_space<hbm>>
      %dma_start3A_133 = tpu.memref_slice %arg2[%mul3A_2] : memref<425984xi32, #tpu.memory_space<hbm>> -> memref<13312xi32, #tpu.memory_space<hbm>>
      tpu.enqueue_dma source(%dma_start3A_133 : memref<13312xi32, #tpu.memory_space<hbm>>) target(%arg6 : memref<13312xi32, #tpu.memory_space<vmem>>) target_semaphore(%run_scoped3A : memref<!tpu.dma_semaphore, #tpu.memory_space<semaphore_mem>>)
      %dma_wait3A = tpu.memref_slice %arg2[%mul3A_2] : memref<425984xi32, #tpu.memory_space<hbm>> -> memref<13312xi32, #tpu.memory_space<hbm>>
      %dma_wait3A_134 = tpu.memref_slice %arg2[%mul3A_2] : memref<425984xi32, #tpu.memory_space<hbm>> -> memref<13312xi32, #tpu.memory_space<hbm>>
      tpu.wait_dma2 semaphore(%run_scoped3A : memref<!tpu.dma_semaphore, #tpu.memory_space<semaphore_mem>>) src(%dma_wait3A_134 : memref<13312xi32, #tpu.memory_space<hbm>>) dst(%arg6 : memref<13312xi32, #tpu.memory_space<vmem>>)
      tpu.yield
    }) : () -> ()
    "tpu.region"() ({
      %run_scoped3A = tpu.sem_alloc : memref<!tpu.dma_semaphore, #tpu.memory_space<semaphore_mem>>
      tpu.enqueue_dma source(%arg3 : memref<208xi32, #tpu.memory_space<hbm>>) target(%arg8 : memref<208xi32, #tpu.memory_space<vmem>>) target_semaphore(%run_scoped3A : memref<!tpu.dma_semaphore, #tpu.memory_space<semaphore_mem>>)
      tpu.wait_dma2 semaphore(%run_scoped3A : memref<!tpu.dma_semaphore, #tpu.memory_space<semaphore_mem>>) src(%arg3 : memref<208xi32, #tpu.memory_space<hbm>>) dst(%arg8 : memref<208xi32, #tpu.memory_space<vmem>>)
      tpu.yield
    }) : () -> ()
    "tpu.region"() ({
      %run_scoped3A = tpu.sem_alloc : memref<!tpu.dma_semaphore, #tpu.memory_space<semaphore_mem>>
      tpu.enqueue_dma source(%arg4 : memref<208xi32, #tpu.memory_space<hbm>>) target(%arg9 : memref<208xi32, #tpu.memory_space<vmem>>) target_semaphore(%run_scoped3A : memref<!tpu.dma_semaphore, #tpu.memory_space<semaphore_mem>>)
      tpu.wait_dma2 semaphore(%run_scoped3A : memref<!tpu.dma_semaphore, #tpu.memory_space<semaphore_mem>>) src(%arg4 : memref<208xi32, #tpu.memory_space<hbm>>) dst(%arg9 : memref<208xi32, #tpu.memory_space<vmem>>)
      tpu.yield
    }) : () -> ()
    %iota3A = tpu.iota {dimensions = array<i32: 0>} : vector<16xi32>
    %mul3A_3 = arith.constant 0 : i32
    %mul3A_4 = vector.broadcast %mul3A_3 : i32 to vector<16xi32>
    %mul3A_5 = arith.muli %iota3A, %mul3A_4 : vector<16xi32>
    %add3A_6 = arith.constant 0 : i32
    %add3A_7 = vector.broadcast %add3A_6 : i32 to vector<16xi32>
    %add3A_8 = arith.addi %iota3A, %add3A_7 : vector<16xi32>
    %mul3A_9 = arith.constant 2 : i32
    %mul3A_10 = vector.broadcast %mul3A_9 : i32 to vector<16xi32>
    %mul3A_11 = arith.muli %add3A_8, %mul3A_10 : vector<16xi32>
    %min3A = arith.constant 398 : i32
    %min3A_12 = vector.broadcast %min3A : i32 to vector<16xi32>
    %min3A_13 = arith.minsi %mul3A_11, %min3A_12 : vector<16xi32>
    %add3A_14 = arith.constant 16 : i32
    %add3A_15 = vector.broadcast %add3A_14 : i32 to vector<16xi32>
    %add3A_16 = arith.addi %iota3A, %add3A_15 : vector<16xi32>
    %mul3A_17 = arith.constant 2 : i32
    %mul3A_18 = vector.broadcast %mul3A_17 : i32 to vector<16xi32>
    %mul3A_19 = arith.muli %add3A_16, %mul3A_18 : vector<16xi32>
    %min3A_20 = arith.constant 398 : i32
    %min3A_21 = vector.broadcast %min3A_20 : i32 to vector<16xi32>
    %min3A_22 = arith.minsi %mul3A_19, %min3A_21 : vector<16xi32>
    %add3A_23 = arith.constant 32 : i32
    %add3A_24 = vector.broadcast %add3A_23 : i32 to vector<16xi32>
    %add3A_25 = arith.addi %iota3A, %add3A_24 : vector<16xi32>
    %mul3A_26 = arith.constant 2 : i32
    %mul3A_27 = vector.broadcast %mul3A_26 : i32 to vector<16xi32>
    %mul3A_28 = arith.muli %add3A_25, %mul3A_27 : vector<16xi32>
    %min3A_29 = arith.constant 398 : i32
    %min3A_30 = vector.broadcast %min3A_29 : i32 to vector<16xi32>
    %min3A_31 = arith.minsi %mul3A_28, %min3A_30 : vector<16xi32>
    %add3A_32 = arith.constant 48 : i32
    %add3A_33 = vector.broadcast %add3A_32 : i32 to vector<16xi32>
    %add3A_34 = arith.addi %iota3A, %add3A_33 : vector<16xi32>
    %mul3A_35 = arith.constant 2 : i32
    %mul3A_36 = vector.broadcast %mul3A_35 : i32 to vector<16xi32>
    %mul3A_37 = arith.muli %add3A_34, %mul3A_36 : vector<16xi32>
    %min3A_38 = arith.constant 398 : i32
    %min3A_39 = vector.broadcast %min3A_38 : i32 to vector<16xi32>
    %min3A_40 = arith.minsi %mul3A_37, %min3A_39 : vector<16xi32>
    %add3A_41 = arith.constant 64 : i32
    %add3A_42 = vector.broadcast %add3A_41 : i32 to vector<16xi32>
    %add3A_43 = arith.addi %iota3A, %add3A_42 : vector<16xi32>
    %mul3A_44 = arith.constant 2 : i32
    %mul3A_45 = vector.broadcast %mul3A_44 : i32 to vector<16xi32>
    %mul3A_46 = arith.muli %add3A_43, %mul3A_45 : vector<16xi32>
    %min3A_47 = arith.constant 398 : i32
    %min3A_48 = vector.broadcast %min3A_47 : i32 to vector<16xi32>
    %min3A_49 = arith.minsi %mul3A_46, %min3A_48 : vector<16xi32>
    %add3A_50 = arith.constant 80 : i32
    %add3A_51 = vector.broadcast %add3A_50 : i32 to vector<16xi32>
    %add3A_52 = arith.addi %iota3A, %add3A_51 : vector<16xi32>
    %mul3A_53 = arith.constant 2 : i32
    %mul3A_54 = vector.broadcast %mul3A_53 : i32 to vector<16xi32>
    %mul3A_55 = arith.muli %add3A_52, %mul3A_54 : vector<16xi32>
    %min3A_56 = arith.constant 398 : i32
    %min3A_57 = vector.broadcast %min3A_56 : i32 to vector<16xi32>
    %min3A_58 = arith.minsi %mul3A_55, %min3A_57 : vector<16xi32>
    %add3A_59 = arith.constant 96 : i32
    %add3A_60 = vector.broadcast %add3A_59 : i32 to vector<16xi32>
    %add3A_61 = arith.addi %iota3A, %add3A_60 : vector<16xi32>
    %mul3A_62 = arith.constant 2 : i32
    %mul3A_63 = vector.broadcast %mul3A_62 : i32 to vector<16xi32>
    %mul3A_64 = arith.muli %add3A_61, %mul3A_63 : vector<16xi32>
    %min3A_65 = arith.constant 398 : i32
    %min3A_66 = vector.broadcast %min3A_65 : i32 to vector<16xi32>
    %min3A_67 = arith.minsi %mul3A_64, %min3A_66 : vector<16xi32>
    %add3A_68 = arith.constant 112 : i32
    %add3A_69 = vector.broadcast %add3A_68 : i32 to vector<16xi32>
    %add3A_70 = arith.addi %iota3A, %add3A_69 : vector<16xi32>
    %mul3A_71 = arith.constant 2 : i32
    %mul3A_72 = vector.broadcast %mul3A_71 : i32 to vector<16xi32>
    %mul3A_73 = arith.muli %add3A_70, %mul3A_72 : vector<16xi32>
    %min3A_74 = arith.constant 398 : i32
    %min3A_75 = vector.broadcast %min3A_74 : i32 to vector<16xi32>
    %min3A_76 = arith.minsi %mul3A_73, %min3A_75 : vector<16xi32>
    %add3A_77 = arith.constant 128 : i32
    %add3A_78 = vector.broadcast %add3A_77 : i32 to vector<16xi32>
    %add3A_79 = arith.addi %iota3A, %add3A_78 : vector<16xi32>
    %mul3A_80 = arith.constant 2 : i32
    %mul3A_81 = vector.broadcast %mul3A_80 : i32 to vector<16xi32>
    %mul3A_82 = arith.muli %add3A_79, %mul3A_81 : vector<16xi32>
    %min3A_83 = arith.constant 398 : i32
    %min3A_84 = vector.broadcast %min3A_83 : i32 to vector<16xi32>
    %min3A_85 = arith.minsi %mul3A_82, %min3A_84 : vector<16xi32>
    %add3A_86 = arith.constant 144 : i32
    %add3A_87 = vector.broadcast %add3A_86 : i32 to vector<16xi32>
    %add3A_88 = arith.addi %iota3A, %add3A_87 : vector<16xi32>
    %mul3A_89 = arith.constant 2 : i32
    %mul3A_90 = vector.broadcast %mul3A_89 : i32 to vector<16xi32>
    %mul3A_91 = arith.muli %add3A_88, %mul3A_90 : vector<16xi32>
    %min3A_92 = arith.constant 398 : i32
    %min3A_93 = vector.broadcast %min3A_92 : i32 to vector<16xi32>
    %min3A_94 = arith.minsi %mul3A_91, %min3A_93 : vector<16xi32>
    %add3A_95 = arith.constant 160 : i32
    %add3A_96 = vector.broadcast %add3A_95 : i32 to vector<16xi32>
    %add3A_97 = arith.addi %iota3A, %add3A_96 : vector<16xi32>
    %mul3A_98 = arith.constant 2 : i32
    %mul3A_99 = vector.broadcast %mul3A_98 : i32 to vector<16xi32>
    %mul3A_100 = arith.muli %add3A_97, %mul3A_99 : vector<16xi32>
    %min3A_101 = arith.constant 398 : i32
    %min3A_102 = vector.broadcast %min3A_101 : i32 to vector<16xi32>
    %min3A_103 = arith.minsi %mul3A_100, %min3A_102 : vector<16xi32>
    %add3A_104 = arith.constant 176 : i32
    %add3A_105 = vector.broadcast %add3A_104 : i32 to vector<16xi32>
    %add3A_106 = arith.addi %iota3A, %add3A_105 : vector<16xi32>
    %mul3A_107 = arith.constant 2 : i32
    %mul3A_108 = vector.broadcast %mul3A_107 : i32 to vector<16xi32>
    %mul3A_109 = arith.muli %add3A_106, %mul3A_108 : vector<16xi32>
    %min3A_110 = arith.constant 398 : i32
    %min3A_111 = vector.broadcast %min3A_110 : i32 to vector<16xi32>
    %min3A_112 = arith.minsi %mul3A_109, %min3A_111 : vector<16xi32>
    %add3A_113 = arith.constant 192 : i32
    %add3A_114 = vector.broadcast %add3A_113 : i32 to vector<16xi32>
    %add3A_115 = arith.addi %iota3A, %add3A_114 : vector<16xi32>
    %mul3A_116 = arith.constant 2 : i32
    %mul3A_117 = vector.broadcast %mul3A_116 : i32 to vector<16xi32>
    %mul3A_118 = arith.muli %add3A_115, %mul3A_117 : vector<16xi32>
    %min3A_119 = arith.constant 398 : i32
    %min3A_120 = vector.broadcast %min3A_119 : i32 to vector<16xi32>
    %min3A_121 = arith.minsi %mul3A_118, %min3A_120 : vector<16xi32>
    %parallel_loop3A = arith.constant 0 : i32
    %parallel_loop3A_122 = arith.constant 64 : i32
    %parallel_loop3A_123 = arith.constant 1 : i32
    %parallel_loop3A_124 = arith.constant 65535 : i32
    %parallel_loop3A_125 = arith.constant 48702 : i32
    %parallel_loop3A_126 = arith.constant 2059 : i32
    %parallel_loop3A_127 = arith.constant 32767 : i32
    %parallel_loop3A_128 = arith.constant 2147483647 : i32
    %parallel_loop3A_129 = arith.constant 1.000010e-05 : f32
    %parallel_loop3A_130 = arith.constant 99999 : i32
    scf.for %parallel_loop3A_133 = %parallel_loop3A to %parallel_loop3A_122 step %parallel_loop3A_123  : i32 {
      %parallel_loop3A_134 = arith.constant 208 : i32
      %parallel_loop3A_135 = arith.muli %parallel_loop3A_133, %parallel_loop3A_134 : i32
      %parallel_loop3A_136 = vector.broadcast %parallel_loop3A_133 : i32 to vector<16xi32>
      %parallel_loop3A_137 = arith.constant 0 : index
      %parallel_loop3A_138 = tpu.vector_load %arg8[%parallel_loop3A_137] {strides = array<i32>} : memref<208xi32, #tpu.memory_space<vmem>>, vector<16xi32>,
      %parallel_loop3A_139 = vector.bitcast %parallel_loop3A_138 : vector<16xi32> to vector<16xi32>
      %parallel_loop3A_140 = arith.constant 0 : index
      %parallel_loop3A_141 = tpu.vector_load %arg9[%parallel_loop3A_140] {strides = array<i32>} : memref<208xi32, #tpu.memory_space<vmem>>, vector<16xi32>,
      %parallel_loop3A_142 = vector.bitcast %parallel_loop3A_141 : vector<16xi32> to vector<16xi32>
      %parallel_loop3A_143 = arith.constant 0 : i32
      %parallel_loop3A_144 = arith.addi %parallel_loop3A_135, %parallel_loop3A_143 : i32
      %parallel_loop3A_145 = arith.index_cast %parallel_loop3A_144 : i32 to index
      %parallel_loop3A_146 = tpu.vector_load %arg6[%parallel_loop3A_145] {strides = array<i32>} : memref<13312xi32, #tpu.memory_space<vmem>>, vector<16xi32>,
      %parallel_loop3A_147 = vector.bitcast %parallel_loop3A_146 : vector<16xi32> to vector<16xi32>
      %parallel_loop3A_148 = vector.broadcast %parallel_loop3A_124 : i32 to vector<16xi32>
      %parallel_loop3A_149 = arith.andi %parallel_loop3A_147, %parallel_loop3A_148 : vector<16xi32>
      %parallel_loop3A_150 = arith.constant 16 : i32
      %parallel_loop3A_151 = vector.broadcast %parallel_loop3A_150 : i32 to vector<16xi32>
      %parallel_loop3A_152 = arith.shrui %parallel_loop3A_147, %parallel_loop3A_151 : vector<16xi32>
      %parallel_loop3A_153 = arith.muli %parallel_loop3A_139, %parallel_loop3A_149 : vector<16xi32>
      %parallel_loop3A_154 = arith.muli %parallel_loop3A_142, %parallel_loop3A_149 : vector<16xi32>
      %parallel_loop3A_155 = arith.muli %parallel_loop3A_139, %parallel_loop3A_152 : vector<16xi32>
      %parallel_loop3A_156 = arith.muli %parallel_loop3A_142, %parallel_loop3A_152 : vector<16xi32>
      %parallel_loop3A_157 = vector.broadcast %parallel_loop3A_124 : i32 to vector<16xi32>
      %parallel_loop3A_158 = arith.andi %parallel_loop3A_153, %parallel_loop3A_157 : vector<16xi32>
      %parallel_loop3A_159 = arith.constant 16 : i32
      %parallel_loop3A_160 = vector.broadcast %parallel_loop3A_159 : i32 to vector<16xi32>
      %parallel_loop3A_161 = arith.shrui %parallel_loop3A_154, %parallel_loop3A_160 : vector<16xi32>
      %parallel_loop3A_162 = arith.addi %parallel_loop3A_161, %parallel_loop3A_156 : vector<16xi32>
      %parallel_loop3A_163 = arith.constant 2 : i32
      %parallel_loop3A_164 = vector.broadcast %parallel_loop3A_163 : i32 to vector<16xi32>
      %parallel_loop3A_165 = arith.muli %parallel_loop3A_162, %parallel_loop3A_164 : vector<16xi32>
      %parallel_loop3A_166 = arith.addi %parallel_loop3A_158, %parallel_loop3A_165 : vector<16xi32>
      %parallel_loop3A_167 = arith.constant 16 : i32
      %parallel_loop3A_168 = vector.broadcast %parallel_loop3A_167 : i32 to vector<16xi32>
      %parallel_loop3A_169 = arith.shrui %parallel_loop3A_153, %parallel_loop3A_168 : vector<16xi32>
      %parallel_loop3A_170 = vector.broadcast %parallel_loop3A_124 : i32 to vector<16xi32>
      %parallel_loop3A_171 = arith.andi %parallel_loop3A_154, %parallel_loop3A_170 : vector<16xi32>
      %parallel_loop3A_172 = arith.addi %parallel_loop3A_169, %parallel_loop3A_171 : vector<16xi32>
      %parallel_loop3A_173 = arith.addi %parallel_loop3A_172, %parallel_loop3A_155 : vector<16xi32>
      %parallel_loop3A_174 = arith.constant true
      %parallel_loop3A_175 = vector.broadcast %parallel_loop3A_174 : i1 to vector<16xi1>
      %parallel_loop3A_176 = tpu.scan <sum>, %parallel_loop3A_166 masked %parallel_loop3A_175 : vector<16xi32>, vector<16xi1> -> vector<16xi32>
      %parallel_loop3A_177 = vector.broadcast %parallel_loop3A_125 : i32 to vector<16xi32>
      %parallel_loop3A_178 = arith.addi %parallel_loop3A_176, %parallel_loop3A_177 : vector<16xi32>
      %parallel_loop3A_179 = arith.constant true
      %parallel_loop3A_180 = vector.broadcast %parallel_loop3A_179 : i1 to vector<16xi1>
      %parallel_loop3A_181 = tpu.scan <sum>, %parallel_loop3A_173 masked %parallel_loop3A_180 : vector<16xi32>, vector<16xi1> -> vector<16xi32>
      %parallel_loop3A_182 = vector.broadcast %parallel_loop3A_126 : i32 to vector<16xi32>
      %parallel_loop3A_183 = arith.addi %parallel_loop3A_181, %parallel_loop3A_182 : vector<16xi32>
      %parallel_loop3A_184 = arith.constant true
      %parallel_loop3A_185 = vector.broadcast %parallel_loop3A_184 : i1 to vector<16xi1>
      %parallel_loop3A_186 = tpu.scan <sum>, %parallel_loop3A_166 masked %parallel_loop3A_185 : vector<16xi32>, vector<16xi1> -> vector<16xi32>
      %parallel_loop3A_187 = vector.extract %parallel_loop3A_186[15] : i32 from vector<16xi32>
      %parallel_loop3A_188 = arith.addi %parallel_loop3A_125, %parallel_loop3A_187 : i32
      %parallel_loop3A_189 = arith.constant true
      %parallel_loop3A_190 = vector.broadcast %parallel_loop3A_189 : i1 to vector<16xi1>
      %parallel_loop3A_191 = tpu.scan <sum>, %parallel_loop3A_173 masked %parallel_loop3A_190 : vector<16xi32>, vector<16xi1> -> vector<16xi32>
      %parallel_loop3A_192 = vector.extract %parallel_loop3A_191[15] : i32 from vector<16xi32>
      %parallel_loop3A_193 = arith.addi %parallel_loop3A_126, %parallel_loop3A_192 : i32
      %parallel_loop3A_194 = vector.broadcast %parallel_loop3A_127 : i32 to vector<16xi32>
      %parallel_loop3A_195 = arith.andi %parallel_loop3A_183, %parallel_loop3A_194 : vector<16xi32>
      %parallel_loop3A_196 = arith.constant 16 : i32
      %parallel_loop3A_197 = vector.broadcast %parallel_loop3A_196 : i32 to vector<16xi32>
      %parallel_loop3A_198 = arith.shli %parallel_loop3A_195, %parallel_loop3A_197 : vector<16xi32>
      %parallel_loop3A_199 = arith.constant 15 : i32
      %parallel_loop3A_200 = vector.broadcast %parallel_loop3A_199 : i32 to vector<16xi32>
      %parallel_loop3A_201 = arith.shrui %parallel_loop3A_183, %parallel_loop3A_200 : vector<16xi32>
      %parallel_loop3A_202 = arith.addi %parallel_loop3A_198, %parallel_loop3A_201 : vector<16xi32>
      %parallel_loop3A_203 = arith.addi %parallel_loop3A_178, %parallel_loop3A_202 : vector<16xi32>
      %parallel_loop3A_204 = vector.broadcast %parallel_loop3A_128 : i32 to vector<16xi32>
      %parallel_loop3A_205 = arith.andi %parallel_loop3A_203, %parallel_loop3A_204 : vector<16xi32>
      %parallel_loop3A_206 = arith.constant 31 : i32
      %parallel_loop3A_207 = vector.broadcast %parallel_loop3A_206 : i32 to vector<16xi32>
      %parallel_loop3A_208 = arith.shrui %parallel_loop3A_203, %parallel_loop3A_207 : vector<16xi32>
      %parallel_loop3A_209 = arith.addi %parallel_loop3A_205, %parallel_loop3A_208 : vector<16xi32>
      %parallel_loop3A_210 = vector.broadcast %parallel_loop3A_128 : i32 to vector<16xi32>
      %parallel_loop3A_211 = arith.cmpi uge, %parallel_loop3A_209, %parallel_loop3A_210 : vector<16xi32>
      %parallel_loop3A_212 = vector.broadcast %parallel_loop3A_128 : i32 to vector<16xi32>
      %parallel_loop3A_213 = arith.subi %parallel_loop3A_209, %parallel_loop3A_212 : vector<16xi32>
      %parallel_loop3A_214 = arith.select %parallel_loop3A_211, %parallel_loop3A_213, %parallel_loop3A_209 : vector<16xi1>, vector<16xi32>
      %parallel_loop3A_215 = vector.bitcast %parallel_loop3A_214 : vector<16xi32> to vector<16xi32>
      %parallel_loop3A_216 = arith.sitofp %parallel_loop3A_215 : vector<16xi32> to vector<16xf32>
      %parallel_loop3A_217 = vector.broadcast %parallel_loop3A_129 : f32 to vector<16xf32>
      %parallel_loop3A_218 = arith.mulf %parallel_loop3A_216, %parallel_loop3A_217 : vector<16xf32>
      %parallel_loop3A_219 = arith.fptosi %parallel_loop3A_218 : vector<16xf32> to vector<16xi32>
      %parallel_loop3A_220 = vector.broadcast %parallel_loop3A_130 : i32 to vector<16xi32>
      %parallel_loop3A_221 = arith.muli %parallel_loop3A_219, %parallel_loop3A_220 : vector<16xi32>
      %parallel_loop3A_222 = arith.subi %parallel_loop3A_215, %parallel_loop3A_221 : vector<16xi32>
      %parallel_loop3A_223 = arith.constant 0 : i32
      %parallel_loop3A_224 = vector.broadcast %parallel_loop3A_223 : i32 to vector<16xi32>
      %parallel_loop3A_225 = arith.cmpi slt, %parallel_loop3A_222, %parallel_loop3A_224 : vector<16xi32>
      %parallel_loop3A_226 = vector.broadcast %parallel_loop3A_130 : i32 to vector<16xi32>
      %parallel_loop3A_227 = arith.addi %parallel_loop3A_222, %parallel_loop3A_226 : vector<16xi32>
      %parallel_loop3A_228 = arith.select %parallel_loop3A_225, %parallel_loop3A_227, %parallel_loop3A_222 : vector<16xi1>, vector<16xi32>
      %parallel_loop3A_229 = vector.broadcast %parallel_loop3A_130 : i32 to vector<16xi32>
      %parallel_loop3A_230 = arith.cmpi sge, %parallel_loop3A_228, %parallel_loop3A_229 : vector<16xi32>
      %parallel_loop3A_231 = vector.broadcast %parallel_loop3A_130 : i32 to vector<16xi32>
      %parallel_loop3A_232 = arith.subi %parallel_loop3A_228, %parallel_loop3A_231 : vector<16xi32>
      %parallel_loop3A_233 = arith.select %parallel_loop3A_230, %parallel_loop3A_232, %parallel_loop3A_228 : vector<16xi1>, vector<16xi32>
      %parallel_loop3A_234 = arith.constant 1 : i32
      %parallel_loop3A_235 = vector.broadcast %parallel_loop3A_234 : i32 to vector<16xi32>
      %parallel_loop3A_236 = arith.addi %parallel_loop3A_233, %parallel_loop3A_235 : vector<16xi32>
      %parallel_loop3A_237 = arith.constant 0 : i32
      %parallel_loop3A_238 = vector.broadcast %parallel_loop3A_237 : i32 to vector<16xi32>
      %parallel_loop3A_239 = arith.cmpi ne, %parallel_loop3A_146, %parallel_loop3A_238 : vector<16xi32>
      %parallel_loop3A_240 = tpu.all_reduce %parallel_loop3A_239 {dim = 0 : i64, kind = #tpu.reduction_kind<sum>} : vector<16xi1> -> vector<16xi32>
      %parallel_loop3A_241 = arith.addi %mul3A_5, %parallel_loop3A_240 : vector<16xi32>
      tpu.vector_store_idx %arg7[%parallel_loop3A_136, %min3A_13], %parallel_loop3A_236 : memref<64x400xi32, #tpu.memory_space<vmem>>[vector<16xi32>, vector<16xi32>], vector<16xi32>,
      %parallel_loop3A_242 = arith.constant 1 : i32
      %parallel_loop3A_243 = vector.broadcast %parallel_loop3A_242 : i32 to vector<16xi32>
      %parallel_loop3A_244 = arith.addi %min3A_13, %parallel_loop3A_243 : vector<16xi32>
      tpu.vector_store_idx %arg7[%parallel_loop3A_136, %parallel_loop3A_244], %mul3A_5 : memref<64x400xi32, #tpu.memory_space<vmem>>[vector<16xi32>, vector<16xi32>], vector<16xi32>,
      %parallel_loop3A_245 = arith.constant 16 : index
      %parallel_loop3A_246 = tpu.vector_load %arg8[%parallel_loop3A_245] {strides = array<i32>} : memref<208xi32, #tpu.memory_space<vmem>>, vector<16xi32>,
      %parallel_loop3A_247 = vector.bitcast %parallel_loop3A_246 : vector<16xi32> to vector<16xi32>
      %parallel_loop3A_248 = arith.constant 16 : index
      %parallel_loop3A_249 = tpu.vector_load %arg9[%parallel_loop3A_248] {strides = array<i32>} : memref<208xi32, #tpu.memory_space<vmem>>, vector<16xi32>,
      %parallel_loop3A_250 = vector.bitcast %parallel_loop3A_249 : vector<16xi32> to vector<16xi32>
      %parallel_loop3A_251 = arith.constant 16 : i32
      %parallel_loop3A_252 = arith.addi %parallel_loop3A_135, %parallel_loop3A_251 : i32
      %parallel_loop3A_253 = arith.index_cast %parallel_loop3A_252 : i32 to index
      %parallel_loop3A_254 = tpu.vector_load %arg6[%parallel_loop3A_253] {strides = array<i32>} : memref<13312xi32, #tpu.memory_space<vmem>>, vector<16xi32>,
      %parallel_loop3A_255 = vector.bitcast %parallel_loop3A_254 : vector<16xi32> to vector<16xi32>
      %parallel_loop3A_256 = vector.broadcast %parallel_loop3A_124 : i32 to vector<16xi32>
      %parallel_loop3A_257 = arith.andi %parallel_loop3A_255, %parallel_loop3A_256 : vector<16xi32>
      %parallel_loop3A_258 = arith.constant 16 : i32
      %parallel_loop3A_259 = vector.broadcast %parallel_loop3A_258 : i32 to vector<16xi32>
      %parallel_loop3A_260 = arith.shrui %parallel_loop3A_255, %parallel_loop3A_259 : vector<16xi32>
      %parallel_loop3A_261 = arith.muli %parallel_loop3A_247, %parallel_loop3A_257 : vector<16xi32>
      %parallel_loop3A_262 = arith.muli %parallel_loop3A_250, %parallel_loop3A_257 : vector<16xi32>
      %parallel_loop3A_263 = arith.muli %parallel_loop3A_247, %parallel_loop3A_260 : vector<16xi32>
      %parallel_loop3A_264 = arith.muli %parallel_loop3A_250, %parallel_loop3A_260 : vector<16xi32>
      %parallel_loop3A_265 = vector.broadcast %parallel_loop3A_124 : i32 to vector<16xi32>
      %parallel_loop3A_266 = arith.andi %parallel_loop3A_261, %parallel_loop3A_265 : vector<16xi32>
      %parallel_loop3A_267 = arith.constant 16 : i32
      %parallel_loop3A_268 = vector.broadcast %parallel_loop3A_267 : i32 to vector<16xi32>
      %parallel_loop3A_269 = arith.shrui %parallel_loop3A_262, %parallel_loop3A_268 : vector<16xi32>
      %parallel_loop3A_270 = arith.addi %parallel_loop3A_269, %parallel_loop3A_264 : vector<16xi32>
      %parallel_loop3A_271 = arith.constant 2 : i32
      %parallel_loop3A_272 = vector.broadcast %parallel_loop3A_271 : i32 to vector<16xi32>
      %parallel_loop3A_273 = arith.muli %parallel_loop3A_270, %parallel_loop3A_272 : vector<16xi32>
      %parallel_loop3A_274 = arith.addi %parallel_loop3A_266, %parallel_loop3A_273 : vector<16xi32>
      %parallel_loop3A_275 = arith.constant 16 : i32
      %parallel_loop3A_276 = vector.broadcast %parallel_loop3A_275 : i32 to vector<16xi32>
      %parallel_loop3A_277 = arith.shrui %parallel_loop3A_261, %parallel_loop3A_276 : vector<16xi32>
      %parallel_loop3A_278 = vector.broadcast %parallel_loop3A_124 : i32 to vector<16xi32>
      %parallel_loop3A_279 = arith.andi %parallel_loop3A_262, %parallel_loop3A_278 : vector<16xi32>
      %parallel_loop3A_280 = arith.addi %parallel_loop3A_277, %parallel_loop3A_279 : vector<16xi32>
      %parallel_loop3A_281 = arith.addi %parallel_loop3A_280, %parallel_loop3A_263 : vector<16xi32>
      %parallel_loop3A_282 = arith.constant true
      %parallel_loop3A_283 = vector.broadcast %parallel_loop3A_282 : i1 to vector<16xi1>
      %parallel_loop3A_284 = tpu.scan <sum>, %parallel_loop3A_274 masked %parallel_loop3A_283 : vector<16xi32>, vector<16xi1> -> vector<16xi32>
      %parallel_loop3A_285 = vector.broadcast %parallel_loop3A_188 : i32 to vector<16xi32>
      %parallel_loop3A_286 = arith.addi %parallel_loop3A_284, %parallel_loop3A_285 : vector<16xi32>
      %parallel_loop3A_287 = arith.constant true
      %parallel_loop3A_288 = vector.broadcast %parallel_loop3A_287 : i1 to vector<16xi1>
      %parallel_loop3A_289 = tpu.scan <sum>, %parallel_loop3A_281 masked %parallel_loop3A_288 : vector<16xi32>, vector<16xi1> -> vector<16xi32>
      %parallel_loop3A_290 = vector.broadcast %parallel_loop3A_193 : i32 to vector<16xi32>
      %parallel_loop3A_291 = arith.addi %parallel_loop3A_289, %parallel_loop3A_290 : vector<16xi32>
      %parallel_loop3A_292 = arith.constant true
      %parallel_loop3A_293 = vector.broadcast %parallel_loop3A_292 : i1 to vector<16xi1>
      %parallel_loop3A_294 = tpu.scan <sum>, %parallel_loop3A_274 masked %parallel_loop3A_293 : vector<16xi32>, vector<16xi1> -> vector<16xi32>
      %parallel_loop3A_295 = vector.extract %parallel_loop3A_294[15] : i32 from vector<16xi32>
      %parallel_loop3A_296 = arith.addi %parallel_loop3A_188, %parallel_loop3A_295 : i32
      %parallel_loop3A_297 = arith.constant true
      %parallel_loop3A_298 = vector.broadcast %parallel_loop3A_297 : i1 to vector<16xi1>
      %parallel_loop3A_299 = tpu.scan <sum>, %parallel_loop3A_281 masked %parallel_loop3A_298 : vector<16xi32>, vector<16xi1> -> vector<16xi32>
      %parallel_loop3A_300 = vector.extract %parallel_loop3A_299[15] : i32 from vector<16xi32>
      %parallel_loop3A_301 = arith.addi %parallel_loop3A_193, %parallel_loop3A_300 : i32
      %parallel_loop3A_302 = vector.broadcast %parallel_loop3A_127 : i32 to vector<16xi32>
      %parallel_loop3A_303 = arith.andi %parallel_loop3A_291, %parallel_loop3A_302 : vector<16xi32>
      %parallel_loop3A_304 = arith.constant 16 : i32
      %parallel_loop3A_305 = vector.broadcast %parallel_loop3A_304 : i32 to vector<16xi32>
      %parallel_loop3A_306 = arith.shli %parallel_loop3A_303, %parallel_loop3A_305 : vector<16xi32>
      %parallel_loop3A_307 = arith.constant 15 : i32
      %parallel_loop3A_308 = vector.broadcast %parallel_loop3A_307 : i32 to vector<16xi32>
      %parallel_loop3A_309 = arith.shrui %parallel_loop3A_291, %parallel_loop3A_308 : vector<16xi32>
      %parallel_loop3A_310 = arith.addi %parallel_loop3A_306, %parallel_loop3A_309 : vector<16xi32>
      %parallel_loop3A_311 = arith.addi %parallel_loop3A_286, %parallel_loop3A_310 : vector<16xi32>
      %parallel_loop3A_312 = vector.broadcast %parallel_loop3A_128 : i32 to vector<16xi32>
      %parallel_loop3A_313 = arith.andi %parallel_loop3A_311, %parallel_loop3A_312 : vector<16xi32>
      %parallel_loop3A_314 = arith.constant 31 : i32
      %parallel_loop3A_315 = vector.broadcast %parallel_loop3A_314 : i32 to vector<16xi32>
      %parallel_loop3A_316 = arith.shrui %parallel_loop3A_311, %parallel_loop3A_315 : vector<16xi32>
      %parallel_loop3A_317 = arith.addi %parallel_loop3A_313, %parallel_loop3A_316 : vector<16xi32>
      %parallel_loop3A_318 = vector.broadcast %parallel_loop3A_128 : i32 to vector<16xi32>
      %parallel_loop3A_319 = arith.cmpi uge, %parallel_loop3A_317, %parallel_loop3A_318 : vector<16xi32>
      %parallel_loop3A_320 = vector.broadcast %parallel_loop3A_128 : i32 to vector<16xi32>
      %parallel_loop3A_321 = arith.subi %parallel_loop3A_317, %parallel_loop3A_320 : vector<16xi32>
      %parallel_loop3A_322 = arith.select %parallel_loop3A_319, %parallel_loop3A_321, %parallel_loop3A_317 : vector<16xi1>, vector<16xi32>
      %parallel_loop3A_323 = vector.bitcast %parallel_loop3A_322 : vector<16xi32> to vector<16xi32>
      %parallel_loop3A_324 = arith.sitofp %parallel_loop3A_323 : vector<16xi32> to vector<16xf32>
      %parallel_loop3A_325 = vector.broadcast %parallel_loop3A_129 : f32 to vector<16xf32>
      %parallel_loop3A_326 = arith.mulf %parallel_loop3A_324, %parallel_loop3A_325 : vector<16xf32>
      %parallel_loop3A_327 = arith.fptosi %parallel_loop3A_326 : vector<16xf32> to vector<16xi32>
      %parallel_loop3A_328 = vector.broadcast %parallel_loop3A_130 : i32 to vector<16xi32>
      %parallel_loop3A_329 = arith.muli %parallel_loop3A_327, %parallel_loop3A_328 : vector<16xi32>
      %parallel_loop3A_330 = arith.subi %parallel_loop3A_323, %parallel_loop3A_329 : vector<16xi32>
      %parallel_loop3A_331 = arith.constant 0 : i32
      %parallel_loop3A_332 = vector.broadcast %parallel_loop3A_331 : i32 to vector<16xi32>
      %parallel_loop3A_333 = arith.cmpi slt, %parallel_loop3A_330, %parallel_loop3A_332 : vector<16xi32>
      %parallel_loop3A_334 = vector.broadcast %parallel_loop3A_130 : i32 to vector<16xi32>
      %parallel_loop3A_335 = arith.addi %parallel_loop3A_330, %parallel_loop3A_334 : vector<16xi32>
      %parallel_loop3A_336 = arith.select %parallel_loop3A_333, %parallel_loop3A_335, %parallel_loop3A_330 : vector<16xi1>, vector<16xi32>
      %parallel_loop3A_337 = vector.broadcast %parallel_loop3A_130 : i32 to vector<16xi32>
      %parallel_loop3A_338 = arith.cmpi sge, %parallel_loop3A_336, %parallel_loop3A_337 : vector<16xi32>
      %parallel_loop3A_339 = vector.broadcast %parallel_loop3A_130 : i32 to vector<16xi32>
      %parallel_loop3A_340 = arith.subi %parallel_loop3A_336, %parallel_loop3A_339 : vector<16xi32>
      %parallel_loop3A_341 = arith.select %parallel_loop3A_338, %parallel_loop3A_340, %parallel_loop3A_336 : vector<16xi1>, vector<16xi32>
      %parallel_loop3A_342 = arith.constant 1 : i32
      %parallel_loop3A_343 = vector.broadcast %parallel_loop3A_342 : i32 to vector<16xi32>
      %parallel_loop3A_344 = arith.addi %parallel_loop3A_341, %parallel_loop3A_343 : vector<16xi32>
      %parallel_loop3A_345 = arith.constant 0 : i32
      %parallel_loop3A_346 = vector.broadcast %parallel_loop3A_345 : i32 to vector<16xi32>
      %parallel_loop3A_347 = arith.cmpi ne, %parallel_loop3A_254, %parallel_loop3A_346 : vector<16xi32>
      %parallel_loop3A_348 = tpu.all_reduce %parallel_loop3A_347 {dim = 0 : i64, kind = #tpu.reduction_kind<sum>} : vector<16xi1> -> vector<16xi32>
      %parallel_loop3A_349 = arith.addi %parallel_loop3A_241, %parallel_loop3A_348 : vector<16xi32>
      tpu.vector_store_idx %arg7[%parallel_loop3A_136, %min3A_22], %parallel_loop3A_344 : memref<64x400xi32, #tpu.memory_space<vmem>>[vector<16xi32>, vector<16xi32>], vector<16xi32>,
      %parallel_loop3A_350 = arith.constant 1 : i32
      %parallel_loop3A_351 = vector.broadcast %parallel_loop3A_350 : i32 to vector<16xi32>
      %parallel_loop3A_352 = arith.addi %min3A_22, %parallel_loop3A_351 : vector<16xi32>
      tpu.vector_store_idx %arg7[%parallel_loop3A_136, %parallel_loop3A_352], %mul3A_5 : memref<64x400xi32, #tpu.memory_space<vmem>>[vector<16xi32>, vector<16xi32>], vector<16xi32>,
      %parallel_loop3A_353 = arith.constant 32 : index
      %parallel_loop3A_354 = tpu.vector_load %arg8[%parallel_loop3A_353] {strides = array<i32>} : memref<208xi32, #tpu.memory_space<vmem>>, vector<16xi32>,
      %parallel_loop3A_355 = vector.bitcast %parallel_loop3A_354 : vector<16xi32> to vector<16xi32>
      %parallel_loop3A_356 = arith.constant 32 : index
      %parallel_loop3A_357 = tpu.vector_load %arg9[%parallel_loop3A_356] {strides = array<i32>} : memref<208xi32, #tpu.memory_space<vmem>>, vector<16xi32>,
      %parallel_loop3A_358 = vector.bitcast %parallel_loop3A_357 : vector<16xi32> to vector<16xi32>
      %parallel_loop3A_359 = arith.constant 32 : i32
      %parallel_loop3A_360 = arith.addi %parallel_loop3A_135, %parallel_loop3A_359 : i32
      %parallel_loop3A_361 = arith.index_cast %parallel_loop3A_360 : i32 to index
      %parallel_loop3A_362 = tpu.vector_load %arg6[%parallel_loop3A_361] {strides = array<i32>} : memref<13312xi32, #tpu.memory_space<vmem>>, vector<16xi32>,
      %parallel_loop3A_363 = vector.bitcast %parallel_loop3A_362 : vector<16xi32> to vector<16xi32>
      %parallel_loop3A_364 = vector.broadcast %parallel_loop3A_124 : i32 to vector<16xi32>
      %parallel_loop3A_365 = arith.andi %parallel_loop3A_363, %parallel_loop3A_364 : vector<16xi32>
      %parallel_loop3A_366 = arith.constant 16 : i32
      %parallel_loop3A_367 = vector.broadcast %parallel_loop3A_366 : i32 to vector<16xi32>
      %parallel_loop3A_368 = arith.shrui %parallel_loop3A_363, %parallel_loop3A_367 : vector<16xi32>
      %parallel_loop3A_369 = arith.muli %parallel_loop3A_355, %parallel_loop3A_365 : vector<16xi32>
      %parallel_loop3A_370 = arith.muli %parallel_loop3A_358, %parallel_loop3A_365 : vector<16xi32>
      %parallel_loop3A_371 = arith.muli %parallel_loop3A_355, %parallel_loop3A_368 : vector<16xi32>
      %parallel_loop3A_372 = arith.muli %parallel_loop3A_358, %parallel_loop3A_368 : vector<16xi32>
      %parallel_loop3A_373 = vector.broadcast %parallel_loop3A_124 : i32 to vector<16xi32>
      %parallel_loop3A_374 = arith.andi %parallel_loop3A_369, %parallel_loop3A_373 : vector<16xi32>
      %parallel_loop3A_375 = arith.constant 16 : i32
      %parallel_loop3A_376 = vector.broadcast %parallel_loop3A_375 : i32 to vector<16xi32>
      %parallel_loop3A_377 = arith.shrui %parallel_loop3A_370, %parallel_loop3A_376 : vector<16xi32>
      %parallel_loop3A_378 = arith.addi %parallel_loop3A_377, %parallel_loop3A_372 : vector<16xi32>
      %parallel_loop3A_379 = arith.constant 2 : i32
      %parallel_loop3A_380 = vector.broadcast %parallel_loop3A_379 : i32 to vector<16xi32>
      %parallel_loop3A_381 = arith.muli %parallel_loop3A_378, %parallel_loop3A_380 : vector<16xi32>
      %parallel_loop3A_382 = arith.addi %parallel_loop3A_374, %parallel_loop3A_381 : vector<16xi32>
      %parallel_loop3A_383 = arith.constant 16 : i32
      %parallel_loop3A_384 = vector.broadcast %parallel_loop3A_383 : i32 to vector<16xi32>
      %parallel_loop3A_385 = arith.shrui %parallel_loop3A_369, %parallel_loop3A_384 : vector<16xi32>
      %parallel_loop3A_386 = vector.broadcast %parallel_loop3A_124 : i32 to vector<16xi32>
      %parallel_loop3A_387 = arith.andi %parallel_loop3A_370, %parallel_loop3A_386 : vector<16xi32>
      %parallel_loop3A_388 = arith.addi %parallel_loop3A_385, %parallel_loop3A_387 : vector<16xi32>
      %parallel_loop3A_389 = arith.addi %parallel_loop3A_388, %parallel_loop3A_371 : vector<16xi32>
      %parallel_loop3A_390 = arith.constant true
      %parallel_loop3A_391 = vector.broadcast %parallel_loop3A_390 : i1 to vector<16xi1>
      %parallel_loop3A_392 = tpu.scan <sum>, %parallel_loop3A_382 masked %parallel_loop3A_391 : vector<16xi32>, vector<16xi1> -> vector<16xi32>
      %parallel_loop3A_393 = vector.broadcast %parallel_loop3A_296 : i32 to vector<16xi32>
      %parallel_loop3A_394 = arith.addi %parallel_loop3A_392, %parallel_loop3A_393 : vector<16xi32>
      %parallel_loop3A_395 = arith.constant true
      %parallel_loop3A_396 = vector.broadcast %parallel_loop3A_395 : i1 to vector<16xi1>
      %parallel_loop3A_397 = tpu.scan <sum>, %parallel_loop3A_389 masked %parallel_loop3A_396 : vector<16xi32>, vector<16xi1> -> vector<16xi32>
      %parallel_loop3A_398 = vector.broadcast %parallel_loop3A_301 : i32 to vector<16xi32>
      %parallel_loop3A_399 = arith.addi %parallel_loop3A_397, %parallel_loop3A_398 : vector<16xi32>
      %parallel_loop3A_400 = arith.constant true
      %parallel_loop3A_401 = vector.broadcast %parallel_loop3A_400 : i1 to vector<16xi1>
      %parallel_loop3A_402 = tpu.scan <sum>, %parallel_loop3A_382 masked %parallel_loop3A_401 : vector<16xi32>, vector<16xi1> -> vector<16xi32>
      %parallel_loop3A_403 = vector.extract %parallel_loop3A_402[15] : i32 from vector<16xi32>
      %parallel_loop3A_404 = arith.addi %parallel_loop3A_296, %parallel_loop3A_403 : i32
      %parallel_loop3A_405 = arith.constant true
      %parallel_loop3A_406 = vector.broadcast %parallel_loop3A_405 : i1 to vector<16xi1>
      %parallel_loop3A_407 = tpu.scan <sum>, %parallel_loop3A_389 masked %parallel_loop3A_406 : vector<16xi32>, vector<16xi1> -> vector<16xi32>
      %parallel_loop3A_408 = vector.extract %parallel_loop3A_407[15] : i32 from vector<16xi32>
      %parallel_loop3A_409 = arith.addi %parallel_loop3A_301, %parallel_loop3A_408 : i32
      %parallel_loop3A_410 = vector.broadcast %parallel_loop3A_127 : i32 to vector<16xi32>
      %parallel_loop3A_411 = arith.andi %parallel_loop3A_399, %parallel_loop3A_410 : vector<16xi32>
      %parallel_loop3A_412 = arith.constant 16 : i32
      %parallel_loop3A_413 = vector.broadcast %parallel_loop3A_412 : i32 to vector<16xi32>
      %parallel_loop3A_414 = arith.shli %parallel_loop3A_411, %parallel_loop3A_413 : vector<16xi32>
      %parallel_loop3A_415 = arith.constant 15 : i32
      %parallel_loop3A_416 = vector.broadcast %parallel_loop3A_415 : i32 to vector<16xi32>
      %parallel_loop3A_417 = arith.shrui %parallel_loop3A_399, %parallel_loop3A_416 : vector<16xi32>
      %parallel_loop3A_418 = arith.addi %parallel_loop3A_414, %parallel_loop3A_417 : vector<16xi32>
      %parallel_loop3A_419 = arith.addi %parallel_loop3A_394, %parallel_loop3A_418 : vector<16xi32>
      %parallel_loop3A_420 = vector.broadcast %parallel_loop3A_128 : i32 to vector<16xi32>
      %parallel_loop3A_421 = arith.andi %parallel_loop3A_419, %parallel_loop3A_420 : vector<16xi32>
      %parallel_loop3A_422 = arith.constant 31 : i32
      %parallel_loop3A_423 = vector.broadcast %parallel_loop3A_422 : i32 to vector<16xi32>
      %parallel_loop3A_424 = arith.shrui %parallel_loop3A_419, %parallel_loop3A_423 : vector<16xi32>
      %parallel_loop3A_425 = arith.addi %parallel_loop3A_421, %parallel_loop3A_424 : vector<16xi32>
      %parallel_loop3A_426 = vector.broadcast %parallel_loop3A_128 : i32 to vector<16xi32>
      %parallel_loop3A_427 = arith.cmpi uge, %parallel_loop3A_425, %parallel_loop3A_426 : vector<16xi32>
      %parallel_loop3A_428 = vector.broadcast %parallel_loop3A_128 : i32 to vector<16xi32>
      %parallel_loop3A_429 = arith.subi %parallel_loop3A_425, %parallel_loop3A_428 : vector<16xi32>
      %parallel_loop3A_430 = arith.select %parallel_loop3A_427, %parallel_loop3A_429, %parallel_loop3A_425 : vector<16xi1>, vector<16xi32>
      %parallel_loop3A_431 = vector.bitcast %parallel_loop3A_430 : vector<16xi32> to vector<16xi32>
      %parallel_loop3A_432 = arith.sitofp %parallel_loop3A_431 : vector<16xi32> to vector<16xf32>
      %parallel_loop3A_433 = vector.broadcast %parallel_loop3A_129 : f32 to vector<16xf32>
      %parallel_loop3A_434 = arith.mulf %parallel_loop3A_432, %parallel_loop3A_433 : vector<16xf32>
      %parallel_loop3A_435 = arith.fptosi %parallel_loop3A_434 : vector<16xf32> to vector<16xi32>
      %parallel_loop3A_436 = vector.broadcast %parallel_loop3A_130 : i32 to vector<16xi32>
      %parallel_loop3A_437 = arith.muli %parallel_loop3A_435, %parallel_loop3A_436 : vector<16xi32>
      %parallel_loop3A_438 = arith.subi %parallel_loop3A_431, %parallel_loop3A_437 : vector<16xi32>
      %parallel_loop3A_439 = arith.constant 0 : i32
      %parallel_loop3A_440 = vector.broadcast %parallel_loop3A_439 : i32 to vector<16xi32>
      %parallel_loop3A_441 = arith.cmpi slt, %parallel_loop3A_438, %parallel_loop3A_440 : vector<16xi32>
      %parallel_loop3A_442 = vector.broadcast %parallel_loop3A_130 : i32 to vector<16xi32>
      %parallel_loop3A_443 = arith.addi %parallel_loop3A_438, %parallel_loop3A_442 : vector<16xi32>
      %parallel_loop3A_444 = arith.select %parallel_loop3A_441, %parallel_loop3A_443, %parallel_loop3A_438 : vector<16xi1>, vector<16xi32>
      %parallel_loop3A_445 = vector.broadcast %parallel_loop3A_130 : i32 to vector<16xi32>
      %parallel_loop3A_446 = arith.cmpi sge, %parallel_loop3A_444, %parallel_loop3A_445 : vector<16xi32>
      %parallel_loop3A_447 = vector.broadcast %parallel_loop3A_130 : i32 to vector<16xi32>
      %parallel_loop3A_448 = arith.subi %parallel_loop3A_444, %parallel_loop3A_447 : vector<16xi32>
      %parallel_loop3A_449 = arith.select %parallel_loop3A_446, %parallel_loop3A_448, %parallel_loop3A_444 : vector<16xi1>, vector<16xi32>
      %parallel_loop3A_450 = arith.constant 1 : i32
      %parallel_loop3A_451 = vector.broadcast %parallel_loop3A_450 : i32 to vector<16xi32>
      %parallel_loop3A_452 = arith.addi %parallel_loop3A_449, %parallel_loop3A_451 : vector<16xi32>
      %parallel_loop3A_453 = arith.constant 0 : i32
      %parallel_loop3A_454 = vector.broadcast %parallel_loop3A_453 : i32 to vector<16xi32>
      %parallel_loop3A_455 = arith.cmpi ne, %parallel_loop3A_362, %parallel_loop3A_454 : vector<16xi32>
      %parallel_loop3A_456 = tpu.all_reduce %parallel_loop3A_455 {dim = 0 : i64, kind = #tpu.reduction_kind<sum>} : vector<16xi1> -> vector<16xi32>
      %parallel_loop3A_457 = arith.addi %parallel_loop3A_349, %parallel_loop3A_456 : vector<16xi32>
      tpu.vector_store_idx %arg7[%parallel_loop3A_136, %min3A_31], %parallel_loop3A_452 : memref<64x400xi32, #tpu.memory_space<vmem>>[vector<16xi32>, vector<16xi32>], vector<16xi32>,
      %parallel_loop3A_458 = arith.constant 1 : i32
      %parallel_loop3A_459 = vector.broadcast %parallel_loop3A_458 : i32 to vector<16xi32>
      %parallel_loop3A_460 = arith.addi %min3A_31, %parallel_loop3A_459 : vector<16xi32>
      tpu.vector_store_idx %arg7[%parallel_loop3A_136, %parallel_loop3A_460], %mul3A_5 : memref<64x400xi32, #tpu.memory_space<vmem>>[vector<16xi32>, vector<16xi32>], vector<16xi32>,
      %parallel_loop3A_461 = arith.constant 48 : index
      %parallel_loop3A_462 = tpu.vector_load %arg8[%parallel_loop3A_461] {strides = array<i32>} : memref<208xi32, #tpu.memory_space<vmem>>, vector<16xi32>,
      %parallel_loop3A_463 = vector.bitcast %parallel_loop3A_462 : vector<16xi32> to vector<16xi32>
      %parallel_loop3A_464 = arith.constant 48 : index
      %parallel_loop3A_465 = tpu.vector_load %arg9[%parallel_loop3A_464] {strides = array<i32>} : memref<208xi32, #tpu.memory_space<vmem>>, vector<16xi32>,
      %parallel_loop3A_466 = vector.bitcast %parallel_loop3A_465 : vector<16xi32> to vector<16xi32>
      %parallel_loop3A_467 = arith.constant 48 : i32
      %parallel_loop3A_468 = arith.addi %parallel_loop3A_135, %parallel_loop3A_467 : i32
      %parallel_loop3A_469 = arith.index_cast %parallel_loop3A_468 : i32 to index
      %parallel_loop3A_470 = tpu.vector_load %arg6[%parallel_loop3A_469] {strides = array<i32>} : memref<13312xi32, #tpu.memory_space<vmem>>, vector<16xi32>,
      %parallel_loop3A_471 = vector.bitcast %parallel_loop3A_470 : vector<16xi32> to vector<16xi32>
      %parallel_loop3A_472 = vector.broadcast %parallel_loop3A_124 : i32 to vector<16xi32>
      %parallel_loop3A_473 = arith.andi %parallel_loop3A_471, %parallel_loop3A_472 : vector<16xi32>
      %parallel_loop3A_474 = arith.constant 16 : i32
      %parallel_loop3A_475 = vector.broadcast %parallel_loop3A_474 : i32 to vector<16xi32>
      %parallel_loop3A_476 = arith.shrui %parallel_loop3A_471, %parallel_loop3A_475 : vector<16xi32>
      %parallel_loop3A_477 = arith.muli %parallel_loop3A_463, %parallel_loop3A_473 : vector<16xi32>
      %parallel_loop3A_478 = arith.muli %parallel_loop3A_466, %parallel_loop3A_473 : vector<16xi32>
      %parallel_loop3A_479 = arith.muli %parallel_loop3A_463, %parallel_loop3A_476 : vector<16xi32>
      %parallel_loop3A_480 = arith.muli %parallel_loop3A_466, %parallel_loop3A_476 : vector<16xi32>
      %parallel_loop3A_481 = vector.broadcast %parallel_loop3A_124 : i32 to vector<16xi32>
      %parallel_loop3A_482 = arith.andi %parallel_loop3A_477, %parallel_loop3A_481 : vector<16xi32>
      %parallel_loop3A_483 = arith.constant 16 : i32
      %parallel_loop3A_484 = vector.broadcast %parallel_loop3A_483 : i32 to vector<16xi32>
      %parallel_loop3A_485 = arith.shrui %parallel_loop3A_478, %parallel_loop3A_484 : vector<16xi32>
      %parallel_loop3A_486 = arith.addi %parallel_loop3A_485, %parallel_loop3A_480 : vector<16xi32>
      %parallel_loop3A_487 = arith.constant 2 : i32
      %parallel_loop3A_488 = vector.broadcast %parallel_loop3A_487 : i32 to vector<16xi32>
      %parallel_loop3A_489 = arith.muli %parallel_loop3A_486, %parallel_loop3A_488 : vector<16xi32>
      %parallel_loop3A_490 = arith.addi %parallel_loop3A_482, %parallel_loop3A_489 : vector<16xi32>
      %parallel_loop3A_491 = arith.constant 16 : i32
      %parallel_loop3A_492 = vector.broadcast %parallel_loop3A_491 : i32 to vector<16xi32>
      %parallel_loop3A_493 = arith.shrui %parallel_loop3A_477, %parallel_loop3A_492 : vector<16xi32>
      %parallel_loop3A_494 = vector.broadcast %parallel_loop3A_124 : i32 to vector<16xi32>
      %parallel_loop3A_495 = arith.andi %parallel_loop3A_478, %parallel_loop3A_494 : vector<16xi32>
      %parallel_loop3A_496 = arith.addi %parallel_loop3A_493, %parallel_loop3A_495 : vector<16xi32>
      %parallel_loop3A_497 = arith.addi %parallel_loop3A_496, %parallel_loop3A_479 : vector<16xi32>
      %parallel_loop3A_498 = arith.constant true
      %parallel_loop3A_499 = vector.broadcast %parallel_loop3A_498 : i1 to vector<16xi1>
      %parallel_loop3A_500 = tpu.scan <sum>, %parallel_loop3A_490 masked %parallel_loop3A_499 : vector<16xi32>, vector<16xi1> -> vector<16xi32>
      %parallel_loop3A_501 = vector.broadcast %parallel_loop3A_404 : i32 to vector<16xi32>
      %parallel_loop3A_502 = arith.addi %parallel_loop3A_500, %parallel_loop3A_501 : vector<16xi32>
      %parallel_loop3A_503 = arith.constant true
      %parallel_loop3A_504 = vector.broadcast %parallel_loop3A_503 : i1 to vector<16xi1>
      %parallel_loop3A_505 = tpu.scan <sum>, %parallel_loop3A_497 masked %parallel_loop3A_504 : vector<16xi32>, vector<16xi1> -> vector<16xi32>
      %parallel_loop3A_506 = vector.broadcast %parallel_loop3A_409 : i32 to vector<16xi32>
      %parallel_loop3A_507 = arith.addi %parallel_loop3A_505, %parallel_loop3A_506 : vector<16xi32>
      %parallel_loop3A_508 = arith.constant true
      %parallel_loop3A_509 = vector.broadcast %parallel_loop3A_508 : i1 to vector<16xi1>
      %parallel_loop3A_510 = tpu.scan <sum>, %parallel_loop3A_490 masked %parallel_loop3A_509 : vector<16xi32>, vector<16xi1> -> vector<16xi32>
      %parallel_loop3A_511 = vector.extract %parallel_loop3A_510[15] : i32 from vector<16xi32>
      %parallel_loop3A_512 = arith.addi %parallel_loop3A_404, %parallel_loop3A_511 : i32
      %parallel_loop3A_513 = arith.constant true
      %parallel_loop3A_514 = vector.broadcast %parallel_loop3A_513 : i1 to vector<16xi1>
      %parallel_loop3A_515 = tpu.scan <sum>, %parallel_loop3A_497 masked %parallel_loop3A_514 : vector<16xi32>, vector<16xi1> -> vector<16xi32>
      %parallel_loop3A_516 = vector.extract %parallel_loop3A_515[15] : i32 from vector<16xi32>
      %parallel_loop3A_517 = arith.addi %parallel_loop3A_409, %parallel_loop3A_516 : i32
      %parallel_loop3A_518 = vector.broadcast %parallel_loop3A_127 : i32 to vector<16xi32>
      %parallel_loop3A_519 = arith.andi %parallel_loop3A_507, %parallel_loop3A_518 : vector<16xi32>
      %parallel_loop3A_520 = arith.constant 16 : i32
      %parallel_loop3A_521 = vector.broadcast %parallel_loop3A_520 : i32 to vector<16xi32>
      %parallel_loop3A_522 = arith.shli %parallel_loop3A_519, %parallel_loop3A_521 : vector<16xi32>
      %parallel_loop3A_523 = arith.constant 15 : i32
      %parallel_loop3A_524 = vector.broadcast %parallel_loop3A_523 : i32 to vector<16xi32>
      %parallel_loop3A_525 = arith.shrui %parallel_loop3A_507, %parallel_loop3A_524 : vector<16xi32>
      %parallel_loop3A_526 = arith.addi %parallel_loop3A_522, %parallel_loop3A_525 : vector<16xi32>
      %parallel_loop3A_527 = arith.addi %parallel_loop3A_502, %parallel_loop3A_526 : vector<16xi32>
      %parallel_loop3A_528 = vector.broadcast %parallel_loop3A_128 : i32 to vector<16xi32>
      %parallel_loop3A_529 = arith.andi %parallel_loop3A_527, %parallel_loop3A_528 : vector<16xi32>
      %parallel_loop3A_530 = arith.constant 31 : i32
      %parallel_loop3A_531 = vector.broadcast %parallel_loop3A_530 : i32 to vector<16xi32>
      %parallel_loop3A_532 = arith.shrui %parallel_loop3A_527, %parallel_loop3A_531 : vector<16xi32>
      %parallel_loop3A_533 = arith.addi %parallel_loop3A_529, %parallel_loop3A_532 : vector<16xi32>
      %parallel_loop3A_534 = vector.broadcast %parallel_loop3A_128 : i32 to vector<16xi32>
      %parallel_loop3A_535 = arith.cmpi uge, %parallel_loop3A_533, %parallel_loop3A_534 : vector<16xi32>
      %parallel_loop3A_536 = vector.broadcast %parallel_loop3A_128 : i32 to vector<16xi32>
      %parallel_loop3A_537 = arith.subi %parallel_loop3A_533, %parallel_loop3A_536 : vector<16xi32>
      %parallel_loop3A_538 = arith.select %parallel_loop3A_535, %parallel_loop3A_537, %parallel_loop3A_533 : vector<16xi1>, vector<16xi32>
      %parallel_loop3A_539 = vector.bitcast %parallel_loop3A_538 : vector<16xi32> to vector<16xi32>
      %parallel_loop3A_540 = arith.sitofp %parallel_loop3A_539 : vector<16xi32> to vector<16xf32>
      %parallel_loop3A_541 = vector.broadcast %parallel_loop3A_129 : f32 to vector<16xf32>
      %parallel_loop3A_542 = arith.mulf %parallel_loop3A_540, %parallel_loop3A_541 : vector<16xf32>
      %parallel_loop3A_543 = arith.fptosi %parallel_loop3A_542 : vector<16xf32> to vector<16xi32>
      %parallel_loop3A_544 = vector.broadcast %parallel_loop3A_130 : i32 to vector<16xi32>
      %parallel_loop3A_545 = arith.muli %parallel_loop3A_543, %parallel_loop3A_544 : vector<16xi32>
      %parallel_loop3A_546 = arith.subi %parallel_loop3A_539, %parallel_loop3A_545 : vector<16xi32>
      %parallel_loop3A_547 = arith.constant 0 : i32
      %parallel_loop3A_548 = vector.broadcast %parallel_loop3A_547 : i32 to vector<16xi32>
      %parallel_loop3A_549 = arith.cmpi slt, %parallel_loop3A_546, %parallel_loop3A_548 : vector<16xi32>
      %parallel_loop3A_550 = vector.broadcast %parallel_loop3A_130 : i32 to vector<16xi32>
      %parallel_loop3A_551 = arith.addi %parallel_loop3A_546, %parallel_loop3A_550 : vector<16xi32>
      %parallel_loop3A_552 = arith.select %parallel_loop3A_549, %parallel_loop3A_551, %parallel_loop3A_546 : vector<16xi1>, vector<16xi32>
      %parallel_loop3A_553 = vector.broadcast %parallel_loop3A_130 : i32 to vector<16xi32>
      %parallel_loop3A_554 = arith.cmpi sge, %parallel_loop3A_552, %parallel_loop3A_553 : vector<16xi32>
      %parallel_loop3A_555 = vector.broadcast %parallel_loop3A_130 : i32 to vector<16xi32>
      %parallel_loop3A_556 = arith.subi %parallel_loop3A_552, %parallel_loop3A_555 : vector<16xi32>
      %parallel_loop3A_557 = arith.select %parallel_loop3A_554, %parallel_loop3A_556, %parallel_loop3A_552 : vector<16xi1>, vector<16xi32>
      %parallel_loop3A_558 = arith.constant 1 : i32
      %parallel_loop3A_559 = vector.broadcast %parallel_loop3A_558 : i32 to vector<16xi32>
      %parallel_loop3A_560 = arith.addi %parallel_loop3A_557, %parallel_loop3A_559 : vector<16xi32>
      %parallel_loop3A_561 = arith.constant 0 : i32
      %parallel_loop3A_562 = vector.broadcast %parallel_loop3A_561 : i32 to vector<16xi32>
      %parallel_loop3A_563 = arith.cmpi ne, %parallel_loop3A_470, %parallel_loop3A_562 : vector<16xi32>
      %parallel_loop3A_564 = tpu.all_reduce %parallel_loop3A_563 {dim = 0 : i64, kind = #tpu.reduction_kind<sum>} : vector<16xi1> -> vector<16xi32>
      %parallel_loop3A_565 = arith.addi %parallel_loop3A_457, %parallel_loop3A_564 : vector<16xi32>
      tpu.vector_store_idx %arg7[%parallel_loop3A_136, %min3A_40], %parallel_loop3A_560 : memref<64x400xi32, #tpu.memory_space<vmem>>[vector<16xi32>, vector<16xi32>], vector<16xi32>,
      %parallel_loop3A_566 = arith.constant 1 : i32
      %parallel_loop3A_567 = vector.broadcast %parallel_loop3A_566 : i32 to vector<16xi32>
      %parallel_loop3A_568 = arith.addi %min3A_40, %parallel_loop3A_567 : vector<16xi32>
      tpu.vector_store_idx %arg7[%parallel_loop3A_136, %parallel_loop3A_568], %mul3A_5 : memref<64x400xi32, #tpu.memory_space<vmem>>[vector<16xi32>, vector<16xi32>], vector<16xi32>,
      %parallel_loop3A_569 = arith.constant 64 : index
      %parallel_loop3A_570 = tpu.vector_load %arg8[%parallel_loop3A_569] {strides = array<i32>} : memref<208xi32, #tpu.memory_space<vmem>>, vector<16xi32>,
      %parallel_loop3A_571 = vector.bitcast %parallel_loop3A_570 : vector<16xi32> to vector<16xi32>
      %parallel_loop3A_572 = arith.constant 64 : index
      %parallel_loop3A_573 = tpu.vector_load %arg9[%parallel_loop3A_572] {strides = array<i32>} : memref<208xi32, #tpu.memory_space<vmem>>, vector<16xi32>,
      %parallel_loop3A_574 = vector.bitcast %parallel_loop3A_573 : vector<16xi32> to vector<16xi32>
      %parallel_loop3A_575 = arith.constant 64 : i32
      %parallel_loop3A_576 = arith.addi %parallel_loop3A_135, %parallel_loop3A_575 : i32
      %parallel_loop3A_577 = arith.index_cast %parallel_loop3A_576 : i32 to index
      %parallel_loop3A_578 = tpu.vector_load %arg6[%parallel_loop3A_577] {strides = array<i32>} : memref<13312xi32, #tpu.memory_space<vmem>>, vector<16xi32>,
      %parallel_loop3A_579 = vector.bitcast %parallel_loop3A_578 : vector<16xi32> to vector<16xi32>
      %parallel_loop3A_580 = vector.broadcast %parallel_loop3A_124 : i32 to vector<16xi32>
      %parallel_loop3A_581 = arith.andi %parallel_loop3A_579, %parallel_loop3A_580 : vector<16xi32>
      %parallel_loop3A_582 = arith.constant 16 : i32
      %parallel_loop3A_583 = vector.broadcast %parallel_loop3A_582 : i32 to vector<16xi32>
      %parallel_loop3A_584 = arith.shrui %parallel_loop3A_579, %parallel_loop3A_583 : vector<16xi32>
      %parallel_loop3A_585 = arith.muli %parallel_loop3A_571, %parallel_loop3A_581 : vector<16xi32>
      %parallel_loop3A_586 = arith.muli %parallel_loop3A_574, %parallel_loop3A_581 : vector<16xi32>
      %parallel_loop3A_587 = arith.muli %parallel_loop3A_571, %parallel_loop3A_584 : vector<16xi32>
      %parallel_loop3A_588 = arith.muli %parallel_loop3A_574, %parallel_loop3A_584 : vector<16xi32>
      %parallel_loop3A_589 = vector.broadcast %parallel_loop3A_124 : i32 to vector<16xi32>
      %parallel_loop3A_590 = arith.andi %parallel_loop3A_585, %parallel_loop3A_589 : vector<16xi32>
      %parallel_loop3A_591 = arith.constant 16 : i32
      %parallel_loop3A_592 = vector.broadcast %parallel_loop3A_591 : i32 to vector<16xi32>
      %parallel_loop3A_593 = arith.shrui %parallel_loop3A_586, %parallel_loop3A_592 : vector<16xi32>
      %parallel_loop3A_594 = arith.addi %parallel_loop3A_593, %parallel_loop3A_588 : vector<16xi32>
      %parallel_loop3A_595 = arith.constant 2 : i32
      %parallel_loop3A_596 = vector.broadcast %parallel_loop3A_595 : i32 to vector<16xi32>
      %parallel_loop3A_597 = arith.muli %parallel_loop3A_594, %parallel_loop3A_596 : vector<16xi32>
      %parallel_loop3A_598 = arith.addi %parallel_loop3A_590, %parallel_loop3A_597 : vector<16xi32>
      %parallel_loop3A_599 = arith.constant 16 : i32
      %parallel_loop3A_600 = vector.broadcast %parallel_loop3A_599 : i32 to vector<16xi32>
      %parallel_loop3A_601 = arith.shrui %parallel_loop3A_585, %parallel_loop3A_600 : vector<16xi32>
      %parallel_loop3A_602 = vector.broadcast %parallel_loop3A_124 : i32 to vector<16xi32>
      %parallel_loop3A_603 = arith.andi %parallel_loop3A_586, %parallel_loop3A_602 : vector<16xi32>
      %parallel_loop3A_604 = arith.addi %parallel_loop3A_601, %parallel_loop3A_603 : vector<16xi32>
      %parallel_loop3A_605 = arith.addi %parallel_loop3A_604, %parallel_loop3A_587 : vector<16xi32>
      %parallel_loop3A_606 = arith.constant true
      %parallel_loop3A_607 = vector.broadcast %parallel_loop3A_606 : i1 to vector<16xi1>
      %parallel_loop3A_608 = tpu.scan <sum>, %parallel_loop3A_598 masked %parallel_loop3A_607 : vector<16xi32>, vector<16xi1> -> vector<16xi32>
      %parallel_loop3A_609 = vector.broadcast %parallel_loop3A_512 : i32 to vector<16xi32>
      %parallel_loop3A_610 = arith.addi %parallel_loop3A_608, %parallel_loop3A_609 : vector<16xi32>
      %parallel_loop3A_611 = arith.constant true
      %parallel_loop3A_612 = vector.broadcast %parallel_loop3A_611 : i1 to vector<16xi1>
      %parallel_loop3A_613 = tpu.scan <sum>, %parallel_loop3A_605 masked %parallel_loop3A_612 : vector<16xi32>, vector<16xi1> -> vector<16xi32>
      %parallel_loop3A_614 = vector.broadcast %parallel_loop3A_517 : i32 to vector<16xi32>
      %parallel_loop3A_615 = arith.addi %parallel_loop3A_613, %parallel_loop3A_614 : vector<16xi32>
      %parallel_loop3A_616 = arith.constant true
      %parallel_loop3A_617 = vector.broadcast %parallel_loop3A_616 : i1 to vector<16xi1>
      %parallel_loop3A_618 = tpu.scan <sum>, %parallel_loop3A_598 masked %parallel_loop3A_617 : vector<16xi32>, vector<16xi1> -> vector<16xi32>
      %parallel_loop3A_619 = vector.extract %parallel_loop3A_618[15] : i32 from vector<16xi32>
      %parallel_loop3A_620 = arith.addi %parallel_loop3A_512, %parallel_loop3A_619 : i32
      %parallel_loop3A_621 = arith.constant true
      %parallel_loop3A_622 = vector.broadcast %parallel_loop3A_621 : i1 to vector<16xi1>
      %parallel_loop3A_623 = tpu.scan <sum>, %parallel_loop3A_605 masked %parallel_loop3A_622 : vector<16xi32>, vector<16xi1> -> vector<16xi32>
      %parallel_loop3A_624 = vector.extract %parallel_loop3A_623[15] : i32 from vector<16xi32>
      %parallel_loop3A_625 = arith.addi %parallel_loop3A_517, %parallel_loop3A_624 : i32
      %parallel_loop3A_626 = vector.broadcast %parallel_loop3A_127 : i32 to vector<16xi32>
      %parallel_loop3A_627 = arith.andi %parallel_loop3A_615, %parallel_loop3A_626 : vector<16xi32>
      %parallel_loop3A_628 = arith.constant 16 : i32
      %parallel_loop3A_629 = vector.broadcast %parallel_loop3A_628 : i32 to vector<16xi32>
      %parallel_loop3A_630 = arith.shli %parallel_loop3A_627, %parallel_loop3A_629 : vector<16xi32>
      %parallel_loop3A_631 = arith.constant 15 : i32
      %parallel_loop3A_632 = vector.broadcast %parallel_loop3A_631 : i32 to vector<16xi32>
      %parallel_loop3A_633 = arith.shrui %parallel_loop3A_615, %parallel_loop3A_632 : vector<16xi32>
      %parallel_loop3A_634 = arith.addi %parallel_loop3A_630, %parallel_loop3A_633 : vector<16xi32>
      %parallel_loop3A_635 = arith.addi %parallel_loop3A_610, %parallel_loop3A_634 : vector<16xi32>
      %parallel_loop3A_636 = vector.broadcast %parallel_loop3A_128 : i32 to vector<16xi32>
      %parallel_loop3A_637 = arith.andi %parallel_loop3A_635, %parallel_loop3A_636 : vector<16xi32>
      %parallel_loop3A_638 = arith.constant 31 : i32
      %parallel_loop3A_639 = vector.broadcast %parallel_loop3A_638 : i32 to vector<16xi32>
      %parallel_loop3A_640 = arith.shrui %parallel_loop3A_635, %parallel_loop3A_639 : vector<16xi32>
      %parallel_loop3A_641 = arith.addi %parallel_loop3A_637, %parallel_loop3A_640 : vector<16xi32>
      %parallel_loop3A_642 = vector.broadcast %parallel_loop3A_128 : i32 to vector<16xi32>
      %parallel_loop3A_643 = arith.cmpi uge, %parallel_loop3A_641, %parallel_loop3A_642 : vector<16xi32>
      %parallel_loop3A_644 = vector.broadcast %parallel_loop3A_128 : i32 to vector<16xi32>
      %parallel_loop3A_645 = arith.subi %parallel_loop3A_641, %parallel_loop3A_644 : vector<16xi32>
      %parallel_loop3A_646 = arith.select %parallel_loop3A_643, %parallel_loop3A_645, %parallel_loop3A_641 : vector<16xi1>, vector<16xi32>
      %parallel_loop3A_647 = vector.bitcast %parallel_loop3A_646 : vector<16xi32> to vector<16xi32>
      %parallel_loop3A_648 = arith.sitofp %parallel_loop3A_647 : vector<16xi32> to vector<16xf32>
      %parallel_loop3A_649 = vector.broadcast %parallel_loop3A_129 : f32 to vector<16xf32>
      %parallel_loop3A_650 = arith.mulf %parallel_loop3A_648, %parallel_loop3A_649 : vector<16xf32>
      %parallel_loop3A_651 = arith.fptosi %parallel_loop3A_650 : vector<16xf32> to vector<16xi32>
      %parallel_loop3A_652 = vector.broadcast %parallel_loop3A_130 : i32 to vector<16xi32>
      %parallel_loop3A_653 = arith.muli %parallel_loop3A_651, %parallel_loop3A_652 : vector<16xi32>
      %parallel_loop3A_654 = arith.subi %parallel_loop3A_647, %parallel_loop3A_653 : vector<16xi32>
      %parallel_loop3A_655 = arith.constant 0 : i32
      %parallel_loop3A_656 = vector.broadcast %parallel_loop3A_655 : i32 to vector<16xi32>
      %parallel_loop3A_657 = arith.cmpi slt, %parallel_loop3A_654, %parallel_loop3A_656 : vector<16xi32>
      %parallel_loop3A_658 = vector.broadcast %parallel_loop3A_130 : i32 to vector<16xi32>
      %parallel_loop3A_659 = arith.addi %parallel_loop3A_654, %parallel_loop3A_658 : vector<16xi32>
      %parallel_loop3A_660 = arith.select %parallel_loop3A_657, %parallel_loop3A_659, %parallel_loop3A_654 : vector<16xi1>, vector<16xi32>
      %parallel_loop3A_661 = vector.broadcast %parallel_loop3A_130 : i32 to vector<16xi32>
      %parallel_loop3A_662 = arith.cmpi sge, %parallel_loop3A_660, %parallel_loop3A_661 : vector<16xi32>
      %parallel_loop3A_663 = vector.broadcast %parallel_loop3A_130 : i32 to vector<16xi32>
      %parallel_loop3A_664 = arith.subi %parallel_loop3A_660, %parallel_loop3A_663 : vector<16xi32>
      %parallel_loop3A_665 = arith.select %parallel_loop3A_662, %parallel_loop3A_664, %parallel_loop3A_660 : vector<16xi1>, vector<16xi32>
      %parallel_loop3A_666 = arith.constant 1 : i32
      %parallel_loop3A_667 = vector.broadcast %parallel_loop3A_666 : i32 to vector<16xi32>
      %parallel_loop3A_668 = arith.addi %parallel_loop3A_665, %parallel_loop3A_667 : vector<16xi32>
      %parallel_loop3A_669 = arith.constant 0 : i32
      %parallel_loop3A_670 = vector.broadcast %parallel_loop3A_669 : i32 to vector<16xi32>
      %parallel_loop3A_671 = arith.cmpi ne, %parallel_loop3A_578, %parallel_loop3A_670 : vector<16xi32>
      %parallel_loop3A_672 = tpu.all_reduce %parallel_loop3A_671 {dim = 0 : i64, kind = #tpu.reduction_kind<sum>} : vector<16xi1> -> vector<16xi32>
      %parallel_loop3A_673 = arith.addi %parallel_loop3A_565, %parallel_loop3A_672 : vector<16xi32>
      tpu.vector_store_idx %arg7[%parallel_loop3A_136, %min3A_49], %parallel_loop3A_668 : memref<64x400xi32, #tpu.memory_space<vmem>>[vector<16xi32>, vector<16xi32>], vector<16xi32>,
      %parallel_loop3A_674 = arith.constant 1 : i32
      %parallel_loop3A_675 = vector.broadcast %parallel_loop3A_674 : i32 to vector<16xi32>
      %parallel_loop3A_676 = arith.addi %min3A_49, %parallel_loop3A_675 : vector<16xi32>
      tpu.vector_store_idx %arg7[%parallel_loop3A_136, %parallel_loop3A_676], %mul3A_5 : memref<64x400xi32, #tpu.memory_space<vmem>>[vector<16xi32>, vector<16xi32>], vector<16xi32>,
      %parallel_loop3A_677 = arith.constant 80 : index
      %parallel_loop3A_678 = tpu.vector_load %arg8[%parallel_loop3A_677] {strides = array<i32>} : memref<208xi32, #tpu.memory_space<vmem>>, vector<16xi32>,
      %parallel_loop3A_679 = vector.bitcast %parallel_loop3A_678 : vector<16xi32> to vector<16xi32>
      %parallel_loop3A_680 = arith.constant 80 : index
      %parallel_loop3A_681 = tpu.vector_load %arg9[%parallel_loop3A_680] {strides = array<i32>} : memref<208xi32, #tpu.memory_space<vmem>>, vector<16xi32>,
      %parallel_loop3A_682 = vector.bitcast %parallel_loop3A_681 : vector<16xi32> to vector<16xi32>
      %parallel_loop3A_683 = arith.constant 80 : i32
      %parallel_loop3A_684 = arith.addi %parallel_loop3A_135, %parallel_loop3A_683 : i32
      %parallel_loop3A_685 = arith.index_cast %parallel_loop3A_684 : i32 to index
      %parallel_loop3A_686 = tpu.vector_load %arg6[%parallel_loop3A_685] {strides = array<i32>} : memref<13312xi32, #tpu.memory_space<vmem>>, vector<16xi32>,
      %parallel_loop3A_687 = vector.bitcast %parallel_loop3A_686 : vector<16xi32> to vector<16xi32>
      %parallel_loop3A_688 = vector.broadcast %parallel_loop3A_124 : i32 to vector<16xi32>
      %parallel_loop3A_689 = arith.andi %parallel_loop3A_687, %parallel_loop3A_688 : vector<16xi32>
      %parallel_loop3A_690 = arith.constant 16 : i32
      %parallel_loop3A_691 = vector.broadcast %parallel_loop3A_690 : i32 to vector<16xi32>
      %parallel_loop3A_692 = arith.shrui %parallel_loop3A_687, %parallel_loop3A_691 : vector<16xi32>
      %parallel_loop3A_693 = arith.muli %parallel_loop3A_679, %parallel_loop3A_689 : vector<16xi32>
      %parallel_loop3A_694 = arith.muli %parallel_loop3A_682, %parallel_loop3A_689 : vector<16xi32>
      %parallel_loop3A_695 = arith.muli %parallel_loop3A_679, %parallel_loop3A_692 : vector<16xi32>
      %parallel_loop3A_696 = arith.muli %parallel_loop3A_682, %parallel_loop3A_692 : vector<16xi32>
      %parallel_loop3A_697 = vector.broadcast %parallel_loop3A_124 : i32 to vector<16xi32>
      %parallel_loop3A_698 = arith.andi %parallel_loop3A_693, %parallel_loop3A_697 : vector<16xi32>
      %parallel_loop3A_699 = arith.constant 16 : i32
      %parallel_loop3A_700 = vector.broadcast %parallel_loop3A_699 : i32 to vector<16xi32>
      %parallel_loop3A_701 = arith.shrui %parallel_loop3A_694, %parallel_loop3A_700 : vector<16xi32>
      %parallel_loop3A_702 = arith.addi %parallel_loop3A_701, %parallel_loop3A_696 : vector<16xi32>
      %parallel_loop3A_703 = arith.constant 2 : i32
      %parallel_loop3A_704 = vector.broadcast %parallel_loop3A_703 : i32 to vector<16xi32>
      %parallel_loop3A_705 = arith.muli %parallel_loop3A_702, %parallel_loop3A_704 : vector<16xi32>
      %parallel_loop3A_706 = arith.addi %parallel_loop3A_698, %parallel_loop3A_705 : vector<16xi32>
      %parallel_loop3A_707 = arith.constant 16 : i32
      %parallel_loop3A_708 = vector.broadcast %parallel_loop3A_707 : i32 to vector<16xi32>
      %parallel_loop3A_709 = arith.shrui %parallel_loop3A_693, %parallel_loop3A_708 : vector<16xi32>
      %parallel_loop3A_710 = vector.broadcast %parallel_loop3A_124 : i32 to vector<16xi32>
      %parallel_loop3A_711 = arith.andi %parallel_loop3A_694, %parallel_loop3A_710 : vector<16xi32>
      %parallel_loop3A_712 = arith.addi %parallel_loop3A_709, %parallel_loop3A_711 : vector<16xi32>
      %parallel_loop3A_713 = arith.addi %parallel_loop3A_712, %parallel_loop3A_695 : vector<16xi32>
      %parallel_loop3A_714 = arith.constant true
      %parallel_loop3A_715 = vector.broadcast %parallel_loop3A_714 : i1 to vector<16xi1>
      %parallel_loop3A_716 = tpu.scan <sum>, %parallel_loop3A_706 masked %parallel_loop3A_715 : vector<16xi32>, vector<16xi1> -> vector<16xi32>
      %parallel_loop3A_717 = vector.broadcast %parallel_loop3A_620 : i32 to vector<16xi32>
      %parallel_loop3A_718 = arith.addi %parallel_loop3A_716, %parallel_loop3A_717 : vector<16xi32>
      %parallel_loop3A_719 = arith.constant true
      %parallel_loop3A_720 = vector.broadcast %parallel_loop3A_719 : i1 to vector<16xi1>
      %parallel_loop3A_721 = tpu.scan <sum>, %parallel_loop3A_713 masked %parallel_loop3A_720 : vector<16xi32>, vector<16xi1> -> vector<16xi32>
      %parallel_loop3A_722 = vector.broadcast %parallel_loop3A_625 : i32 to vector<16xi32>
      %parallel_loop3A_723 = arith.addi %parallel_loop3A_721, %parallel_loop3A_722 : vector<16xi32>
      %parallel_loop3A_724 = arith.constant true
      %parallel_loop3A_725 = vector.broadcast %parallel_loop3A_724 : i1 to vector<16xi1>
      %parallel_loop3A_726 = tpu.scan <sum>, %parallel_loop3A_706 masked %parallel_loop3A_725 : vector<16xi32>, vector<16xi1> -> vector<16xi32>
      %parallel_loop3A_727 = vector.extract %parallel_loop3A_726[15] : i32 from vector<16xi32>
      %parallel_loop3A_728 = arith.addi %parallel_loop3A_620, %parallel_loop3A_727 : i32
      %parallel_loop3A_729 = arith.constant true
      %parallel_loop3A_730 = vector.broadcast %parallel_loop3A_729 : i1 to vector<16xi1>
      %parallel_loop3A_731 = tpu.scan <sum>, %parallel_loop3A_713 masked %parallel_loop3A_730 : vector<16xi32>, vector<16xi1> -> vector<16xi32>
      %parallel_loop3A_732 = vector.extract %parallel_loop3A_731[15] : i32 from vector<16xi32>
      %parallel_loop3A_733 = arith.addi %parallel_loop3A_625, %parallel_loop3A_732 : i32
      %parallel_loop3A_734 = vector.broadcast %parallel_loop3A_127 : i32 to vector<16xi32>
      %parallel_loop3A_735 = arith.andi %parallel_loop3A_723, %parallel_loop3A_734 : vector<16xi32>
      %parallel_loop3A_736 = arith.constant 16 : i32
      %parallel_loop3A_737 = vector.broadcast %parallel_loop3A_736 : i32 to vector<16xi32>
      %parallel_loop3A_738 = arith.shli %parallel_loop3A_735, %parallel_loop3A_737 : vector<16xi32>
      %parallel_loop3A_739 = arith.constant 15 : i32
      %parallel_loop3A_740 = vector.broadcast %parallel_loop3A_739 : i32 to vector<16xi32>
      %parallel_loop3A_741 = arith.shrui %parallel_loop3A_723, %parallel_loop3A_740 : vector<16xi32>
      %parallel_loop3A_742 = arith.addi %parallel_loop3A_738, %parallel_loop3A_741 : vector<16xi32>
      %parallel_loop3A_743 = arith.addi %parallel_loop3A_718, %parallel_loop3A_742 : vector<16xi32>
      %parallel_loop3A_744 = vector.broadcast %parallel_loop3A_128 : i32 to vector<16xi32>
      %parallel_loop3A_745 = arith.andi %parallel_loop3A_743, %parallel_loop3A_744 : vector<16xi32>
      %parallel_loop3A_746 = arith.constant 31 : i32
      %parallel_loop3A_747 = vector.broadcast %parallel_loop3A_746 : i32 to vector<16xi32>
      %parallel_loop3A_748 = arith.shrui %parallel_loop3A_743, %parallel_loop3A_747 : vector<16xi32>
      %parallel_loop3A_749 = arith.addi %parallel_loop3A_745, %parallel_loop3A_748 : vector<16xi32>
      %parallel_loop3A_750 = vector.broadcast %parallel_loop3A_128 : i32 to vector<16xi32>
      %parallel_loop3A_751 = arith.cmpi uge, %parallel_loop3A_749, %parallel_loop3A_750 : vector<16xi32>
      %parallel_loop3A_752 = vector.broadcast %parallel_loop3A_128 : i32 to vector<16xi32>
      %parallel_loop3A_753 = arith.subi %parallel_loop3A_749, %parallel_loop3A_752 : vector<16xi32>
      %parallel_loop3A_754 = arith.select %parallel_loop3A_751, %parallel_loop3A_753, %parallel_loop3A_749 : vector<16xi1>, vector<16xi32>
      %parallel_loop3A_755 = vector.bitcast %parallel_loop3A_754 : vector<16xi32> to vector<16xi32>
      %parallel_loop3A_756 = arith.sitofp %parallel_loop3A_755 : vector<16xi32> to vector<16xf32>
      %parallel_loop3A_757 = vector.broadcast %parallel_loop3A_129 : f32 to vector<16xf32>
      %parallel_loop3A_758 = arith.mulf %parallel_loop3A_756, %parallel_loop3A_757 : vector<16xf32>
      %parallel_loop3A_759 = arith.fptosi %parallel_loop3A_758 : vector<16xf32> to vector<16xi32>
      %parallel_loop3A_760 = vector.broadcast %parallel_loop3A_130 : i32 to vector<16xi32>
      %parallel_loop3A_761 = arith.muli %parallel_loop3A_759, %parallel_loop3A_760 : vector<16xi32>
      %parallel_loop3A_762 = arith.subi %parallel_loop3A_755, %parallel_loop3A_761 : vector<16xi32>
      %parallel_loop3A_763 = arith.constant 0 : i32
      %parallel_loop3A_764 = vector.broadcast %parallel_loop3A_763 : i32 to vector<16xi32>
      %parallel_loop3A_765 = arith.cmpi slt, %parallel_loop3A_762, %parallel_loop3A_764 : vector<16xi32>
      %parallel_loop3A_766 = vector.broadcast %parallel_loop3A_130 : i32 to vector<16xi32>
      %parallel_loop3A_767 = arith.addi %parallel_loop3A_762, %parallel_loop3A_766 : vector<16xi32>
      %parallel_loop3A_768 = arith.select %parallel_loop3A_765, %parallel_loop3A_767, %parallel_loop3A_762 : vector<16xi1>, vector<16xi32>
      %parallel_loop3A_769 = vector.broadcast %parallel_loop3A_130 : i32 to vector<16xi32>
      %parallel_loop3A_770 = arith.cmpi sge, %parallel_loop3A_768, %parallel_loop3A_769 : vector<16xi32>
      %parallel_loop3A_771 = vector.broadcast %parallel_loop3A_130 : i32 to vector<16xi32>
      %parallel_loop3A_772 = arith.subi %parallel_loop3A_768, %parallel_loop3A_771 : vector<16xi32>
      %parallel_loop3A_773 = arith.select %parallel_loop3A_770, %parallel_loop3A_772, %parallel_loop3A_768 : vector<16xi1>, vector<16xi32>
      %parallel_loop3A_774 = arith.constant 1 : i32
      %parallel_loop3A_775 = vector.broadcast %parallel_loop3A_774 : i32 to vector<16xi32>
      %parallel_loop3A_776 = arith.addi %parallel_loop3A_773, %parallel_loop3A_775 : vector<16xi32>
      %parallel_loop3A_777 = arith.constant 0 : i32
      %parallel_loop3A_778 = vector.broadcast %parallel_loop3A_777 : i32 to vector<16xi32>
      %parallel_loop3A_779 = arith.cmpi ne, %parallel_loop3A_686, %parallel_loop3A_778 : vector<16xi32>
      %parallel_loop3A_780 = tpu.all_reduce %parallel_loop3A_779 {dim = 0 : i64, kind = #tpu.reduction_kind<sum>} : vector<16xi1> -> vector<16xi32>
      %parallel_loop3A_781 = arith.addi %parallel_loop3A_673, %parallel_loop3A_780 : vector<16xi32>
      tpu.vector_store_idx %arg7[%parallel_loop3A_136, %min3A_58], %parallel_loop3A_776 : memref<64x400xi32, #tpu.memory_space<vmem>>[vector<16xi32>, vector<16xi32>], vector<16xi32>,
      %parallel_loop3A_782 = arith.constant 1 : i32
      %parallel_loop3A_783 = vector.broadcast %parallel_loop3A_782 : i32 to vector<16xi32>
      %parallel_loop3A_784 = arith.addi %min3A_58, %parallel_loop3A_783 : vector<16xi32>
      tpu.vector_store_idx %arg7[%parallel_loop3A_136, %parallel_loop3A_784], %mul3A_5 : memref<64x400xi32, #tpu.memory_space<vmem>>[vector<16xi32>, vector<16xi32>], vector<16xi32>,
      %parallel_loop3A_785 = arith.constant 96 : index
      %parallel_loop3A_786 = tpu.vector_load %arg8[%parallel_loop3A_785] {strides = array<i32>} : memref<208xi32, #tpu.memory_space<vmem>>, vector<16xi32>,
      %parallel_loop3A_787 = vector.bitcast %parallel_loop3A_786 : vector<16xi32> to vector<16xi32>
      %parallel_loop3A_788 = arith.constant 96 : index
      %parallel_loop3A_789 = tpu.vector_load %arg9[%parallel_loop3A_788] {strides = array<i32>} : memref<208xi32, #tpu.memory_space<vmem>>, vector<16xi32>,
      %parallel_loop3A_790 = vector.bitcast %parallel_loop3A_789 : vector<16xi32> to vector<16xi32>
      %parallel_loop3A_791 = arith.constant 96 : i32
      %parallel_loop3A_792 = arith.addi %parallel_loop3A_135, %parallel_loop3A_791 : i32
      %parallel_loop3A_793 = arith.index_cast %parallel_loop3A_792 : i32 to index
      %parallel_loop3A_794 = tpu.vector_load %arg6[%parallel_loop3A_793] {strides = array<i32>} : memref<13312xi32, #tpu.memory_space<vmem>>, vector<16xi32>,
      %parallel_loop3A_795 = vector.bitcast %parallel_loop3A_794 : vector<16xi32> to vector<16xi32>
      %parallel_loop3A_796 = vector.broadcast %parallel_loop3A_124 : i32 to vector<16xi32>
      %parallel_loop3A_797 = arith.andi %parallel_loop3A_795, %parallel_loop3A_796 : vector<16xi32>
      %parallel_loop3A_798 = arith.constant 16 : i32
      %parallel_loop3A_799 = vector.broadcast %parallel_loop3A_798 : i32 to vector<16xi32>
      %parallel_loop3A_800 = arith.shrui %parallel_loop3A_795, %parallel_loop3A_799 : vector<16xi32>
      %parallel_loop3A_801 = arith.muli %parallel_loop3A_787, %parallel_loop3A_797 : vector<16xi32>
      %parallel_loop3A_802 = arith.muli %parallel_loop3A_790, %parallel_loop3A_797 : vector<16xi32>
      %parallel_loop3A_803 = arith.muli %parallel_loop3A_787, %parallel_loop3A_800 : vector<16xi32>
      %parallel_loop3A_804 = arith.muli %parallel_loop3A_790, %parallel_loop3A_800 : vector<16xi32>
      %parallel_loop3A_805 = vector.broadcast %parallel_loop3A_124 : i32 to vector<16xi32>
      %parallel_loop3A_806 = arith.andi %parallel_loop3A_801, %parallel_loop3A_805 : vector<16xi32>
      %parallel_loop3A_807 = arith.constant 16 : i32
      %parallel_loop3A_808 = vector.broadcast %parallel_loop3A_807 : i32 to vector<16xi32>
      %parallel_loop3A_809 = arith.shrui %parallel_loop3A_802, %parallel_loop3A_808 : vector<16xi32>
      %parallel_loop3A_810 = arith.addi %parallel_loop3A_809, %parallel_loop3A_804 : vector<16xi32>
      %parallel_loop3A_811 = arith.constant 2 : i32
      %parallel_loop3A_812 = vector.broadcast %parallel_loop3A_811 : i32 to vector<16xi32>
      %parallel_loop3A_813 = arith.muli %parallel_loop3A_810, %parallel_loop3A_812 : vector<16xi32>
      %parallel_loop3A_814 = arith.addi %parallel_loop3A_806, %parallel_loop3A_813 : vector<16xi32>
      %parallel_loop3A_815 = arith.constant 16 : i32
      %parallel_loop3A_816 = vector.broadcast %parallel_loop3A_815 : i32 to vector<16xi32>
      %parallel_loop3A_817 = arith.shrui %parallel_loop3A_801, %parallel_loop3A_816 : vector<16xi32>
      %parallel_loop3A_818 = vector.broadcast %parallel_loop3A_124 : i32 to vector<16xi32>
      %parallel_loop3A_819 = arith.andi %parallel_loop3A_802, %parallel_loop3A_818 : vector<16xi32>
      %parallel_loop3A_820 = arith.addi %parallel_loop3A_817, %parallel_loop3A_819 : vector<16xi32>
      %parallel_loop3A_821 = arith.addi %parallel_loop3A_820, %parallel_loop3A_803 : vector<16xi32>
      %parallel_loop3A_822 = arith.constant true
      %parallel_loop3A_823 = vector.broadcast %parallel_loop3A_822 : i1 to vector<16xi1>
      %parallel_loop3A_824 = tpu.scan <sum>, %parallel_loop3A_814 masked %parallel_loop3A_823 : vector<16xi32>, vector<16xi1> -> vector<16xi32>
      %parallel_loop3A_825 = vector.broadcast %parallel_loop3A_728 : i32 to vector<16xi32>
      %parallel_loop3A_826 = arith.addi %parallel_loop3A_824, %parallel_loop3A_825 : vector<16xi32>
      %parallel_loop3A_827 = arith.constant true
      %parallel_loop3A_828 = vector.broadcast %parallel_loop3A_827 : i1 to vector<16xi1>
      %parallel_loop3A_829 = tpu.scan <sum>, %parallel_loop3A_821 masked %parallel_loop3A_828 : vector<16xi32>, vector<16xi1> -> vector<16xi32>
      %parallel_loop3A_830 = vector.broadcast %parallel_loop3A_733 : i32 to vector<16xi32>
      %parallel_loop3A_831 = arith.addi %parallel_loop3A_829, %parallel_loop3A_830 : vector<16xi32>
      %parallel_loop3A_832 = arith.constant true
      %parallel_loop3A_833 = vector.broadcast %parallel_loop3A_832 : i1 to vector<16xi1>
      %parallel_loop3A_834 = tpu.scan <sum>, %parallel_loop3A_814 masked %parallel_loop3A_833 : vector<16xi32>, vector<16xi1> -> vector<16xi32>
      %parallel_loop3A_835 = vector.extract %parallel_loop3A_834[15] : i32 from vector<16xi32>
      %parallel_loop3A_836 = arith.addi %parallel_loop3A_728, %parallel_loop3A_835 : i32
      %parallel_loop3A_837 = arith.constant true
      %parallel_loop3A_838 = vector.broadcast %parallel_loop3A_837 : i1 to vector<16xi1>
      %parallel_loop3A_839 = tpu.scan <sum>, %parallel_loop3A_821 masked %parallel_loop3A_838 : vector<16xi32>, vector<16xi1> -> vector<16xi32>
      %parallel_loop3A_840 = vector.extract %parallel_loop3A_839[15] : i32 from vector<16xi32>
      %parallel_loop3A_841 = arith.addi %parallel_loop3A_733, %parallel_loop3A_840 : i32
      %parallel_loop3A_842 = vector.broadcast %parallel_loop3A_127 : i32 to vector<16xi32>
      %parallel_loop3A_843 = arith.andi %parallel_loop3A_831, %parallel_loop3A_842 : vector<16xi32>
      %parallel_loop3A_844 = arith.constant 16 : i32
      %parallel_loop3A_845 = vector.broadcast %parallel_loop3A_844 : i32 to vector<16xi32>
      %parallel_loop3A_846 = arith.shli %parallel_loop3A_843, %parallel_loop3A_845 : vector<16xi32>
      %parallel_loop3A_847 = arith.constant 15 : i32
      %parallel_loop3A_848 = vector.broadcast %parallel_loop3A_847 : i32 to vector<16xi32>
      %parallel_loop3A_849 = arith.shrui %parallel_loop3A_831, %parallel_loop3A_848 : vector<16xi32>
      %parallel_loop3A_850 = arith.addi %parallel_loop3A_846, %parallel_loop3A_849 : vector<16xi32>
      %parallel_loop3A_851 = arith.addi %parallel_loop3A_826, %parallel_loop3A_850 : vector<16xi32>
      %parallel_loop3A_852 = vector.broadcast %parallel_loop3A_128 : i32 to vector<16xi32>
      %parallel_loop3A_853 = arith.andi %parallel_loop3A_851, %parallel_loop3A_852 : vector<16xi32>
      %parallel_loop3A_854 = arith.constant 31 : i32
      %parallel_loop3A_855 = vector.broadcast %parallel_loop3A_854 : i32 to vector<16xi32>
      %parallel_loop3A_856 = arith.shrui %parallel_loop3A_851, %parallel_loop3A_855 : vector<16xi32>
      %parallel_loop3A_857 = arith.addi %parallel_loop3A_853, %parallel_loop3A_856 : vector<16xi32>
      %parallel_loop3A_858 = vector.broadcast %parallel_loop3A_128 : i32 to vector<16xi32>
      %parallel_loop3A_859 = arith.cmpi uge, %parallel_loop3A_857, %parallel_loop3A_858 : vector<16xi32>
      %parallel_loop3A_860 = vector.broadcast %parallel_loop3A_128 : i32 to vector<16xi32>
      %parallel_loop3A_861 = arith.subi %parallel_loop3A_857, %parallel_loop3A_860 : vector<16xi32>
      %parallel_loop3A_862 = arith.select %parallel_loop3A_859, %parallel_loop3A_861, %parallel_loop3A_857 : vector<16xi1>, vector<16xi32>
      %parallel_loop3A_863 = vector.bitcast %parallel_loop3A_862 : vector<16xi32> to vector<16xi32>
      %parallel_loop3A_864 = arith.sitofp %parallel_loop3A_863 : vector<16xi32> to vector<16xf32>
      %parallel_loop3A_865 = vector.broadcast %parallel_loop3A_129 : f32 to vector<16xf32>
      %parallel_loop3A_866 = arith.mulf %parallel_loop3A_864, %parallel_loop3A_865 : vector<16xf32>
      %parallel_loop3A_867 = arith.fptosi %parallel_loop3A_866 : vector<16xf32> to vector<16xi32>
      %parallel_loop3A_868 = vector.broadcast %parallel_loop3A_130 : i32 to vector<16xi32>
      %parallel_loop3A_869 = arith.muli %parallel_loop3A_867, %parallel_loop3A_868 : vector<16xi32>
      %parallel_loop3A_870 = arith.subi %parallel_loop3A_863, %parallel_loop3A_869 : vector<16xi32>
      %parallel_loop3A_871 = arith.constant 0 : i32
      %parallel_loop3A_872 = vector.broadcast %parallel_loop3A_871 : i32 to vector<16xi32>
      %parallel_loop3A_873 = arith.cmpi slt, %parallel_loop3A_870, %parallel_loop3A_872 : vector<16xi32>
      %parallel_loop3A_874 = vector.broadcast %parallel_loop3A_130 : i32 to vector<16xi32>
      %parallel_loop3A_875 = arith.addi %parallel_loop3A_870, %parallel_loop3A_874 : vector<16xi32>
      %parallel_loop3A_876 = arith.select %parallel_loop3A_873, %parallel_loop3A_875, %parallel_loop3A_870 : vector<16xi1>, vector<16xi32>
      %parallel_loop3A_877 = vector.broadcast %parallel_loop3A_130 : i32 to vector<16xi32>
      %parallel_loop3A_878 = arith.cmpi sge, %parallel_loop3A_876, %parallel_loop3A_877 : vector<16xi32>
      %parallel_loop3A_879 = vector.broadcast %parallel_loop3A_130 : i32 to vector<16xi32>
      %parallel_loop3A_880 = arith.subi %parallel_loop3A_876, %parallel_loop3A_879 : vector<16xi32>
      %parallel_loop3A_881 = arith.select %parallel_loop3A_878, %parallel_loop3A_880, %parallel_loop3A_876 : vector<16xi1>, vector<16xi32>
      %parallel_loop3A_882 = arith.constant 1 : i32
      %parallel_loop3A_883 = vector.broadcast %parallel_loop3A_882 : i32 to vector<16xi32>
      %parallel_loop3A_884 = arith.addi %parallel_loop3A_881, %parallel_loop3A_883 : vector<16xi32>
      %parallel_loop3A_885 = arith.constant 0 : i32
      %parallel_loop3A_886 = vector.broadcast %parallel_loop3A_885 : i32 to vector<16xi32>
      %parallel_loop3A_887 = arith.cmpi ne, %parallel_loop3A_794, %parallel_loop3A_886 : vector<16xi32>
      %parallel_loop3A_888 = tpu.all_reduce %parallel_loop3A_887 {dim = 0 : i64, kind = #tpu.reduction_kind<sum>} : vector<16xi1> -> vector<16xi32>
      %parallel_loop3A_889 = arith.addi %parallel_loop3A_781, %parallel_loop3A_888 : vector<16xi32>
      tpu.vector_store_idx %arg7[%parallel_loop3A_136, %min3A_67], %parallel_loop3A_884 : memref<64x400xi32, #tpu.memory_space<vmem>>[vector<16xi32>, vector<16xi32>], vector<16xi32>,
      %parallel_loop3A_890 = arith.constant 1 : i32
      %parallel_loop3A_891 = vector.broadcast %parallel_loop3A_890 : i32 to vector<16xi32>
      %parallel_loop3A_892 = arith.addi %min3A_67, %parallel_loop3A_891 : vector<16xi32>
      tpu.vector_store_idx %arg7[%parallel_loop3A_136, %parallel_loop3A_892], %mul3A_5 : memref<64x400xi32, #tpu.memory_space<vmem>>[vector<16xi32>, vector<16xi32>], vector<16xi32>,
      %parallel_loop3A_893 = arith.constant 112 : index
      %parallel_loop3A_894 = tpu.vector_load %arg8[%parallel_loop3A_893] {strides = array<i32>} : memref<208xi32, #tpu.memory_space<vmem>>, vector<16xi32>,
      %parallel_loop3A_895 = vector.bitcast %parallel_loop3A_894 : vector<16xi32> to vector<16xi32>
      %parallel_loop3A_896 = arith.constant 112 : index
      %parallel_loop3A_897 = tpu.vector_load %arg9[%parallel_loop3A_896] {strides = array<i32>} : memref<208xi32, #tpu.memory_space<vmem>>, vector<16xi32>,
      %parallel_loop3A_898 = vector.bitcast %parallel_loop3A_897 : vector<16xi32> to vector<16xi32>
      %parallel_loop3A_899 = arith.constant 112 : i32
      %parallel_loop3A_900 = arith.addi %parallel_loop3A_135, %parallel_loop3A_899 : i32
      %parallel_loop3A_901 = arith.index_cast %parallel_loop3A_900 : i32 to index
      %parallel_loop3A_902 = tpu.vector_load %arg6[%parallel_loop3A_901] {strides = array<i32>} : memref<13312xi32, #tpu.memory_space<vmem>>, vector<16xi32>,
      %parallel_loop3A_903 = vector.bitcast %parallel_loop3A_902 : vector<16xi32> to vector<16xi32>
      %parallel_loop3A_904 = vector.broadcast %parallel_loop3A_124 : i32 to vector<16xi32>
      %parallel_loop3A_905 = arith.andi %parallel_loop3A_903, %parallel_loop3A_904 : vector<16xi32>
      %parallel_loop3A_906 = arith.constant 16 : i32
      %parallel_loop3A_907 = vector.broadcast %parallel_loop3A_906 : i32 to vector<16xi32>
      %parallel_loop3A_908 = arith.shrui %parallel_loop3A_903, %parallel_loop3A_907 : vector<16xi32>
      %parallel_loop3A_909 = arith.muli %parallel_loop3A_895, %parallel_loop3A_905 : vector<16xi32>
      %parallel_loop3A_910 = arith.muli %parallel_loop3A_898, %parallel_loop3A_905 : vector<16xi32>
      %parallel_loop3A_911 = arith.muli %parallel_loop3A_895, %parallel_loop3A_908 : vector<16xi32>
      %parallel_loop3A_912 = arith.muli %parallel_loop3A_898, %parallel_loop3A_908 : vector<16xi32>
      %parallel_loop3A_913 = vector.broadcast %parallel_loop3A_124 : i32 to vector<16xi32>
      %parallel_loop3A_914 = arith.andi %parallel_loop3A_909, %parallel_loop3A_913 : vector<16xi32>
      %parallel_loop3A_915 = arith.constant 16 : i32
      %parallel_loop3A_916 = vector.broadcast %parallel_loop3A_915 : i32 to vector<16xi32>
      %parallel_loop3A_917 = arith.shrui %parallel_loop3A_910, %parallel_loop3A_916 : vector<16xi32>
      %parallel_loop3A_918 = arith.addi %parallel_loop3A_917, %parallel_loop3A_912 : vector<16xi32>
      %parallel_loop3A_919 = arith.constant 2 : i32
      %parallel_loop3A_920 = vector.broadcast %parallel_loop3A_919 : i32 to vector<16xi32>
      %parallel_loop3A_921 = arith.muli %parallel_loop3A_918, %parallel_loop3A_920 : vector<16xi32>
      %parallel_loop3A_922 = arith.addi %parallel_loop3A_914, %parallel_loop3A_921 : vector<16xi32>
      %parallel_loop3A_923 = arith.constant 16 : i32
      %parallel_loop3A_924 = vector.broadcast %parallel_loop3A_923 : i32 to vector<16xi32>
      %parallel_loop3A_925 = arith.shrui %parallel_loop3A_909, %parallel_loop3A_924 : vector<16xi32>
      %parallel_loop3A_926 = vector.broadcast %parallel_loop3A_124 : i32 to vector<16xi32>
      %parallel_loop3A_927 = arith.andi %parallel_loop3A_910, %parallel_loop3A_926 : vector<16xi32>
      %parallel_loop3A_928 = arith.addi %parallel_loop3A_925, %parallel_loop3A_927 : vector<16xi32>
      %parallel_loop3A_929 = arith.addi %parallel_loop3A_928, %parallel_loop3A_911 : vector<16xi32>
      %parallel_loop3A_930 = arith.constant true
      %parallel_loop3A_931 = vector.broadcast %parallel_loop3A_930 : i1 to vector<16xi1>
      %parallel_loop3A_932 = tpu.scan <sum>, %parallel_loop3A_922 masked %parallel_loop3A_931 : vector<16xi32>, vector<16xi1> -> vector<16xi32>
      %parallel_loop3A_933 = vector.broadcast %parallel_loop3A_836 : i32 to vector<16xi32>
      %parallel_loop3A_934 = arith.addi %parallel_loop3A_932, %parallel_loop3A_933 : vector<16xi32>
      %parallel_loop3A_935 = arith.constant true
      %parallel_loop3A_936 = vector.broadcast %parallel_loop3A_935 : i1 to vector<16xi1>
      %parallel_loop3A_937 = tpu.scan <sum>, %parallel_loop3A_929 masked %parallel_loop3A_936 : vector<16xi32>, vector<16xi1> -> vector<16xi32>
      %parallel_loop3A_938 = vector.broadcast %parallel_loop3A_841 : i32 to vector<16xi32>
      %parallel_loop3A_939 = arith.addi %parallel_loop3A_937, %parallel_loop3A_938 : vector<16xi32>
      %parallel_loop3A_940 = arith.constant true
      %parallel_loop3A_941 = vector.broadcast %parallel_loop3A_940 : i1 to vector<16xi1>
      %parallel_loop3A_942 = tpu.scan <sum>, %parallel_loop3A_922 masked %parallel_loop3A_941 : vector<16xi32>, vector<16xi1> -> vector<16xi32>
      %parallel_loop3A_943 = vector.extract %parallel_loop3A_942[15] : i32 from vector<16xi32>
      %parallel_loop3A_944 = arith.addi %parallel_loop3A_836, %parallel_loop3A_943 : i32
      %parallel_loop3A_945 = arith.constant true
      %parallel_loop3A_946 = vector.broadcast %parallel_loop3A_945 : i1 to vector<16xi1>
      %parallel_loop3A_947 = tpu.scan <sum>, %parallel_loop3A_929 masked %parallel_loop3A_946 : vector<16xi32>, vector<16xi1> -> vector<16xi32>
      %parallel_loop3A_948 = vector.extract %parallel_loop3A_947[15] : i32 from vector<16xi32>
      %parallel_loop3A_949 = arith.addi %parallel_loop3A_841, %parallel_loop3A_948 : i32
      %parallel_loop3A_950 = vector.broadcast %parallel_loop3A_127 : i32 to vector<16xi32>
      %parallel_loop3A_951 = arith.andi %parallel_loop3A_939, %parallel_loop3A_950 : vector<16xi32>
      %parallel_loop3A_952 = arith.constant 16 : i32
      %parallel_loop3A_953 = vector.broadcast %parallel_loop3A_952 : i32 to vector<16xi32>
      %parallel_loop3A_954 = arith.shli %parallel_loop3A_951, %parallel_loop3A_953 : vector<16xi32>
      %parallel_loop3A_955 = arith.constant 15 : i32
      %parallel_loop3A_956 = vector.broadcast %parallel_loop3A_955 : i32 to vector<16xi32>
      %parallel_loop3A_957 = arith.shrui %parallel_loop3A_939, %parallel_loop3A_956 : vector<16xi32>
      %parallel_loop3A_958 = arith.addi %parallel_loop3A_954, %parallel_loop3A_957 : vector<16xi32>
      %parallel_loop3A_959 = arith.addi %parallel_loop3A_934, %parallel_loop3A_958 : vector<16xi32>
      %parallel_loop3A_960 = vector.broadcast %parallel_loop3A_128 : i32 to vector<16xi32>
      %parallel_loop3A_961 = arith.andi %parallel_loop3A_959, %parallel_loop3A_960 : vector<16xi32>
      %parallel_loop3A_962 = arith.constant 31 : i32
      %parallel_loop3A_963 = vector.broadcast %parallel_loop3A_962 : i32 to vector<16xi32>
      %parallel_loop3A_964 = arith.shrui %parallel_loop3A_959, %parallel_loop3A_963 : vector<16xi32>
      %parallel_loop3A_965 = arith.addi %parallel_loop3A_961, %parallel_loop3A_964 : vector<16xi32>
      %parallel_loop3A_966 = vector.broadcast %parallel_loop3A_128 : i32 to vector<16xi32>
      %parallel_loop3A_967 = arith.cmpi uge, %parallel_loop3A_965, %parallel_loop3A_966 : vector<16xi32>
      %parallel_loop3A_968 = vector.broadcast %parallel_loop3A_128 : i32 to vector<16xi32>
      %parallel_loop3A_969 = arith.subi %parallel_loop3A_965, %parallel_loop3A_968 : vector<16xi32>
      %parallel_loop3A_970 = arith.select %parallel_loop3A_967, %parallel_loop3A_969, %parallel_loop3A_965 : vector<16xi1>, vector<16xi32>
      %parallel_loop3A_971 = vector.bitcast %parallel_loop3A_970 : vector<16xi32> to vector<16xi32>
      %parallel_loop3A_972 = arith.sitofp %parallel_loop3A_971 : vector<16xi32> to vector<16xf32>
      %parallel_loop3A_973 = vector.broadcast %parallel_loop3A_129 : f32 to vector<16xf32>
      %parallel_loop3A_974 = arith.mulf %parallel_loop3A_972, %parallel_loop3A_973 : vector<16xf32>
      %parallel_loop3A_975 = arith.fptosi %parallel_loop3A_974 : vector<16xf32> to vector<16xi32>
      %parallel_loop3A_976 = vector.broadcast %parallel_loop3A_130 : i32 to vector<16xi32>
      %parallel_loop3A_977 = arith.muli %parallel_loop3A_975, %parallel_loop3A_976 : vector<16xi32>
      %parallel_loop3A_978 = arith.subi %parallel_loop3A_971, %parallel_loop3A_977 : vector<16xi32>
      %parallel_loop3A_979 = arith.constant 0 : i32
      %parallel_loop3A_980 = vector.broadcast %parallel_loop3A_979 : i32 to vector<16xi32>
      %parallel_loop3A_981 = arith.cmpi slt, %parallel_loop3A_978, %parallel_loop3A_980 : vector<16xi32>
      %parallel_loop3A_982 = vector.broadcast %parallel_loop3A_130 : i32 to vector<16xi32>
      %parallel_loop3A_983 = arith.addi %parallel_loop3A_978, %parallel_loop3A_982 : vector<16xi32>
      %parallel_loop3A_984 = arith.select %parallel_loop3A_981, %parallel_loop3A_983, %parallel_loop3A_978 : vector<16xi1>, vector<16xi32>
      %parallel_loop3A_985 = vector.broadcast %parallel_loop3A_130 : i32 to vector<16xi32>
      %parallel_loop3A_986 = arith.cmpi sge, %parallel_loop3A_984, %parallel_loop3A_985 : vector<16xi32>
      %parallel_loop3A_987 = vector.broadcast %parallel_loop3A_130 : i32 to vector<16xi32>
      %parallel_loop3A_988 = arith.subi %parallel_loop3A_984, %parallel_loop3A_987 : vector<16xi32>
      %parallel_loop3A_989 = arith.select %parallel_loop3A_986, %parallel_loop3A_988, %parallel_loop3A_984 : vector<16xi1>, vector<16xi32>
      %parallel_loop3A_990 = arith.constant 1 : i32
      %parallel_loop3A_991 = vector.broadcast %parallel_loop3A_990 : i32 to vector<16xi32>
      %parallel_loop3A_992 = arith.addi %parallel_loop3A_989, %parallel_loop3A_991 : vector<16xi32>
      %parallel_loop3A_993 = arith.constant 0 : i32
      %parallel_loop3A_994 = vector.broadcast %parallel_loop3A_993 : i32 to vector<16xi32>
      %parallel_loop3A_995 = arith.cmpi ne, %parallel_loop3A_902, %parallel_loop3A_994 : vector<16xi32>
      %parallel_loop3A_996 = tpu.all_reduce %parallel_loop3A_995 {dim = 0 : i64, kind = #tpu.reduction_kind<sum>} : vector<16xi1> -> vector<16xi32>
      %parallel_loop3A_997 = arith.addi %parallel_loop3A_889, %parallel_loop3A_996 : vector<16xi32>
      tpu.vector_store_idx %arg7[%parallel_loop3A_136, %min3A_76], %parallel_loop3A_992 : memref<64x400xi32, #tpu.memory_space<vmem>>[vector<16xi32>, vector<16xi32>], vector<16xi32>,
      %parallel_loop3A_998 = arith.constant 1 : i32
      %parallel_loop3A_999 = vector.broadcast %parallel_loop3A_998 : i32 to vector<16xi32>
      %parallel_loop3A_1000 = arith.addi %min3A_76, %parallel_loop3A_999 : vector<16xi32>
      tpu.vector_store_idx %arg7[%parallel_loop3A_136, %parallel_loop3A_1000], %mul3A_5 : memref<64x400xi32, #tpu.memory_space<vmem>>[vector<16xi32>, vector<16xi32>], vector<16xi32>,
      %parallel_loop3A_1001 = arith.constant 128 : index
      %parallel_loop3A_1002 = tpu.vector_load %arg8[%parallel_loop3A_1001] {strides = array<i32>} : memref<208xi32, #tpu.memory_space<vmem>>, vector<16xi32>,
      %parallel_loop3A_1003 = vector.bitcast %parallel_loop3A_1002 : vector<16xi32> to vector<16xi32>
      %parallel_loop3A_1004 = arith.constant 128 : index
      %parallel_loop3A_1005 = tpu.vector_load %arg9[%parallel_loop3A_1004] {strides = array<i32>} : memref<208xi32, #tpu.memory_space<vmem>>, vector<16xi32>,
      %parallel_loop3A_1006 = vector.bitcast %parallel_loop3A_1005 : vector<16xi32> to vector<16xi32>
      %parallel_loop3A_1007 = arith.constant 128 : i32
      %parallel_loop3A_1008 = arith.addi %parallel_loop3A_135, %parallel_loop3A_1007 : i32
      %parallel_loop3A_1009 = arith.index_cast %parallel_loop3A_1008 : i32 to index
      %parallel_loop3A_1010 = tpu.vector_load %arg6[%parallel_loop3A_1009] {strides = array<i32>} : memref<13312xi32, #tpu.memory_space<vmem>>, vector<16xi32>,
      %parallel_loop3A_1011 = vector.bitcast %parallel_loop3A_1010 : vector<16xi32> to vector<16xi32>
      %parallel_loop3A_1012 = vector.broadcast %parallel_loop3A_124 : i32 to vector<16xi32>
      %parallel_loop3A_1013 = arith.andi %parallel_loop3A_1011, %parallel_loop3A_1012 : vector<16xi32>
      %parallel_loop3A_1014 = arith.constant 16 : i32
      %parallel_loop3A_1015 = vector.broadcast %parallel_loop3A_1014 : i32 to vector<16xi32>
      %parallel_loop3A_1016 = arith.shrui %parallel_loop3A_1011, %parallel_loop3A_1015 : vector<16xi32>
      %parallel_loop3A_1017 = arith.muli %parallel_loop3A_1003, %parallel_loop3A_1013 : vector<16xi32>
      %parallel_loop3A_1018 = arith.muli %parallel_loop3A_1006, %parallel_loop3A_1013 : vector<16xi32>
      %parallel_loop3A_1019 = arith.muli %parallel_loop3A_1003, %parallel_loop3A_1016 : vector<16xi32>
      %parallel_loop3A_1020 = arith.muli %parallel_loop3A_1006, %parallel_loop3A_1016 : vector<16xi32>
      %parallel_loop3A_1021 = vector.broadcast %parallel_loop3A_124 : i32 to vector<16xi32>
      %parallel_loop3A_1022 = arith.andi %parallel_loop3A_1017, %parallel_loop3A_1021 : vector<16xi32>
      %parallel_loop3A_1023 = arith.constant 16 : i32
      %parallel_loop3A_1024 = vector.broadcast %parallel_loop3A_1023 : i32 to vector<16xi32>
      %parallel_loop3A_1025 = arith.shrui %parallel_loop3A_1018, %parallel_loop3A_1024 : vector<16xi32>
      %parallel_loop3A_1026 = arith.addi %parallel_loop3A_1025, %parallel_loop3A_1020 : vector<16xi32>
      %parallel_loop3A_1027 = arith.constant 2 : i32
      %parallel_loop3A_1028 = vector.broadcast %parallel_loop3A_1027 : i32 to vector<16xi32>
      %parallel_loop3A_1029 = arith.muli %parallel_loop3A_1026, %parallel_loop3A_1028 : vector<16xi32>
      %parallel_loop3A_1030 = arith.addi %parallel_loop3A_1022, %parallel_loop3A_1029 : vector<16xi32>
      %parallel_loop3A_1031 = arith.constant 16 : i32
      %parallel_loop3A_1032 = vector.broadcast %parallel_loop3A_1031 : i32 to vector<16xi32>
      %parallel_loop3A_1033 = arith.shrui %parallel_loop3A_1017, %parallel_loop3A_1032 : vector<16xi32>
      %parallel_loop3A_1034 = vector.broadcast %parallel_loop3A_124 : i32 to vector<16xi32>
      %parallel_loop3A_1035 = arith.andi %parallel_loop3A_1018, %parallel_loop3A_1034 : vector<16xi32>
      %parallel_loop3A_1036 = arith.addi %parallel_loop3A_1033, %parallel_loop3A_1035 : vector<16xi32>
      %parallel_loop3A_1037 = arith.addi %parallel_loop3A_1036, %parallel_loop3A_1019 : vector<16xi32>
      %parallel_loop3A_1038 = arith.constant true
      %parallel_loop3A_1039 = vector.broadcast %parallel_loop3A_1038 : i1 to vector<16xi1>
      %parallel_loop3A_1040 = tpu.scan <sum>, %parallel_loop3A_1030 masked %parallel_loop3A_1039 : vector<16xi32>, vector<16xi1> -> vector<16xi32>
      %parallel_loop3A_1041 = vector.broadcast %parallel_loop3A_944 : i32 to vector<16xi32>
      %parallel_loop3A_1042 = arith.addi %parallel_loop3A_1040, %parallel_loop3A_1041 : vector<16xi32>
      %parallel_loop3A_1043 = arith.constant true
      %parallel_loop3A_1044 = vector.broadcast %parallel_loop3A_1043 : i1 to vector<16xi1>
      %parallel_loop3A_1045 = tpu.scan <sum>, %parallel_loop3A_1037 masked %parallel_loop3A_1044 : vector<16xi32>, vector<16xi1> -> vector<16xi32>
      %parallel_loop3A_1046 = vector.broadcast %parallel_loop3A_949 : i32 to vector<16xi32>
      %parallel_loop3A_1047 = arith.addi %parallel_loop3A_1045, %parallel_loop3A_1046 : vector<16xi32>
      %parallel_loop3A_1048 = arith.constant true
      %parallel_loop3A_1049 = vector.broadcast %parallel_loop3A_1048 : i1 to vector<16xi1>
      %parallel_loop3A_1050 = tpu.scan <sum>, %parallel_loop3A_1030 masked %parallel_loop3A_1049 : vector<16xi32>, vector<16xi1> -> vector<16xi32>
      %parallel_loop3A_1051 = vector.extract %parallel_loop3A_1050[15] : i32 from vector<16xi32>
      %parallel_loop3A_1052 = arith.addi %parallel_loop3A_944, %parallel_loop3A_1051 : i32
      %parallel_loop3A_1053 = arith.constant true
      %parallel_loop3A_1054 = vector.broadcast %parallel_loop3A_1053 : i1 to vector<16xi1>
      %parallel_loop3A_1055 = tpu.scan <sum>, %parallel_loop3A_1037 masked %parallel_loop3A_1054 : vector<16xi32>, vector<16xi1> -> vector<16xi32>
      %parallel_loop3A_1056 = vector.extract %parallel_loop3A_1055[15] : i32 from vector<16xi32>
      %parallel_loop3A_1057 = arith.addi %parallel_loop3A_949, %parallel_loop3A_1056 : i32
      %parallel_loop3A_1058 = vector.broadcast %parallel_loop3A_127 : i32 to vector<16xi32>
      %parallel_loop3A_1059 = arith.andi %parallel_loop3A_1047, %parallel_loop3A_1058 : vector<16xi32>
      %parallel_loop3A_1060 = arith.constant 16 : i32
      %parallel_loop3A_1061 = vector.broadcast %parallel_loop3A_1060 : i32 to vector<16xi32>
      %parallel_loop3A_1062 = arith.shli %parallel_loop3A_1059, %parallel_loop3A_1061 : vector<16xi32>
      %parallel_loop3A_1063 = arith.constant 15 : i32
      %parallel_loop3A_1064 = vector.broadcast %parallel_loop3A_1063 : i32 to vector<16xi32>
      %parallel_loop3A_1065 = arith.shrui %parallel_loop3A_1047, %parallel_loop3A_1064 : vector<16xi32>
      %parallel_loop3A_1066 = arith.addi %parallel_loop3A_1062, %parallel_loop3A_1065 : vector<16xi32>
      %parallel_loop3A_1067 = arith.addi %parallel_loop3A_1042, %parallel_loop3A_1066 : vector<16xi32>
      %parallel_loop3A_1068 = vector.broadcast %parallel_loop3A_128 : i32 to vector<16xi32>
      %parallel_loop3A_1069 = arith.andi %parallel_loop3A_1067, %parallel_loop3A_1068 : vector<16xi32>
      %parallel_loop3A_1070 = arith.constant 31 : i32
      %parallel_loop3A_1071 = vector.broadcast %parallel_loop3A_1070 : i32 to vector<16xi32>
      %parallel_loop3A_1072 = arith.shrui %parallel_loop3A_1067, %parallel_loop3A_1071 : vector<16xi32>
      %parallel_loop3A_1073 = arith.addi %parallel_loop3A_1069, %parallel_loop3A_1072 : vector<16xi32>
      %parallel_loop3A_1074 = vector.broadcast %parallel_loop3A_128 : i32 to vector<16xi32>
      %parallel_loop3A_1075 = arith.cmpi uge, %parallel_loop3A_1073, %parallel_loop3A_1074 : vector<16xi32>
      %parallel_loop3A_1076 = vector.broadcast %parallel_loop3A_128 : i32 to vector<16xi32>
      %parallel_loop3A_1077 = arith.subi %parallel_loop3A_1073, %parallel_loop3A_1076 : vector<16xi32>
      %parallel_loop3A_1078 = arith.select %parallel_loop3A_1075, %parallel_loop3A_1077, %parallel_loop3A_1073 : vector<16xi1>, vector<16xi32>
      %parallel_loop3A_1079 = vector.bitcast %parallel_loop3A_1078 : vector<16xi32> to vector<16xi32>
      %parallel_loop3A_1080 = arith.sitofp %parallel_loop3A_1079 : vector<16xi32> to vector<16xf32>
      %parallel_loop3A_1081 = vector.broadcast %parallel_loop3A_129 : f32 to vector<16xf32>
      %parallel_loop3A_1082 = arith.mulf %parallel_loop3A_1080, %parallel_loop3A_1081 : vector<16xf32>
      %parallel_loop3A_1083 = arith.fptosi %parallel_loop3A_1082 : vector<16xf32> to vector<16xi32>
      %parallel_loop3A_1084 = vector.broadcast %parallel_loop3A_130 : i32 to vector<16xi32>
      %parallel_loop3A_1085 = arith.muli %parallel_loop3A_1083, %parallel_loop3A_1084 : vector<16xi32>
      %parallel_loop3A_1086 = arith.subi %parallel_loop3A_1079, %parallel_loop3A_1085 : vector<16xi32>
      %parallel_loop3A_1087 = arith.constant 0 : i32
      %parallel_loop3A_1088 = vector.broadcast %parallel_loop3A_1087 : i32 to vector<16xi32>
      %parallel_loop3A_1089 = arith.cmpi slt, %parallel_loop3A_1086, %parallel_loop3A_1088 : vector<16xi32>
      %parallel_loop3A_1090 = vector.broadcast %parallel_loop3A_130 : i32 to vector<16xi32>
      %parallel_loop3A_1091 = arith.addi %parallel_loop3A_1086, %parallel_loop3A_1090 : vector<16xi32>
      %parallel_loop3A_1092 = arith.select %parallel_loop3A_1089, %parallel_loop3A_1091, %parallel_loop3A_1086 : vector<16xi1>, vector<16xi32>
      %parallel_loop3A_1093 = vector.broadcast %parallel_loop3A_130 : i32 to vector<16xi32>
      %parallel_loop3A_1094 = arith.cmpi sge, %parallel_loop3A_1092, %parallel_loop3A_1093 : vector<16xi32>
      %parallel_loop3A_1095 = vector.broadcast %parallel_loop3A_130 : i32 to vector<16xi32>
      %parallel_loop3A_1096 = arith.subi %parallel_loop3A_1092, %parallel_loop3A_1095 : vector<16xi32>
      %parallel_loop3A_1097 = arith.select %parallel_loop3A_1094, %parallel_loop3A_1096, %parallel_loop3A_1092 : vector<16xi1>, vector<16xi32>
      %parallel_loop3A_1098 = arith.constant 1 : i32
      %parallel_loop3A_1099 = vector.broadcast %parallel_loop3A_1098 : i32 to vector<16xi32>
      %parallel_loop3A_1100 = arith.addi %parallel_loop3A_1097, %parallel_loop3A_1099 : vector<16xi32>
      %parallel_loop3A_1101 = arith.constant 0 : i32
      %parallel_loop3A_1102 = vector.broadcast %parallel_loop3A_1101 : i32 to vector<16xi32>
      %parallel_loop3A_1103 = arith.cmpi ne, %parallel_loop3A_1010, %parallel_loop3A_1102 : vector<16xi32>
      %parallel_loop3A_1104 = tpu.all_reduce %parallel_loop3A_1103 {dim = 0 : i64, kind = #tpu.reduction_kind<sum>} : vector<16xi1> -> vector<16xi32>
      %parallel_loop3A_1105 = arith.addi %parallel_loop3A_997, %parallel_loop3A_1104 : vector<16xi32>
      tpu.vector_store_idx %arg7[%parallel_loop3A_136, %min3A_85], %parallel_loop3A_1100 : memref<64x400xi32, #tpu.memory_space<vmem>>[vector<16xi32>, vector<16xi32>], vector<16xi32>,
      %parallel_loop3A_1106 = arith.constant 1 : i32
      %parallel_loop3A_1107 = vector.broadcast %parallel_loop3A_1106 : i32 to vector<16xi32>
      %parallel_loop3A_1108 = arith.addi %min3A_85, %parallel_loop3A_1107 : vector<16xi32>
      tpu.vector_store_idx %arg7[%parallel_loop3A_136, %parallel_loop3A_1108], %mul3A_5 : memref<64x400xi32, #tpu.memory_space<vmem>>[vector<16xi32>, vector<16xi32>], vector<16xi32>,
      %parallel_loop3A_1109 = arith.constant 144 : index
      %parallel_loop3A_1110 = tpu.vector_load %arg8[%parallel_loop3A_1109] {strides = array<i32>} : memref<208xi32, #tpu.memory_space<vmem>>, vector<16xi32>,
      %parallel_loop3A_1111 = vector.bitcast %parallel_loop3A_1110 : vector<16xi32> to vector<16xi32>
      %parallel_loop3A_1112 = arith.constant 144 : index
      %parallel_loop3A_1113 = tpu.vector_load %arg9[%parallel_loop3A_1112] {strides = array<i32>} : memref<208xi32, #tpu.memory_space<vmem>>, vector<16xi32>,
      %parallel_loop3A_1114 = vector.bitcast %parallel_loop3A_1113 : vector<16xi32> to vector<16xi32>
      %parallel_loop3A_1115 = arith.constant 144 : i32
      %parallel_loop3A_1116 = arith.addi %parallel_loop3A_135, %parallel_loop3A_1115 : i32
      %parallel_loop3A_1117 = arith.index_cast %parallel_loop3A_1116 : i32 to index
      %parallel_loop3A_1118 = tpu.vector_load %arg6[%parallel_loop3A_1117] {strides = array<i32>} : memref<13312xi32, #tpu.memory_space<vmem>>, vector<16xi32>,
      %parallel_loop3A_1119 = vector.bitcast %parallel_loop3A_1118 : vector<16xi32> to vector<16xi32>
      %parallel_loop3A_1120 = vector.broadcast %parallel_loop3A_124 : i32 to vector<16xi32>
      %parallel_loop3A_1121 = arith.andi %parallel_loop3A_1119, %parallel_loop3A_1120 : vector<16xi32>
      %parallel_loop3A_1122 = arith.constant 16 : i32
      %parallel_loop3A_1123 = vector.broadcast %parallel_loop3A_1122 : i32 to vector<16xi32>
      %parallel_loop3A_1124 = arith.shrui %parallel_loop3A_1119, %parallel_loop3A_1123 : vector<16xi32>
      %parallel_loop3A_1125 = arith.muli %parallel_loop3A_1111, %parallel_loop3A_1121 : vector<16xi32>
      %parallel_loop3A_1126 = arith.muli %parallel_loop3A_1114, %parallel_loop3A_1121 : vector<16xi32>
      %parallel_loop3A_1127 = arith.muli %parallel_loop3A_1111, %parallel_loop3A_1124 : vector<16xi32>
      %parallel_loop3A_1128 = arith.muli %parallel_loop3A_1114, %parallel_loop3A_1124 : vector<16xi32>
      %parallel_loop3A_1129 = vector.broadcast %parallel_loop3A_124 : i32 to vector<16xi32>
      %parallel_loop3A_1130 = arith.andi %parallel_loop3A_1125, %parallel_loop3A_1129 : vector<16xi32>
      %parallel_loop3A_1131 = arith.constant 16 : i32
      %parallel_loop3A_1132 = vector.broadcast %parallel_loop3A_1131 : i32 to vector<16xi32>
      %parallel_loop3A_1133 = arith.shrui %parallel_loop3A_1126, %parallel_loop3A_1132 : vector<16xi32>
      %parallel_loop3A_1134 = arith.addi %parallel_loop3A_1133, %parallel_loop3A_1128 : vector<16xi32>
      %parallel_loop3A_1135 = arith.constant 2 : i32
      %parallel_loop3A_1136 = vector.broadcast %parallel_loop3A_1135 : i32 to vector<16xi32>
      %parallel_loop3A_1137 = arith.muli %parallel_loop3A_1134, %parallel_loop3A_1136 : vector<16xi32>
      %parallel_loop3A_1138 = arith.addi %parallel_loop3A_1130, %parallel_loop3A_1137 : vector<16xi32>
      %parallel_loop3A_1139 = arith.constant 16 : i32
      %parallel_loop3A_1140 = vector.broadcast %parallel_loop3A_1139 : i32 to vector<16xi32>
      %parallel_loop3A_1141 = arith.shrui %parallel_loop3A_1125, %parallel_loop3A_1140 : vector<16xi32>
      %parallel_loop3A_1142 = vector.broadcast %parallel_loop3A_124 : i32 to vector<16xi32>
      %parallel_loop3A_1143 = arith.andi %parallel_loop3A_1126, %parallel_loop3A_1142 : vector<16xi32>
      %parallel_loop3A_1144 = arith.addi %parallel_loop3A_1141, %parallel_loop3A_1143 : vector<16xi32>
      %parallel_loop3A_1145 = arith.addi %parallel_loop3A_1144, %parallel_loop3A_1127 : vector<16xi32>
      %parallel_loop3A_1146 = arith.constant true
      %parallel_loop3A_1147 = vector.broadcast %parallel_loop3A_1146 : i1 to vector<16xi1>
      %parallel_loop3A_1148 = tpu.scan <sum>, %parallel_loop3A_1138 masked %parallel_loop3A_1147 : vector<16xi32>, vector<16xi1> -> vector<16xi32>
      %parallel_loop3A_1149 = vector.broadcast %parallel_loop3A_1052 : i32 to vector<16xi32>
      %parallel_loop3A_1150 = arith.addi %parallel_loop3A_1148, %parallel_loop3A_1149 : vector<16xi32>
      %parallel_loop3A_1151 = arith.constant true
      %parallel_loop3A_1152 = vector.broadcast %parallel_loop3A_1151 : i1 to vector<16xi1>
      %parallel_loop3A_1153 = tpu.scan <sum>, %parallel_loop3A_1145 masked %parallel_loop3A_1152 : vector<16xi32>, vector<16xi1> -> vector<16xi32>
      %parallel_loop3A_1154 = vector.broadcast %parallel_loop3A_1057 : i32 to vector<16xi32>
      %parallel_loop3A_1155 = arith.addi %parallel_loop3A_1153, %parallel_loop3A_1154 : vector<16xi32>
      %parallel_loop3A_1156 = arith.constant true
      %parallel_loop3A_1157 = vector.broadcast %parallel_loop3A_1156 : i1 to vector<16xi1>
      %parallel_loop3A_1158 = tpu.scan <sum>, %parallel_loop3A_1138 masked %parallel_loop3A_1157 : vector<16xi32>, vector<16xi1> -> vector<16xi32>
      %parallel_loop3A_1159 = vector.extract %parallel_loop3A_1158[15] : i32 from vector<16xi32>
      %parallel_loop3A_1160 = arith.addi %parallel_loop3A_1052, %parallel_loop3A_1159 : i32
      %parallel_loop3A_1161 = arith.constant true
      %parallel_loop3A_1162 = vector.broadcast %parallel_loop3A_1161 : i1 to vector<16xi1>
      %parallel_loop3A_1163 = tpu.scan <sum>, %parallel_loop3A_1145 masked %parallel_loop3A_1162 : vector<16xi32>, vector<16xi1> -> vector<16xi32>
      %parallel_loop3A_1164 = vector.extract %parallel_loop3A_1163[15] : i32 from vector<16xi32>
      %parallel_loop3A_1165 = arith.addi %parallel_loop3A_1057, %parallel_loop3A_1164 : i32
      %parallel_loop3A_1166 = vector.broadcast %parallel_loop3A_127 : i32 to vector<16xi32>
      %parallel_loop3A_1167 = arith.andi %parallel_loop3A_1155, %parallel_loop3A_1166 : vector<16xi32>
      %parallel_loop3A_1168 = arith.constant 16 : i32
      %parallel_loop3A_1169 = vector.broadcast %parallel_loop3A_1168 : i32 to vector<16xi32>
      %parallel_loop3A_1170 = arith.shli %parallel_loop3A_1167, %parallel_loop3A_1169 : vector<16xi32>
      %parallel_loop3A_1171 = arith.constant 15 : i32
      %parallel_loop3A_1172 = vector.broadcast %parallel_loop3A_1171 : i32 to vector<16xi32>
      %parallel_loop3A_1173 = arith.shrui %parallel_loop3A_1155, %parallel_loop3A_1172 : vector<16xi32>
      %parallel_loop3A_1174 = arith.addi %parallel_loop3A_1170, %parallel_loop3A_1173 : vector<16xi32>
      %parallel_loop3A_1175 = arith.addi %parallel_loop3A_1150, %parallel_loop3A_1174 : vector<16xi32>
      %parallel_loop3A_1176 = vector.broadcast %parallel_loop3A_128 : i32 to vector<16xi32>
      %parallel_loop3A_1177 = arith.andi %parallel_loop3A_1175, %parallel_loop3A_1176 : vector<16xi32>
      %parallel_loop3A_1178 = arith.constant 31 : i32
      %parallel_loop3A_1179 = vector.broadcast %parallel_loop3A_1178 : i32 to vector<16xi32>
      %parallel_loop3A_1180 = arith.shrui %parallel_loop3A_1175, %parallel_loop3A_1179 : vector<16xi32>
      %parallel_loop3A_1181 = arith.addi %parallel_loop3A_1177, %parallel_loop3A_1180 : vector<16xi32>
      %parallel_loop3A_1182 = vector.broadcast %parallel_loop3A_128 : i32 to vector<16xi32>
      %parallel_loop3A_1183 = arith.cmpi uge, %parallel_loop3A_1181, %parallel_loop3A_1182 : vector<16xi32>
      %parallel_loop3A_1184 = vector.broadcast %parallel_loop3A_128 : i32 to vector<16xi32>
      %parallel_loop3A_1185 = arith.subi %parallel_loop3A_1181, %parallel_loop3A_1184 : vector<16xi32>
      %parallel_loop3A_1186 = arith.select %parallel_loop3A_1183, %parallel_loop3A_1185, %parallel_loop3A_1181 : vector<16xi1>, vector<16xi32>
      %parallel_loop3A_1187 = vector.bitcast %parallel_loop3A_1186 : vector<16xi32> to vector<16xi32>
      %parallel_loop3A_1188 = arith.sitofp %parallel_loop3A_1187 : vector<16xi32> to vector<16xf32>
      %parallel_loop3A_1189 = vector.broadcast %parallel_loop3A_129 : f32 to vector<16xf32>
      %parallel_loop3A_1190 = arith.mulf %parallel_loop3A_1188, %parallel_loop3A_1189 : vector<16xf32>
      %parallel_loop3A_1191 = arith.fptosi %parallel_loop3A_1190 : vector<16xf32> to vector<16xi32>
      %parallel_loop3A_1192 = vector.broadcast %parallel_loop3A_130 : i32 to vector<16xi32>
      %parallel_loop3A_1193 = arith.muli %parallel_loop3A_1191, %parallel_loop3A_1192 : vector<16xi32>
      %parallel_loop3A_1194 = arith.subi %parallel_loop3A_1187, %parallel_loop3A_1193 : vector<16xi32>
      %parallel_loop3A_1195 = arith.constant 0 : i32
      %parallel_loop3A_1196 = vector.broadcast %parallel_loop3A_1195 : i32 to vector<16xi32>
      %parallel_loop3A_1197 = arith.cmpi slt, %parallel_loop3A_1194, %parallel_loop3A_1196 : vector<16xi32>
      %parallel_loop3A_1198 = vector.broadcast %parallel_loop3A_130 : i32 to vector<16xi32>
      %parallel_loop3A_1199 = arith.addi %parallel_loop3A_1194, %parallel_loop3A_1198 : vector<16xi32>
      %parallel_loop3A_1200 = arith.select %parallel_loop3A_1197, %parallel_loop3A_1199, %parallel_loop3A_1194 : vector<16xi1>, vector<16xi32>
      %parallel_loop3A_1201 = vector.broadcast %parallel_loop3A_130 : i32 to vector<16xi32>
      %parallel_loop3A_1202 = arith.cmpi sge, %parallel_loop3A_1200, %parallel_loop3A_1201 : vector<16xi32>
      %parallel_loop3A_1203 = vector.broadcast %parallel_loop3A_130 : i32 to vector<16xi32>
      %parallel_loop3A_1204 = arith.subi %parallel_loop3A_1200, %parallel_loop3A_1203 : vector<16xi32>
      %parallel_loop3A_1205 = arith.select %parallel_loop3A_1202, %parallel_loop3A_1204, %parallel_loop3A_1200 : vector<16xi1>, vector<16xi32>
      %parallel_loop3A_1206 = arith.constant 1 : i32
      %parallel_loop3A_1207 = vector.broadcast %parallel_loop3A_1206 : i32 to vector<16xi32>
      %parallel_loop3A_1208 = arith.addi %parallel_loop3A_1205, %parallel_loop3A_1207 : vector<16xi32>
      %parallel_loop3A_1209 = arith.constant 0 : i32
      %parallel_loop3A_1210 = vector.broadcast %parallel_loop3A_1209 : i32 to vector<16xi32>
      %parallel_loop3A_1211 = arith.cmpi ne, %parallel_loop3A_1118, %parallel_loop3A_1210 : vector<16xi32>
      %parallel_loop3A_1212 = tpu.all_reduce %parallel_loop3A_1211 {dim = 0 : i64, kind = #tpu.reduction_kind<sum>} : vector<16xi1> -> vector<16xi32>
      %parallel_loop3A_1213 = arith.addi %parallel_loop3A_1105, %parallel_loop3A_1212 : vector<16xi32>
      tpu.vector_store_idx %arg7[%parallel_loop3A_136, %min3A_94], %parallel_loop3A_1208 : memref<64x400xi32, #tpu.memory_space<vmem>>[vector<16xi32>, vector<16xi32>], vector<16xi32>,
      %parallel_loop3A_1214 = arith.constant 1 : i32
      %parallel_loop3A_1215 = vector.broadcast %parallel_loop3A_1214 : i32 to vector<16xi32>
      %parallel_loop3A_1216 = arith.addi %min3A_94, %parallel_loop3A_1215 : vector<16xi32>
      tpu.vector_store_idx %arg7[%parallel_loop3A_136, %parallel_loop3A_1216], %mul3A_5 : memref<64x400xi32, #tpu.memory_space<vmem>>[vector<16xi32>, vector<16xi32>], vector<16xi32>,
      %parallel_loop3A_1217 = arith.constant 160 : index
      %parallel_loop3A_1218 = tpu.vector_load %arg8[%parallel_loop3A_1217] {strides = array<i32>} : memref<208xi32, #tpu.memory_space<vmem>>, vector<16xi32>,
      %parallel_loop3A_1219 = vector.bitcast %parallel_loop3A_1218 : vector<16xi32> to vector<16xi32>
      %parallel_loop3A_1220 = arith.constant 160 : index
      %parallel_loop3A_1221 = tpu.vector_load %arg9[%parallel_loop3A_1220] {strides = array<i32>} : memref<208xi32, #tpu.memory_space<vmem>>, vector<16xi32>,
      %parallel_loop3A_1222 = vector.bitcast %parallel_loop3A_1221 : vector<16xi32> to vector<16xi32>
      %parallel_loop3A_1223 = arith.constant 160 : i32
      %parallel_loop3A_1224 = arith.addi %parallel_loop3A_135, %parallel_loop3A_1223 : i32
      %parallel_loop3A_1225 = arith.index_cast %parallel_loop3A_1224 : i32 to index
      %parallel_loop3A_1226 = tpu.vector_load %arg6[%parallel_loop3A_1225] {strides = array<i32>} : memref<13312xi32, #tpu.memory_space<vmem>>, vector<16xi32>,
      %parallel_loop3A_1227 = vector.bitcast %parallel_loop3A_1226 : vector<16xi32> to vector<16xi32>
      %parallel_loop3A_1228 = vector.broadcast %parallel_loop3A_124 : i32 to vector<16xi32>
      %parallel_loop3A_1229 = arith.andi %parallel_loop3A_1227, %parallel_loop3A_1228 : vector<16xi32>
      %parallel_loop3A_1230 = arith.constant 16 : i32
      %parallel_loop3A_1231 = vector.broadcast %parallel_loop3A_1230 : i32 to vector<16xi32>
      %parallel_loop3A_1232 = arith.shrui %parallel_loop3A_1227, %parallel_loop3A_1231 : vector<16xi32>
      %parallel_loop3A_1233 = arith.muli %parallel_loop3A_1219, %parallel_loop3A_1229 : vector<16xi32>
      %parallel_loop3A_1234 = arith.muli %parallel_loop3A_1222, %parallel_loop3A_1229 : vector<16xi32>
      %parallel_loop3A_1235 = arith.muli %parallel_loop3A_1219, %parallel_loop3A_1232 : vector<16xi32>
      %parallel_loop3A_1236 = arith.muli %parallel_loop3A_1222, %parallel_loop3A_1232 : vector<16xi32>
      %parallel_loop3A_1237 = vector.broadcast %parallel_loop3A_124 : i32 to vector<16xi32>
      %parallel_loop3A_1238 = arith.andi %parallel_loop3A_1233, %parallel_loop3A_1237 : vector<16xi32>
      %parallel_loop3A_1239 = arith.constant 16 : i32
      %parallel_loop3A_1240 = vector.broadcast %parallel_loop3A_1239 : i32 to vector<16xi32>
      %parallel_loop3A_1241 = arith.shrui %parallel_loop3A_1234, %parallel_loop3A_1240 : vector<16xi32>
      %parallel_loop3A_1242 = arith.addi %parallel_loop3A_1241, %parallel_loop3A_1236 : vector<16xi32>
      %parallel_loop3A_1243 = arith.constant 2 : i32
      %parallel_loop3A_1244 = vector.broadcast %parallel_loop3A_1243 : i32 to vector<16xi32>
      %parallel_loop3A_1245 = arith.muli %parallel_loop3A_1242, %parallel_loop3A_1244 : vector<16xi32>
      %parallel_loop3A_1246 = arith.addi %parallel_loop3A_1238, %parallel_loop3A_1245 : vector<16xi32>
      %parallel_loop3A_1247 = arith.constant 16 : i32
      %parallel_loop3A_1248 = vector.broadcast %parallel_loop3A_1247 : i32 to vector<16xi32>
      %parallel_loop3A_1249 = arith.shrui %parallel_loop3A_1233, %parallel_loop3A_1248 : vector<16xi32>
      %parallel_loop3A_1250 = vector.broadcast %parallel_loop3A_124 : i32 to vector<16xi32>
      %parallel_loop3A_1251 = arith.andi %parallel_loop3A_1234, %parallel_loop3A_1250 : vector<16xi32>
      %parallel_loop3A_1252 = arith.addi %parallel_loop3A_1249, %parallel_loop3A_1251 : vector<16xi32>
      %parallel_loop3A_1253 = arith.addi %parallel_loop3A_1252, %parallel_loop3A_1235 : vector<16xi32>
      %parallel_loop3A_1254 = arith.constant true
      %parallel_loop3A_1255 = vector.broadcast %parallel_loop3A_1254 : i1 to vector<16xi1>
      %parallel_loop3A_1256 = tpu.scan <sum>, %parallel_loop3A_1246 masked %parallel_loop3A_1255 : vector<16xi32>, vector<16xi1> -> vector<16xi32>
      %parallel_loop3A_1257 = vector.broadcast %parallel_loop3A_1160 : i32 to vector<16xi32>
      %parallel_loop3A_1258 = arith.addi %parallel_loop3A_1256, %parallel_loop3A_1257 : vector<16xi32>
      %parallel_loop3A_1259 = arith.constant true
      %parallel_loop3A_1260 = vector.broadcast %parallel_loop3A_1259 : i1 to vector<16xi1>
      %parallel_loop3A_1261 = tpu.scan <sum>, %parallel_loop3A_1253 masked %parallel_loop3A_1260 : vector<16xi32>, vector<16xi1> -> vector<16xi32>
      %parallel_loop3A_1262 = vector.broadcast %parallel_loop3A_1165 : i32 to vector<16xi32>
      %parallel_loop3A_1263 = arith.addi %parallel_loop3A_1261, %parallel_loop3A_1262 : vector<16xi32>
      %parallel_loop3A_1264 = arith.constant true
      %parallel_loop3A_1265 = vector.broadcast %parallel_loop3A_1264 : i1 to vector<16xi1>
      %parallel_loop3A_1266 = tpu.scan <sum>, %parallel_loop3A_1246 masked %parallel_loop3A_1265 : vector<16xi32>, vector<16xi1> -> vector<16xi32>
      %parallel_loop3A_1267 = vector.extract %parallel_loop3A_1266[15] : i32 from vector<16xi32>
      %parallel_loop3A_1268 = arith.addi %parallel_loop3A_1160, %parallel_loop3A_1267 : i32
      %parallel_loop3A_1269 = arith.constant true
      %parallel_loop3A_1270 = vector.broadcast %parallel_loop3A_1269 : i1 to vector<16xi1>
      %parallel_loop3A_1271 = tpu.scan <sum>, %parallel_loop3A_1253 masked %parallel_loop3A_1270 : vector<16xi32>, vector<16xi1> -> vector<16xi32>
      %parallel_loop3A_1272 = vector.extract %parallel_loop3A_1271[15] : i32 from vector<16xi32>
      %parallel_loop3A_1273 = arith.addi %parallel_loop3A_1165, %parallel_loop3A_1272 : i32
      %parallel_loop3A_1274 = vector.broadcast %parallel_loop3A_127 : i32 to vector<16xi32>
      %parallel_loop3A_1275 = arith.andi %parallel_loop3A_1263, %parallel_loop3A_1274 : vector<16xi32>
      %parallel_loop3A_1276 = arith.constant 16 : i32
      %parallel_loop3A_1277 = vector.broadcast %parallel_loop3A_1276 : i32 to vector<16xi32>
      %parallel_loop3A_1278 = arith.shli %parallel_loop3A_1275, %parallel_loop3A_1277 : vector<16xi32>
      %parallel_loop3A_1279 = arith.constant 15 : i32
      %parallel_loop3A_1280 = vector.broadcast %parallel_loop3A_1279 : i32 to vector<16xi32>
      %parallel_loop3A_1281 = arith.shrui %parallel_loop3A_1263, %parallel_loop3A_1280 : vector<16xi32>
      %parallel_loop3A_1282 = arith.addi %parallel_loop3A_1278, %parallel_loop3A_1281 : vector<16xi32>
      %parallel_loop3A_1283 = arith.addi %parallel_loop3A_1258, %parallel_loop3A_1282 : vector<16xi32>
      %parallel_loop3A_1284 = vector.broadcast %parallel_loop3A_128 : i32 to vector<16xi32>
      %parallel_loop3A_1285 = arith.andi %parallel_loop3A_1283, %parallel_loop3A_1284 : vector<16xi32>
      %parallel_loop3A_1286 = arith.constant 31 : i32
      %parallel_loop3A_1287 = vector.broadcast %parallel_loop3A_1286 : i32 to vector<16xi32>
      %parallel_loop3A_1288 = arith.shrui %parallel_loop3A_1283, %parallel_loop3A_1287 : vector<16xi32>
      %parallel_loop3A_1289 = arith.addi %parallel_loop3A_1285, %parallel_loop3A_1288 : vector<16xi32>
      %parallel_loop3A_1290 = vector.broadcast %parallel_loop3A_128 : i32 to vector<16xi32>
      %parallel_loop3A_1291 = arith.cmpi uge, %parallel_loop3A_1289, %parallel_loop3A_1290 : vector<16xi32>
      %parallel_loop3A_1292 = vector.broadcast %parallel_loop3A_128 : i32 to vector<16xi32>
      %parallel_loop3A_1293 = arith.subi %parallel_loop3A_1289, %parallel_loop3A_1292 : vector<16xi32>
      %parallel_loop3A_1294 = arith.select %parallel_loop3A_1291, %parallel_loop3A_1293, %parallel_loop3A_1289 : vector<16xi1>, vector<16xi32>
      %parallel_loop3A_1295 = vector.bitcast %parallel_loop3A_1294 : vector<16xi32> to vector<16xi32>
      %parallel_loop3A_1296 = arith.sitofp %parallel_loop3A_1295 : vector<16xi32> to vector<16xf32>
      %parallel_loop3A_1297 = vector.broadcast %parallel_loop3A_129 : f32 to vector<16xf32>
      %parallel_loop3A_1298 = arith.mulf %parallel_loop3A_1296, %parallel_loop3A_1297 : vector<16xf32>
      %parallel_loop3A_1299 = arith.fptosi %parallel_loop3A_1298 : vector<16xf32> to vector<16xi32>
      %parallel_loop3A_1300 = vector.broadcast %parallel_loop3A_130 : i32 to vector<16xi32>
      %parallel_loop3A_1301 = arith.muli %parallel_loop3A_1299, %parallel_loop3A_1300 : vector<16xi32>
      %parallel_loop3A_1302 = arith.subi %parallel_loop3A_1295, %parallel_loop3A_1301 : vector<16xi32>
      %parallel_loop3A_1303 = arith.constant 0 : i32
      %parallel_loop3A_1304 = vector.broadcast %parallel_loop3A_1303 : i32 to vector<16xi32>
      %parallel_loop3A_1305 = arith.cmpi slt, %parallel_loop3A_1302, %parallel_loop3A_1304 : vector<16xi32>
      %parallel_loop3A_1306 = vector.broadcast %parallel_loop3A_130 : i32 to vector<16xi32>
      %parallel_loop3A_1307 = arith.addi %parallel_loop3A_1302, %parallel_loop3A_1306 : vector<16xi32>
      %parallel_loop3A_1308 = arith.select %parallel_loop3A_1305, %parallel_loop3A_1307, %parallel_loop3A_1302 : vector<16xi1>, vector<16xi32>
      %parallel_loop3A_1309 = vector.broadcast %parallel_loop3A_130 : i32 to vector<16xi32>
      %parallel_loop3A_1310 = arith.cmpi sge, %parallel_loop3A_1308, %parallel_loop3A_1309 : vector<16xi32>
      %parallel_loop3A_1311 = vector.broadcast %parallel_loop3A_130 : i32 to vector<16xi32>
      %parallel_loop3A_1312 = arith.subi %parallel_loop3A_1308, %parallel_loop3A_1311 : vector<16xi32>
      %parallel_loop3A_1313 = arith.select %parallel_loop3A_1310, %parallel_loop3A_1312, %parallel_loop3A_1308 : vector<16xi1>, vector<16xi32>
      %parallel_loop3A_1314 = arith.constant 1 : i32
      %parallel_loop3A_1315 = vector.broadcast %parallel_loop3A_1314 : i32 to vector<16xi32>
      %parallel_loop3A_1316 = arith.addi %parallel_loop3A_1313, %parallel_loop3A_1315 : vector<16xi32>
      %parallel_loop3A_1317 = arith.constant 0 : i32
      %parallel_loop3A_1318 = vector.broadcast %parallel_loop3A_1317 : i32 to vector<16xi32>
      %parallel_loop3A_1319 = arith.cmpi ne, %parallel_loop3A_1226, %parallel_loop3A_1318 : vector<16xi32>
      %parallel_loop3A_1320 = tpu.all_reduce %parallel_loop3A_1319 {dim = 0 : i64, kind = #tpu.reduction_kind<sum>} : vector<16xi1> -> vector<16xi32>
      %parallel_loop3A_1321 = arith.addi %parallel_loop3A_1213, %parallel_loop3A_1320 : vector<16xi32>
      tpu.vector_store_idx %arg7[%parallel_loop3A_136, %min3A_103], %parallel_loop3A_1316 : memref<64x400xi32, #tpu.memory_space<vmem>>[vector<16xi32>, vector<16xi32>], vector<16xi32>,
      %parallel_loop3A_1322 = arith.constant 1 : i32
      %parallel_loop3A_1323 = vector.broadcast %parallel_loop3A_1322 : i32 to vector<16xi32>
      %parallel_loop3A_1324 = arith.addi %min3A_103, %parallel_loop3A_1323 : vector<16xi32>
      tpu.vector_store_idx %arg7[%parallel_loop3A_136, %parallel_loop3A_1324], %mul3A_5 : memref<64x400xi32, #tpu.memory_space<vmem>>[vector<16xi32>, vector<16xi32>], vector<16xi32>,
      %parallel_loop3A_1325 = arith.constant 176 : index
      %parallel_loop3A_1326 = tpu.vector_load %arg8[%parallel_loop3A_1325] {strides = array<i32>} : memref<208xi32, #tpu.memory_space<vmem>>, vector<16xi32>,
      %parallel_loop3A_1327 = vector.bitcast %parallel_loop3A_1326 : vector<16xi32> to vector<16xi32>
      %parallel_loop3A_1328 = arith.constant 176 : index
      %parallel_loop3A_1329 = tpu.vector_load %arg9[%parallel_loop3A_1328] {strides = array<i32>} : memref<208xi32, #tpu.memory_space<vmem>>, vector<16xi32>,
      %parallel_loop3A_1330 = vector.bitcast %parallel_loop3A_1329 : vector<16xi32> to vector<16xi32>
      %parallel_loop3A_1331 = arith.constant 176 : i32
      %parallel_loop3A_1332 = arith.addi %parallel_loop3A_135, %parallel_loop3A_1331 : i32
      %parallel_loop3A_1333 = arith.index_cast %parallel_loop3A_1332 : i32 to index
      %parallel_loop3A_1334 = tpu.vector_load %arg6[%parallel_loop3A_1333] {strides = array<i32>} : memref<13312xi32, #tpu.memory_space<vmem>>, vector<16xi32>,
      %parallel_loop3A_1335 = vector.bitcast %parallel_loop3A_1334 : vector<16xi32> to vector<16xi32>
      %parallel_loop3A_1336 = vector.broadcast %parallel_loop3A_124 : i32 to vector<16xi32>
      %parallel_loop3A_1337 = arith.andi %parallel_loop3A_1335, %parallel_loop3A_1336 : vector<16xi32>
      %parallel_loop3A_1338 = arith.constant 16 : i32
      %parallel_loop3A_1339 = vector.broadcast %parallel_loop3A_1338 : i32 to vector<16xi32>
      %parallel_loop3A_1340 = arith.shrui %parallel_loop3A_1335, %parallel_loop3A_1339 : vector<16xi32>
      %parallel_loop3A_1341 = arith.muli %parallel_loop3A_1327, %parallel_loop3A_1337 : vector<16xi32>
      %parallel_loop3A_1342 = arith.muli %parallel_loop3A_1330, %parallel_loop3A_1337 : vector<16xi32>
      %parallel_loop3A_1343 = arith.muli %parallel_loop3A_1327, %parallel_loop3A_1340 : vector<16xi32>
      %parallel_loop3A_1344 = arith.muli %parallel_loop3A_1330, %parallel_loop3A_1340 : vector<16xi32>
      %parallel_loop3A_1345 = vector.broadcast %parallel_loop3A_124 : i32 to vector<16xi32>
      %parallel_loop3A_1346 = arith.andi %parallel_loop3A_1341, %parallel_loop3A_1345 : vector<16xi32>
      %parallel_loop3A_1347 = arith.constant 16 : i32
      %parallel_loop3A_1348 = vector.broadcast %parallel_loop3A_1347 : i32 to vector<16xi32>
      %parallel_loop3A_1349 = arith.shrui %parallel_loop3A_1342, %parallel_loop3A_1348 : vector<16xi32>
      %parallel_loop3A_1350 = arith.addi %parallel_loop3A_1349, %parallel_loop3A_1344 : vector<16xi32>
      %parallel_loop3A_1351 = arith.constant 2 : i32
      %parallel_loop3A_1352 = vector.broadcast %parallel_loop3A_1351 : i32 to vector<16xi32>
      %parallel_loop3A_1353 = arith.muli %parallel_loop3A_1350, %parallel_loop3A_1352 : vector<16xi32>
      %parallel_loop3A_1354 = arith.addi %parallel_loop3A_1346, %parallel_loop3A_1353 : vector<16xi32>
      %parallel_loop3A_1355 = arith.constant 16 : i32
      %parallel_loop3A_1356 = vector.broadcast %parallel_loop3A_1355 : i32 to vector<16xi32>
      %parallel_loop3A_1357 = arith.shrui %parallel_loop3A_1341, %parallel_loop3A_1356 : vector<16xi32>
      %parallel_loop3A_1358 = vector.broadcast %parallel_loop3A_124 : i32 to vector<16xi32>
      %parallel_loop3A_1359 = arith.andi %parallel_loop3A_1342, %parallel_loop3A_1358 : vector<16xi32>
      %parallel_loop3A_1360 = arith.addi %parallel_loop3A_1357, %parallel_loop3A_1359 : vector<16xi32>
      %parallel_loop3A_1361 = arith.addi %parallel_loop3A_1360, %parallel_loop3A_1343 : vector<16xi32>
      %parallel_loop3A_1362 = arith.constant true
      %parallel_loop3A_1363 = vector.broadcast %parallel_loop3A_1362 : i1 to vector<16xi1>
      %parallel_loop3A_1364 = tpu.scan <sum>, %parallel_loop3A_1354 masked %parallel_loop3A_1363 : vector<16xi32>, vector<16xi1> -> vector<16xi32>
      %parallel_loop3A_1365 = vector.broadcast %parallel_loop3A_1268 : i32 to vector<16xi32>
      %parallel_loop3A_1366 = arith.addi %parallel_loop3A_1364, %parallel_loop3A_1365 : vector<16xi32>
      %parallel_loop3A_1367 = arith.constant true
      %parallel_loop3A_1368 = vector.broadcast %parallel_loop3A_1367 : i1 to vector<16xi1>
      %parallel_loop3A_1369 = tpu.scan <sum>, %parallel_loop3A_1361 masked %parallel_loop3A_1368 : vector<16xi32>, vector<16xi1> -> vector<16xi32>
      %parallel_loop3A_1370 = vector.broadcast %parallel_loop3A_1273 : i32 to vector<16xi32>
      %parallel_loop3A_1371 = arith.addi %parallel_loop3A_1369, %parallel_loop3A_1370 : vector<16xi32>
      %parallel_loop3A_1372 = arith.constant true
      %parallel_loop3A_1373 = vector.broadcast %parallel_loop3A_1372 : i1 to vector<16xi1>
      %parallel_loop3A_1374 = tpu.scan <sum>, %parallel_loop3A_1354 masked %parallel_loop3A_1373 : vector<16xi32>, vector<16xi1> -> vector<16xi32>
      %parallel_loop3A_1375 = vector.extract %parallel_loop3A_1374[15] : i32 from vector<16xi32>
      %parallel_loop3A_1376 = arith.addi %parallel_loop3A_1268, %parallel_loop3A_1375 : i32
      %parallel_loop3A_1377 = arith.constant true
      %parallel_loop3A_1378 = vector.broadcast %parallel_loop3A_1377 : i1 to vector<16xi1>
      %parallel_loop3A_1379 = tpu.scan <sum>, %parallel_loop3A_1361 masked %parallel_loop3A_1378 : vector<16xi32>, vector<16xi1> -> vector<16xi32>
      %parallel_loop3A_1380 = vector.extract %parallel_loop3A_1379[15] : i32 from vector<16xi32>
      %parallel_loop3A_1381 = arith.addi %parallel_loop3A_1273, %parallel_loop3A_1380 : i32
      %parallel_loop3A_1382 = vector.broadcast %parallel_loop3A_127 : i32 to vector<16xi32>
      %parallel_loop3A_1383 = arith.andi %parallel_loop3A_1371, %parallel_loop3A_1382 : vector<16xi32>
      %parallel_loop3A_1384 = arith.constant 16 : i32
      %parallel_loop3A_1385 = vector.broadcast %parallel_loop3A_1384 : i32 to vector<16xi32>
      %parallel_loop3A_1386 = arith.shli %parallel_loop3A_1383, %parallel_loop3A_1385 : vector<16xi32>
      %parallel_loop3A_1387 = arith.constant 15 : i32
      %parallel_loop3A_1388 = vector.broadcast %parallel_loop3A_1387 : i32 to vector<16xi32>
      %parallel_loop3A_1389 = arith.shrui %parallel_loop3A_1371, %parallel_loop3A_1388 : vector<16xi32>
      %parallel_loop3A_1390 = arith.addi %parallel_loop3A_1386, %parallel_loop3A_1389 : vector<16xi32>
      %parallel_loop3A_1391 = arith.addi %parallel_loop3A_1366, %parallel_loop3A_1390 : vector<16xi32>
      %parallel_loop3A_1392 = vector.broadcast %parallel_loop3A_128 : i32 to vector<16xi32>
      %parallel_loop3A_1393 = arith.andi %parallel_loop3A_1391, %parallel_loop3A_1392 : vector<16xi32>
      %parallel_loop3A_1394 = arith.constant 31 : i32
      %parallel_loop3A_1395 = vector.broadcast %parallel_loop3A_1394 : i32 to vector<16xi32>
      %parallel_loop3A_1396 = arith.shrui %parallel_loop3A_1391, %parallel_loop3A_1395 : vector<16xi32>
      %parallel_loop3A_1397 = arith.addi %parallel_loop3A_1393, %parallel_loop3A_1396 : vector<16xi32>
      %parallel_loop3A_1398 = vector.broadcast %parallel_loop3A_128 : i32 to vector<16xi32>
      %parallel_loop3A_1399 = arith.cmpi uge, %parallel_loop3A_1397, %parallel_loop3A_1398 : vector<16xi32>
      %parallel_loop3A_1400 = vector.broadcast %parallel_loop3A_128 : i32 to vector<16xi32>
      %parallel_loop3A_1401 = arith.subi %parallel_loop3A_1397, %parallel_loop3A_1400 : vector<16xi32>
      %parallel_loop3A_1402 = arith.select %parallel_loop3A_1399, %parallel_loop3A_1401, %parallel_loop3A_1397 : vector<16xi1>, vector<16xi32>
      %parallel_loop3A_1403 = vector.bitcast %parallel_loop3A_1402 : vector<16xi32> to vector<16xi32>
      %parallel_loop3A_1404 = arith.sitofp %parallel_loop3A_1403 : vector<16xi32> to vector<16xf32>
      %parallel_loop3A_1405 = vector.broadcast %parallel_loop3A_129 : f32 to vector<16xf32>
      %parallel_loop3A_1406 = arith.mulf %parallel_loop3A_1404, %parallel_loop3A_1405 : vector<16xf32>
      %parallel_loop3A_1407 = arith.fptosi %parallel_loop3A_1406 : vector<16xf32> to vector<16xi32>
      %parallel_loop3A_1408 = vector.broadcast %parallel_loop3A_130 : i32 to vector<16xi32>
      %parallel_loop3A_1409 = arith.muli %parallel_loop3A_1407, %parallel_loop3A_1408 : vector<16xi32>
      %parallel_loop3A_1410 = arith.subi %parallel_loop3A_1403, %parallel_loop3A_1409 : vector<16xi32>
      %parallel_loop3A_1411 = arith.constant 0 : i32
      %parallel_loop3A_1412 = vector.broadcast %parallel_loop3A_1411 : i32 to vector<16xi32>
      %parallel_loop3A_1413 = arith.cmpi slt, %parallel_loop3A_1410, %parallel_loop3A_1412 : vector<16xi32>
      %parallel_loop3A_1414 = vector.broadcast %parallel_loop3A_130 : i32 to vector<16xi32>
      %parallel_loop3A_1415 = arith.addi %parallel_loop3A_1410, %parallel_loop3A_1414 : vector<16xi32>
      %parallel_loop3A_1416 = arith.select %parallel_loop3A_1413, %parallel_loop3A_1415, %parallel_loop3A_1410 : vector<16xi1>, vector<16xi32>
      %parallel_loop3A_1417 = vector.broadcast %parallel_loop3A_130 : i32 to vector<16xi32>
      %parallel_loop3A_1418 = arith.cmpi sge, %parallel_loop3A_1416, %parallel_loop3A_1417 : vector<16xi32>
      %parallel_loop3A_1419 = vector.broadcast %parallel_loop3A_130 : i32 to vector<16xi32>
      %parallel_loop3A_1420 = arith.subi %parallel_loop3A_1416, %parallel_loop3A_1419 : vector<16xi32>
      %parallel_loop3A_1421 = arith.select %parallel_loop3A_1418, %parallel_loop3A_1420, %parallel_loop3A_1416 : vector<16xi1>, vector<16xi32>
      %parallel_loop3A_1422 = arith.constant 1 : i32
      %parallel_loop3A_1423 = vector.broadcast %parallel_loop3A_1422 : i32 to vector<16xi32>
      %parallel_loop3A_1424 = arith.addi %parallel_loop3A_1421, %parallel_loop3A_1423 : vector<16xi32>
      %parallel_loop3A_1425 = arith.constant 0 : i32
      %parallel_loop3A_1426 = vector.broadcast %parallel_loop3A_1425 : i32 to vector<16xi32>
      %parallel_loop3A_1427 = arith.cmpi ne, %parallel_loop3A_1334, %parallel_loop3A_1426 : vector<16xi32>
      %parallel_loop3A_1428 = tpu.all_reduce %parallel_loop3A_1427 {dim = 0 : i64, kind = #tpu.reduction_kind<sum>} : vector<16xi1> -> vector<16xi32>
      %parallel_loop3A_1429 = arith.addi %parallel_loop3A_1321, %parallel_loop3A_1428 : vector<16xi32>
      tpu.vector_store_idx %arg7[%parallel_loop3A_136, %min3A_112], %parallel_loop3A_1424 : memref<64x400xi32, #tpu.memory_space<vmem>>[vector<16xi32>, vector<16xi32>], vector<16xi32>,
      %parallel_loop3A_1430 = arith.constant 1 : i32
      %parallel_loop3A_1431 = vector.broadcast %parallel_loop3A_1430 : i32 to vector<16xi32>
      %parallel_loop3A_1432 = arith.addi %min3A_112, %parallel_loop3A_1431 : vector<16xi32>
      tpu.vector_store_idx %arg7[%parallel_loop3A_136, %parallel_loop3A_1432], %mul3A_5 : memref<64x400xi32, #tpu.memory_space<vmem>>[vector<16xi32>, vector<16xi32>], vector<16xi32>,
      %parallel_loop3A_1433 = arith.constant 192 : index
      %parallel_loop3A_1434 = tpu.vector_load %arg8[%parallel_loop3A_1433] {strides = array<i32>} : memref<208xi32, #tpu.memory_space<vmem>>, vector<16xi32>,
      %parallel_loop3A_1435 = vector.bitcast %parallel_loop3A_1434 : vector<16xi32> to vector<16xi32>
      %parallel_loop3A_1436 = arith.constant 192 : index
      %parallel_loop3A_1437 = tpu.vector_load %arg9[%parallel_loop3A_1436] {strides = array<i32>} : memref<208xi32, #tpu.memory_space<vmem>>, vector<16xi32>,
      %parallel_loop3A_1438 = vector.bitcast %parallel_loop3A_1437 : vector<16xi32> to vector<16xi32>
      %parallel_loop3A_1439 = arith.constant 8 : i32
      %parallel_loop3A_1440 = vector.broadcast %parallel_loop3A_1439 : i32 to vector<16xi32>
      %parallel_loop3A_1441 = arith.cmpi slt, %iota3A, %parallel_loop3A_1440 : vector<16xi32>
      %parallel_loop3A_1442 = arith.constant 192 : i32
      %parallel_loop3A_1443 = arith.addi %parallel_loop3A_135, %parallel_loop3A_1442 : i32
      %parallel_loop3A_1444 = arith.index_cast %parallel_loop3A_1443 : i32 to index
      %parallel_loop3A_1445 = tpu.vector_load %arg6[%parallel_loop3A_1444] {strides = array<i32>} : memref<13312xi32, #tpu.memory_space<vmem>>, vector<16xi32>,
      %parallel_loop3A_1446 = vector.bitcast %parallel_loop3A_1445 : vector<16xi32> to vector<16xi32>
      %parallel_loop3A_1447 = vector.broadcast %parallel_loop3A_124 : i32 to vector<16xi32>
      %parallel_loop3A_1448 = arith.andi %parallel_loop3A_1446, %parallel_loop3A_1447 : vector<16xi32>
      %parallel_loop3A_1449 = arith.constant 16 : i32
      %parallel_loop3A_1450 = vector.broadcast %parallel_loop3A_1449 : i32 to vector<16xi32>
      %parallel_loop3A_1451 = arith.shrui %parallel_loop3A_1446, %parallel_loop3A_1450 : vector<16xi32>
      %parallel_loop3A_1452 = arith.muli %parallel_loop3A_1435, %parallel_loop3A_1448 : vector<16xi32>
      %parallel_loop3A_1453 = arith.muli %parallel_loop3A_1438, %parallel_loop3A_1448 : vector<16xi32>
      %parallel_loop3A_1454 = arith.muli %parallel_loop3A_1435, %parallel_loop3A_1451 : vector<16xi32>
      %parallel_loop3A_1455 = arith.muli %parallel_loop3A_1438, %parallel_loop3A_1451 : vector<16xi32>
      %parallel_loop3A_1456 = vector.broadcast %parallel_loop3A_124 : i32 to vector<16xi32>
      %parallel_loop3A_1457 = arith.andi %parallel_loop3A_1452, %parallel_loop3A_1456 : vector<16xi32>
      %parallel_loop3A_1458 = arith.constant 16 : i32
      %parallel_loop3A_1459 = vector.broadcast %parallel_loop3A_1458 : i32 to vector<16xi32>
      %parallel_loop3A_1460 = arith.shrui %parallel_loop3A_1453, %parallel_loop3A_1459 : vector<16xi32>
      %parallel_loop3A_1461 = arith.addi %parallel_loop3A_1460, %parallel_loop3A_1455 : vector<16xi32>
      %parallel_loop3A_1462 = arith.constant 2 : i32
      %parallel_loop3A_1463 = vector.broadcast %parallel_loop3A_1462 : i32 to vector<16xi32>
      %parallel_loop3A_1464 = arith.muli %parallel_loop3A_1461, %parallel_loop3A_1463 : vector<16xi32>
      %parallel_loop3A_1465 = arith.addi %parallel_loop3A_1457, %parallel_loop3A_1464 : vector<16xi32>
      %parallel_loop3A_1466 = arith.constant 16 : i32
      %parallel_loop3A_1467 = vector.broadcast %parallel_loop3A_1466 : i32 to vector<16xi32>
      %parallel_loop3A_1468 = arith.shrui %parallel_loop3A_1452, %parallel_loop3A_1467 : vector<16xi32>
      %parallel_loop3A_1469 = vector.broadcast %parallel_loop3A_124 : i32 to vector<16xi32>
      %parallel_loop3A_1470 = arith.andi %parallel_loop3A_1453, %parallel_loop3A_1469 : vector<16xi32>
      %parallel_loop3A_1471 = arith.addi %parallel_loop3A_1468, %parallel_loop3A_1470 : vector<16xi32>
      %parallel_loop3A_1472 = arith.addi %parallel_loop3A_1471, %parallel_loop3A_1454 : vector<16xi32>
      %parallel_loop3A_1473 = arith.constant true
      %parallel_loop3A_1474 = vector.broadcast %parallel_loop3A_1473 : i1 to vector<16xi1>
      %parallel_loop3A_1475 = tpu.scan <sum>, %parallel_loop3A_1465 masked %parallel_loop3A_1474 : vector<16xi32>, vector<16xi1> -> vector<16xi32>
      %parallel_loop3A_1476 = vector.broadcast %parallel_loop3A_1376 : i32 to vector<16xi32>
      %parallel_loop3A_1477 = arith.addi %parallel_loop3A_1475, %parallel_loop3A_1476 : vector<16xi32>
      %parallel_loop3A_1478 = arith.constant true
      %parallel_loop3A_1479 = vector.broadcast %parallel_loop3A_1478 : i1 to vector<16xi1>
      %parallel_loop3A_1480 = tpu.scan <sum>, %parallel_loop3A_1472 masked %parallel_loop3A_1479 : vector<16xi32>, vector<16xi1> -> vector<16xi32>
      %parallel_loop3A_1481 = vector.broadcast %parallel_loop3A_1381 : i32 to vector<16xi32>
      %parallel_loop3A_1482 = arith.addi %parallel_loop3A_1480, %parallel_loop3A_1481 : vector<16xi32>
      %parallel_loop3A_1483 = arith.constant true
      %parallel_loop3A_1484 = vector.broadcast %parallel_loop3A_1483 : i1 to vector<16xi1>
      %parallel_loop3A_1485 = tpu.scan <sum>, %parallel_loop3A_1465 masked %parallel_loop3A_1484 : vector<16xi32>, vector<16xi1> -> vector<16xi32>
      %parallel_loop3A_1486 = vector.extract %parallel_loop3A_1485[15] : i32 from vector<16xi32>
      %parallel_loop3A_1487 = arith.addi %parallel_loop3A_1376, %parallel_loop3A_1486 : i32
      %parallel_loop3A_1488 = arith.constant true
      %parallel_loop3A_1489 = vector.broadcast %parallel_loop3A_1488 : i1 to vector<16xi1>
      %parallel_loop3A_1490 = tpu.scan <sum>, %parallel_loop3A_1472 masked %parallel_loop3A_1489 : vector<16xi32>, vector<16xi1> -> vector<16xi32>
      %parallel_loop3A_1491 = vector.extract %parallel_loop3A_1490[15] : i32 from vector<16xi32>
      %parallel_loop3A_1492 = arith.addi %parallel_loop3A_1381, %parallel_loop3A_1491 : i32
      %parallel_loop3A_1493 = vector.broadcast %parallel_loop3A_127 : i32 to vector<16xi32>
      %parallel_loop3A_1494 = arith.andi %parallel_loop3A_1482, %parallel_loop3A_1493 : vector<16xi32>
      %parallel_loop3A_1495 = arith.constant 16 : i32
      %parallel_loop3A_1496 = vector.broadcast %parallel_loop3A_1495 : i32 to vector<16xi32>
      %parallel_loop3A_1497 = arith.shli %parallel_loop3A_1494, %parallel_loop3A_1496 : vector<16xi32>
      %parallel_loop3A_1498 = arith.constant 15 : i32
      %parallel_loop3A_1499 = vector.broadcast %parallel_loop3A_1498 : i32 to vector<16xi32>
      %parallel_loop3A_1500 = arith.shrui %parallel_loop3A_1482, %parallel_loop3A_1499 : vector<16xi32>
      %parallel_loop3A_1501 = arith.addi %parallel_loop3A_1497, %parallel_loop3A_1500 : vector<16xi32>
      %parallel_loop3A_1502 = arith.addi %parallel_loop3A_1477, %parallel_loop3A_1501 : vector<16xi32>
      %parallel_loop3A_1503 = vector.broadcast %parallel_loop3A_128 : i32 to vector<16xi32>
      %parallel_loop3A_1504 = arith.andi %parallel_loop3A_1502, %parallel_loop3A_1503 : vector<16xi32>
      %parallel_loop3A_1505 = arith.constant 31 : i32
      %parallel_loop3A_1506 = vector.broadcast %parallel_loop3A_1505 : i32 to vector<16xi32>
      %parallel_loop3A_1507 = arith.shrui %parallel_loop3A_1502, %parallel_loop3A_1506 : vector<16xi32>
      %parallel_loop3A_1508 = arith.addi %parallel_loop3A_1504, %parallel_loop3A_1507 : vector<16xi32>
      %parallel_loop3A_1509 = vector.broadcast %parallel_loop3A_128 : i32 to vector<16xi32>
      %parallel_loop3A_1510 = arith.cmpi uge, %parallel_loop3A_1508, %parallel_loop3A_1509 : vector<16xi32>
      %parallel_loop3A_1511 = vector.broadcast %parallel_loop3A_128 : i32 to vector<16xi32>
      %parallel_loop3A_1512 = arith.subi %parallel_loop3A_1508, %parallel_loop3A_1511 : vector<16xi32>
      %parallel_loop3A_1513 = arith.select %parallel_loop3A_1510, %parallel_loop3A_1512, %parallel_loop3A_1508 : vector<16xi1>, vector<16xi32>
      %parallel_loop3A_1514 = vector.bitcast %parallel_loop3A_1513 : vector<16xi32> to vector<16xi32>
      %parallel_loop3A_1515 = arith.sitofp %parallel_loop3A_1514 : vector<16xi32> to vector<16xf32>
      %parallel_loop3A_1516 = vector.broadcast %parallel_loop3A_129 : f32 to vector<16xf32>
      %parallel_loop3A_1517 = arith.mulf %parallel_loop3A_1515, %parallel_loop3A_1516 : vector<16xf32>
      %parallel_loop3A_1518 = arith.fptosi %parallel_loop3A_1517 : vector<16xf32> to vector<16xi32>
      %parallel_loop3A_1519 = vector.broadcast %parallel_loop3A_130 : i32 to vector<16xi32>
      %parallel_loop3A_1520 = arith.muli %parallel_loop3A_1518, %parallel_loop3A_1519 : vector<16xi32>
      %parallel_loop3A_1521 = arith.subi %parallel_loop3A_1514, %parallel_loop3A_1520 : vector<16xi32>
      %parallel_loop3A_1522 = arith.constant 0 : i32
      %parallel_loop3A_1523 = vector.broadcast %parallel_loop3A_1522 : i32 to vector<16xi32>
      %parallel_loop3A_1524 = arith.cmpi slt, %parallel_loop3A_1521, %parallel_loop3A_1523 : vector<16xi32>
      %parallel_loop3A_1525 = vector.broadcast %parallel_loop3A_130 : i32 to vector<16xi32>
      %parallel_loop3A_1526 = arith.addi %parallel_loop3A_1521, %parallel_loop3A_1525 : vector<16xi32>
      %parallel_loop3A_1527 = arith.select %parallel_loop3A_1524, %parallel_loop3A_1526, %parallel_loop3A_1521 : vector<16xi1>, vector<16xi32>
      %parallel_loop3A_1528 = vector.broadcast %parallel_loop3A_130 : i32 to vector<16xi32>
      %parallel_loop3A_1529 = arith.cmpi sge, %parallel_loop3A_1527, %parallel_loop3A_1528 : vector<16xi32>
      %parallel_loop3A_1530 = vector.broadcast %parallel_loop3A_130 : i32 to vector<16xi32>
      %parallel_loop3A_1531 = arith.subi %parallel_loop3A_1527, %parallel_loop3A_1530 : vector<16xi32>
      %parallel_loop3A_1532 = arith.select %parallel_loop3A_1529, %parallel_loop3A_1531, %parallel_loop3A_1527 : vector<16xi1>, vector<16xi32>
      %parallel_loop3A_1533 = arith.constant 1 : i32
      %parallel_loop3A_1534 = vector.broadcast %parallel_loop3A_1533 : i32 to vector<16xi32>
      %parallel_loop3A_1535 = arith.addi %parallel_loop3A_1532, %parallel_loop3A_1534 : vector<16xi32>
      %parallel_loop3A_1536 = arith.constant 0 : i32
      %parallel_loop3A_1537 = vector.broadcast %parallel_loop3A_1536 : i32 to vector<16xi32>
      %parallel_loop3A_1538 = arith.cmpi ne, %parallel_loop3A_1445, %parallel_loop3A_1537 : vector<16xi32>
      %parallel_loop3A_1539 = arith.andi %parallel_loop3A_1538, %parallel_loop3A_1441 : vector<16xi1>
      %parallel_loop3A_1540 = tpu.all_reduce %parallel_loop3A_1539 {dim = 0 : i64, kind = #tpu.reduction_kind<sum>} : vector<16xi1> -> vector<16xi32>
      %parallel_loop3A_1541 = arith.addi %parallel_loop3A_1429, %parallel_loop3A_1540 : vector<16xi32>
      tpu.vector_store_idx %arg7[%parallel_loop3A_136, %min3A_121], %parallel_loop3A_1535 masked %parallel_loop3A_1441 : memref<64x400xi32, #tpu.memory_space<vmem>>[vector<16xi32>, vector<16xi32>], vector<16xi32>, vector<16xi1>
      %parallel_loop3A_1542 = arith.constant 1 : i32
      %parallel_loop3A_1543 = vector.broadcast %parallel_loop3A_1542 : i32 to vector<16xi32>
      %parallel_loop3A_1544 = arith.addi %min3A_121, %parallel_loop3A_1543 : vector<16xi32>
      tpu.vector_store_idx %arg7[%parallel_loop3A_136, %parallel_loop3A_1544], %mul3A_5 masked %parallel_loop3A_1441 : memref<64x400xi32, #tpu.memory_space<vmem>>[vector<16xi32>, vector<16xi32>], vector<16xi32>, vector<16xi1>
      %parallel_loop3A_1545 = arith.constant 1 : i32
      %parallel_loop3A_1546 = vector.broadcast %parallel_loop3A_1545 : i32 to vector<16xi32>
      %parallel_loop3A_1547 = arith.subi %parallel_loop3A_1541, %parallel_loop3A_1546 : vector<16xi32>
      %parallel_loop3A_1548 = arith.constant 0 : i64
      %parallel_loop3A_1549 = arith.constant 199 : i64
      %parallel_loop3A_1550 = arith.trunci %parallel_loop3A_1548 : i64 to i32
      %parallel_loop3A_1551 = vector.broadcast %parallel_loop3A_1550 : i32 to vector<16xi32>
      %parallel_loop3A_1552 = arith.maxsi %parallel_loop3A_1551, %parallel_loop3A_1547 : vector<16xi32>
      %parallel_loop3A_1553 = arith.trunci %parallel_loop3A_1549 : i64 to i32
      %parallel_loop3A_1554 = vector.broadcast %parallel_loop3A_1553 : i32 to vector<16xi32>
      %parallel_loop3A_1555 = arith.minsi %parallel_loop3A_1554, %parallel_loop3A_1552 : vector<16xi32>
      %parallel_loop3A_1556 = arith.constant 2 : i32
      %parallel_loop3A_1557 = vector.broadcast %parallel_loop3A_1556 : i32 to vector<16xi32>
      %parallel_loop3A_1558 = arith.muli %parallel_loop3A_1555, %parallel_loop3A_1557 : vector<16xi32>
      %parallel_loop3A_1559 = tpu.vector_load_idx %arg7[%parallel_loop3A_136, %parallel_loop3A_1558] : memref<64x400xi32, #tpu.memory_space<vmem>>[vector<16xi32>, vector<16xi32>], vector<16xi32>,
      %parallel_loop3A_1560 = arith.constant true
      %parallel_loop3A_1561 = vector.broadcast %parallel_loop3A_1560 : i1 to vector<16xi1>
      %parallel_loop3A_1562 = arith.constant -2147483648 : i32
      %parallel_loop3A_1563 = vector.broadcast %parallel_loop3A_1562 : i32 to vector<16xi32>
      %parallel_loop3A_1564 = arith.xori %parallel_loop3A_1541, %parallel_loop3A_1563 : vector<16xi32>
      %parallel_loop3A_1565 = tpu.scan <max>, %parallel_loop3A_1564 masked %parallel_loop3A_1561 : vector<16xi32>, vector<16xi1> -> vector<16xi32>
      %parallel_loop3A_1566 = arith.xori %parallel_loop3A_1565, %parallel_loop3A_1563 : vector<16xi32>
      %parallel_loop3A_1567 = vector.extract %parallel_loop3A_1566[15] : i32 from vector<16xi32>
      %parallel_loop3A_1568 = arith.constant 16 : i32
      %parallel_loop3A_1569 = arith.divsi %parallel_loop3A_1567, %parallel_loop3A_1568 : i32
      %parallel_loop3A_1570 = arith.constant 0 : i32
      %parallel_loop3A_1571 = arith.cmpi sgt, %parallel_loop3A_1567, %parallel_loop3A_1570 : i32
      %parallel_loop3A_1572 = arith.extui %parallel_loop3A_1571 : i1 to i32
      %parallel_loop3A_1573 = arith.constant 0 : i32
      %parallel_loop3A_1574 = arith.cmpi slt, %parallel_loop3A_1567, %parallel_loop3A_1573 : i32
      %parallel_loop3A_1575 = arith.extui %parallel_loop3A_1574 : i1 to i32
      %parallel_loop3A_1576 = arith.subi %parallel_loop3A_1572, %parallel_loop3A_1575 : i32
      %parallel_loop3A_1577 = arith.constant 0 : i32
      %parallel_loop3A_1578 = arith.cmpi sgt, %parallel_loop3A_1568, %parallel_loop3A_1577 : i32
      %parallel_loop3A_1579 = arith.extui %parallel_loop3A_1578 : i1 to i32
      %parallel_loop3A_1580 = arith.constant 0 : i32
      %parallel_loop3A_1581 = arith.cmpi slt, %parallel_loop3A_1568, %parallel_loop3A_1580 : i32
      %parallel_loop3A_1582 = arith.extui %parallel_loop3A_1581 : i1 to i32
      %parallel_loop3A_1583 = arith.subi %parallel_loop3A_1579, %parallel_loop3A_1582 : i32
      %parallel_loop3A_1584 = arith.cmpi ne, %parallel_loop3A_1576, %parallel_loop3A_1583 : i32
      %parallel_loop3A_1585 = arith.remsi %parallel_loop3A_1567, %parallel_loop3A_1568 : i32
      %parallel_loop3A_1586 = arith.constant 0 : i32
      %parallel_loop3A_1587 = arith.cmpi ne, %parallel_loop3A_1585, %parallel_loop3A_1586 : i32
      %parallel_loop3A_1588 = arith.andi %parallel_loop3A_1584, %parallel_loop3A_1587 : i1
      %parallel_loop3A_1589 = arith.constant 1 : i32
      %parallel_loop3A_1590 = arith.subi %parallel_loop3A_1569, %parallel_loop3A_1589 : i32
      %parallel_loop3A_1591 = arith.select %parallel_loop3A_1588, %parallel_loop3A_1590, %parallel_loop3A_1569 : i32
      %parallel_loop3A_1592 = arith.constant 0 : i32
      %parallel_loop3A_1593 = arith.constant 13 : i32
      %parallel_loop3A_1594 = arith.subi %parallel_loop3A_1593, %parallel_loop3A_1591 : i32
      %parallel_loop3A_1595 = arith.addi %parallel_loop3A_1591, %parallel_loop3A_1594 : i32
      %parallel_loop3A_1596 = arith.constant 1 : i32
      %parallel_loop3A_1597 = arith.divsi %parallel_loop3A_1594, %parallel_loop3A_1596 : i32
      %parallel_loop3A_1598 = arith.muli %parallel_loop3A_1597, %parallel_loop3A_1596 : i32
      %parallel_loop3A_1599 = arith.addi %parallel_loop3A_1591, %parallel_loop3A_1598 : i32
      %parallel_loop3A_1600 = arith.constant 1 : i32
      scf.for %while3A = %parallel_loop3A_1591 to %parallel_loop3A_1599 step %parallel_loop3A_1600  : i32 {
        %parallel_loop3A_1602 = arith.constant 16 : i32
        %parallel_loop3A_1603 = arith.muli %while3A, %parallel_loop3A_1602 : i32
        %parallel_loop3A_1604 = vector.broadcast %parallel_loop3A_1603 : i32 to vector<16xi32>
        %parallel_loop3A_1605 = arith.addi %iota3A, %parallel_loop3A_1604 : vector<16xi32>
        %parallel_loop3A_1606 = arith.cmpi sge, %parallel_loop3A_1605, %parallel_loop3A_1541 : vector<16xi32>
        %parallel_loop3A_1607 = arith.constant 200 : i32
        %parallel_loop3A_1608 = vector.broadcast %parallel_loop3A_1607 : i32 to vector<16xi32>
        %parallel_loop3A_1609 = arith.cmpi slt, %parallel_loop3A_1605, %parallel_loop3A_1608 : vector<16xi32>
        %parallel_loop3A_1610 = arith.andi %parallel_loop3A_1606, %parallel_loop3A_1609 : vector<16xi1>
        %parallel_loop3A_1611 = arith.constant 2 : i32
        %parallel_loop3A_1612 = vector.broadcast %parallel_loop3A_1611 : i32 to vector<16xi32>
        %parallel_loop3A_1613 = arith.muli %parallel_loop3A_1605, %parallel_loop3A_1612 : vector<16xi32>
        %parallel_loop3A_1614 = arith.constant 398 : i32
        %parallel_loop3A_1615 = vector.broadcast %parallel_loop3A_1614 : i32 to vector<16xi32>
        %parallel_loop3A_1616 = arith.minsi %parallel_loop3A_1613, %parallel_loop3A_1615 : vector<16xi32>
        tpu.vector_store_idx %arg7[%parallel_loop3A_136, %parallel_loop3A_1616], %parallel_loop3A_1559 masked %parallel_loop3A_1610 : memref<64x400xi32, #tpu.memory_space<vmem>>[vector<16xi32>, vector<16xi32>], vector<16xi32>, vector<16xi1>
      }
      %parallel_loop3A_1601 = arith.constant 1 : i32
      scf.for %while3A = %parallel_loop3A_1599 to %parallel_loop3A_1595 step %parallel_loop3A_1601  : i32 {
        %parallel_loop3A_1602 = arith.constant 16 : i32
        %parallel_loop3A_1603 = arith.muli %while3A, %parallel_loop3A_1602 : i32
        %parallel_loop3A_1604 = vector.broadcast %parallel_loop3A_1603 : i32 to vector<16xi32>
        %parallel_loop3A_1605 = arith.addi %iota3A, %parallel_loop3A_1604 : vector<16xi32>
        %parallel_loop3A_1606 = arith.cmpi sge, %parallel_loop3A_1605, %parallel_loop3A_1541 : vector<16xi32>
        %parallel_loop3A_1607 = arith.constant 200 : i32
        %parallel_loop3A_1608 = vector.broadcast %parallel_loop3A_1607 : i32 to vector<16xi32>
        %parallel_loop3A_1609 = arith.cmpi slt, %parallel_loop3A_1605, %parallel_loop3A_1608 : vector<16xi32>
        %parallel_loop3A_1610 = arith.andi %parallel_loop3A_1606, %parallel_loop3A_1609 : vector<16xi1>
        %parallel_loop3A_1611 = arith.constant 2 : i32
        %parallel_loop3A_1612 = vector.broadcast %parallel_loop3A_1611 : i32 to vector<16xi32>
        %parallel_loop3A_1613 = arith.muli %parallel_loop3A_1605, %parallel_loop3A_1612 : vector<16xi32>
        %parallel_loop3A_1614 = arith.constant 398 : i32
        %parallel_loop3A_1615 = vector.broadcast %parallel_loop3A_1614 : i32 to vector<16xi32>
        %parallel_loop3A_1616 = arith.minsi %parallel_loop3A_1613, %parallel_loop3A_1615 : vector<16xi32>
        tpu.vector_store_idx %arg7[%parallel_loop3A_136, %parallel_loop3A_1616], %parallel_loop3A_1559 masked %parallel_loop3A_1610 : memref<64x400xi32, #tpu.memory_space<vmem>>[vector<16xi32>, vector<16xi32>], vector<16xi32>, vector<16xi1>
      }
    } {sc.loop_unroll_factor = 2 : i64, sc.parallel_access}
    %mul3A_131 = arith.constant 64 : i32
    %mul3A_132 = arith.muli %add3A, %mul3A_131 : i32
    "tpu.region"() ({
      %run_scoped3A = tpu.sem_alloc : memref<!tpu.dma_semaphore, #tpu.memory_space<semaphore_mem>>
      %dma_start3A = arith.constant 0 : i32
      %dma_start3A_133 = tpu.memref_slice %arg5[%mul3A_132, %dma_start3A] : memref<2048x400xi32, #tpu.memory_space<hbm>> -> memref<64x400xi32, #tpu.memory_space<hbm>>
      %dma_start3A_134 = arith.constant 0 : i32
      %dma_start3A_135 = tpu.memref_slice %arg5[%mul3A_132, %dma_start3A_134] : memref<2048x400xi32, #tpu.memory_space<hbm>> -> memref<64x400xi32, #tpu.memory_space<hbm>>
      tpu.enqueue_dma source(%arg7 : memref<64x400xi32, #tpu.memory_space<vmem>>) target(%dma_start3A_135 : memref<64x400xi32, #tpu.memory_space<hbm>>) target_semaphore(%run_scoped3A : memref<!tpu.dma_semaphore, #tpu.memory_space<semaphore_mem>>)
      %dma_wait3A = arith.constant 0 : i32
      %dma_wait3A_136 = tpu.memref_slice %arg5[%mul3A_132, %dma_wait3A] : memref<2048x400xi32, #tpu.memory_space<hbm>> -> memref<64x400xi32, #tpu.memory_space<hbm>>
      %dma_wait3A_137 = arith.constant 0 : i32
      %dma_wait3A_138 = tpu.memref_slice %arg5[%mul3A_132, %dma_wait3A_137] : memref<2048x400xi32, #tpu.memory_space<hbm>> -> memref<64x400xi32, #tpu.memory_space<hbm>>
      tpu.wait_dma2 semaphore(%run_scoped3A : memref<!tpu.dma_semaphore, #tpu.memory_space<semaphore_mem>>) src(%arg7 : memref<64x400xi32, #tpu.memory_space<vmem>>) dst(%dma_wait3A_138 : memref<64x400xi32, #tpu.memory_space<hbm>>)
      tpu.yield
    }) : () -> ()
    return
  }
}

</mosaic_0001>

<sc_bundles>
// kernel: kernel.4.cloned.1.call-start
scs
__scs_entry_jumppad:
0x0: {  	(pc) =	sbr.rel $0x88, $3  }
0x1: {  	(tag) =	ssettag $0x0;
	lr =	simm.s32 $0x1  }
0x2: {  	[smem:$0x3FA0] =	sst lr;
	_ =	strace $0xD0000000  }
0x3: {  	_ = 	snop  }
0x4: {  	_ = 	snop  }
0x5: {  	_ = 	snop  }
0x6: {  	_ = 	snop  }
0x7: {  	_ = 	snop  }
__scs_overlays_trampoline_lowered:
0x8: {  	[smem:$0x3FAF] =	sst s0  }
0x9: {  	[smem:$0x3FB0] =	sst s1  }
0xa: {  	[smem:$0x3FB1] =	sst s2  }
0xb: {  	[smem:$0x3FB2] =	sst s3  }
0xc: {  	[smem:$0x3FB3] =	sst s4  }
0xd: {  	[smem:$0x3FB4] =	sst s5  }
0xe: {  	[smem:$0x3FB5] =	sst s6  }
0xf: {  	[smem:$0x3FB6] =	sst s7  }
0x10: {  	[smem:$0x3FB7] =	sst s8  }
0x11: {  	[smem:$0x3FB8] =	sst s9;
	s0 =	simm.s32 @!p0 $0x0  }
0x12: {  	s1 =	sld [smem:$0x3F9E];
	s0 =	simm.s32 @p0 $0x1  }
0x13: {  	[smem:$0x3FB9] =	sst s0;
	s0 =	simm.s32 @!p1 $0x0  }
0x14: {  	s2 =	sld [smem:$0x3F9D];
	s0 =	simm.s32 @p1 $0x1  }
0x15: {  	[smem:$0x3FBA] =	sst s0;
	s0 =	simm.s32 @!p2 $0x0  }
0x16: {  	s3 =	sld [smem:$0x3FDB];
	s0 =	simm.s32 @p2 $0x1  }
0x17: {  	s4 =	simm.s32 $0x1BF5;
	[smem:$0x3FBC] =	sst s0  }
0x18: {  	s0 =	sld [smem:$0x3F9F];
	_ =	swait.ge [sflag:s4], $0x0  }
0x19: {  	s7 =	sld [smem:$0x3FA0]  }
0x1a: {  	s8 =	sadd.s32 $0xFFFFE003, lr  }
0x1b: {  	s9 =	sadd.s32 $0xFFFFFEF7, lr;
	s5 =	simm.s32 $0xFFFFFFFF;
	p2 =	slt.u32 s8, $0xFFFFF086  }
0x1c: {  	p1 =	slt.u32 s9, $0xF7A;
	s5 =	simm.s32 @!p2 $0x0  }
0x1d: {  	s5 =	simm.s32 @p1 $0x1;
	p0 =	seq.s32 s7, s2  }
0x1e: {  	s7 =	smul.u32 @!p0 $0xF7A, s2;
	p2 =	seq.s32 @!p0 s5, $0x0  }
0x1f: {  	s9 =	smul.u32 $0xF7A, s1;
	s8 =	simm.s32 @!p0 $0x1BF5;
	p2 =	por !p2, p0  }
0x20: {  	[sflag:s8] =	ssyncset.s32 @!p0 $0xFFFFF086;
	s6 =	sadd.s32 @!p0 s3, s7;
	s7 =	simm.s32 @!p0 $0x108  }
0x21: {  	s3 =	sadd.s32 s3, s9;
	s6 =	sadd.s32 @!p0 $0x88, s6;
	s7 =	simm.s32 @p2 $0x1082  }
0x22: {  	[simem:s7], [sflag:s8] =	dma.local @!p0 [hbm:s6], $0xF7A  }
0x23: {  	s9 =	sor.u32 $0xD0000000, s2;
	s6 =	simm.s32 $0x108;
	_ =	swait.ge @!p0 [sflag:s8], $0x0  }
0x24: {  	s3 =	sadd.s32 $0x88, s3;
	s6 =	simm.s32 @!p1 $0x1082;
	[sflag:s4] =	ssyncset.s32 $0xFFFFF086  }
0x25: {  	[simem:s6], [sflag:s4] =	dma.local [hbm:s3], $0xF7A  }
0x26: {  	[smem:$0x3FA0] =	sst s1;
	(tag) =	ssettag s2;
	_ =	strace s9  }
0x27: {  	s1 =	sld [smem:$0x3FB0]  }
0x28: {  	s2 =	sld [smem:$0x3FB1]  }
0x29: {  	s4 =	sld [smem:$0x3FB3]  }
0x2a: {  	p0 =	seq.s32 s5, $0x0;
	s5 =	sld [smem:$0x3FB4]  }
0x2b: {  	s6 =	sld [smem:$0x3FB5]  }
0x2c: {  	s7 =	sld [smem:$0x3FB6]  }
0x2d: {  	s3 =	simm.s32 $0x108;
	s8 =	sld [smem:$0x3FB7]  }
0x2e: {  	s3 =	simm.s32 @!p0 $0x1082;
	s9 =	sld [smem:$0x3FB8]  }
0x2f: {  	lr =	sadd.s32 s0, s3;
	s0 =	sld [smem:$0x3FAF]  }
0x30: {  	s3 =	sld [smem:$0x3FB2]  }
0x31: {  	[smem:$0x3FBB] =	sst s10  }
0x32: {  	s10 =	sld [smem:$0x3FB9];
	_ =	sdelay $0x3  }
0x33: {  	p0 =	seq.s32 s10, $0x1;
	s10 =	sld [smem:$0x3FBB];
	_ =	sdelay $0x3  }
0x34: {  	[smem:$0x3FBB] =	sst s10  }
0x35: {  	s10 =	sld [smem:$0x3FBA];
	_ =	sdelay $0x3  }
0x36: {  	p1 =	seq.s32 s10, $0x1;
	s10 =	sld [smem:$0x3FBB];
	_ =	sdelay $0x3  }
0x37: {  	[smem:$0x3FBB] =	sst s10  }
0x38: {  	s10 =	sld [smem:$0x3FBC]  }
0x39: {  	_ = 	snop;
	(pc) =	sbr.ind lr, $3  }
0x3a: {  	_ = 	snop  }
0x3b: {  	_ = 	snop  }
0x3c: {  	p2 =	seq.s32 s10, $0x1;
	s10 =	sld [smem:$0x3FBB]  }
0x3d: {  	_ =	shalt  }
0x3e: {  	_ =	shalt  }
0x3f: {  	_ =	shalt  }
0x40: {  	_ =	shalt  }
0x41: {  	_ =	shalt  }
0x42: {  	_ =	shalt  }
0x43: {  	_ =	shalt  }
0x44: {  	_ =	shalt  }
0x45: {  	_ =	shalt  }
0x46: {  	_ =	shalt  }
0x47: {  	_ =	shalt  }
0x48: {  	_ =	shalt  }
0x49: {  	_ =	shalt  }
0x4a: {  	_ =	shalt  }
0x4b: {  	_ =	shalt  }
0x4c: {  	_ =	shalt  }
0x4d: {  	_ =	shalt  }
0x4e: {  	_ =	shalt  }
0x4f: {  	_ =	shalt  }
0x50: {  	_ =	shalt  }
0x51: {  	_ =	shalt  }
0x52: {  	_ =	shalt  }
0x53: {  	_ =	shalt  }
0x54: {  	_ =	shalt  }
0x55: {  	_ =	shalt  }
0x56: {  	_ =	shalt  }
0x57: {  	_ =	shalt  }
0x58: {  	_ =	shalt  }
0x59: {  	_ =	shalt  }
0x5a: {  	_ =	shalt  }
0x5b: {  	_ =	shalt  }
0x5c: {  	_ =	shalt  }
0x5d: {  	_ =	shalt  }
0x5e: {  	_ =	shalt  }
0x5f: {  	_ =	shalt  }
0x60: {  	_ =	shalt  }
0x61: {  	_ =	shalt  }
0x62: {  	_ =	shalt  }
0x63: {  	_ =	shalt  }
0x64: {  	_ =	shalt  }
0x65: {  	_ =	shalt  }
0x66: {  	_ =	shalt  }
0x67: {  	_ =	shalt  }
0x68: {  	_ =	shalt  }
0x69: {  	_ =	shalt  }
0x6a: {  	_ =	shalt  }
0x6b: {  	_ =	shalt  }
0x6c: {  	_ =	shalt  }
0x6d: {  	_ =	shalt  }
0x6e: {  	_ =	shalt  }
0x6f: {  	_ =	shalt  }
0x70: {  	_ =	shalt  }
0x71: {  	_ =	shalt  }
0x72: {  	_ =	shalt  }
0x73: {  	_ =	shalt  }
0x74: {  	_ =	shalt  }
0x75: {  	_ =	shalt  }
0x76: {  	_ =	shalt  }
0x77: {  	_ =	shalt  }
0x78: {  	_ =	shalt  }
0x79: {  	_ =	shalt  }
0x7a: {  	_ =	shalt  }
0x7b: {  	_ =	shalt  }
0x7c: {  	_ =	shalt  }
0x7d: {  	_ =	shalt  }
0x7e: {  	_ =	shalt  }
0x7f: {  	_ =	shalt  }
0x80: {  	_ =	shalt  }
0x81: {  	_ =	shalt  }
0x82: {  	_ =	shalt  }
0x83: {  	_ =	shalt  }
0x84: {  	_ =	shalt  }
0x85: {  	_ =	shalt  }
0x86: {  	_ =	shalt  }
0x87: {  	_ =	shalt  }
.Lfunc_end0:
.L_simem_size_0:
called_computation_lowered:
.L_overlay_start_0:
0x88: {  	s2 =	sld [smem:$0x3FD9]  }
0x89: {  	s3 =	sld [smem:$0x3FFE];
	_ =	sdelay $0x1  }
0x8a: {  	s1 =	srdreg.scid  }
0x8b: {  	s0 =	sand.u32 $0x1, s1  }
0x8c: {  	s17 =	sshll.u32 s0, $0xA;
	s2 =	sadd.s32 s3, s2  }
0x8d: {  	s2 =	sadd.s32 s2, s17  }
0x8e: {  	[smem:$0x3FC7] =	sst s2  }
0x8f: {  	_ = 	snop  }
0x90: {  	s18 =	sld [smem:$0x3FD0];
	(tm) =	ssettm $0x1  }
0x91: {  	s19 =	sld [smem:$0x3FFB];
	_ =	sdelay $0x3  }
0x92: {  	_ =	strace s19  }
0x93: {  	s2 =	sld [smem:$0x3FFC];
	_ =	sdelay $0x3  }
0x94: {  	_ =	strace s2  }
0x95: {  	s2 =	sld [smem:$0x3FFD];
	_ =	sdelay $0x3  }
0x96: {  	_ =	strace s2  }
0x97: {  	_ =	strace $0x8FFFFFFF  }
0x98: {  	s20 =	sld [smem:$0x3FDB];
	_ =	sdelay $0x1  }
0x99: {  	s4 =	simm.s32 $_scs_section_size  }
0x9a: {  	s5 =	simm.s32 $_size__tile_overlayer_lowered;
	s6 =	simm.s32 $_tile_overlayer_lowered  }
0x9b: {  	s7 =	simm.s32 $0x1BFF;
	s21 =	sshll.u32 s6, $0x1;
	s4 =	sadd.s32 s4, s20  }
0x9c: {  	s22 =	simm.s32 $0x0;
	s5 =	sshll.u32 s5, $0x1;
	s6 =	sadd.s32 s21, s4  }
0x9d: {  	[timem:s22], [sflag:s7] =	dma.local [hbm:s6], s5  }
0x9e: {  	_ =	swait.ge [sflag:s7], s5  }
0x9f: {  	s5 =	ssub.s32 $0x0, s5;
	[sflag:s7] =	ssyncset.done $0x0  }
0xa0: {  	[sflag:s7] =	ssyncadd.s32 s5;
	_ =	sdelay $0x1  }
0xa1: {  	s23 =	simm.s32 $0x1B8B  }
0xa2: {  	_ =	swait.ge [sflag:s23], $0x1  }
0xa3: {  	[sflag:s23] =	ssyncset.done $0x0  }
0xa4: {  	[sflag:s23] =	ssyncadd.s32 $0xFFFFFFFF  }
0xa5: {  	s5 =	sld [smem:$0x0]  }
0xa6: {  	s6 =	sand.u32 $0xFFFFFFFE, s1  }
0xa7: {  	p0 =	sne.s32 s1, s6  }
0xa8: {  	s6 =	sshll.u32 @p0 s6, $0xE  }
0xa9: {  	s6 =	sadd.s32 @p0 $0x11B8D, s6;
	s7 =	sshll.u32 @p0 s5, $0x11  }
0xaa: {  	s6 =	sor.u32 @p0 s7, s6  }
0xab: {  	[sflag:s6] =	ssyncadd.remote.s32 @p0 $0x1;
	_ =	sdelay $0x1  }
0xac: {  	s6 =	simm.s32 @p0 $0x1B8D  }
0xad: {  	_ =	swait.eq @p0 [sflag:s6], $0x1  }
0xae: {  	[sflag:s6] =	ssyncadd.s32 @p0 $0xFFFFFFFF  }
0xaf: {  	s7 =	sshll.u32 @!p0 s1, $0xE  }
0xb0: {  	s7 =	sor.u32 @!p0 $0x4000, s7;
	s6 =	simm.s32 @!p0 $0x1B8D  }
0xb1: {  	s5 =	sshll.u32 @!p0 s5, $0x11;
	s7 =	sadd.s32 @!p0 $0x11B8D, s7;
	_ =	swait.eq @!p0 [sflag:s6], $0x1  }
0xb2: {  	s5 =	sor.u32 @!p0 s5, s7;
	[sflag:s6] =	ssyncadd.s32 @!p0 $0xFFFFFFFF  }
0xb3: {  	s25 =	simm.s32 $0x1B8E;
	s24 =	sld [smem:$0x3FFE];
	[sflag:s5] =	ssyncadd.remote.s32 @!p0 $0x1  }
0xb4: {  	s26 =	simm.s32 $execute0_lowered;
	[smem:$0x3FD2] =	sst s25  }
0xb5: {  	s6 =	sshll.u32 s26, $0x1;
	_ =	strace $0x80000049;
	[dreg:$0x1] =	wrdreg $0xFFFFFFFF  }
0xb6: {  	s28 =	simm.s32 $_size_execute0_lowered;
	s4 =	sadd.s32 s4, s6;
	[dreg:$0x0] =	wrdreg $0x0  }
0xb7: {  	s6 =	sshll.u32 s28, $0x1;
	[dreg:$0x2] =	wrdreg s4  }
0xb8: {  	[dreg:$0x3] =	wrdreg s6  }
0xb9: {  	[dreg:$0x4] =	wrdreg $0xC0  }
0xba: {  	_ =	task [dreg:s22], $0x5FFFF  }
0xbb: {  	[dreg:$0x1] =	wrdreg $0xFFFFFFFF  }
0xbc: {  	[dreg:$0x0] =	wrdreg $0x60  }
0xbd: {  	[dreg:$0x2] =	wrdreg s24  }
0xbe: {  	[dreg:$0x3] =	wrdreg s18  }
0xbf: {  	[dreg:$0x4] =	wrdreg $0x9  }
0xc0: {  	_ =	task.clear_ibuf [dreg:s22], $0x5FFFF;
	_ =	strace $0x90000049  }
0xc1: {  	s29 =	simm.s32 $0x9;
	_ =	strace $0x8000004B  }
0xc2: {  	_ =	swait.ge [sflag:s29], $0x1  }
0xc3: {  	[sflag:s29] =	ssyncadd.s32 $0xFFFFFFFF  }
0xc4: {  	_ =	strace $0x9000004B  }
0xc5: {  	_ =	sfence  }
0xc6: {  	s30 =	sld [smem:$0x0];
	_ =	sdelay $0x2  }
0xc7: {  	s31 =	sshll.u32 s1, $0xD;
	s1 =	sshrl.u32 s1, $0x2  }
0xc8: {  	s4 =	sand.u32 $0x4000, s31;
	s1 =	sadd.s32 s1, s30  }
0xc9: {  	s0 =	sor.u32 s4, s0;
	s1 =	sshll.u32 s1, $0x11  }
0xca: {  	s0 =	sor.u32 s1, s0  }
0xcb: {  	s0 =	sadd.s32 $0x8F2B, s0  }
0xcc: {  	[sflag:s0] =	ssyncadd.remote.s32 $0x1  }
0xcd: {  	_ =	sfence.sel $0xFFFF  }
0xce: {  	[dreg:$0x0] =	wrdreg $0xFFFFFFFF;
	(pc) =	sbr.abs _section_cstart, $3  }
0xcf: {  	[dreg:$0x1] =	wrdreg $0xFFFFFFFF  }
0xd0: {  	_ =	task.clear_ibuf [dreg:s22], $0x2FFFF;
	_ =	strace $0x9FFFFFFF  }
0xd1: {  	(tm) =	ssettm $0x7FFFFFFF  }
tec
execute0_lowered:
.L_overlay_start_1:
0x0: {  	(tag) =	ssettag $0x1  }
0x1: {  	v0 =	vlaneseq.u32;
	v2 =	vimm.s32 $0x0  }
0x2: {  	v3 =	vimm.s32 $0x1;
	v20 =	vimm.s32 $0xECA86420;
	v22 =	vimm.s32 $0xFDB97531  }
0x3: {  	vm1 =	vcmask $0x1F00;
	vm0 =	vmmov $0xff;
	v29 =	vimm.s32 $0xC0E  }
0x4: {  	vm2 =	vcmask $0x300;
	v30 =	vimm.s32 $0xC0F;
	vm3 =	vcmask $0x704  }
0x5: {  	v1 =	vmul.u32 $0x2, v0;
	v24 =	vunpack.c.l.s4.s8 v20;
	v26 =	vunpack.c.l.s4.s8 v22  }
0x6: {  	v29 =	vsel vm2, $0xC00, v29;
	v30 =	vsel vm2, $0xC01, v30;
	vm2 =	vcmask $0xB08  }
0x7: {  	v29 =	vsel vm3, $0xC02, v29;
	v30 =	vsel vm3, $0xC03, v30;
	vm3 =	vcmask $0xF0C  }
0x8: {  	v4 =	vor.u32 $0x1, v1;
	v5 =	vor.u32 $0x20, v1;
	v6 =	vor.u32 $0x21, v1  }
0x9: {  	v7 =	vor.u32 $0x40, v1;
	v8 =	vor.u32 $0x41, v1;
	v9 =	vor.u32 $0x60, v1  }
0xa: {  	v10 =	vor.u32 $0x61, v1;
	v11 =	vor.u32 $0x400, v1;
	v12 =	vor.u32 $0x401, v1  }
0xb: {  	v13 =	vor.u32 $0x420, v1;
	v14 =	vor.u32 $0x421, v1;
	v15 =	vor.u32 $0x440, v1  }
0xc: {  	s4 =	rddreg [dreg:$0x0];
	s1 =	srdreg.scid;
	v16 =	vor.u32 $0x441, v1;
	v17 =	vor.u32 $0x460, v1;
	v18 =	vor.u32 $0x461, v1  }
0xd: {  	s0 =	stileid.u32;
	s6 =	rddreg [dreg:$0x1];
	v19 =	vor.u32 $0x800, v1;
	v20 =	vor.u32 $0x801, v1;
	v21 =	vor.u32 $0x820, v1  }
0xe: {  	s2 =	simm.s32 $0x0;
	s5 =	sand.u32 $0x1, s1;
	s3 =	sshll.u32 s0, $0x1;
	v22 =	vor.u32 $0x821, v1;
	v23 =	vor.u32 $0x840, v1;
	v27 =	vunpack.c.0.s8.s32 v24  }
0xf: {  	s10 =	simm.s32 $0xB500;
	s11 =	simm.s32 $0x3400;
	s7 =	sor.u32 s5, s3;
	v24 =	vor.u32 $0x841, v1;
	v25 =	vor.u32 $0x860, v1;
	v28 =	vunpack.c.0.s8.s32 v26  }
0x10: {  	s12 =	simm.s32 $0x0;
	s1 =	rddreg [dreg:$0x2];
	v26 =	vor.u32 $0x861, v1;
	s3 =	smul.u32 $0x680, s7;
	v29 =	vsel vm2, $0xC04, v29;
	v30 =	vsel vm2, $0xC05, v30  }
.Ltmp0:
0x11: {  	[smem:$0x7FF] =	sst s2;
	s5 =	ssub.s32 $0x2, s5;
	vm2 =	vcmask $0x1310;
	v29 =	vsel vm3, $0xC06, v29;
	v30 =	vsel vm3, $0xC07, v30;
	(pc) =	sbr.rel .LBB2_1-.Ltmp0, $4  }
0x12: {  	_ =	strace $0x8000004A;
	s9 =	sshrl.u32 s5, $0x1;
	s7 =	sshll.u32 s7, $0xC;
	vm3 =	vcmask $0x1714;
	v27 =	vand.u32 $0xF, v27;
	v28 =	vand.u32 $0xF, v28  }
0x13: {  	s9 =	ssub.s32 s5, s9;
	s6 =	sadd.s32 s6, s7;
	s8 =	sadd.s32 s3, s4;
	v29 =	vsel vm2, $0xC08, v29;
	v30 =	vsel vm2, $0xC09, v30;
	vm2 =	vcmask $0x1B18  }
0x14: {  	s3 =	sadd.s32 $0xD400, s4;
	s4 =	sadd.s32 $0xD000, s4;
	s7 =	smax.u32 s9, $0x1;
	v27 =	vnsel vm1, $0xE, v27;
	v29 =	vsel vm3, $0xC0A, v29;
	v30 =	vsel vm3, $0xC0B, v30  }
0x15: {  	s9 =	simm.s32 $0xB400;
	s5 =	sadd.s32 $0x2D800, s8;
	s8 =	simm.s32 $0x1;
	v28 =	vnsel vm1, $0xF, v28;
	v29 =	vsel vm2, $0xC0C, v29;
	v30 =	vsel vm2, $0xC0D, v30  }
.LBB2_19:
0x16: {  	s12 =	sadd.s32 $0x1, s12  }
0x17: {  	p0 =	sne.s32 s12, s7  }
.Ltmp1:
0x18: {  	_ = 	snop;
	(pc) =	sbr.rel @!p0 .LBB2_20-.Ltmp1, $4  }
0x19: {  	[hbm4b:s6+s2] =	stream.linear.scatter [tilespmem:s11], [sflag:$0x1], $0x8000, $0x38;
	[tilespmem:$0xB600] =	vst v63  }
0x1a: {  	_ =	swait.ge [sflag:s8], $0x8000  }
0x1b: {  	[sflag:s8] =	ssyncset.done $0x0  }
0x1c: {  	[sflag:s8] =	ssyncadd.s32 $0xFFFF8000  }
.LBB2_1:
0x1d: {  	[tilespmem:s2], [sflag:$0x1] =	stream.linear.gather [hbm4b:s5+s2], $0x3400, $0x38;
	[tilespmem:$0xB600] =	vst v63  }
0x1e: {  	_ =	swait.ge [sflag:s8], $0x3400  }
0x1f: {  	[sflag:s8] =	ssyncset.done $0x0  }
0x20: {  	[sflag:s8] =	ssyncadd.s32 $0xFFFFCC00  }
0x21: {  	[tilespmem:s9], [sflag:$0x1] =	stream.linear.gather [hbm4b:s3+s2], $0x100, $0x38;
	[tilespmem:$0xB600] =	vst v63  }
0x22: {  	_ =	swait.ge [sflag:s8], $0x100  }
0x23: {  	[sflag:s8] =	ssyncset.done $0x0  }
.Ltmp2:
0x24: {  	[sflag:s8] =	ssyncadd.s32 $0xFFFFFF00;
	(pc) =	sbr.rel .LBB2_2-.Ltmp2, $4  }
0x25: {  	[tilespmem:s10], [sflag:$0x1] =	stream.linear.gather [hbm4b:s4+s2], $0x100, $0x38;
	[tilespmem:$0xB600] =	vst v63  }
0x26: {  	_ =	swait.ge [sflag:s8], $0x100  }
0x27: {  	[sflag:s8] =	ssyncset.done $0x0  }
0x28: {  	s13 =	simm.s32 $0x0;
	[sflag:s8] =	ssyncadd.s32 $0xFFFFFF00  }
.LBB2_12:
0x29: {  	_ = 	snop  }
.LBB2_17:
0x2a: {  	vm2 =	vge.s32 v38, v34;
	v63 =	vand.u32 $0xFFFFFC00, v39  }
0x2b: {  	vm3 =	vlt.s32 v38, $0xC8;
	v35 =	vand.u32 $0x7E, v35;
	v32 =	vadd.s32 v32, v63  }
0x2c: {  	vm2 =	vmand vm2, vm3;
	v32 =	vor.u32 v35, v32  }
0x2d: {  	v31 =	vor.u32 v31, v32;
	_ =	sdelay $0x3  }
0x2e: {  	[tilespmem:v37+s11+$0x0] =	vst.idx.msk @p0 vm1, v33  }
0x2f: {  	[tilespmem:v31+s11+$0x0] =	vst.idx.msk vm2, v33  }
.LBB2_18:
0x30: {  	p0 =	slt.u32 s13, $0x3E  }
.Ltmp3:
0x31: {  	_ = 	snop;
	(pc) =	sbr.rel @!p0 .LBB2_19-.Ltmp3, $3  }
0x32: {  	_ =	sdelay $0x1  }
0x33: {  	s14 =	sadd.s32 $0x2, s13  }
0x34: {  	s13 =	smov.u32 s14  }
.LBB2_2:
0x35: {  	s14 =	smul.u32 $0xD0, s13;
	_ =	sdelay $0x1  }
0x36: {  	v37 =	vld [tilespmem:s14+$0x0]  }
0x37: {  	v32 =	vld [tilespmem:$0xB500];
	_ =	sdelay $0x1  }
0x38: {  	v31 =	vld [tilespmem:$0xB400];
	_ =	sdelay $0x1  }
0x39: {  	v33 =	vand.u32 $0xFFFF, v37  }
0x3a: {  	v34 =	vshrl.u32 v37, $0x10;
	v35 =	vmul.u32 v32, v33  }
0x3b: {  	v36 =	vmul.u32 v32, v34  }
0x3c: {  	v33 =	vmul.u32 v31, v33;
	v38 =	vshrl.u32 v35, $0x10  }
0x3d: {  	v34 =	vmul.u32 v31, v34;
	v36 =	vadd.s32 v36, v38  }
0x3e: {  	v40 =	vand.u32 $0xFFFF, v33;
	v35 =	vand.u32 $0xFFFF, v35;
	v36 =	vshll.u32 v36, $0x1  }
0x3f: {  	v33 =	vshrl.u32 v33, $0x10;
	v34 =	vadd.s32 v34, v35;
	v36 =	vadd.s32 v40, v36  }
0x40: {  	v33 =	vadd.s32 v33, v34;
	(xrf0) =	vadd.scan.msk.s32 $0xffff, v36  }
0x41: {  	(xrf0) =	vadd.scan.msk.s32 $0xffff, v33;
	_ =	sdelay $0x4  }
0x42: {  	v39, _, _ =	vpop (xrf0)  }
0x43: {  	v40, _, _ =	vpop (xrf0)  }
0x44: {  	v41 =	vadd.s32 $0x80B, v40  }
0x45: {  	v42 =	vshll.u32 v41, $0x10;
	v33 =	vshrl.u32 v41, $0xF  }
0x46: {  	v34 =	vand.u32 $0x7FFF0000, v42;
	v33 =	vadd.s32 v33, v39  }
0x47: {  	v33 =	vadd.s32 v34, v33  }
0x48: {  	v33 =	vadd.s32 $0xBE3E, v33  }
0x49: {  	v43 =	vand.u32 $0x7FFFFFFF, v33;
	v33 =	vshrl.u32 v33, $0x1F  }
0x4a: {  	v33 =	vadd.s32 v33, v43  }
0x4b: {  	v34 =	vadd.s32 $0x80000001, v33  }
0x4c: {  	v44 =	vmin.u32 v34, v33  }
0x4d: {  	v33 =	vcvt.s32.f32 v44;
	_ =	sdelay $0x1  }
0x4e: {  	v33 =	vmul.f32 $1.000009980e-05, v33;
	_ =	sdelay $0x1  }
0x4f: {  	v33 =	vtrunc.f32 v33  }
0x50: {  	v33 =	vcvt.f32.s32 v33  }
0x51: {  	v45 =	vmov s13  }
0x52: {  	v47 =	vshll.u32 v45, $0x7;
	v36 =	vshll.u32 v45, $0x9;
	v46 =	vmul.u32 $0xFFFE7961, v33  }
0x53: {  	v34 =	vand.u32 $0x7000, v36;
	v33 =	vand.u32 $0x300, v47  }
0x54: {  	v35 =	vor.u32 v33, v34;
	v38 =	vadd.s32 v44, v46  }
0x55: {  	v42 =	vor.u32 v1, v35;
	vm1 =	vlt.s32 v38, $0x0;
	v41 =	vadd.s32 $0x1869F, v38  }
0x56: {  	v48 =	vor.u32 v4, v35;
	v38 =	vsel vm1, v41, v38  }
0x57: {  	vm1 =	vgt.s32 v38, $0x1869E  }
0x58: {  	v43 =	vsel vm1, $0xFFFE7962, v3  }
0x59: {  	v38 =	vadd.s32 v38, v43  }
0x5a: {  	[tilespmem:v42+s11+$0x0] =	vst.idx.msk $0xffff, v38  }
0x5b: {  	[tilespmem:v48+s11+$0x0] =	vst.idx.msk $0xffff, v2  }
0x5c: {  	v38 =	vld [tilespmem:s14+$0x10]  }
0x5d: {  	v41 =	vld [tilespmem:$0xB510]  }
0x5e: {  	(v2sf) =	vpush v39, $0xF  }
0x5f: {  	(v2sf) =	vpush v40, $0xF;
	v49 =	vld [tilespmem:$0xB410];
	_ =	sdelay $0x1  }
0x60: {  	v50 =	vand.u32 $0xFFFF, v38  }
0x61: {  	v51 =	vshrl.u32 v38, $0x10;
	v52 =	vmul.u32 v41, v50  }
0x62: {  	v41 =	vmul.u32 v41, v51  }
0x63: {  	v40 =	vmul.u32 v49, v50;
	v44 =	vshrl.u32 v52, $0x10  }
0x64: {  	v39 =	vmul.u32 v49, v51;
	v41 =	vadd.s32 v41, v44  }
0x65: {  	v53 =	vand.u32 $0xFFFF, v40;
	v43 =	vand.u32 $0xFFFF, v52;
	v41 =	vshll.u32 v41, $0x1  }
0x66: {  	v40 =	vshrl.u32 v40, $0x10;
	v39 =	vadd.s32 v39, v43;
	v41 =	vadd.s32 v53, v41  }
0x67: {  	v39 =	vadd.s32 v40, v39;
	(xrf0) =	vadd.scan.msk.s32 $0xffff, v41  }
0x68: {  	(xrf0) =	vadd.scan.msk.s32 $0xffff, v39;
	_ =	sdelay $0x3  }
0x69: {  	s15 =	spop (v2sf)  }
0x6a: {  	s16 =	spop (v2sf);
	v54, _, _ =	vpop (xrf0)  }
0x6b: {  	s16 =	sadd.s32 $0x80B, s16;
	v55, _, _ =	vpop (xrf0)  }
0x6c: {  	s15 =	sadd.s32 $0xBE3E, s15;
	v56 =	vadd.s32 s16, v55  }
0x6d: {  	v58 =	vadd.s32 s15, v54;
	v57 =	vshll.u32 v56, $0x10;
	v39 =	vshrl.u32 v56, $0xF  }
0x6e: {  	v42 =	vand.u32 $0x7FFF0000, v57;
	v39 =	vadd.s32 v39, v58  }
0x6f: {  	v39 =	vadd.s32 v42, v39  }
0x70: {  	v42 =	vand.u32 $0x7FFFFFFF, v39;
	v39 =	vshrl.u32 v39, $0x1F  }
0x71: {  	v39 =	vadd.s32 v39, v42  }
0x72: {  	v42 =	vadd.s32 $0x80000001, v39  }
0x73: {  	v39 =	vmin.u32 v42, v39  }
0x74: {  	v42 =	vcvt.s32.f32 v39;
	_ =	sdelay $0x1  }
0x75: {  	v42 =	vmul.f32 $1.000009980e-05, v42;
	_ =	sdelay $0x1  }
0x76: {  	v42 =	vtrunc.f32 v42  }
0x77: {  	v42 =	vcvt.f32.s32 v42;
	_ =	sdelay $0x1  }
0x78: {  	v42 =	vmul.u32 $0xFFFE7961, v42;
	_ =	sdelay $0x1  }
0x79: {  	v39 =	vadd.s32 v39, v42  }
0x7a: {  	v59 =	vor.u32 v5, v35;
	vm1 =	vlt.s32 v39, $0x0;
	v42 =	vadd.s32 $0x1869F, v39  }
0x7b: {  	v60 =	vor.u32 v6, v35;
	v39 =	vsel vm1, v42, v39  }
0x7c: {  	vm1 =	vgt.s32 v39, $0x1869E  }
0x7d: {  	v61 =	vsel vm1, $0xFFFE7962, v3  }
0x7e: {  	v39 =	vadd.s32 v39, v61  }
0x7f: {  	[tilespmem:v59+s11+$0x0] =	vst.idx.msk $0xffff, v39  }
0x80: {  	[tilespmem:v60+s11+$0x0] =	vst.idx.msk $0xffff, v2  }
0x81: {  	v39 =	vld [tilespmem:s14+$0x20]  }
0x82: {  	v42 =	vld [tilespmem:$0xB520]  }
0x83: {  	(v2sf) =	vpush v54, $0xF  }
0x84: {  	(v2sf) =	vpush v55, $0xF;
	v62 =	vld [tilespmem:$0xB420];
	_ =	sdelay $0x1  }
0x85: {  	v63 =	vand.u32 $0xFFFF, v39  }
0x86: {  	v48 =	vshrl.u32 v39, $0x10;
	v49 =	vmul.u32 v42, v63  }
0x87: {  	v42 =	vmul.u32 v42, v48  }
0x88: {  	v41 =	vmul.u32 v62, v63;
	v45 =	vshrl.u32 v49, $0x10  }
0x89: {  	v40 =	vmul.u32 v62, v48;
	v42 =	vadd.s32 v42, v45  }
0x8a: {  	v50 =	vand.u32 $0xFFFF, v41;
	v44 =	vand.u32 $0xFFFF, v49;
	v42 =	vshll.u32 v42, $0x1  }
0x8b: {  	v41 =	vshrl.u32 v41, $0x10;
	v40 =	vadd.s32 v40, v44;
	v42 =	vadd.s32 v50, v42  }
0x8c: {  	v40 =	vadd.s32 v41, v40;
	(xrf0) =	vadd.scan.msk.s32 $0xffff, v42  }
0x8d: {  	(xrf0) =	vadd.scan.msk.s32 $0xffff, v40;
	_ =	sdelay $0x3  }
0x8e: {  	s17 =	spop (v2sf)  }
0x8f: {  	s18 =	spop (v2sf);
	v51, _, _ =	vpop (xrf0)  }
0x90: {  	s16 =	sadd.s32 s16, s18;
	v52, _, _ =	vpop (xrf0)  }
0x91: {  	s15 =	sadd.s32 s15, s17;
	v53 =	vadd.s32 s16, v52  }
0x92: {  	v55 =	vadd.s32 s15, v51;
	v54 =	vshll.u32 v53, $0x10;
	v40 =	vshrl.u32 v53, $0xF  }
0x93: {  	v43 =	vand.u32 $0x7FFF0000, v54;
	v40 =	vadd.s32 v40, v55  }
0x94: {  	v40 =	vadd.s32 v43, v40  }
0x95: {  	v43 =	vand.u32 $0x7FFFFFFF, v40;
	v40 =	vshrl.u32 v40, $0x1F  }
0x96: {  	v40 =	vadd.s32 v40, v43  }
0x97: {  	v43 =	vadd.s32 $0x80000001, v40  }
0x98: {  	v40 =	vmin.u32 v43, v40  }
0x99: {  	v43 =	vcvt.s32.f32 v40;
	_ =	sdelay $0x1  }
0x9a: {  	v43 =	vmul.f32 $1.000009980e-05, v43;
	_ =	sdelay $0x1  }
0x9b: {  	v43 =	vtrunc.f32 v43  }
0x9c: {  	v43 =	vcvt.f32.s32 v43;
	_ =	sdelay $0x1  }
0x9d: {  	v43 =	vmul.u32 $0xFFFE7961, v43;
	_ =	sdelay $0x1  }
0x9e: {  	v40 =	vadd.s32 v40, v43  }
0x9f: {  	v56 =	vor.u32 v7, v35;
	vm1 =	vlt.s32 v40, $0x0;
	v43 =	vadd.s32 $0x1869F, v40  }
0xa0: {  	v57 =	vor.u32 v8, v35;
	v40 =	vsel vm1, v43, v40  }
0xa1: {  	vm1 =	vgt.s32 v40, $0x1869E  }
0xa2: {  	v58 =	vsel vm1, $0xFFFE7962, v3  }
0xa3: {  	v40 =	vadd.s32 v40, v58  }
0xa4: {  	[tilespmem:v56+s11+$0x0] =	vst.idx.msk $0xffff, v40  }
0xa5: {  	[tilespmem:v57+s11+$0x0] =	vst.idx.msk $0xffff, v2  }
0xa6: {  	v40 =	vld [tilespmem:s14+$0x30]  }
0xa7: {  	v43 =	vld [tilespmem:$0xB530]  }
0xa8: {  	(v2sf) =	vpush v51, $0xF  }
0xa9: {  	(v2sf) =	vpush v52, $0xF;
	v59 =	vld [tilespmem:$0xB430];
	_ =	sdelay $0x1  }
0xaa: {  	v60 =	vand.u32 $0xFFFF, v40  }
0xab: {  	v61 =	vshrl.u32 v40, $0x10;
	v62 =	vmul.u32 v43, v60  }
0xac: {  	v43 =	vmul.u32 v43, v61  }
0xad: {  	v42 =	vmul.u32 v59, v60;
	v46 =	vshrl.u32 v62, $0x10  }
0xae: {  	v41 =	vmul.u32 v59, v61;
	v43 =	vadd.s32 v43, v46  }
0xaf: {  	v63 =	vand.u32 $0xFFFF, v42;
	v45 =	vand.u32 $0xFFFF, v62;
	v43 =	vshll.u32 v43, $0x1  }
0xb0: {  	v42 =	vshrl.u32 v42, $0x10;
	v41 =	vadd.s32 v41, v45;
	v43 =	vadd.s32 v63, v43  }
0xb1: {  	v41 =	vadd.s32 v42, v41;
	(xrf0) =	vadd.scan.msk.s32 $0xffff, v43  }
0xb2: {  	(xrf0) =	vadd.scan.msk.s32 $0xffff, v41;
	_ =	sdelay $0x3  }
0xb3: {  	s30 =	spop (v2sf)  }
0xb4: {  	s31 =	spop (v2sf);
	v48, _, _ =	vpop (xrf0)  }
0xb5: {  	s16 =	sadd.s32 s16, s31;
	v49, _, _ =	vpop (xrf0)  }
0xb6: {  	s15 =	sadd.s32 s15, s30;
	v50 =	vadd.s32 s16, v49  }
0xb7: {  	v52 =	vadd.s32 s15, v48;
	v51 =	vshll.u32 v50, $0x10;
	v41 =	vshrl.u32 v50, $0xF  }
0xb8: {  	v44 =	vand.u32 $0x7FFF0000, v51;
	v41 =	vadd.s32 v41, v52  }
0xb9: {  	v41 =	vadd.s32 v44, v41  }
0xba: {  	v44 =	vand.u32 $0x7FFFFFFF, v41;
	v41 =	vshrl.u32 v41, $0x1F  }
0xbb: {  	v41 =	vadd.s32 v41, v44  }
0xbc: {  	v44 =	vadd.s32 $0x80000001, v41  }
0xbd: {  	v41 =	vmin.u32 v44, v41  }
0xbe: {  	v44 =	vcvt.s32.f32 v41;
	_ =	sdelay $0x1  }
0xbf: {  	v44 =	vmul.f32 $1.000009980e-05, v44;
	_ =	sdelay $0x1  }
0xc0: {  	v44 =	vtrunc.f32 v44  }
0xc1: {  	v44 =	vcvt.f32.s32 v44;
	_ =	sdelay $0x1  }
0xc2: {  	v44 =	vmul.u32 $0xFFFE7961, v44;
	_ =	sdelay $0x1  }
0xc3: {  	v41 =	vadd.s32 v41, v44  }
0xc4: {  	v53 =	vor.u32 v9, v35;
	vm1 =	vlt.s32 v41, $0x0;
	v44 =	vadd.s32 $0x1869F, v41  }
0xc5: {  	v54 =	vor.u32 v10, v35;
	v41 =	vsel vm1, v44, v41  }
0xc6: {  	vm1 =	vgt.s32 v41, $0x1869E  }
0xc7: {  	v55 =	vsel vm1, $0xFFFE7962, v3  }
0xc8: {  	v41 =	vadd.s32 v41, v55  }
0xc9: {  	[tilespmem:v53+s11+$0x0] =	vst.idx.msk $0xffff, v41  }
0xca: {  	[tilespmem:v54+s11+$0x0] =	vst.idx.msk $0xffff, v2  }
0xcb: {  	v41 =	vld [tilespmem:s14+$0x40]  }
0xcc: {  	v44 =	vld [tilespmem:$0xB540]  }
0xcd: {  	(v2sf) =	vpush v48, $0xF  }
0xce: {  	(v2sf) =	vpush v49, $0xF;
	v56 =	vld [tilespmem:$0xB440];
	_ =	sdelay $0x1  }
0xcf: {  	v57 =	vand.u32 $0xFFFF, v41  }
0xd0: {  	v58 =	vshrl.u32 v41, $0x10;
	v59 =	vmul.u32 v44, v57  }
0xd1: {  	v44 =	vmul.u32 v44, v58  }
0xd2: {  	v43 =	vmul.u32 v56, v57;
	v47 =	vshrl.u32 v59, $0x10  }
0xd3: {  	v42 =	vmul.u32 v56, v58;
	v44 =	vadd.s32 v44, v47  }
0xd4: {  	v60 =	vand.u32 $0xFFFF, v43;
	v46 =	vand.u32 $0xFFFF, v59;
	v44 =	vshll.u32 v44, $0x1  }
0xd5: {  	v43 =	vshrl.u32 v43, $0x10;
	v42 =	vadd.s32 v42, v46;
	v44 =	vadd.s32 v60, v44  }
0xd6: {  	v42 =	vadd.s32 v43, v42;
	(xrf0) =	vadd.scan.msk.s32 $0xffff, v44  }
0xd7: {  	(xrf0) =	vadd.scan.msk.s32 $0xffff, v42;
	_ =	sdelay $0x3  }
0xd8: {  	s19 =	spop (v2sf)  }
0xd9: {  	s20 =	spop (v2sf);
	v61, _, _ =	vpop (xrf0)  }
0xda: {  	s16 =	sadd.s32 s16, s20;
	v62, _, _ =	vpop (xrf0)  }
0xdb: {  	s15 =	sadd.s32 s15, s19;
	v63 =	vadd.s32 s16, v62  }
0xdc: {  	v49 =	vadd.s32 s15, v61;
	v48 =	vshll.u32 v63, $0x10;
	v42 =	vshrl.u32 v63, $0xF  }
0xdd: {  	v45 =	vand.u32 $0x7FFF0000, v48;
	v42 =	vadd.s32 v42, v49  }
0xde: {  	v42 =	vadd.s32 v45, v42  }
0xdf: {  	v45 =	vand.u32 $0x7FFFFFFF, v42;
	v42 =	vshrl.u32 v42, $0x1F  }
0xe0: {  	v42 =	vadd.s32 v42, v45  }
0xe1: {  	v45 =	vadd.s32 $0x80000001, v42  }
0xe2: {  	v42 =	vmin.u32 v45, v42  }
0xe3: {  	v45 =	vcvt.s32.f32 v42;
	_ =	sdelay $0x1  }
0xe4: {  	v45 =	vmul.f32 $1.000009980e-05, v45;
	_ =	sdelay $0x1  }
0xe5: {  	v45 =	vtrunc.f32 v45  }
0xe6: {  	v45 =	vcvt.f32.s32 v45;
	_ =	sdelay $0x1  }
0xe7: {  	v45 =	vmul.u32 $0xFFFE7961, v45;
	_ =	sdelay $0x1  }
0xe8: {  	v42 =	vadd.s32 v42, v45  }
0xe9: {  	v50 =	vor.u32 v11, v35;
	vm1 =	vlt.s32 v42, $0x0;
	v45 =	vadd.s32 $0x1869F, v42  }
0xea: {  	v51 =	vor.u32 v12, v35;
	v42 =	vsel vm1, v45, v42  }
0xeb: {  	vm1 =	vgt.s32 v42, $0x1869E  }
0xec: {  	v52 =	vsel vm1, $0xFFFE7962, v3  }
0xed: {  	v42 =	vadd.s32 v42, v52  }
0xee: {  	[tilespmem:v50+s11+$0x0] =	vst.idx.msk $0xffff, v42  }
0xef: {  	[tilespmem:v51+s11+$0x0] =	vst.idx.msk $0xffff, v2  }
0xf0: {  	v42 =	vld [tilespmem:s14+$0x50]  }
0xf1: {  	v45 =	vld [tilespmem:$0xB550]  }
0xf2: {  	(v2sf) =	vpush v61, $0xF  }
0xf3: {  	(v2sf) =	vpush v62, $0xF;
	v53 =	vld [tilespmem:$0xB450];
	_ =	sdelay $0x1  }
0xf4: {  	v54 =	vand.u32 $0xFFFF, v42  }
0xf5: {  	v55 =	vshrl.u32 v42, $0x10;
	v56 =	vmul.u32 v45, v54  }
0xf6: {  	v45 =	vmul.u32 v45, v55  }
0xf7: {  	v44 =	vmul.u32 v53, v54;
	v48 =	vshrl.u32 v56, $0x10  }
0xf8: {  	v43 =	vmul.u32 v53, v55;
	v45 =	vadd.s32 v45, v48  }
0xf9: {  	v57 =	vand.u32 $0xFFFF, v44;
	v47 =	vand.u32 $0xFFFF, v56;
	v45 =	vshll.u32 v45, $0x1  }
0xfa: {  	v44 =	vshrl.u32 v44, $0x10;
	v43 =	vadd.s32 v43, v47;
	v45 =	vadd.s32 v57, v45  }
0xfb: {  	v43 =	vadd.s32 v44, v43;
	(xrf0) =	vadd.scan.msk.s32 $0xffff, v45  }
0xfc: {  	(xrf0) =	vadd.scan.msk.s32 $0xffff, v43;
	_ =	sdelay $0x3  }
0xfd: {  	s21 =	spop (v2sf)  }
0xfe: {  	s22 =	spop (v2sf);
	v58, _, _ =	vpop (xrf0)  }
0xff: {  	s16 =	sadd.s32 s16, s22;
	v59, _, _ =	vpop (xrf0)  }
0x100: {  	s15 =	sadd.s32 s15, s21;
	v60 =	vadd.s32 s16, v59  }
0x101: {  	v62 =	vadd.s32 s15, v58;
	v61 =	vshll.u32 v60, $0x10;
	v43 =	vshrl.u32 v60, $0xF  }
0x102: {  	v46 =	vand.u32 $0x7FFF0000, v61;
	v43 =	vadd.s32 v43, v62  }
0x103: {  	v43 =	vadd.s32 v46, v43  }
0x104: {  	v46 =	vand.u32 $0x7FFFFFFF, v43;
	v43 =	vshrl.u32 v43, $0x1F  }
0x105: {  	v43 =	vadd.s32 v43, v46  }
0x106: {  	v46 =	vadd.s32 $0x80000001, v43  }
0x107: {  	v43 =	vmin.u32 v46, v43  }
0x108: {  	v46 =	vcvt.s32.f32 v43;
	_ =	sdelay $0x1  }
0x109: {  	v46 =	vmul.f32 $1.000009980e-05, v46;
	_ =	sdelay $0x1  }
0x10a: {  	v46 =	vtrunc.f32 v46  }
0x10b: {  	v46 =	vcvt.f32.s32 v46;
	_ =	sdelay $0x1  }
0x10c: {  	v46 =	vmul.u32 $0xFFFE7961, v46;
	_ =	sdelay $0x1  }
0x10d: {  	v43 =	vadd.s32 v43, v46  }
0x10e: {  	v63 =	vor.u32 v13, v35;
	vm1 =	vlt.s32 v43, $0x0;
	v46 =	vadd.s32 $0x1869F, v43  }
0x10f: {  	v52 =	vor.u32 v14, v35;
	v43 =	vsel vm1, v46, v43  }
0x110: {  	vm1 =	vgt.s32 v43, $0x1869E  }
0x111: {  	v53 =	vsel vm1, $0xFFFE7962, v3  }
0x112: {  	v43 =	vadd.s32 v43, v53  }
0x113: {  	[tilespmem:v63+s11+$0x0] =	vst.idx.msk $0xffff, v43  }
0x114: {  	[tilespmem:v52+s11+$0x0] =	vst.idx.msk $0xffff, v2  }
0x115: {  	v43 =	vld [tilespmem:s14+$0x60]  }
0x116: {  	v46 =	vld [tilespmem:$0xB560]  }
0x117: {  	(v2sf) =	vpush v58, $0xF  }
0x118: {  	(v2sf) =	vpush v59, $0xF;
	v54 =	vld [tilespmem:$0xB460];
	_ =	sdelay $0x1  }
0x119: {  	v55 =	vand.u32 $0xFFFF, v43  }
0x11a: {  	v56 =	vshrl.u32 v43, $0x10;
	v57 =	vmul.u32 v46, v55  }
0x11b: {  	v46 =	vmul.u32 v46, v56  }
0x11c: {  	v45 =	vmul.u32 v54, v55;
	v49 =	vshrl.u32 v57, $0x10  }
0x11d: {  	v44 =	vmul.u32 v54, v56;
	v46 =	vadd.s32 v46, v49  }
0x11e: {  	v58 =	vand.u32 $0xFFFF, v45;
	v48 =	vand.u32 $0xFFFF, v57;
	v46 =	vshll.u32 v46, $0x1  }
0x11f: {  	v45 =	vshrl.u32 v45, $0x10;
	v44 =	vadd.s32 v44, v48;
	v46 =	vadd.s32 v58, v46  }
0x120: {  	v44 =	vadd.s32 v45, v44;
	(xrf0) =	vadd.scan.msk.s32 $0xffff, v46  }
0x121: {  	(xrf0) =	vadd.scan.msk.s32 $0xffff, v44;
	_ =	sdelay $0x3  }
0x122: {  	s23 =	spop (v2sf)  }
0x123: {  	s24 =	spop (v2sf);
	v59, _, _ =	vpop (xrf0)  }
0x124: {  	s16 =	sadd.s32 s16, s24;
	v60, _, _ =	vpop (xrf0)  }
0x125: {  	s15 =	sadd.s32 s15, s23;
	v61 =	vadd.s32 s16, v60  }
0x126: {  	v63 =	vadd.s32 s15, v59;
	v62 =	vshll.u32 v61, $0x10;
	v44 =	vshrl.u32 v61, $0xF  }
0x127: {  	v47 =	vand.u32 $0x7FFF0000, v62;
	v44 =	vadd.s32 v44, v63  }
0x128: {  	v44 =	vadd.s32 v47, v44  }
0x129: {  	v47 =	vand.u32 $0x7FFFFFFF, v44;
	v44 =	vshrl.u32 v44, $0x1F  }
0x12a: {  	v44 =	vadd.s32 v44, v47  }
0x12b: {  	v47 =	vadd.s32 $0x80000001, v44  }
0x12c: {  	v44 =	vmin.u32 v47, v44  }
0x12d: {  	v47 =	vcvt.s32.f32 v44;
	_ =	sdelay $0x1  }
0x12e: {  	v47 =	vmul.f32 $1.000009980e-05, v47;
	_ =	sdelay $0x1  }
0x12f: {  	v47 =	vtrunc.f32 v47  }
0x130: {  	v47 =	vcvt.f32.s32 v47;
	_ =	sdelay $0x1  }
0x131: {  	v47 =	vmul.u32 $0xFFFE7961, v47;
	_ =	sdelay $0x1  }
0x132: {  	v44 =	vadd.s32 v44, v47  }
0x133: {  	v52 =	vor.u32 v15, v35;
	vm1 =	vlt.s32 v44, $0x0;
	v47 =	vadd.s32 $0x1869F, v44  }
0x134: {  	v53 =	vor.u32 v16, v35;
	v44 =	vsel vm1, v47, v44  }
0x135: {  	vm1 =	vgt.s32 v44, $0x1869E  }
0x136: {  	v54 =	vsel vm1, $0xFFFE7962, v3  }
0x137: {  	v44 =	vadd.s32 v44, v54  }
0x138: {  	[tilespmem:v52+s11+$0x0] =	vst.idx.msk $0xffff, v44  }
0x139: {  	[tilespmem:v53+s11+$0x0] =	vst.idx.msk $0xffff, v2  }
0x13a: {  	v44 =	vld [tilespmem:s14+$0x70]  }
0x13b: {  	v47 =	vld [tilespmem:$0xB570]  }
0x13c: {  	(v2sf) =	vpush v59, $0xF  }
0x13d: {  	(v2sf) =	vpush v60, $0xF;
	v55 =	vld [tilespmem:$0xB470];
	_ =	sdelay $0x1  }
0x13e: {  	v56 =	vand.u32 $0xFFFF, v44  }
0x13f: {  	v57 =	vshrl.u32 v44, $0x10;
	v58 =	vmul.u32 v47, v56  }
0x140: {  	v47 =	vmul.u32 v47, v57  }
0x141: {  	v46 =	vmul.u32 v55, v56;
	v50 =	vshrl.u32 v58, $0x10  }
0x142: {  	v45 =	vmul.u32 v55, v57;
	v47 =	vadd.s32 v47, v50  }
0x143: {  	v59 =	vand.u32 $0xFFFF, v46;
	v49 =	vand.u32 $0xFFFF, v58;
	v47 =	vshll.u32 v47, $0x1  }
0x144: {  	v46 =	vshrl.u32 v46, $0x10;
	v45 =	vadd.s32 v45, v49;
	v47 =	vadd.s32 v59, v47  }
0x145: {  	v45 =	vadd.s32 v46, v45;
	(xrf0) =	vadd.scan.msk.s32 $0xffff, v47  }
0x146: {  	(xrf0) =	vadd.scan.msk.s32 $0xffff, v45;
	_ =	sdelay $0x3  }
0x147: {  	s25 =	spop (v2sf)  }
0x148: {  	s26 =	spop (v2sf);
	v60, _, _ =	vpop (xrf0)  }
0x149: {  	s16 =	sadd.s32 s16, s26;
	v61, _, _ =	vpop (xrf0)  }
0x14a: {  	s15 =	sadd.s32 s15, s25;
	v62 =	vadd.s32 s16, v61  }
0x14b: {  	v52 =	vadd.s32 s15, v60;
	v63 =	vshll.u32 v62, $0x10;
	v45 =	vshrl.u32 v62, $0xF  }
0x14c: {  	v48 =	vand.u32 $0x7FFF0000, v63;
	v45 =	vadd.s32 v45, v52  }
0x14d: {  	v45 =	vadd.s32 v48, v45  }
0x14e: {  	v48 =	vand.u32 $0x7FFFFFFF, v45;
	v45 =	vshrl.u32 v45, $0x1F  }
0x14f: {  	v45 =	vadd.s32 v45, v48  }
0x150: {  	v48 =	vadd.s32 $0x80000001, v45  }
0x151: {  	v45 =	vmin.u32 v48, v45  }
0x152: {  	v48 =	vcvt.s32.f32 v45;
	_ =	sdelay $0x1  }
0x153: {  	v48 =	vmul.f32 $1.000009980e-05, v48;
	_ =	sdelay $0x1  }
0x154: {  	v48 =	vtrunc.f32 v48  }
0x155: {  	v48 =	vcvt.f32.s32 v48;
	_ =	sdelay $0x1  }
0x156: {  	v48 =	vmul.u32 $0xFFFE7961, v48;
	_ =	sdelay $0x1  }
0x157: {  	v45 =	vadd.s32 v45, v48  }
0x158: {  	v53 =	vor.u32 v17, v35;
	vm1 =	vlt.s32 v45, $0x0;
	v48 =	vadd.s32 $0x1869F, v45  }
0x159: {  	v54 =	vor.u32 v18, v35;
	v45 =	vsel vm1, v48, v45  }
0x15a: {  	vm1 =	vgt.s32 v45, $0x1869E  }
0x15b: {  	v55 =	vsel vm1, $0xFFFE7962, v3  }
0x15c: {  	v45 =	vadd.s32 v45, v55  }
0x15d: {  	[tilespmem:v53+s11+$0x0] =	vst.idx.msk $0xffff, v45  }
0x15e: {  	s28 =	sand.u32 $0x3FE0, s14;
	[tilespmem:v54+s11+$0x0] =	vst.idx.msk $0xffff, v2  }
0x15f: {  	v45 =	vld [tilespmem:s28+$0x80]  }
0x160: {  	v48 =	vld [tilespmem:$0xB580]  }
0x161: {  	(v2sf) =	vpush v60, $0xF  }
0x162: {  	(v2sf) =	vpush v61, $0xF;
	v56 =	vld [tilespmem:$0xB480];
	_ =	sdelay $0x1  }
0x163: {  	v57 =	vand.u32 $0xFFFF, v45  }
0x164: {  	v58 =	vshrl.u32 v45, $0x10;
	v59 =	vmul.u32 v48, v57  }
0x165: {  	v48 =	vmul.u32 v48, v58  }
0x166: {  	v47 =	vmul.u32 v56, v57;
	v51 =	vshrl.u32 v59, $0x10  }
0x167: {  	v46 =	vmul.u32 v56, v58;
	v48 =	vadd.s32 v48, v51  }
0x168: {  	v60 =	vand.u32 $0xFFFF, v47;
	v50 =	vand.u32 $0xFFFF, v59;
	v48 =	vshll.u32 v48, $0x1  }
0x169: {  	v47 =	vshrl.u32 v47, $0x10;
	v46 =	vadd.s32 v46, v50;
	v48 =	vadd.s32 v60, v48  }
0x16a: {  	v46 =	vadd.s32 v47, v46;
	(xrf0) =	vadd.scan.msk.s32 $0xffff, v48  }
0x16b: {  	(xrf0) =	vadd.scan.msk.s32 $0xffff, v46;
	_ =	sdelay $0x3  }
0x16c: {  	s29 =	spop (v2sf)  }
0x16d: {  	s30 =	spop (v2sf);
	v61, _, _ =	vpop (xrf0)  }
0x16e: {  	s16 =	sadd.s32 s16, s30;
	v62, _, _ =	vpop (xrf0)  }
0x16f: {  	s15 =	sadd.s32 s15, s29;
	v63 =	vadd.s32 s16, v62  }
0x170: {  	v53 =	vadd.s32 s15, v61;
	v52 =	vshll.u32 v63, $0x10;
	v46 =	vshrl.u32 v63, $0xF  }
0x171: {  	v49 =	vand.u32 $0x7FFF0000, v52;
	v46 =	vadd.s32 v46, v53  }
0x172: {  	v46 =	vadd.s32 v49, v46  }
0x173: {  	v49 =	vand.u32 $0x7FFFFFFF, v46;
	v46 =	vshrl.u32 v46, $0x1F  }
0x174: {  	v46 =	vadd.s32 v46, v49  }
0x175: {  	v49 =	vadd.s32 $0x80000001, v46  }
0x176: {  	v46 =	vmin.u32 v49, v46  }
0x177: {  	v49 =	vcvt.s32.f32 v46;
	_ =	sdelay $0x1  }
0x178: {  	v49 =	vmul.f32 $1.000009980e-05, v49;
	_ =	sdelay $0x1  }
0x179: {  	v49 =	vtrunc.f32 v49  }
0x17a: {  	v49 =	vcvt.f32.s32 v49;
	_ =	sdelay $0x1  }
0x17b: {  	v49 =	vmul.u32 $0xFFFE7961, v49;
	_ =	sdelay $0x1  }
0x17c: {  	v46 =	vadd.s32 v46, v49  }
0x17d: {  	v54 =	vor.u32 v19, v35;
	vm1 =	vlt.s32 v46, $0x0;
	v49 =	vadd.s32 $0x1869F, v46  }
0x17e: {  	v55 =	vor.u32 v20, v35;
	v46 =	vsel vm1, v49, v46  }
0x17f: {  	vm1 =	vgt.s32 v46, $0x1869E  }
0x180: {  	v56 =	vsel vm1, $0xFFFE7962, v3  }
0x181: {  	v46 =	vadd.s32 v46, v56  }
0x182: {  	[tilespmem:v54+s11+$0x0] =	vst.idx.msk $0xffff, v46  }
0x183: {  	[tilespmem:v55+s11+$0x0] =	vst.idx.msk $0xffff, v2  }
0x184: {  	v46 =	vld [tilespmem:s14+$0x90]  }
0x185: {  	v49 =	vld [tilespmem:$0xB590]  }
0x186: {  	(v2sf) =	vpush v61, $0xF  }
0x187: {  	(v2sf) =	vpush v62, $0xF;
	v57 =	vld [tilespmem:$0xB490];
	_ =	sdelay $0x1  }
0x188: {  	v58 =	vand.u32 $0xFFFF, v46  }
0x189: {  	v59 =	vshrl.u32 v46, $0x10;
	v60 =	vmul.u32 v49, v58  }
0x18a: {  	v49 =	vmul.u32 v49, v59  }
0x18b: {  	v48 =	vmul.u32 v57, v58;
	v52 =	vshrl.u32 v60, $0x10  }
0x18c: {  	v47 =	vmul.u32 v57, v59;
	v49 =	vadd.s32 v49, v52  }
0x18d: {  	v61 =	vand.u32 $0xFFFF, v48;
	v51 =	vand.u32 $0xFFFF, v60;
	v49 =	vshll.u32 v49, $0x1  }
0x18e: {  	v48 =	vshrl.u32 v48, $0x10;
	v47 =	vadd.s32 v47, v51;
	v49 =	vadd.s32 v61, v49  }
0x18f: {  	v47 =	vadd.s32 v48, v47;
	(xrf0) =	vadd.scan.msk.s32 $0xffff, v49  }
0x190: {  	(xrf0) =	vadd.scan.msk.s32 $0xffff, v47;
	_ =	sdelay $0x3  }
0x191: {  	s31 =	spop (v2sf)  }
0x192: {  	s19 =	spop (v2sf);
	v62, _, _ =	vpop (xrf0)  }
0x193: {  	s16 =	sadd.s32 s16, s19;
	v63, _, _ =	vpop (xrf0)  }
0x194: {  	s15 =	sadd.s32 s15, s31;
	v55 =	vadd.s32 s16, v63  }
0x195: {  	v57 =	vadd.s32 s15, v62;
	v56 =	vshll.u32 v55, $0x10;
	v47 =	vshrl.u32 v55, $0xF  }
0x196: {  	v50 =	vand.u32 $0x7FFF0000, v56;
	v47 =	vadd.s32 v47, v57  }
0x197: {  	v47 =	vadd.s32 v50, v47  }
0x198: {  	v50 =	vand.u32 $0x7FFFFFFF, v47;
	v47 =	vshrl.u32 v47, $0x1F  }
0x199: {  	v47 =	vadd.s32 v47, v50  }
0x19a: {  	v50 =	vadd.s32 $0x80000001, v47  }
0x19b: {  	v47 =	vmin.u32 v50, v47  }
0x19c: {  	v50 =	vcvt.s32.f32 v47;
	_ =	sdelay $0x1  }
0x19d: {  	v50 =	vmul.f32 $1.000009980e-05, v50;
	_ =	sdelay $0x1  }
0x19e: {  	v50 =	vtrunc.f32 v50  }
0x19f: {  	v50 =	vcvt.f32.s32 v50;
	_ =	sdelay $0x1  }
0x1a0: {  	v50 =	vmul.u32 $0xFFFE7961, v50;
	_ =	sdelay $0x1  }
0x1a1: {  	v47 =	vadd.s32 v47, v50  }
0x1a2: {  	v58 =	vor.u32 v21, v35;
	vm1 =	vlt.s32 v47, $0x0;
	v50 =	vadd.s32 $0x1869F, v47  }
0x1a3: {  	v59 =	vor.u32 v22, v35;
	v47 =	vsel vm1, v50, v47  }
0x1a4: {  	vm1 =	vgt.s32 v47, $0x1869E  }
0x1a5: {  	v60 =	vsel vm1, $0xFFFE7962, v3  }
0x1a6: {  	v47 =	vadd.s32 v47, v60  }
0x1a7: {  	[tilespmem:v58+s11+$0x0] =	vst.idx.msk $0xffff, v47  }
0x1a8: {  	[tilespmem:v59+s11+$0x0] =	vst.idx.msk $0xffff, v2  }
0x1a9: {  	v47 =	vld [tilespmem:s14+$0xA0]  }
0x1aa: {  	v50 =	vld [tilespmem:$0xB5A0]  }
0x1ab: {  	(v2sf) =	vpush v62, $0xF  }
0x1ac: {  	(v2sf) =	vpush v63, $0xF;
	v61 =	vld [tilespmem:$0xB4A0];
	_ =	sdelay $0x1  }
0x1ad: {  	v62 =	vand.u32 $0xFFFF, v47  }
0x1ae: {  	v63 =	vshrl.u32 v47, $0x10;
	v56 =	vmul.u32 v50, v62  }
0x1af: {  	v50 =	vmul.u32 v50, v63  }
0x1b0: {  	v49 =	vmul.u32 v61, v62;
	v53 =	vshrl.u32 v56, $0x10  }
0x1b1: {  	v48 =	vmul.u32 v61, v63;
	v50 =	vadd.s32 v50, v53  }
0x1b2: {  	v57 =	vand.u32 $0xFFFF, v49;
	v52 =	vand.u32 $0xFFFF, v56;
	v50 =	vshll.u32 v50, $0x1  }
0x1b3: {  	v49 =	vshrl.u32 v49, $0x10;
	v48 =	vadd.s32 v48, v52;
	v50 =	vadd.s32 v57, v50  }
0x1b4: {  	v48 =	vadd.s32 v49, v48;
	(xrf0) =	vadd.scan.msk.s32 $0xffff, v50  }
0x1b5: {  	(xrf0) =	vadd.scan.msk.s32 $0xffff, v48;
	_ =	sdelay $0x3  }
0x1b6: {  	s20 =	spop (v2sf)  }
0x1b7: {  	s21 =	spop (v2sf);
	v58, _, _ =	vpop (xrf0)  }
0x1b8: {  	s16 =	sadd.s32 s16, s21;
	v59, _, _ =	vpop (xrf0)  }
0x1b9: {  	s17 =	sadd.s32 s15, s20;
	v60 =	vadd.s32 s16, v59  }
0x1ba: {  	v62 =	vadd.s32 s17, v58;
	v61 =	vshll.u32 v60, $0x10;
	v50 =	vshrl.u32 v60, $0xF  }
0x1bb: {  	v51 =	vand.u32 $0x7FFF0000, v61;
	v50 =	vadd.s32 v50, v62  }
0x1bc: {  	v50 =	vadd.s32 v51, v50  }
0x1bd: {  	v51 =	vand.u32 $0x7FFFFFFF, v50;
	v50 =	vshrl.u32 v50, $0x1F  }
0x1be: {  	v50 =	vadd.s32 v50, v51  }
0x1bf: {  	v51 =	vadd.s32 $0x80000001, v50  }
0x1c0: {  	v50 =	vmin.u32 v51, v50  }
0x1c1: {  	v51 =	vcvt.s32.f32 v50;
	_ =	sdelay $0x1  }
0x1c2: {  	v51 =	vmul.f32 $1.000009980e-05, v51;
	_ =	sdelay $0x1  }
0x1c3: {  	v51 =	vtrunc.f32 v51  }
0x1c4: {  	v51 =	vcvt.f32.s32 v51;
	_ =	sdelay $0x1  }
0x1c5: {  	v51 =	vmul.u32 $0xFFFE7961, v51;
	_ =	sdelay $0x1  }
0x1c6: {  	v50 =	vadd.s32 v50, v51  }
0x1c7: {  	v63 =	vor.u32 v23, v35;
	vm1 =	vlt.s32 v50, $0x0;
	v51 =	vadd.s32 $0x1869F, v50  }
0x1c8: {  	v56 =	vor.u32 v24, v35;
	v50 =	vsel vm1, v51, v50  }
0x1c9: {  	vm1 =	vgt.s32 v50, $0x1869E  }
0x1ca: {  	v57 =	vsel vm1, $0xFFFE7962, v3  }
0x1cb: {  	v50 =	vadd.s32 v50, v57  }
0x1cc: {  	[tilespmem:v63+s11+$0x0] =	vst.idx.msk $0xffff, v50  }
0x1cd: {  	[tilespmem:v56+s11+$0x0] =	vst.idx.msk $0xffff, v2  }
0x1ce: {  	v50 =	vld [tilespmem:s14+$0xB0]  }
0x1cf: {  	v51 =	vld [tilespmem:$0xB5B0]  }
0x1d0: {  	(v2sf) =	vpush v58, $0xF  }
0x1d1: {  	(v2sf) =	vpush v59, $0xF;
	v58 =	vld [tilespmem:$0xB4B0];
	_ =	sdelay $0x1  }
0x1d2: {  	v59 =	vand.u32 $0xFFFF, v50  }
0x1d3: {  	v60 =	vshrl.u32 v50, $0x10;
	v61 =	vmul.u32 v51, v59  }
0x1d4: {  	v51 =	vmul.u32 v51, v60  }
0x1d5: {  	v49 =	vmul.u32 v58, v59;
	v54 =	vshrl.u32 v61, $0x10  }
0x1d6: {  	v48 =	vmul.u32 v58, v60;
	v51 =	vadd.s32 v51, v54  }
0x1d7: {  	v62 =	vand.u32 $0xFFFF, v49;
	v53 =	vand.u32 $0xFFFF, v61;
	v51 =	vshll.u32 v51, $0x1  }
0x1d8: {  	v49 =	vshrl.u32 v49, $0x10;
	v48 =	vadd.s32 v48, v53;
	v51 =	vadd.s32 v62, v51  }
0x1d9: {  	v48 =	vadd.s32 v49, v48;
	(xrf0) =	vadd.scan.msk.s32 $0xffff, v51  }
0x1da: {  	(xrf0) =	vadd.scan.msk.s32 $0xffff, v48;
	_ =	sdelay $0x3  }
0x1db: {  	s22 =	spop (v2sf)  }
0x1dc: {  	s23 =	spop (v2sf);
	v48, _, _ =	vpop (xrf0)  }
0x1dd: {  	s15 =	sadd.s32 s16, s23;
	v49, _, _ =	vpop (xrf0)  }
0x1de: {  	s24 =	sadd.s32 s17, s22;
	v63 =	vadd.s32 s15, v49  }
0x1df: {  	v57 =	vadd.s32 s24, v48;
	v56 =	vshll.u32 v63, $0x10;
	v51 =	vshrl.u32 v63, $0xF  }
0x1e0: {  	v52 =	vand.u32 $0x7FFF0000, v56;
	v51 =	vadd.s32 v51, v57  }
0x1e1: {  	v51 =	vadd.s32 v52, v51  }
0x1e2: {  	v52 =	vand.u32 $0x7FFFFFFF, v51;
	v51 =	vshrl.u32 v51, $0x1F  }
0x1e3: {  	v51 =	vadd.s32 v51, v52  }
0x1e4: {  	v52 =	vadd.s32 $0x80000001, v51  }
0x1e5: {  	v51 =	vmin.u32 v52, v51  }
0x1e6: {  	v52 =	vcvt.s32.f32 v51;
	_ =	sdelay $0x1  }
0x1e7: {  	v52 =	vmul.f32 $1.000009980e-05, v52;
	_ =	sdelay $0x1  }
0x1e8: {  	v52 =	vtrunc.f32 v52  }
0x1e9: {  	v52 =	vcvt.f32.s32 v52;
	_ =	sdelay $0x1  }
0x1ea: {  	v52 =	vmul.u32 $0xFFFE7961, v52;
	_ =	sdelay $0x1  }
0x1eb: {  	v58 =	vor.u32 v25, v35;
	v59 =	vor.u32 v26, v35;
	v51 =	vadd.s32 v51, v52  }
0x1ec: {  	(v2sf) =	vpush v48, $0xF;
	vm1 =	vlt.s32 v51, $0x0;
	v52 =	vadd.s32 $0x1869F, v51  }
0x1ed: {  	(v2sf) =	vpush v49, $0xF;
	v51 =	vsel vm1, v52, v51;
	vm1 =	vne.s32 v37, $0x0  }
0x1ee: {  	vm2 =	vgt.s32 v51, $0x1869E;
	v37 =	vmpcnt.ones.xlane vm1;
	vm1 =	vne.s32 v38, $0x0  }
0x1ef: {  	v60 =	vsel vm2, $0xFFFE7962, v3;
	v38 =	vmpcnt.ones.xlane vm1;
	vm1 =	vne.s32 v39, $0x0  }
0x1f0: {  	v61 =	vadd.s32 v51, v60;
	v62 =	vmpcnt.ones.xlane vm1;
	vm1 =	vne.s32 v40, $0x0  }
0x1f1: {  	[tilespmem:v58+s11+$0x0] =	vst.idx.msk $0xffff, v61;
	v37 =	vadd.s32 v37, v38;
	v63 =	vmpcnt.ones.xlane vm1;
	vm1 =	vne.s32 v41, $0x0  }
0x1f2: {  	[tilespmem:v59+s11+$0x0] =	vst.idx.msk $0xffff, v2;
	v37 =	vadd.s32 v62, v37;
	v51 =	vmpcnt.ones.xlane vm1;
	vm1 =	vne.s32 v42, $0x0  }
0x1f3: {  	v40 =	vld [tilespmem:s14+$0xC0];
	v37 =	vadd.s32 v63, v37;
	v52 =	vmpcnt.ones.xlane vm1;
	vm1 =	vne.s32 v43, $0x0  }
0x1f4: {  	v53 =	vld [tilespmem:$0xB5C0];
	v37 =	vadd.s32 v51, v37;
	v54 =	vmpcnt.ones.xlane vm1;
	vm1 =	vne.s32 v44, $0x0  }
0x1f5: {  	v55 =	vld [tilespmem:$0xB4C0];
	v37 =	vadd.s32 v52, v37;
	v56 =	vmpcnt.ones.xlane vm1;
	vm1 =	vne.s32 v45, $0x0  }
0x1f6: {  	v37 =	vadd.s32 v54, v37;
	v60 =	vmpcnt.ones.xlane vm1;
	vm1 =	vne.s32 v46, $0x0  }
0x1f7: {  	v37 =	vadd.s32 v56, v37;
	v63 =	vmpcnt.ones.xlane vm1;
	vm1 =	vne.s32 v47, $0x0  }
0x1f8: {  	v57 =	vand.u32 $0xFFFF, v40;
	v58 =	vshrl.u32 v40, $0x10;
	v37 =	vadd.s32 v60, v37  }
0x1f9: {  	v49 =	vmpcnt.ones.xlane vm1;
	vm1 =	vne.s32 v50, $0x0;
	v59 =	vmul.u32 v53, v57  }
0x1fa: {  	v41 =	vmul.u32 v53, v58;
	v42 =	vmul.u32 v55, v57;
	v38 =	vmul.u32 v55, v58  }
0x1fb: {  	v51 =	vmpcnt.ones.xlane vm1;
	vm1 =	vne.s32 v40, $0x0;
	v37 =	vadd.s32 v63, v37  }
0x1fc: {  	vm1 =	vmand vm1, vm0;
	v37 =	vadd.s32 v49, v37;
	v61 =	vshrl.u32 v59, $0x10  }
0x1fd: {  	v46 =	vand.u32 $0xFFFF, v42;
	v48 =	vand.u32 $0xFFFF, v59;
	v62 =	vadd.s32 v41, v61  }
0x1fe: {  	v42 =	vshrl.u32 v42, $0x10;
	v52 =	vmpcnt.ones.xlane vm1;
	v39 =	vshll.u32 v62, $0x1  }
0x1ff: {  	v37 =	vadd.s32 v51, v37;
	v38 =	vadd.s32 v38, v48;
	v39 =	vadd.s32 v46, v39  }
0x200: {  	v38 =	vadd.s32 v42, v38;
	v37 =	vadd.s32 v52, v37;
	(xrf0) =	vadd.scan.msk.s32 $0xffff, v39  }
0x201: {  	(xrf0) =	vadd.scan.msk.s32 $0xffff, v38;
	v38 =	vxor.u32 $0x80000000, v37  }
0x202: {  	(xrf0) =	vmax.scan.msk.u32 $0xffff, v38;
	_ =	sdelay $0x3  }
0x203: {  	s25 =	spop (v2sf);
	v53, _, _ =	vpop (xrf0)  }
0x204: {  	s26 =	spop (v2sf);
	v54, _, _ =	vpop (xrf0)  }
0x205: {  	s15 =	sadd.s32 s15, s26;
	v56, _, _ =	vpop (xrf0)  }
0x206: {  	s14 =	sadd.s32 s24, s25;
	v39 =	vadd.s32 s15, v54;
	(v2sf) =	vpush v56, $0xF  }
0x207: {  	v38 =	vadd.s32 s14, v53;
	v55 =	vshll.u32 v39, $0x10;
	v39 =	vshrl.u32 v39, $0xF  }
0x208: {  	v40 =	vand.u32 $0x7FFF0000, v55;
	v38 =	vadd.s32 v39, v38  }
0x209: {  	v38 =	vadd.s32 v40, v38  }
0x20a: {  	v40 =	vand.u32 $0x7FFFFFFF, v38;
	v38 =	vshrl.u32 v38, $0x1F  }
0x20b: {  	v38 =	vadd.s32 v38, v40  }
0x20c: {  	v57 =	vadd.s32 $0x80000001, v38  }
0x20d: {  	v38 =	vmin.u32 v57, v38  }
0x20e: {  	v39 =	vcvt.s32.f32 v38;
	_ =	sdelay $0x1  }
0x20f: {  	v39 =	vmul.f32 $1.000009980e-05, v39;
	_ =	sdelay $0x1  }
0x210: {  	v39 =	vtrunc.f32 v39  }
0x211: {  	v39 =	vcvt.f32.s32 v39  }
0x212: {  	v58 =	vadd.s32 $0xFFFFFFFF, v37  }
0x213: {  	v36 =	vor.u32 v33, v36;
	vm1 =	vgt.s32 v58, $0x0;
	v39 =	vmul.u32 $0xFFFE7961, v39;
	s28 =	spop (v2sf)  }
0x214: {  	v36 =	vor.u32 $0xC00, v36;
	v59 =	vnsel vm1, $0x0, v58;
	s29 =	sxor.u32 $0x80000000, s28  }
0x215: {  	v62 =	vor.u32 v27, v36;
	v38 =	vadd.s32 v38, v39;
	v39 =	vmin.u32 v59, $0xC7;
	p1 =	sgt.s32 s28, $0xFFFFFFFF;
	s14 =	sand.u32 $0xF, s28;
	p0 =	slt.s32 s29, $0x1  }
0x216: {  	vm1 =	vlt.s32 v38, $0x0;
	v61 =	vshll.u32 v39, $0x1;
	v39 =	vshll.u32 v39, $0x4;
	s30 =	sshra.s32 s29, $0x1F;
	p6 =	sne.s32 s14, $0x0;
	p0 =	por p1, p0  }
0x217: {  	v60 =	vadd.s32 $0x1869F, v38;
	v41 =	vand.u32 $0x7E, v61;
	v39 =	vand.u32 $0xC00, v39;
	s31 =	sshrl.u32 s30, $0x1C;
	p0 =	por !p6, !p0  }
0x218: {  	v36 =	vor.u32 v28, v36;
	s15 =	simm.s32 $0x1;
	v38 =	vsel vm1, v60, v38;
	v39 =	vor.u32 v39, v41;
	s14 =	sadd.s32 s31, s29;
	p0 =	por !p0, !p0  }
0x219: {  	vm1 =	vgt.s32 v38, $0x1869E;
	v35 =	vor.u32 v39, v35;
	s14 =	sshra.s32 s14, $0x4;
	s15 =	simm.s32 @!p0 $0x0  }
0x21a: {  	v63 =	vsel vm1, $0xFFFE7962, v3;
	s14 =	ssub.s32 s14, s15  }
0x21b: {  	v38 =	vadd.s32 v38, v63;
	p0 =	sgt.s32 s14, $0xC  }
.Ltmp4:
0x21c: {  	[tilespmem:v62+s11+$0x0] =	vst.idx.msk $0xff, v38;
	(pc) =	sbr.rel @p0 .LBB2_10-.Ltmp4, $2  }
0x21d: {  	[tilespmem:v36+s11+$0x0] =	vst.idx.msk $0xff, v2  }
0x21e: {  	v35 =	vld.idx.msk [tilespmem:v35+s11+$0x0], $0xffff;
	_ =	sdelay $0x2  }
0x21f: {  	s31 =	ssub.s32 $0xD, s14  }
0x220: {  	s15 =	sshll.u32 s14, $0x4;
	p1 =	sne.s32 s31, $0x1  }
.Ltmp5:
0x221: {  	v40 =	vor.u32 s15, v0;
	(pc) =	sbr.rel @!p1 .LBB2_4-.Ltmp5, $4  }
0x222: {  	v36 =	vshll.u32 v40, $0x1  }
0x223: {  	vm1 =	vlt.s32 v36, $0x18E  }
0x224: {  	v36 =	vnsel vm1, $0x18E, v36  }
0x225: {  	p0 =	por $0x0, $0x0;
	s14 =	sadd.s32 $0xFFFFFFFF, s31;
	s15 =	sadd.s32 $0x10, s15;
	v41 =	vshll.u32 v36, $0x3  }
0x226: {  	v38 =	vor.u32 s15, v0  }
0x227: {  	v41 =	vand.u32 $0xFFFFFC00, v41;
	v39 =	vshll.u32 v38, $0x1  }
0x228: {  	v42 =	vand.u32 $0x7E, v36;
	vm2 =	vlt.s32 v40, $0xC8;
	p1 =	sne.s32 s14, $0x1;
	vm1 =	vlt.s32 v39, $0x18E  }
.Ltmp6:
0x229: {  	v41 =	vadd.s32 v34, v41;
	v36 =	vnsel vm1, $0x18E, v39;
	vm1 =	vge.s32 v40, v37;
	(pc) =	sbr.rel @!p1 .LBB2_6-.Ltmp6, $3  }
0x22a: {  	v63 =	vor.u32 v42, v41;
	vm1 =	vmand vm1, vm2  }
0x22b: {  	v39 =	vor.u32 v33, v63;
	_ =	sdelay $0x1  }
0x22c: {  	s14 =	sadd.s32 $0xFFFFFFFF, s14;
	s15 =	sadd.s32 $0x10, s15;
	p0 =	por $0x1, $0x1;
	v41 =	vshll.u32 v36, $0x3  }
.LBB2_7:
0x22d: {  	v40 =	vor.u32 s15, v0;
	vm2 =	vge.s32 v38, v37;
	v41 =	vand.u32 $0xFFFFFC00, v41;
	p1 =	sne.s32 s14, $0x1  }
.Ltmp7:
0x22e: {  	s14 =	sadd.s32 $0xFFFFFFFF, s14;
	vm3 =	vlt.s32 v38, $0xC8;
	v36 =	vand.u32 $0x7E, v36;
	v41 =	vadd.s32 v34, v41;
	v38 =	vmovc v40;
	(pc) =	sbr.rel @p1 .LBB2_7-.Ltmp7, $4  }
0x22f: {  	v40 =	vshll.u32 v38, $0x1;
	v36 =	vor.u32 v36, v41;
	[tilespmem:v39+s11+$0x0] =	vst.idx.msk vm1, v35;
	vm1 =	vmand vm2, vm3  }
0x230: {  	vm2 =	vlt.s32 v40, $0x18E;
	v39 =	vor.u32 v33, v36  }
0x231: {  	v36 =	vnsel vm2, $0x18E, v40  }
0x232: {  	s15 =	sadd.s32 $0x10, s15;
	v41 =	vshll.u32 v36, $0x3  }
0x233: {  	v40 =	vmov v38  }
.LBB2_9:
0x234: {  	vm2 =	vge.s32 v40, v37;
	v63 =	vand.u32 $0xFFFFFC00, v41  }
0x235: {  	vm3 =	vlt.s32 v40, $0xC8;
	v36 =	vand.u32 $0x7E, v36;
	v34 =	vadd.s32 v34, v63  }
0x236: {  	vm2 =	vmand vm2, vm3;
	v34 =	vor.u32 v36, v34  }
0x237: {  	v33 =	vor.u32 v33, v34;
	_ =	sdelay $0x3  }
0x238: {  	[tilespmem:v39+s11+$0x0] =	vst.idx.msk @p0 vm1, v35  }
0x239: {  	[tilespmem:v33+s11+$0x0] =	vst.idx.msk vm2, v35  }
.LBB2_10:
0x23a: {  	s15 =	sor.u32 $0x1, s13  }
0x23b: {  	s14 =	smul.u32 $0xD0, s15;
	_ =	sdelay $0x1  }
0x23c: {  	v34 =	vld [tilespmem:s14+$0x0];
	_ =	sdelay $0x4  }
0x23d: {  	v33 =	vand.u32 $0xFFFF, v34  }
0x23e: {  	v35 =	vshrl.u32 v34, $0x10;
	v36 =	vmul.u32 v32, v33  }
0x23f: {  	v46 =	vmul.u32 v32, v35  }
0x240: {  	v33 =	vmul.u32 v31, v33;
	v37 =	vshrl.u32 v36, $0x10  }
0x241: {  	v31 =	vmul.u32 v31, v35;
	v32 =	vadd.s32 v46, v37  }
0x242: {  	v47 =	vand.u32 $0xFFFF, v33;
	v36 =	vand.u32 $0xFFFF, v36;
	v32 =	vshll.u32 v32, $0x1  }
0x243: {  	v33 =	vshrl.u32 v33, $0x10;
	v31 =	vadd.s32 v31, v36;
	v32 =	vadd.s32 v47, v32  }
0x244: {  	v31 =	vadd.s32 v33, v31;
	(xrf0) =	vadd.scan.msk.s32 $0xffff, v32  }
0x245: {  	(xrf0) =	vadd.scan.msk.s32 $0xffff, v31;
	_ =	sdelay $0x4  }
0x246: {  	v48, _, _ =	vpop (xrf0)  }
0x247: {  	v49, _, _ =	vpop (xrf0)  }
0x248: {  	v31 =	vadd.s32 $0x80B, v49  }
0x249: {  	v50 =	vshll.u32 v31, $0x10;
	v31 =	vshrl.u32 v31, $0xF  }
0x24a: {  	v32 =	vand.u32 $0x7FFF0000, v50;
	v31 =	vadd.s32 v31, v48  }
0x24b: {  	v31 =	vadd.s32 v32, v31  }
0x24c: {  	v31 =	vadd.s32 $0xBE3E, v31  }
0x24d: {  	v51 =	vand.u32 $0x7FFFFFFF, v31;
	v31 =	vshrl.u32 v31, $0x1F  }
0x24e: {  	v31 =	vadd.s32 v31, v51  }
0x24f: {  	v32 =	vadd.s32 $0x80000001, v31  }
0x250: {  	v52 =	vmin.u32 v32, v31  }
0x251: {  	v31 =	vcvt.s32.f32 v52;
	_ =	sdelay $0x1  }
0x252: {  	v31 =	vmul.f32 $1.000009980e-05, v31;
	_ =	sdelay $0x1  }
0x253: {  	v31 =	vtrunc.f32 v31  }
0x254: {  	v31 =	vcvt.f32.s32 v31  }
0x255: {  	v53 =	vmov s15  }
0x256: {  	v38 =	vshll.u32 v53, $0x7;
	v54 =	vmul.u32 $0xFFFE7961, v31;
	v31 =	vshll.u32 v53, $0x9  }
0x257: {  	v32 =	vand.u32 $0x7000, v31;
	v31 =	vand.u32 $0x380, v38  }
0x258: {  	v35 =	vadd.s32 v52, v54;
	v33 =	vor.u32 v31, v32  }
0x259: {  	vm1 =	vlt.s32 v35, $0x0;
	v55 =	vadd.s32 $0x1869F, v35;
	v39 =	vor.u32 v1, v33  }
0x25a: {  	v56 =	vor.u32 v4, v33;
	v35 =	vsel vm1, v55, v35  }
0x25b: {  	vm1 =	vgt.s32 v35, $0x1869E  }
0x25c: {  	v40 =	vsel vm1, $0xFFFE7962, v3  }
0x25d: {  	v35 =	vadd.s32 v35, v40  }
0x25e: {  	[tilespmem:v39+s11+$0x0] =	vst.idx.msk $0xffff, v35  }
0x25f: {  	[tilespmem:v56+s11+$0x0] =	vst.idx.msk $0xffff, v2  }
0x260: {  	v35 =	vld [tilespmem:s14+$0x10]  }
0x261: {  	v38 =	vld [tilespmem:$0xB510]  }
0x262: {  	(v2sf) =	vpush v48, $0xF  }
0x263: {  	(v2sf) =	vpush v49, $0xF;
	v57 =	vld [tilespmem:$0xB410];
	_ =	sdelay $0x1  }
0x264: {  	v58 =	vand.u32 $0xFFFF, v35  }
0x265: {  	v59 =	vshrl.u32 v35, $0x10;
	v60 =	vmul.u32 v38, v58  }
0x266: {  	v38 =	vmul.u32 v38, v59  }
0x267: {  	v37 =	vmul.u32 v57, v58;
	v41 =	vshrl.u32 v60, $0x10  }
0x268: {  	v36 =	vmul.u32 v57, v59;
	v38 =	vadd.s32 v38, v41  }
0x269: {  	v61 =	vand.u32 $0xFFFF, v37;
	v40 =	vand.u32 $0xFFFF, v60;
	v38 =	vshll.u32 v38, $0x1  }
0x26a: {  	v37 =	vshrl.u32 v37, $0x10;
	v36 =	vadd.s32 v36, v40;
	v38 =	vadd.s32 v61, v38  }
0x26b: {  	v36 =	vadd.s32 v37, v36;
	(xrf0) =	vadd.scan.msk.s32 $0xffff, v38  }
0x26c: {  	(xrf0) =	vadd.scan.msk.s32 $0xffff, v36;
	_ =	sdelay $0x3  }
0x26d: {  	s29 =	spop (v2sf)  }
0x26e: {  	s16 =	spop (v2sf);
	v62, _, _ =	vpop (xrf0)  }
0x26f: {  	s16 =	sadd.s32 $0x80B, s16;
	v63, _, _ =	vpop (xrf0)  }
0x270: {  	s15 =	sadd.s32 $0xBE3E, s29;
	v44 =	vadd.s32 s16, v63  }
0x271: {  	v46 =	vadd.s32 s15, v62;
	v45 =	vshll.u32 v44, $0x10;
	v36 =	vshrl.u32 v44, $0xF  }
0x272: {  	v39 =	vand.u32 $0x7FFF0000, v45;
	v36 =	vadd.s32 v36, v46  }
0x273: {  	v36 =	vadd.s32 v39, v36  }
0x274: {  	v39 =	vand.u32 $0x7FFFFFFF, v36;
	v36 =	vshrl.u32 v36, $0x1F  }
0x275: {  	v36 =	vadd.s32 v36, v39  }
0x276: {  	v39 =	vadd.s32 $0x80000001, v36  }
0x277: {  	v36 =	vmin.u32 v39, v36  }
0x278: {  	v39 =	vcvt.s32.f32 v36;
	_ =	sdelay $0x1  }
0x279: {  	v39 =	vmul.f32 $1.000009980e-05, v39;
	_ =	sdelay $0x1  }
0x27a: {  	v39 =	vtrunc.f32 v39  }
0x27b: {  	v39 =	vcvt.f32.s32 v39;
	_ =	sdelay $0x1  }
0x27c: {  	v39 =	vmul.u32 $0xFFFE7961, v39;
	_ =	sdelay $0x1  }
0x27d: {  	v36 =	vadd.s32 v36, v39  }
0x27e: {  	v47 =	vor.u32 v5, v33;
	vm1 =	vlt.s32 v36, $0x0;
	v39 =	vadd.s32 $0x1869F, v36  }
0x27f: {  	v48 =	vor.u32 v6, v33;
	v36 =	vsel vm1, v39, v36  }
0x280: {  	vm1 =	vgt.s32 v36, $0x1869E  }
0x281: {  	v49 =	vsel vm1, $0xFFFE7962, v3  }
0x282: {  	v36 =	vadd.s32 v36, v49  }
0x283: {  	[tilespmem:v47+s11+$0x0] =	vst.idx.msk $0xffff, v36  }
0x284: {  	[tilespmem:v48+s11+$0x0] =	vst.idx.msk $0xffff, v2  }
0x285: {  	v36 =	vld [tilespmem:s14+$0x20]  }
0x286: {  	v39 =	vld [tilespmem:$0xB520]  }
0x287: {  	(v2sf) =	vpush v62, $0xF  }
0x288: {  	(v2sf) =	vpush v63, $0xF;
	v50 =	vld [tilespmem:$0xB420];
	_ =	sdelay $0x1  }
0x289: {  	v51 =	vand.u32 $0xFFFF, v36  }
0x28a: {  	v52 =	vshrl.u32 v36, $0x10;
	v53 =	vmul.u32 v39, v51  }
0x28b: {  	v39 =	vmul.u32 v39, v52  }
0x28c: {  	v38 =	vmul.u32 v50, v51;
	v42 =	vshrl.u32 v53, $0x10  }
0x28d: {  	v37 =	vmul.u32 v50, v52;
	v39 =	vadd.s32 v39, v42  }
0x28e: {  	v54 =	vand.u32 $0xFFFF, v38;
	v41 =	vand.u32 $0xFFFF, v53;
	v39 =	vshll.u32 v39, $0x1  }
0x28f: {  	v38 =	vshrl.u32 v38, $0x10;
	v37 =	vadd.s32 v37, v41;
	v39 =	vadd.s32 v54, v39  }
0x290: {  	v37 =	vadd.s32 v38, v37;
	(xrf0) =	vadd.scan.msk.s32 $0xffff, v39  }
0x291: {  	(xrf0) =	vadd.scan.msk.s32 $0xffff, v37;
	_ =	sdelay $0x3  }
0x292: {  	s17 =	spop (v2sf)  }
0x293: {  	s18 =	spop (v2sf);
	v55, _, _ =	vpop (xrf0)  }
0x294: {  	s16 =	sadd.s32 s16, s18;
	v56, _, _ =	vpop (xrf0)  }
0x295: {  	s15 =	sadd.s32 s15, s17;
	v57 =	vadd.s32 s16, v56  }
0x296: {  	v59 =	vadd.s32 s15, v55;
	v58 =	vshll.u32 v57, $0x10;
	v37 =	vshrl.u32 v57, $0xF  }
0x297: {  	v40 =	vand.u32 $0x7FFF0000, v58;
	v37 =	vadd.s32 v37, v59  }
0x298: {  	v37 =	vadd.s32 v40, v37  }
0x299: {  	v40 =	vand.u32 $0x7FFFFFFF, v37;
	v37 =	vshrl.u32 v37, $0x1F  }
0x29a: {  	v37 =	vadd.s32 v37, v40  }
0x29b: {  	v40 =	vadd.s32 $0x80000001, v37  }
0x29c: {  	v37 =	vmin.u32 v40, v37  }
0x29d: {  	v40 =	vcvt.s32.f32 v37;
	_ =	sdelay $0x1  }
0x29e: {  	v40 =	vmul.f32 $1.000009980e-05, v40;
	_ =	sdelay $0x1  }
0x29f: {  	v40 =	vtrunc.f32 v40  }
0x2a0: {  	v40 =	vcvt.f32.s32 v40;
	_ =	sdelay $0x1  }
0x2a1: {  	v40 =	vmul.u32 $0xFFFE7961, v40;
	_ =	sdelay $0x1  }
0x2a2: {  	v37 =	vadd.s32 v37, v40  }
0x2a3: {  	v60 =	vor.u32 v7, v33;
	vm1 =	vlt.s32 v37, $0x0;
	v40 =	vadd.s32 $0x1869F, v37  }
0x2a4: {  	v61 =	vor.u32 v8, v33;
	v37 =	vsel vm1, v40, v37  }
0x2a5: {  	vm1 =	vgt.s32 v37, $0x1869E  }
0x2a6: {  	v62 =	vsel vm1, $0xFFFE7962, v3  }
0x2a7: {  	v37 =	vadd.s32 v37, v62  }
0x2a8: {  	[tilespmem:v60+s11+$0x0] =	vst.idx.msk $0xffff, v37  }
0x2a9: {  	[tilespmem:v61+s11+$0x0] =	vst.idx.msk $0xffff, v2  }
0x2aa: {  	v37 =	vld [tilespmem:s14+$0x30]  }
0x2ab: {  	v40 =	vld [tilespmem:$0xB530]  }
0x2ac: {  	(v2sf) =	vpush v55, $0xF  }
0x2ad: {  	(v2sf) =	vpush v56, $0xF;
	v63 =	vld [tilespmem:$0xB430];
	_ =	sdelay $0x1  }
0x2ae: {  	v45 =	vand.u32 $0xFFFF, v37  }
0x2af: {  	v46 =	vshrl.u32 v37, $0x10;
	v47 =	vmul.u32 v40, v45  }
0x2b0: {  	v40 =	vmul.u32 v40, v46  }
0x2b1: {  	v39 =	vmul.u32 v63, v45;
	v43 =	vshrl.u32 v47, $0x10  }
0x2b2: {  	v38 =	vmul.u32 v63, v46;
	v40 =	vadd.s32 v40, v43  }
0x2b3: {  	v48 =	vand.u32 $0xFFFF, v39;
	v42 =	vand.u32 $0xFFFF, v47;
	v40 =	vshll.u32 v40, $0x1  }
0x2b4: {  	v39 =	vshrl.u32 v39, $0x10;
	v38 =	vadd.s32 v38, v42;
	v40 =	vadd.s32 v48, v40  }
0x2b5: {  	v38 =	vadd.s32 v39, v38;
	(xrf0) =	vadd.scan.msk.s32 $0xffff, v40  }
0x2b6: {  	(xrf0) =	vadd.scan.msk.s32 $0xffff, v38;
	_ =	sdelay $0x3  }
0x2b7: {  	s30 =	spop (v2sf)  }
0x2b8: {  	s31 =	spop (v2sf);
	v49, _, _ =	vpop (xrf0)  }
0x2b9: {  	s16 =	sadd.s32 s16, s31;
	v50, _, _ =	vpop (xrf0)  }
0x2ba: {  	s15 =	sadd.s32 s15, s30;
	v51 =	vadd.s32 s16, v50  }
0x2bb: {  	v53 =	vadd.s32 s15, v49;
	v52 =	vshll.u32 v51, $0x10;
	v38 =	vshrl.u32 v51, $0xF  }
0x2bc: {  	v41 =	vand.u32 $0x7FFF0000, v52;
	v38 =	vadd.s32 v38, v53  }
0x2bd: {  	v38 =	vadd.s32 v41, v38  }
0x2be: {  	v41 =	vand.u32 $0x7FFFFFFF, v38;
	v38 =	vshrl.u32 v38, $0x1F  }
0x2bf: {  	v38 =	vadd.s32 v38, v41  }
0x2c0: {  	v41 =	vadd.s32 $0x80000001, v38  }
0x2c1: {  	v38 =	vmin.u32 v41, v38  }
0x2c2: {  	v41 =	vcvt.s32.f32 v38;
	_ =	sdelay $0x1  }
0x2c3: {  	v41 =	vmul.f32 $1.000009980e-05, v41;
	_ =	sdelay $0x1  }
0x2c4: {  	v41 =	vtrunc.f32 v41  }
0x2c5: {  	v41 =	vcvt.f32.s32 v41;
	_ =	sdelay $0x1  }
0x2c6: {  	v41 =	vmul.u32 $0xFFFE7961, v41;
	_ =	sdelay $0x1  }
0x2c7: {  	v38 =	vadd.s32 v38, v41  }
0x2c8: {  	v54 =	vor.u32 v9, v33;
	vm1 =	vlt.s32 v38, $0x0;
	v41 =	vadd.s32 $0x1869F, v38  }
0x2c9: {  	v55 =	vor.u32 v10, v33;
	v38 =	vsel vm1, v41, v38  }
0x2ca: {  	vm1 =	vgt.s32 v38, $0x1869E  }
0x2cb: {  	v56 =	vsel vm1, $0xFFFE7962, v3  }
0x2cc: {  	v38 =	vadd.s32 v38, v56  }
0x2cd: {  	[tilespmem:v54+s11+$0x0] =	vst.idx.msk $0xffff, v38  }
0x2ce: {  	[tilespmem:v55+s11+$0x0] =	vst.idx.msk $0xffff, v2  }
0x2cf: {  	v38 =	vld [tilespmem:s14+$0x40]  }
0x2d0: {  	v41 =	vld [tilespmem:$0xB540]  }
0x2d1: {  	(v2sf) =	vpush v49, $0xF  }
0x2d2: {  	(v2sf) =	vpush v50, $0xF;
	v57 =	vld [tilespmem:$0xB440];
	_ =	sdelay $0x1  }
0x2d3: {  	v58 =	vand.u32 $0xFFFF, v38  }
0x2d4: {  	v59 =	vshrl.u32 v38, $0x10;
	v60 =	vmul.u32 v41, v58  }
0x2d5: {  	v41 =	vmul.u32 v41, v59  }
0x2d6: {  	v40 =	vmul.u32 v57, v58;
	v44 =	vshrl.u32 v60, $0x10  }
0x2d7: {  	v39 =	vmul.u32 v57, v59;
	v41 =	vadd.s32 v41, v44  }
0x2d8: {  	v61 =	vand.u32 $0xFFFF, v40;
	v43 =	vand.u32 $0xFFFF, v60;
	v41 =	vshll.u32 v41, $0x1  }
0x2d9: {  	v40 =	vshrl.u32 v40, $0x10;
	v39 =	vadd.s32 v39, v43;
	v41 =	vadd.s32 v61, v41  }
0x2da: {  	v39 =	vadd.s32 v40, v39;
	(xrf0) =	vadd.scan.msk.s32 $0xffff, v41  }
0x2db: {  	(xrf0) =	vadd.scan.msk.s32 $0xffff, v39;
	_ =	sdelay $0x3  }
0x2dc: {  	s19 =	spop (v2sf)  }
0x2dd: {  	s20 =	spop (v2sf);
	v62, _, _ =	vpop (xrf0)  }
0x2de: {  	s16 =	sadd.s32 s16, s20;
	v63, _, _ =	vpop (xrf0)  }
0x2df: {  	s15 =	sadd.s32 s15, s19;
	v45 =	vadd.s32 s16, v63  }
0x2e0: {  	v47 =	vadd.s32 s15, v62;
	v46 =	vshll.u32 v45, $0x10;
	v39 =	vshrl.u32 v45, $0xF  }
0x2e1: {  	v42 =	vand.u32 $0x7FFF0000, v46;
	v39 =	vadd.s32 v39, v47  }
0x2e2: {  	v39 =	vadd.s32 v42, v39  }
0x2e3: {  	v42 =	vand.u32 $0x7FFFFFFF, v39;
	v39 =	vshrl.u32 v39, $0x1F  }
0x2e4: {  	v39 =	vadd.s32 v39, v42  }
0x2e5: {  	v42 =	vadd.s32 $0x80000001, v39  }
0x2e6: {  	v39 =	vmin.u32 v42, v39  }
0x2e7: {  	v42 =	vcvt.s32.f32 v39;
	_ =	sdelay $0x1  }
0x2e8: {  	v42 =	vmul.f32 $1.000009980e-05, v42;
	_ =	sdelay $0x1  }
0x2e9: {  	v42 =	vtrunc.f32 v42  }
0x2ea: {  	v42 =	vcvt.f32.s32 v42;
	_ =	sdelay $0x1  }
0x2eb: {  	v42 =	vmul.u32 $0xFFFE7961, v42;
	_ =	sdelay $0x1  }
0x2ec: {  	v39 =	vadd.s32 v39, v42  }
0x2ed: {  	v48 =	vor.u32 v11, v33;
	vm1 =	vlt.s32 v39, $0x0;
	v42 =	vadd.s32 $0x1869F, v39  }
0x2ee: {  	v49 =	vor.u32 v12, v33;
	v39 =	vsel vm1, v42, v39  }
0x2ef: {  	vm1 =	vgt.s32 v39, $0x1869E  }
0x2f0: {  	v50 =	vsel vm1, $0xFFFE7962, v3  }
0x2f1: {  	v39 =	vadd.s32 v39, v50  }
0x2f2: {  	[tilespmem:v48+s11+$0x0] =	vst.idx.msk $0xffff, v39  }
0x2f3: {  	[tilespmem:v49+s11+$0x0] =	vst.idx.msk $0xffff, v2  }
0x2f4: {  	v39 =	vld [tilespmem:s14+$0x50]  }
0x2f5: {  	v42 =	vld [tilespmem:$0xB550]  }
0x2f6: {  	(v2sf) =	vpush v62, $0xF  }
0x2f7: {  	(v2sf) =	vpush v63, $0xF;
	v51 =	vld [tilespmem:$0xB450];
	_ =	sdelay $0x1  }
0x2f8: {  	v52 =	vand.u32 $0xFFFF, v39  }
0x2f9: {  	v53 =	vshrl.u32 v39, $0x10;
	v54 =	vmul.u32 v42, v52  }
0x2fa: {  	v42 =	vmul.u32 v42, v53  }
0x2fb: {  	v41 =	vmul.u32 v51, v52;
	v45 =	vshrl.u32 v54, $0x10  }
0x2fc: {  	v40 =	vmul.u32 v51, v53;
	v42 =	vadd.s32 v42, v45  }
0x2fd: {  	v55 =	vand.u32 $0xFFFF, v41;
	v44 =	vand.u32 $0xFFFF, v54;
	v42 =	vshll.u32 v42, $0x1  }
0x2fe: {  	v41 =	vshrl.u32 v41, $0x10;
	v40 =	vadd.s32 v40, v44;
	v42 =	vadd.s32 v55, v42  }
0x2ff: {  	v40 =	vadd.s32 v41, v40;
	(xrf0) =	vadd.scan.msk.s32 $0xffff, v42  }
0x300: {  	(xrf0) =	vadd.scan.msk.s32 $0xffff, v40;
	_ =	sdelay $0x3  }
0x301: {  	s21 =	spop (v2sf)  }
0x302: {  	s22 =	spop (v2sf);
	v56, _, _ =	vpop (xrf0)  }
0x303: {  	s16 =	sadd.s32 s16, s22;
	v57, _, _ =	vpop (xrf0)  }
0x304: {  	s15 =	sadd.s32 s15, s21;
	v58 =	vadd.s32 s16, v57  }
0x305: {  	v60 =	vadd.s32 s15, v56;
	v59 =	vshll.u32 v58, $0x10;
	v40 =	vshrl.u32 v58, $0xF  }
0x306: {  	v43 =	vand.u32 $0x7FFF0000, v59;
	v40 =	vadd.s32 v40, v60  }
0x307: {  	v40 =	vadd.s32 v43, v40  }
0x308: {  	v43 =	vand.u32 $0x7FFFFFFF, v40;
	v40 =	vshrl.u32 v40, $0x1F  }
0x309: {  	v40 =	vadd.s32 v40, v43  }
0x30a: {  	v43 =	vadd.s32 $0x80000001, v40  }
0x30b: {  	v40 =	vmin.u32 v43, v40  }
0x30c: {  	v43 =	vcvt.s32.f32 v40;
	_ =	sdelay $0x1  }
0x30d: {  	v43 =	vmul.f32 $1.000009980e-05, v43;
	_ =	sdelay $0x1  }
0x30e: {  	v43 =	vtrunc.f32 v43  }
0x30f: {  	v43 =	vcvt.f32.s32 v43;
	_ =	sdelay $0x1  }
0x310: {  	v43 =	vmul.u32 $0xFFFE7961, v43;
	_ =	sdelay $0x1  }
0x311: {  	v40 =	vadd.s32 v40, v43  }
0x312: {  	v61 =	vor.u32 v13, v33;
	vm1 =	vlt.s32 v40, $0x0;
	v43 =	vadd.s32 $0x1869F, v40  }
0x313: {  	v62 =	vor.u32 v14, v33;
	v40 =	vsel vm1, v43, v40  }
0x314: {  	vm1 =	vgt.s32 v40, $0x1869E  }
0x315: {  	v63 =	vsel vm1, $0xFFFE7962, v3  }
0x316: {  	v40 =	vadd.s32 v40, v63  }
0x317: {  	[tilespmem:v61+s11+$0x0] =	vst.idx.msk $0xffff, v40  }
0x318: {  	[tilespmem:v62+s11+$0x0] =	vst.idx.msk $0xffff, v2  }
0x319: {  	v40 =	vld [tilespmem:s14+$0x60]  }
0x31a: {  	v43 =	vld [tilespmem:$0xB560]  }
0x31b: {  	(v2sf) =	vpush v56, $0xF  }
0x31c: {  	(v2sf) =	vpush v57, $0xF;
	v48 =	vld [tilespmem:$0xB460];
	_ =	sdelay $0x1  }
0x31d: {  	v49 =	vand.u32 $0xFFFF, v40  }
0x31e: {  	v50 =	vshrl.u32 v40, $0x10;
	v51 =	vmul.u32 v43, v49  }
0x31f: {  	v43 =	vmul.u32 v43, v50  }
0x320: {  	v42 =	vmul.u32 v48, v49;
	v46 =	vshrl.u32 v51, $0x10  }
0x321: {  	v41 =	vmul.u32 v48, v50;
	v43 =	vadd.s32 v43, v46  }
0x322: {  	v52 =	vand.u32 $0xFFFF, v42;
	v45 =	vand.u32 $0xFFFF, v51;
	v43 =	vshll.u32 v43, $0x1  }
0x323: {  	v42 =	vshrl.u32 v42, $0x10;
	v41 =	vadd.s32 v41, v45;
	v43 =	vadd.s32 v52, v43  }
0x324: {  	v41 =	vadd.s32 v42, v41;
	(xrf0) =	vadd.scan.msk.s32 $0xffff, v43  }
0x325: {  	(xrf0) =	vadd.scan.msk.s32 $0xffff, v41;
	_ =	sdelay $0x3  }
0x326: {  	s23 =	spop (v2sf)  }
0x327: {  	s24 =	spop (v2sf);
	v53, _, _ =	vpop (xrf0)  }
0x328: {  	s16 =	sadd.s32 s16, s24;
	v54, _, _ =	vpop (xrf0)  }
0x329: {  	s15 =	sadd.s32 s15, s23;
	v55 =	vadd.s32 s16, v54  }
0x32a: {  	v57 =	vadd.s32 s15, v53;
	v56 =	vshll.u32 v55, $0x10;
	v41 =	vshrl.u32 v55, $0xF  }
0x32b: {  	v44 =	vand.u32 $0x7FFF0000, v56;
	v41 =	vadd.s32 v41, v57  }
0x32c: {  	v41 =	vadd.s32 v44, v41  }
0x32d: {  	v44 =	vand.u32 $0x7FFFFFFF, v41;
	v41 =	vshrl.u32 v41, $0x1F  }
0x32e: {  	v41 =	vadd.s32 v41, v44  }
0x32f: {  	v44 =	vadd.s32 $0x80000001, v41  }
0x330: {  	v41 =	vmin.u32 v44, v41  }
0x331: {  	v44 =	vcvt.s32.f32 v41;
	_ =	sdelay $0x1  }
0x332: {  	v44 =	vmul.f32 $1.000009980e-05, v44;
	_ =	sdelay $0x1  }
0x333: {  	v44 =	vtrunc.f32 v44  }
0x334: {  	v44 =	vcvt.f32.s32 v44;
	_ =	sdelay $0x1  }
0x335: {  	v44 =	vmul.u32 $0xFFFE7961, v44;
	_ =	sdelay $0x1  }
0x336: {  	v41 =	vadd.s32 v41, v44  }
0x337: {  	v58 =	vor.u32 v15, v33;
	vm1 =	vlt.s32 v41, $0x0;
	v44 =	vadd.s32 $0x1869F, v41  }
0x338: {  	v59 =	vor.u32 v16, v33;
	v41 =	vsel vm1, v44, v41  }
0x339: {  	vm1 =	vgt.s32 v41, $0x1869E  }
0x33a: {  	v60 =	vsel vm1, $0xFFFE7962, v3  }
0x33b: {  	v41 =	vadd.s32 v41, v60  }
0x33c: {  	[tilespmem:v58+s11+$0x0] =	vst.idx.msk $0xffff, v41  }
0x33d: {  	[tilespmem:v59+s11+$0x0] =	vst.idx.msk $0xffff, v2  }
0x33e: {  	v41 =	vld [tilespmem:s14+$0x70]  }
0x33f: {  	v44 =	vld [tilespmem:$0xB570]  }
0x340: {  	(v2sf) =	vpush v53, $0xF  }
0x341: {  	(v2sf) =	vpush v54, $0xF;
	v61 =	vld [tilespmem:$0xB470];
	_ =	sdelay $0x1  }
0x342: {  	v62 =	vand.u32 $0xFFFF, v41  }
0x343: {  	v63 =	vshrl.u32 v41, $0x10;
	v48 =	vmul.u32 v44, v62  }
0x344: {  	v44 =	vmul.u32 v44, v63  }
0x345: {  	v43 =	vmul.u32 v61, v62;
	v47 =	vshrl.u32 v48, $0x10  }
0x346: {  	v42 =	vmul.u32 v61, v63;
	v44 =	vadd.s32 v44, v47  }
0x347: {  	v49 =	vand.u32 $0xFFFF, v43;
	v46 =	vand.u32 $0xFFFF, v48;
	v44 =	vshll.u32 v44, $0x1  }
0x348: {  	v43 =	vshrl.u32 v43, $0x10;
	v42 =	vadd.s32 v42, v46;
	v44 =	vadd.s32 v49, v44  }
0x349: {  	v42 =	vadd.s32 v43, v42;
	(xrf0) =	vadd.scan.msk.s32 $0xffff, v44  }
0x34a: {  	(xrf0) =	vadd.scan.msk.s32 $0xffff, v42;
	_ =	sdelay $0x3  }
0x34b: {  	s25 =	spop (v2sf)  }
0x34c: {  	s26 =	spop (v2sf);
	v50, _, _ =	vpop (xrf0)  }
0x34d: {  	s16 =	sadd.s32 s16, s26;
	v51, _, _ =	vpop (xrf0)  }
0x34e: {  	s15 =	sadd.s32 s15, s25;
	v52 =	vadd.s32 s16, v51  }
0x34f: {  	v54 =	vadd.s32 s15, v50;
	v53 =	vshll.u32 v52, $0x10;
	v42 =	vshrl.u32 v52, $0xF  }
0x350: {  	v45 =	vand.u32 $0x7FFF0000, v53;
	v42 =	vadd.s32 v42, v54  }
0x351: {  	v42 =	vadd.s32 v45, v42  }
0x352: {  	v45 =	vand.u32 $0x7FFFFFFF, v42;
	v42 =	vshrl.u32 v42, $0x1F  }
0x353: {  	v42 =	vadd.s32 v42, v45  }
0x354: {  	v45 =	vadd.s32 $0x80000001, v42  }
0x355: {  	v42 =	vmin.u32 v45, v42  }
0x356: {  	v45 =	vcvt.s32.f32 v42;
	_ =	sdelay $0x1  }
0x357: {  	v45 =	vmul.f32 $1.000009980e-05, v45;
	_ =	sdelay $0x1  }
0x358: {  	v45 =	vtrunc.f32 v45  }
0x359: {  	v45 =	vcvt.f32.s32 v45;
	_ =	sdelay $0x1  }
0x35a: {  	v45 =	vmul.u32 $0xFFFE7961, v45;
	_ =	sdelay $0x1  }
0x35b: {  	v42 =	vadd.s32 v42, v45  }
0x35c: {  	v55 =	vor.u32 v17, v33;
	vm1 =	vlt.s32 v42, $0x0;
	v45 =	vadd.s32 $0x1869F, v42  }
0x35d: {  	v56 =	vor.u32 v18, v33;
	v42 =	vsel vm1, v45, v42  }
0x35e: {  	vm1 =	vgt.s32 v42, $0x1869E  }
0x35f: {  	v57 =	vsel vm1, $0xFFFE7962, v3  }
0x360: {  	v42 =	vadd.s32 v42, v57  }
0x361: {  	[tilespmem:v55+s11+$0x0] =	vst.idx.msk $0xffff, v42  }
0x362: {  	s28 =	sand.u32 $0x3FF0, s14;
	[tilespmem:v56+s11+$0x0] =	vst.idx.msk $0xffff, v2  }
0x363: {  	v42 =	vld [tilespmem:s28+$0x80]  }
0x364: {  	v45 =	vld [tilespmem:$0xB580]  }
0x365: {  	(v2sf) =	vpush v50, $0xF  }
0x366: {  	(v2sf) =	vpush v51, $0xF;
	v58 =	vld [tilespmem:$0xB480];
	_ =	sdelay $0x1  }
0x367: {  	v59 =	vand.u32 $0xFFFF, v42  }
0x368: {  	v60 =	vshrl.u32 v42, $0x10;
	v61 =	vmul.u32 v45, v59  }
0x369: {  	v45 =	vmul.u32 v45, v60  }
0x36a: {  	v44 =	vmul.u32 v58, v59;
	v48 =	vshrl.u32 v61, $0x10  }
0x36b: {  	v43 =	vmul.u32 v58, v60;
	v45 =	vadd.s32 v45, v48  }
0x36c: {  	v62 =	vand.u32 $0xFFFF, v44;
	v47 =	vand.u32 $0xFFFF, v61;
	v45 =	vshll.u32 v45, $0x1  }
0x36d: {  	v44 =	vshrl.u32 v44, $0x10;
	v43 =	vadd.s32 v43, v47;
	v45 =	vadd.s32 v62, v45  }
0x36e: {  	v43 =	vadd.s32 v44, v43;
	(xrf0) =	vadd.scan.msk.s32 $0xffff, v45  }
0x36f: {  	(xrf0) =	vadd.scan.msk.s32 $0xffff, v43;
	_ =	sdelay $0x3  }
0x370: {  	s29 =	spop (v2sf)  }
0x371: {  	s30 =	spop (v2sf);
	v63, _, _ =	vpop (xrf0)  }
0x372: {  	s16 =	sadd.s32 s16, s30;
	v52, _, _ =	vpop (xrf0)  }
0x373: {  	s15 =	sadd.s32 s15, s29;
	v53 =	vadd.s32 s16, v52  }
0x374: {  	v55 =	vadd.s32 s15, v63;
	v54 =	vshll.u32 v53, $0x10;
	v43 =	vshrl.u32 v53, $0xF  }
0x375: {  	v46 =	vand.u32 $0x7FFF0000, v54;
	v43 =	vadd.s32 v43, v55  }
0x376: {  	v43 =	vadd.s32 v46, v43  }
0x377: {  	v46 =	vand.u32 $0x7FFFFFFF, v43;
	v43 =	vshrl.u32 v43, $0x1F  }
0x378: {  	v43 =	vadd.s32 v43, v46  }
0x379: {  	v46 =	vadd.s32 $0x80000001, v43  }
0x37a: {  	v43 =	vmin.u32 v46, v43  }
0x37b: {  	v46 =	vcvt.s32.f32 v43;
	_ =	sdelay $0x1  }
0x37c: {  	v46 =	vmul.f32 $1.000009980e-05, v46;
	_ =	sdelay $0x1  }
0x37d: {  	v46 =	vtrunc.f32 v46  }
0x37e: {  	v46 =	vcvt.f32.s32 v46;
	_ =	sdelay $0x1  }
0x37f: {  	v46 =	vmul.u32 $0xFFFE7961, v46;
	_ =	sdelay $0x1  }
0x380: {  	v43 =	vadd.s32 v43, v46  }
0x381: {  	v56 =	vor.u32 v19, v33;
	vm1 =	vlt.s32 v43, $0x0;
	v46 =	vadd.s32 $0x1869F, v43  }
0x382: {  	v57 =	vor.u32 v20, v33;
	v43 =	vsel vm1, v46, v43  }
0x383: {  	vm1 =	vgt.s32 v43, $0x1869E  }
0x384: {  	v58 =	vsel vm1, $0xFFFE7962, v3  }
0x385: {  	v43 =	vadd.s32 v43, v58  }
0x386: {  	[tilespmem:v56+s11+$0x0] =	vst.idx.msk $0xffff, v43  }
0x387: {  	[tilespmem:v57+s11+$0x0] =	vst.idx.msk $0xffff, v2  }
0x388: {  	v43 =	vld [tilespmem:s14+$0x90]  }
0x389: {  	v46 =	vld [tilespmem:$0xB590]  }
0x38a: {  	(v2sf) =	vpush v63, $0xF  }
0x38b: {  	(v2sf) =	vpush v52, $0xF;
	v59 =	vld [tilespmem:$0xB490];
	_ =	sdelay $0x1  }
0x38c: {  	v60 =	vand.u32 $0xFFFF, v43  }
0x38d: {  	v61 =	vshrl.u32 v43, $0x10;
	v62 =	vmul.u32 v46, v60  }
0x38e: {  	v46 =	vmul.u32 v46, v61  }
0x38f: {  	v45 =	vmul.u32 v59, v60;
	v49 =	vshrl.u32 v62, $0x10  }
0x390: {  	v44 =	vmul.u32 v59, v61;
	v46 =	vadd.s32 v46, v49  }
0x391: {  	v63 =	vand.u32 $0xFFFF, v45;
	v48 =	vand.u32 $0xFFFF, v62;
	v46 =	vshll.u32 v46, $0x1  }
0x392: {  	v45 =	vshrl.u32 v45, $0x10;
	v44 =	vadd.s32 v44, v48;
	v46 =	vadd.s32 v63, v46  }
0x393: {  	v44 =	vadd.s32 v45, v44;
	(xrf0) =	vadd.scan.msk.s32 $0xffff, v46  }
0x394: {  	(xrf0) =	vadd.scan.msk.s32 $0xffff, v44;
	_ =	sdelay $0x3  }
0x395: {  	s31 =	spop (v2sf)  }
0x396: {  	s19 =	spop (v2sf);
	v52, _, _ =	vpop (xrf0)  }
0x397: {  	s16 =	sadd.s32 s16, s19;
	v53, _, _ =	vpop (xrf0)  }
0x398: {  	s15 =	sadd.s32 s15, s31;
	v54 =	vadd.s32 s16, v53  }
0x399: {  	v56 =	vadd.s32 s15, v52;
	v55 =	vshll.u32 v54, $0x10;
	v44 =	vshrl.u32 v54, $0xF  }
0x39a: {  	v47 =	vand.u32 $0x7FFF0000, v55;
	v44 =	vadd.s32 v44, v56  }
0x39b: {  	v44 =	vadd.s32 v47, v44  }
0x39c: {  	v47 =	vand.u32 $0x7FFFFFFF, v44;
	v44 =	vshrl.u32 v44, $0x1F  }
0x39d: {  	v44 =	vadd.s32 v44, v47  }
0x39e: {  	v47 =	vadd.s32 $0x80000001, v44  }
0x39f: {  	v44 =	vmin.u32 v47, v44  }
0x3a0: {  	v47 =	vcvt.s32.f32 v44;
	_ =	sdelay $0x1  }
0x3a1: {  	v47 =	vmul.f32 $1.000009980e-05, v47;
	_ =	sdelay $0x1  }
0x3a2: {  	v47 =	vtrunc.f32 v47  }
0x3a3: {  	v47 =	vcvt.f32.s32 v47;
	_ =	sdelay $0x1  }
0x3a4: {  	v47 =	vmul.u32 $0xFFFE7961, v47;
	_ =	sdelay $0x1  }
0x3a5: {  	v44 =	vadd.s32 v44, v47  }
0x3a6: {  	v57 =	vor.u32 v21, v33;
	vm1 =	vlt.s32 v44, $0x0;
	v47 =	vadd.s32 $0x1869F, v44  }
0x3a7: {  	v58 =	vor.u32 v22, v33;
	v44 =	vsel vm1, v47, v44  }
0x3a8: {  	vm1 =	vgt.s32 v44, $0x1869E  }
0x3a9: {  	v59 =	vsel vm1, $0xFFFE7962, v3  }
0x3aa: {  	v44 =	vadd.s32 v44, v59  }
0x3ab: {  	[tilespmem:v57+s11+$0x0] =	vst.idx.msk $0xffff, v44  }
0x3ac: {  	[tilespmem:v58+s11+$0x0] =	vst.idx.msk $0xffff, v2  }
0x3ad: {  	v44 =	vld [tilespmem:s14+$0xA0]  }
0x3ae: {  	v47 =	vld [tilespmem:$0xB5A0]  }
0x3af: {  	(v2sf) =	vpush v52, $0xF  }
0x3b0: {  	(v2sf) =	vpush v53, $0xF;
	v60 =	vld [tilespmem:$0xB4A0];
	_ =	sdelay $0x1  }
0x3b1: {  	v61 =	vand.u32 $0xFFFF, v44  }
0x3b2: {  	v62 =	vshrl.u32 v44, $0x10;
	v63 =	vmul.u32 v47, v61  }
0x3b3: {  	v47 =	vmul.u32 v47, v62  }
0x3b4: {  	v46 =	vmul.u32 v60, v61;
	v50 =	vshrl.u32 v63, $0x10  }
0x3b5: {  	v45 =	vmul.u32 v60, v62;
	v47 =	vadd.s32 v47, v50  }
0x3b6: {  	v52 =	vand.u32 $0xFFFF, v46;
	v49 =	vand.u32 $0xFFFF, v63;
	v47 =	vshll.u32 v47, $0x1  }
0x3b7: {  	v46 =	vshrl.u32 v46, $0x10;
	v45 =	vadd.s32 v45, v49;
	v47 =	vadd.s32 v52, v47  }
0x3b8: {  	v45 =	vadd.s32 v46, v45;
	(xrf0) =	vadd.scan.msk.s32 $0xffff, v47  }
0x3b9: {  	(xrf0) =	vadd.scan.msk.s32 $0xffff, v45;
	_ =	sdelay $0x3  }
0x3ba: {  	s20 =	spop (v2sf)  }
0x3bb: {  	s21 =	spop (v2sf);
	v53, _, _ =	vpop (xrf0)  }
0x3bc: {  	s16 =	sadd.s32 s16, s21;
	v54, _, _ =	vpop (xrf0)  }
0x3bd: {  	s17 =	sadd.s32 s15, s20;
	v55 =	vadd.s32 s16, v54  }
0x3be: {  	v57 =	vadd.s32 s17, v53;
	v56 =	vshll.u32 v55, $0x10;
	v47 =	vshrl.u32 v55, $0xF  }
0x3bf: {  	v48 =	vand.u32 $0x7FFF0000, v56;
	v47 =	vadd.s32 v47, v57  }
0x3c0: {  	v47 =	vadd.s32 v48, v47  }
0x3c1: {  	v48 =	vand.u32 $0x7FFFFFFF, v47;
	v47 =	vshrl.u32 v47, $0x1F  }
0x3c2: {  	v47 =	vadd.s32 v47, v48  }
0x3c3: {  	v48 =	vadd.s32 $0x80000001, v47  }
0x3c4: {  	v47 =	vmin.u32 v48, v47  }
0x3c5: {  	v48 =	vcvt.s32.f32 v47;
	_ =	sdelay $0x1  }
0x3c6: {  	v48 =	vmul.f32 $1.000009980e-05, v48;
	_ =	sdelay $0x1  }
0x3c7: {  	v48 =	vtrunc.f32 v48  }
0x3c8: {  	v48 =	vcvt.f32.s32 v48;
	_ =	sdelay $0x1  }
0x3c9: {  	v48 =	vmul.u32 $0xFFFE7961, v48;
	_ =	sdelay $0x1  }
0x3ca: {  	v47 =	vadd.s32 v47, v48  }
0x3cb: {  	v58 =	vor.u32 v23, v33;
	vm1 =	vlt.s32 v47, $0x0;
	v48 =	vadd.s32 $0x1869F, v47  }
0x3cc: {  	v59 =	vor.u32 v24, v33;
	v47 =	vsel vm1, v48, v47  }
0x3cd: {  	vm1 =	vgt.s32 v47, $0x1869E  }
0x3ce: {  	v60 =	vsel vm1, $0xFFFE7962, v3  }
0x3cf: {  	v47 =	vadd.s32 v47, v60  }
0x3d0: {  	[tilespmem:v58+s11+$0x0] =	vst.idx.msk $0xffff, v47  }
0x3d1: {  	[tilespmem:v59+s11+$0x0] =	vst.idx.msk $0xffff, v2  }
0x3d2: {  	v47 =	vld [tilespmem:s14+$0xB0]  }
0x3d3: {  	v48 =	vld [tilespmem:$0xB5B0]  }
0x3d4: {  	(v2sf) =	vpush v53, $0xF  }
0x3d5: {  	(v2sf) =	vpush v54, $0xF;
	v61 =	vld [tilespmem:$0xB4B0];
	_ =	sdelay $0x1  }
0x3d6: {  	v62 =	vand.u32 $0xFFFF, v47  }
0x3d7: {  	v63 =	vshrl.u32 v47, $0x10;
	v54 =	vmul.u32 v48, v62  }
0x3d8: {  	v48 =	vmul.u32 v48, v63  }
0x3d9: {  	v46 =	vmul.u32 v61, v62;
	v51 =	vshrl.u32 v54, $0x10  }
0x3da: {  	v45 =	vmul.u32 v61, v63;
	v48 =	vadd.s32 v48, v51  }
0x3db: {  	v55 =	vand.u32 $0xFFFF, v46;
	v50 =	vand.u32 $0xFFFF, v54;
	v48 =	vshll.u32 v48, $0x1  }
0x3dc: {  	v46 =	vshrl.u32 v46, $0x10;
	v45 =	vadd.s32 v45, v50;
	v48 =	vadd.s32 v55, v48  }
0x3dd: {  	v45 =	vadd.s32 v46, v45;
	(xrf0) =	vadd.scan.msk.s32 $0xffff, v48  }
0x3de: {  	(xrf0) =	vadd.scan.msk.s32 $0xffff, v45;
	_ =	sdelay $0x3  }
0x3df: {  	s22 =	spop (v2sf)  }
0x3e0: {  	s23 =	spop (v2sf);
	v45, _, _ =	vpop (xrf0)  }
0x3e1: {  	s15 =	sadd.s32 s16, s23;
	v46, _, _ =	vpop (xrf0)  }
0x3e2: {  	s24 =	sadd.s32 s17, s22;
	v56 =	vadd.s32 s15, v46  }
0x3e3: {  	v58 =	vadd.s32 s24, v45;
	v57 =	vshll.u32 v56, $0x10;
	v48 =	vshrl.u32 v56, $0xF  }
0x3e4: {  	v49 =	vand.u32 $0x7FFF0000, v57;
	v48 =	vadd.s32 v48, v58  }
0x3e5: {  	v48 =	vadd.s32 v49, v48  }
0x3e6: {  	v49 =	vand.u32 $0x7FFFFFFF, v48;
	v48 =	vshrl.u32 v48, $0x1F  }
0x3e7: {  	v48 =	vadd.s32 v48, v49  }
0x3e8: {  	v49 =	vadd.s32 $0x80000001, v48  }
0x3e9: {  	v48 =	vmin.u32 v49, v48  }
0x3ea: {  	v49 =	vcvt.s32.f32 v48;
	_ =	sdelay $0x1  }
0x3eb: {  	v49 =	vmul.f32 $1.000009980e-05, v49;
	_ =	sdelay $0x1  }
0x3ec: {  	v49 =	vtrunc.f32 v49  }
0x3ed: {  	v49 =	vcvt.f32.s32 v49;
	_ =	sdelay $0x1  }
0x3ee: {  	v49 =	vmul.u32 $0xFFFE7961, v49;
	_ =	sdelay $0x1  }
0x3ef: {  	vm2 =	vne.s32 v34, $0x0;
	v59 =	vor.u32 v25, v33;
	v48 =	vadd.s32 v48, v49  }
0x3f0: {  	v61 =	vor.u32 v26, v33;
	vm1 =	vlt.s32 v48, $0x0;
	v49 =	vadd.s32 $0x1869F, v48  }
0x3f1: {  	v62 =	vmpcnt.ones.xlane vm2;
	(v2sf) =	vpush v45, $0xF;
	v60 =	vsel vm1, v49, v48  }
0x3f2: {  	(v2sf) =	vpush v46, $0xF;
	vm1 =	vne.s32 v35, $0x0;
	vm2 =	vgt.s32 v60, $0x1869E  }
0x3f3: {  	v35 =	vmpcnt.ones.xlane vm1;
	vm1 =	vne.s32 v36, $0x0;
	v63 =	vsel vm2, $0xFFFE7962, v3  }
0x3f4: {  	v36 =	vmpcnt.ones.xlane vm1;
	vm1 =	vne.s32 v37, $0x0;
	v34 =	vadd.s32 v60, v63  }
0x3f5: {  	v37 =	vadd.s32 v62, v35;
	v49 =	vmpcnt.ones.xlane vm1;
	vm1 =	vne.s32 v38, $0x0  }
0x3f6: {  	[tilespmem:v59+s11+$0x0] =	vst.idx.msk $0xffff, v34;
	v34 =	vadd.s32 v36, v37;
	v50 =	vmpcnt.ones.xlane vm1;
	vm1 =	vne.s32 v39, $0x0  }
0x3f7: {  	[tilespmem:v61+s11+$0x0] =	vst.idx.msk $0xffff, v2;
	v34 =	vadd.s32 v49, v34;
	v51 =	vmpcnt.ones.xlane vm1;
	vm1 =	vne.s32 v40, $0x0  }
0x3f8: {  	v52 =	vld [tilespmem:s14+$0xC0];
	v34 =	vadd.s32 v50, v34;
	v53 =	vmpcnt.ones.xlane vm1;
	vm1 =	vne.s32 v41, $0x0  }
0x3f9: {  	v54 =	vld [tilespmem:$0xB5C0];
	v34 =	vadd.s32 v51, v34;
	v56 =	vmpcnt.ones.xlane vm1;
	vm1 =	vne.s32 v42, $0x0  }
0x3fa: {  	v55 =	vld [tilespmem:$0xB4C0];
	v34 =	vadd.s32 v53, v34;
	v57 =	vmpcnt.ones.xlane vm1;
	vm1 =	vne.s32 v43, $0x0  }
0x3fb: {  	v34 =	vadd.s32 v56, v34;
	v61 =	vmpcnt.ones.xlane vm1;
	vm1 =	vne.s32 v44, $0x0  }
0x3fc: {  	v34 =	vadd.s32 v57, v34;
	v46 =	vmpcnt.ones.xlane vm1;
	vm1 =	vne.s32 v47, $0x0  }
0x3fd: {  	v58 =	vand.u32 $0xFFFF, v52;
	v59 =	vshrl.u32 v52, $0x10;
	v34 =	vadd.s32 v61, v34  }
0x3fe: {  	v47 =	vmpcnt.ones.xlane vm1;
	vm1 =	vne.s32 v52, $0x0;
	v60 =	vmul.u32 v54, v58  }
0x3ff: {  	v38 =	vmul.u32 v54, v59;
	v62 =	vmul.u32 v55, v58;
	v35 =	vmul.u32 v55, v59  }
0x400: {  	vm1 =	vmand vm1, vm0;
	v34 =	vadd.s32 v46, v34;
	v63 =	vshrl.u32 v60, $0x10  }
0x401: {  	v50 =	vmpcnt.ones.xlane vm1;
	v34 =	vadd.s32 v47, v34;
	v44 =	vadd.s32 v38, v63  }
0x402: {  	v45 =	vand.u32 $0xFFFF, v62;
	v48 =	vand.u32 $0xFFFF, v60;
	v36 =	vshll.u32 v44, $0x1  }
0x403: {  	v49 =	vshrl.u32 v62, $0x10;
	v35 =	vadd.s32 v35, v48;
	v36 =	vadd.s32 v45, v36  }
0x404: {  	v34 =	vadd.s32 v50, v34;
	v35 =	vadd.s32 v49, v35;
	(xrf0) =	vadd.scan.msk.s32 $0xffff, v36  }
0x405: {  	v51 =	vxor.u32 $0x80000000, v34;
	(xrf0) =	vadd.scan.msk.s32 $0xffff, v35  }
0x406: {  	(xrf0) =	vmax.scan.msk.u32 $0xffff, v51;
	_ =	sdelay $0x3  }
0x407: {  	s25 =	spop (v2sf);
	v52, _, _ =	vpop (xrf0)  }
0x408: {  	s26 =	spop (v2sf);
	v53, _, _ =	vpop (xrf0)  }
0x409: {  	s15 =	sadd.s32 s15, s26;
	v55, _, _ =	vpop (xrf0)  }
0x40a: {  	s14 =	sadd.s32 s24, s25;
	v36 =	vadd.s32 s15, v53;
	(v2sf) =	vpush v55, $0xF  }
0x40b: {  	v35 =	vadd.s32 s14, v52;
	v54 =	vshll.u32 v36, $0x10;
	v36 =	vshrl.u32 v36, $0xF  }
0x40c: {  	v37 =	vand.u32 $0x7FFF0000, v54;
	v35 =	vadd.s32 v36, v35  }
0x40d: {  	v35 =	vadd.s32 v37, v35  }
0x40e: {  	v56 =	vand.u32 $0x7FFFFFFF, v35;
	v35 =	vshrl.u32 v35, $0x1F  }
0x40f: {  	v35 =	vadd.s32 v35, v56  }
0x410: {  	v36 =	vadd.s32 $0x80000001, v35  }
0x411: {  	v35 =	vmin.u32 v36, v35  }
0x412: {  	v36 =	vcvt.s32.f32 v35;
	_ =	sdelay $0x1  }
0x413: {  	v36 =	vmul.f32 $1.000009980e-05, v36;
	_ =	sdelay $0x1  }
0x414: {  	v36 =	vtrunc.f32 v36  }
0x415: {  	v36 =	vcvt.f32.s32 v36  }
0x416: {  	v57 =	vadd.s32 $0xFFFFFFFF, v34  }
0x417: {  	vm1 =	vgt.s32 v57, $0x0;
	v36 =	vmul.u32 $0xFFFE7961, v36;
	s28 =	spop (v2sf)  }
0x418: {  	v58 =	vnsel vm1, $0x0, v57;
	s29 =	sxor.u32 $0x80000000, s28  }
0x419: {  	v61 =	vor.u32 v29, v33;
	v35 =	vadd.s32 v35, v36;
	v36 =	vmin.u32 v58, $0xC7;
	p1 =	sgt.s32 s28, $0xFFFFFFFF;
	s14 =	sand.u32 $0xF, s28;
	p0 =	slt.s32 s29, $0x1  }
0x41a: {  	vm1 =	vlt.s32 v35, $0x0;
	v60 =	vshll.u32 v36, $0x1;
	v36 =	vshll.u32 v36, $0x4;
	s30 =	sshra.s32 s29, $0x1F;
	p6 =	sne.s32 s14, $0x0;
	p0 =	por p1, p0  }
0x41b: {  	v59 =	vadd.s32 $0x1869F, v35;
	v38 =	vand.u32 $0x7E, v60;
	v36 =	vand.u32 $0xC00, v36;
	s31 =	sshrl.u32 s30, $0x1C;
	p0 =	por !p6, !p0  }
0x41c: {  	v62 =	vor.u32 v30, v33;
	s15 =	simm.s32 $0x1;
	v35 =	vsel vm1, v59, v35;
	v36 =	vor.u32 v36, v38;
	s14 =	sadd.s32 s31, s29;
	p0 =	por !p0, !p0  }
0x41d: {  	vm1 =	vgt.s32 v35, $0x1869E;
	v33 =	vor.u32 v36, v33;
	s14 =	sshra.s32 s14, $0x4;
	s15 =	simm.s32 @!p0 $0x0  }
0x41e: {  	v63 =	vsel vm1, $0xFFFE7962, v3;
	s14 =	ssub.s32 s14, s15  }
0x41f: {  	v35 =	vadd.s32 v35, v63;
	p0 =	sgt.s32 s14, $0xC  }
.Ltmp8:
0x420: {  	[tilespmem:v61+s11+$0x0] =	vst.idx.msk $0xff, v35;
	(pc) =	sbr.rel @p0 .LBB2_18-.Ltmp8, $2  }
0x421: {  	[tilespmem:v62+s11+$0x0] =	vst.idx.msk $0xff, v2  }
0x422: {  	v33 =	vld.idx.msk [tilespmem:v33+s11+$0x0], $0xffff;
	_ =	sdelay $0x2  }
0x423: {  	s31 =	ssub.s32 $0xD, s14  }
0x424: {  	s15 =	sshll.u32 s14, $0x4;
	p1 =	sne.s32 s31, $0x1  }
.Ltmp9:
0x425: {  	v38 =	vor.u32 s15, v0;
	(pc) =	sbr.rel @!p1 .LBB2_12-.Ltmp9, $4  }
0x426: {  	v35 =	vshll.u32 v38, $0x1  }
0x427: {  	vm1 =	vlt.s32 v35, $0x18E  }
0x428: {  	v35 =	vnsel vm1, $0x18E, v35  }
0x429: {  	p0 =	por $0x0, $0x0;
	s14 =	sadd.s32 $0xFFFFFFFF, s31;
	s15 =	sadd.s32 $0x10, s15;
	v39 =	vshll.u32 v35, $0x3  }
0x42a: {  	v36 =	vor.u32 s15, v0  }
0x42b: {  	v39 =	vand.u32 $0xFFFFFC00, v39;
	v37 =	vshll.u32 v36, $0x1  }
0x42c: {  	v40 =	vand.u32 $0x7E, v35;
	vm2 =	vlt.s32 v38, $0xC8;
	p1 =	sne.s32 s14, $0x1;
	vm1 =	vlt.s32 v37, $0x18E  }
.Ltmp10:
0x42d: {  	v39 =	vadd.s32 v32, v39;
	v35 =	vnsel vm1, $0x18E, v37;
	vm1 =	vge.s32 v38, v34;
	(pc) =	sbr.rel @!p1 .LBB2_14-.Ltmp10, $3  }
0x42e: {  	v63 =	vor.u32 v40, v39;
	vm1 =	vmand vm1, vm2  }
0x42f: {  	v37 =	vor.u32 v31, v63;
	_ =	sdelay $0x1  }
0x430: {  	s14 =	sadd.s32 $0xFFFFFFFF, s14;
	s15 =	sadd.s32 $0x10, s15;
	p0 =	por $0x1, $0x1;
	v39 =	vshll.u32 v35, $0x3  }
.LBB2_15:
0x431: {  	v38 =	vor.u32 s15, v0;
	vm2 =	vge.s32 v36, v34;
	v39 =	vand.u32 $0xFFFFFC00, v39;
	p1 =	sne.s32 s14, $0x1  }
.Ltmp11:
0x432: {  	s14 =	sadd.s32 $0xFFFFFFFF, s14;
	vm3 =	vlt.s32 v36, $0xC8;
	v35 =	vand.u32 $0x7E, v35;
	v39 =	vadd.s32 v32, v39;
	v36 =	vmovc v38;
	(pc) =	sbr.rel @p1 .LBB2_15-.Ltmp11, $4  }
0x433: {  	v38 =	vshll.u32 v36, $0x1;
	v35 =	vor.u32 v35, v39;
	[tilespmem:v37+s11+$0x0] =	vst.idx.msk vm1, v33;
	vm1 =	vmand vm2, vm3  }
0x434: {  	vm2 =	vlt.s32 v38, $0x18E;
	v37 =	vor.u32 v31, v35  }
0x435: {  	v35 =	vnsel vm2, $0x18E, v38  }
0x436: {  	s15 =	sadd.s32 $0x10, s15;
	v39 =	vshll.u32 v35, $0x3  }
.Ltmp12:
0x437: {  	(pc) =	sbr.rel .LBB2_17-.Ltmp12, $2  }
0x438: {  	_ =	sdelay $0x2  }
0x439: {  	v38 =	vmov v36  }
.LBB2_4:
.Ltmp13:
0x43a: {  	(pc) =	sbr.rel .LBB2_9-.Ltmp13, $2  }
0x43b: {  	_ =	sdelay $0x2  }
0x43c: {  	_ = 	snop  }
.LBB2_6:
.Ltmp14:
0x43d: {  	(pc) =	sbr.rel .LBB2_9-.Ltmp14, $2  }
0x43e: {  	_ =	sdelay $0x2  }
0x43f: {  	v40 =	vmov v38  }
.LBB2_14:
.Ltmp15:
0x440: {  	(pc) =	sbr.rel .LBB2_17-.Ltmp15, $2  }
0x441: {  	_ =	sdelay $0x2  }
0x442: {  	v38 =	vmov v36  }
.LBB2_20:
0x443: {  	_ =	sfence.sel $0x180000  }
0x444: {  	[bflag:$0x0] =	sbarrier.arrive $0xFFFF  }
0x445: {  	p0 =	sne.s32 s0, $0x0;
	_ =	strace $0x9000004A  }
0x446: {  	s0 =	sadd.s32 @!p0 $0x100000, s1;
	[bflag:$0x2] =	sbarrier.arrive $0xFFFF  }
0x447: {  	[sflag:s0] =	ssyncadd.tile.s32 @!p0 $0x1;
	_ =	shalt  }
.Lfunc_end2:
_tile_overlayer_lowered:
.L_overlay_start_2:
0x448: {  	(tag) =	ssettag $0x2  }
0x449: {  	s0 =	rddreg [dreg:$0x0];
	s2 =	stileid.u32  }
0x44a: {  	s1 =	rddreg [dreg:$0x1];
	p0 =	sne.s32 s2, $0x0  }
0x44b: {  	s3 =	rddreg [dreg:$0x2];
	[bflag:$0x3] =	sbarrier.arrive $0xFFFF;
	s2 =	simm.s32 @!p0 $0x1C01  }
0x44c: {  	[timem:s3], [sflag:s2] =	dma.local @!p0 [hbm:s0], s1  }
0x44d: {  	s0 =	simm.s32 @!p0 $0x1  }
0x44e: {  	_ =	swait.ge @!p0 [sflag:s0], s1  }
0x44f: {  	s1 =	ssub.s32 @!p0 $0x0, s1;
	[sflag:s0] =	ssyncset.done @!p0 $0x0  }
0x450: {  	[sflag:s0] =	ssyncadd.s32 @!p0 s1  }
0x451: {  	[bflag:$0x3] =	sbarrier.arrive $0xFFFF  }
0x452: {  	_ =	shalt  }

// kernel: kernel.7.cloned.1.call-start
scs
__scs_entry_jumppad:
0x0: {  	(pc) =	sbr.rel $0x88, $3  }
0x1: {  	(tag) =	ssettag $0x0;
	lr =	simm.s32 $0x1  }
0x2: {  	[smem:$0x3FA0] =	sst lr;
	_ =	strace $0xD0000000  }
0x3: {  	_ = 	snop  }
0x4: {  	_ = 	snop  }
0x5: {  	_ = 	snop  }
0x6: {  	_ = 	snop  }
0x7: {  	_ = 	snop  }
__scs_overlays_trampoline_lowered:
0x8: {  	[smem:$0x3FAF] =	sst s0  }
0x9: {  	[smem:$0x3FB0] =	sst s1  }
0xa: {  	[smem:$0x3FB1] =	sst s2  }
0xb: {  	[smem:$0x3FB2] =	sst s3  }
0xc: {  	[smem:$0x3FB3] =	sst s4  }
0xd: {  	[smem:$0x3FB4] =	sst s5  }
0xe: {  	[smem:$0x3FB5] =	sst s6  }
0xf: {  	[smem:$0x3FB6] =	sst s7  }
0x10: {  	[smem:$0x3FB7] =	sst s8  }
0x11: {  	[smem:$0x3FB8] =	sst s9;
	s0 =	simm.s32 @!p0 $0x0  }
0x12: {  	s1 =	sld [smem:$0x3F9E];
	s0 =	simm.s32 @p0 $0x1  }
0x13: {  	[smem:$0x3FB9] =	sst s0;
	s0 =	simm.s32 @!p1 $0x0  }
0x14: {  	s2 =	sld [smem:$0x3F9D];
	s0 =	simm.s32 @p1 $0x1  }
0x15: {  	[smem:$0x3FBA] =	sst s0;
	s0 =	simm.s32 @!p2 $0x0  }
0x16: {  	s3 =	sld [smem:$0x3FDB];
	s0 =	simm.s32 @p2 $0x1  }
0x17: {  	s4 =	simm.s32 $0x1BF5;
	[smem:$0x3FBC] =	sst s0  }
0x18: {  	s0 =	sld [smem:$0x3F9F];
	_ =	swait.ge [sflag:s4], $0x0  }
0x19: {  	s7 =	sld [smem:$0x3FA0]  }
0x1a: {  	s8 =	sadd.s32 $0xFFFFE003, lr  }
0x1b: {  	s9 =	sadd.s32 $0xFFFFFEF7, lr;
	s5 =	simm.s32 $0xFFFFFFFF;
	p2 =	slt.u32 s8, $0xFFFFF086  }
0x1c: {  	p1 =	slt.u32 s9, $0xF7A;
	s5 =	simm.s32 @!p2 $0x0  }
0x1d: {  	s5 =	simm.s32 @p1 $0x1;
	p0 =	seq.s32 s7, s2  }
0x1e: {  	s7 =	smul.u32 @!p0 $0xF7A, s2;
	p2 =	seq.s32 @!p0 s5, $0x0  }
0x1f: {  	s9 =	smul.u32 $0xF7A, s1;
	s8 =	simm.s32 @!p0 $0x1BF5;
	p2 =	por !p2, p0  }
0x20: {  	[sflag:s8] =	ssyncset.s32 @!p0 $0xFFFFF086;
	s6 =	sadd.s32 @!p0 s3, s7;
	s7 =	simm.s32 @!p0 $0x108  }
0x21: {  	s3 =	sadd.s32 s3, s9;
	s6 =	sadd.s32 @!p0 $0x88, s6;
	s7 =	simm.s32 @p2 $0x1082  }
0x22: {  	[simem:s7], [sflag:s8] =	dma.local @!p0 [hbm:s6], $0xF7A  }
0x23: {  	s9 =	sor.u32 $0xD0000000, s2;
	s6 =	simm.s32 $0x108;
	_ =	swait.ge @!p0 [sflag:s8], $0x0  }
0x24: {  	s3 =	sadd.s32 $0x88, s3;
	s6 =	simm.s32 @!p1 $0x1082;
	[sflag:s4] =	ssyncset.s32 $0xFFFFF086  }
0x25: {  	[simem:s6], [sflag:s4] =	dma.local [hbm:s3], $0xF7A  }
0x26: {  	[smem:$0x3FA0] =	sst s1;
	(tag) =	ssettag s2;
	_ =	strace s9  }
0x27: {  	s1 =	sld [smem:$0x3FB0]  }
0x28: {  	s2 =	sld [smem:$0x3FB1]  }
0x29: {  	s4 =	sld [smem:$0x3FB3]  }
0x2a: {  	p0 =	seq.s32 s5, $0x0;
	s5 =	sld [smem:$0x3FB4]  }
0x2b: {  	s6 =	sld [smem:$0x3FB5]  }
0x2c: {  	s7 =	sld [smem:$0x3FB6]  }
0x2d: {  	s3 =	simm.s32 $0x108;
	s8 =	sld [smem:$0x3FB7]  }
0x2e: {  	s3 =	simm.s32 @!p0 $0x1082;
	s9 =	sld [smem:$0x3FB8]  }
0x2f: {  	lr =	sadd.s32 s0, s3;
	s0 =	sld [smem:$0x3FAF]  }
0x30: {  	s3 =	sld [smem:$0x3FB2]  }
0x31: {  	[smem:$0x3FBB] =	sst s10  }
0x32: {  	s10 =	sld [smem:$0x3FB9];
	_ =	sdelay $0x3  }
0x33: {  	p0 =	seq.s32 s10, $0x1;
	s10 =	sld [smem:$0x3FBB];
	_ =	sdelay $0x3  }
0x34: {  	[smem:$0x3FBB] =	sst s10  }
0x35: {  	s10 =	sld [smem:$0x3FBA];
	_ =	sdelay $0x3  }
0x36: {  	p1 =	seq.s32 s10, $0x1;
	s10 =	sld [smem:$0x3FBB];
	_ =	sdelay $0x3  }
0x37: {  	[smem:$0x3FBB] =	sst s10  }
0x38: {  	s10 =	sld [smem:$0x3FBC]  }
0x39: {  	_ = 	snop;
	(pc) =	sbr.ind lr, $3  }
0x3a: {  	_ = 	snop  }
0x3b: {  	_ = 	snop  }
0x3c: {  	p2 =	seq.s32 s10, $0x1;
	s10 =	sld [smem:$0x3FBB]  }
0x3d: {  	_ =	shalt  }
0x3e: {  	_ =	shalt  }
0x3f: {  	_ =	shalt  }
0x40: {  	_ =	shalt  }
0x41: {  	_ =	shalt  }
0x42: {  	_ =	shalt  }
0x43: {  	_ =	shalt  }
0x44: {  	_ =	shalt  }
0x45: {  	_ =	shalt  }
0x46: {  	_ =	shalt  }
0x47: {  	_ =	shalt  }
0x48: {  	_ =	shalt  }
0x49: {  	_ =	shalt  }
0x4a: {  	_ =	shalt  }
0x4b: {  	_ =	shalt  }
0x4c: {  	_ =	shalt  }
0x4d: {  	_ =	shalt  }
0x4e: {  	_ =	shalt  }
0x4f: {  	_ =	shalt  }
0x50: {  	_ =	shalt  }
0x51: {  	_ =	shalt  }
0x52: {  	_ =	shalt  }
0x53: {  	_ =	shalt  }
0x54: {  	_ =	shalt  }
0x55: {  	_ =	shalt  }
0x56: {  	_ =	shalt  }
0x57: {  	_ =	shalt  }
0x58: {  	_ =	shalt  }
0x59: {  	_ =	shalt  }
0x5a: {  	_ =	shalt  }
0x5b: {  	_ =	shalt  }
0x5c: {  	_ =	shalt  }
0x5d: {  	_ =	shalt  }
0x5e: {  	_ =	shalt  }
0x5f: {  	_ =	shalt  }
0x60: {  	_ =	shalt  }
0x61: {  	_ =	shalt  }
0x62: {  	_ =	shalt  }
0x63: {  	_ =	shalt  }
0x64: {  	_ =	shalt  }
0x65: {  	_ =	shalt  }
0x66: {  	_ =	shalt  }
0x67: {  	_ =	shalt  }
0x68: {  	_ =	shalt  }
0x69: {  	_ =	shalt  }
0x6a: {  	_ =	shalt  }
0x6b: {  	_ =	shalt  }
0x6c: {  	_ =	shalt  }
0x6d: {  	_ =	shalt  }
0x6e: {  	_ =	shalt  }
0x6f: {  	_ =	shalt  }
0x70: {  	_ =	shalt  }
0x71: {  	_ =	shalt  }
0x72: {  	_ =	shalt  }
0x73: {  	_ =	shalt  }
0x74: {  	_ =	shalt  }
0x75: {  	_ =	shalt  }
0x76: {  	_ =	shalt  }
0x77: {  	_ =	shalt  }
0x78: {  	_ =	shalt  }
0x79: {  	_ =	shalt  }
0x7a: {  	_ =	shalt  }
0x7b: {  	_ =	shalt  }
0x7c: {  	_ =	shalt  }
0x7d: {  	_ =	shalt  }
0x7e: {  	_ =	shalt  }
0x7f: {  	_ =	shalt  }
0x80: {  	_ =	shalt  }
0x81: {  	_ =	shalt  }
0x82: {  	_ =	shalt  }
0x83: {  	_ =	shalt  }
0x84: {  	_ =	shalt  }
0x85: {  	_ =	shalt  }
0x86: {  	_ =	shalt  }
0x87: {  	_ =	shalt  }
.Lfunc_end0:
.L_simem_size_0:
called_computation.1_lowered:
.L_overlay_start_0:
0x88: {  	s2 =	sld [smem:$0x3FD9]  }
0x89: {  	s3 =	sld [smem:$0x3FFE];
	_ =	sdelay $0x1  }
0x8a: {  	s1 =	srdreg.scid  }
0x8b: {  	s0 =	sand.u32 $0x1, s1  }
0x8c: {  	s16 =	sshll.u32 s0, $0xA;
	s2 =	sadd.s32 s3, s2  }
0x8d: {  	s2 =	sadd.s32 s2, s16  }
0x8e: {  	[smem:$0x3FC7] =	sst s2  }
0x8f: {  	_ = 	snop  }
0x90: {  	(tm) =	ssettm $0x1  }
0x91: {  	s17 =	sld [smem:$0x3FFB];
	_ =	sdelay $0x3  }
0x92: {  	_ =	strace s17  }
0x93: {  	s2 =	sld [smem:$0x3FFC];
	_ =	sdelay $0x3  }
0x94: {  	_ =	strace s2  }
0x95: {  	s2 =	sld [smem:$0x3FFD];
	_ =	sdelay $0x3  }
0x96: {  	_ =	strace s2  }
0x97: {  	_ =	strace $0x8FFFFFFF  }
0x98: {  	s18 =	sld [smem:$0x3FDB];
	_ =	sdelay $0x1  }
0x99: {  	s19 =	simm.s32 $_scs_section_size  }
0x9a: {  	s4 =	simm.s32 $_size__tile_overlayer_lowered;
	s5 =	simm.s32 $_tile_overlayer_lowered  }
0x9b: {  	s22 =	simm.s32 $0x1BFF;
	s21 =	sshll.u32 s5, $0x1;
	s2 =	sadd.s32 s19, s18  }
0x9c: {  	s6 =	simm.s32 $0x0;
	s20 =	sshll.u32 s4, $0x1;
	s4 =	sadd.s32 s21, s2  }
0x9d: {  	[timem:s6], [sflag:s22] =	dma.local [hbm:s4], s20  }
0x9e: {  	_ =	swait.ge [sflag:s22], s20  }
0x9f: {  	s3 =	ssub.s32 $0x0, s20;
	[sflag:s22] =	ssyncset.done $0x0  }
0xa0: {  	[sflag:s22] =	ssyncadd.s32 s3;
	_ =	sdelay $0x1  }
0xa1: {  	s23 =	simm.s32 $0x1B8B  }
0xa2: {  	_ =	swait.ge [sflag:s23], $0x1  }
0xa3: {  	[sflag:s23] =	ssyncset.done $0x0  }
0xa4: {  	s25 =	simm.s32 $0x1B8E;
	s24 =	sld [smem:$0x3FFE];
	[sflag:s23] =	ssyncadd.s32 $0xFFFFFFFF  }
0xa5: {  	s26 =	simm.s32 $execute0_lowered;
	[smem:$0x3FD2] =	sst s25  }
0xa6: {  	s4 =	sshll.u32 s26, $0x1;
	_ =	strace $0x80000046;
	[dreg:$0x1] =	wrdreg $0xFFFFFFFF  }
0xa7: {  	s28 =	simm.s32 $_size_execute0_lowered;
	s2 =	sadd.s32 s2, s4;
	[dreg:$0x0] =	wrdreg $0x0  }
0xa8: {  	s4 =	sshll.u32 s28, $0x1;
	[dreg:$0x2] =	wrdreg s2  }
0xa9: {  	[dreg:$0x3] =	wrdreg s4  }
0xaa: {  	[dreg:$0x4] =	wrdreg $0xC0  }
0xab: {  	_ =	task [dreg:s6], $0x5FFFF  }
0xac: {  	[dreg:$0x1] =	wrdreg $0xFFFFFFFF  }
0xad: {  	[dreg:$0x0] =	wrdreg $0x60  }
0xae: {  	[dreg:$0x2] =	wrdreg s24  }
0xaf: {  	[dreg:$0x3] =	wrdreg $0xA  }
0xb0: {  	_ =	task.clear_ibuf [dreg:s6], $0x4FFFF;
	_ =	strace $0x90000046  }
0xb1: {  	s29 =	simm.s32 $0xA;
	_ =	strace $0x80000048  }
0xb2: {  	_ =	swait.ge [sflag:s29], $0x1  }
0xb3: {  	[sflag:s29] =	ssyncadd.s32 $0xFFFFFFFF  }
0xb4: {  	_ =	strace $0x90000048  }
0xb5: {  	_ =	sfence  }
0xb6: {  	s30 =	sld [smem:$0x0];
	_ =	sdelay $0x2  }
0xb7: {  	s31 =	sshll.u32 s1, $0xD;
	s1 =	sshrl.u32 s1, $0x2  }
0xb8: {  	s3 =	sand.u32 $0x4000, s31;
	s1 =	sadd.s32 s1, s30  }
0xb9: {  	s0 =	sor.u32 s3, s0;
	s1 =	sshll.u32 s1, $0x11  }
0xba: {  	s0 =	sor.u32 s1, s0  }
0xbb: {  	s0 =	sadd.s32 $0x8F2B, s0  }
0xbc: {  	[sflag:s0] =	ssyncadd.remote.s32 $0x1  }
0xbd: {  	_ =	sfence.sel $0xFFFF  }
0xbe: {  	[dreg:$0x0] =	wrdreg $0xFFFFFFFF;
	(pc) =	sbr.abs _section_cstart, $3  }
0xbf: {  	[dreg:$0x1] =	wrdreg $0xFFFFFFFF  }
0xc0: {  	_ =	task.clear_ibuf [dreg:s6], $0x2FFFF;
	_ =	strace $0x9FFFFFFF  }
0xc1: {  	(tm) =	ssettm $0x7FFFFFFF  }
tec
execute0_lowered:
.L_overlay_start_1:
0x0: {  	(tag) =	ssettag $0x1  }
0x1: {  	v0 =	vlaneseq.u32;
	v2 =	vimm.s32 $0x0  }
0x2: {  	v3 =	vimm.s32 $0x1;
	v20 =	vimm.s32 $0xECA86420;
	v22 =	vimm.s32 $0xFDB97531  }
0x3: {  	vm1 =	vcmask $0x1F00;
	vm0 =	vmmov $0xff;
	v29 =	vimm.s32 $0xC0E  }
0x4: {  	vm2 =	vcmask $0x300;
	v30 =	vimm.s32 $0xC0F;
	vm3 =	vcmask $0x704  }
0x5: {  	v1 =	vmul.u32 $0x2, v0;
	v24 =	vunpack.c.l.s4.s8 v20;
	v26 =	vunpack.c.l.s4.s8 v22  }
0x6: {  	v29 =	vsel vm2, $0xC00, v29;
	v30 =	vsel vm2, $0xC01, v30;
	vm2 =	vcmask $0xB08  }
0x7: {  	v29 =	vsel vm3, $0xC02, v29;
	v30 =	vsel vm3, $0xC03, v30;
	vm3 =	vcmask $0xF0C  }
0x8: {  	v4 =	vor.u32 $0x1, v1;
	v5 =	vor.u32 $0x20, v1;
	v6 =	vor.u32 $0x21, v1  }
0x9: {  	v7 =	vor.u32 $0x40, v1;
	v8 =	vor.u32 $0x41, v1;
	v9 =	vor.u32 $0x60, v1  }
0xa: {  	v10 =	vor.u32 $0x61, v1;
	v11 =	vor.u32 $0x400, v1;
	v12 =	vor.u32 $0x401, v1  }
0xb: {  	v13 =	vor.u32 $0x420, v1;
	v14 =	vor.u32 $0x421, v1;
	v15 =	vor.u32 $0x440, v1  }
0xc: {  	s5 =	rddreg [dreg:$0x0];
	v16 =	vor.u32 $0x441, v1;
	v17 =	vor.u32 $0x460, v1;
	v18 =	vor.u32 $0x461, v1  }
0xd: {  	s0 =	rddreg [dreg:$0x1];
	s2 =	simm.s32 $0x0;
	v19 =	vor.u32 $0x800, v1;
	v20 =	vor.u32 $0x801, v1;
	v21 =	vor.u32 $0x820, v1  }
0xe: {  	s3 =	srdreg.scid;
	s1 =	stileid.u32;
	s10 =	simm.s32 $0xB500;
	v22 =	vor.u32 $0x821, v1;
	v23 =	vor.u32 $0x840, v1;
	v27 =	vunpack.c.0.s8.s32 v24  }
0xf: {  	s11 =	simm.s32 $0x3400;
	s12 =	simm.s32 $0x0;
	[smem:$0x7FF] =	sst s2;
	v24 =	vor.u32 $0x841, v1;
	v25 =	vor.u32 $0x860, v1;
	v28 =	vunpack.c.0.s8.s32 v26  }
0x10: {  	s4 =	sand.u32 $0x1, s3;
	s6 =	sshll.u32 s1, $0x1;
	s3 =	sadd.s32 $0xD600, s5;
	v26 =	vor.u32 $0x861, v1;
	v29 =	vsel vm2, $0xC04, v29;
	v30 =	vsel vm2, $0xC05, v30  }
.Ltmp0:
0x11: {  	_ =	strace $0x80000047;
	s6 =	sor.u32 s4, s6;
	vm2 =	vcmask $0x1310;
	v29 =	vsel vm3, $0xC06, v29;
	v30 =	vsel vm3, $0xC07, v30;
	(pc) =	sbr.rel .LBB2_1-.Ltmp0, $4  }
0x12: {  	s8 =	ssub.s32 $0x2, s4;
	s7 =	sshll.u32 s6, $0xC;
	s6 =	smul.u32 $0x680, s6;
	vm3 =	vcmask $0x1714;
	v27 =	vand.u32 $0xF, v27;
	v28 =	vand.u32 $0xF, v28  }
0x13: {  	s4 =	sadd.s32 $0xD200, s5;
	s9 =	sshrl.u32 s8, $0x1;
	s7 =	sadd.s32 s7, s5;
	v29 =	vsel vm2, $0xC08, v29;
	v30 =	vsel vm2, $0xC09, v30;
	vm2 =	vcmask $0x1B18  }
0x14: {  	s8 =	ssub.s32 s8, s9;
	s9 =	simm.s32 $0xB400;
	s5 =	sadd.s32 s5, s6;
	v27 =	vnsel vm1, $0xE, v27;
	v29 =	vsel vm3, $0xC0A, v29;
	v30 =	vsel vm3, $0xC0B, v30  }
0x15: {  	s6 =	sadd.s32 $0xD800, s7;
	s7 =	smax.u32 s8, $0x1;
	s8 =	simm.s32 $0x1;
	v28 =	vnsel vm1, $0xF, v28;
	v29 =	vsel vm2, $0xC0C, v29;
	v30 =	vsel vm2, $0xC0D, v30  }
.LBB2_19:
0x16: {  	s12 =	sadd.s32 $0x1, s12  }
0x17: {  	p0 =	sne.s32 s12, s7  }
.Ltmp1:
0x18: {  	_ = 	snop;
	(pc) =	sbr.rel @!p0 .LBB2_20-.Ltmp1, $4  }
0x19: {  	[hbm4b:s6+s2] =	stream.linear.scatter [tilespmem:s11], [sflag:$0x1], $0x8000, $0x38;
	[tilespmem:$0xB600] =	vst v63  }
0x1a: {  	_ =	swait.ge [sflag:s8], $0x8000  }
0x1b: {  	[sflag:s8] =	ssyncset.done $0x0  }
0x1c: {  	[sflag:s8] =	ssyncadd.s32 $0xFFFF8000  }
.LBB2_1:
0x1d: {  	[tilespmem:s2], [sflag:$0x1] =	stream.linear.gather [hbm4b:s5+s2], $0x3400, $0x38;
	[tilespmem:$0xB600] =	vst v63  }
0x1e: {  	_ =	swait.ge [sflag:s8], $0x3400  }
0x1f: {  	[sflag:s8] =	ssyncset.done $0x0  }
0x20: {  	[sflag:s8] =	ssyncadd.s32 $0xFFFFCC00  }
0x21: {  	[tilespmem:s9], [sflag:$0x1] =	stream.linear.gather [hbm4b:s3+s2], $0x100, $0x38;
	[tilespmem:$0xB600] =	vst v63  }
0x22: {  	_ =	swait.ge [sflag:s8], $0x100  }
0x23: {  	[sflag:s8] =	ssyncset.done $0x0  }
.Ltmp2:
0x24: {  	[sflag:s8] =	ssyncadd.s32 $0xFFFFFF00;
	(pc) =	sbr.rel .LBB2_2-.Ltmp2, $4  }
0x25: {  	[tilespmem:s10], [sflag:$0x1] =	stream.linear.gather [hbm4b:s4+s2], $0x100, $0x38;
	[tilespmem:$0xB600] =	vst v63  }
0x26: {  	_ =	swait.ge [sflag:s8], $0x100  }
0x27: {  	[sflag:s8] =	ssyncset.done $0x0  }
0x28: {  	s13 =	simm.s32 $0x0;
	[sflag:s8] =	ssyncadd.s32 $0xFFFFFF00  }
.LBB2_12:
0x29: {  	_ = 	snop  }
.LBB2_17:
0x2a: {  	vm2 =	vge.s32 v38, v34;
	v63 =	vand.u32 $0xFFFFFC00, v39  }
0x2b: {  	vm3 =	vlt.s32 v38, $0xC8;
	v35 =	vand.u32 $0x7E, v35;
	v32 =	vadd.s32 v32, v63  }
0x2c: {  	vm2 =	vmand vm2, vm3;
	v32 =	vor.u32 v35, v32  }
0x2d: {  	v31 =	vor.u32 v31, v32;
	_ =	sdelay $0x3  }
0x2e: {  	[tilespmem:v37+s11+$0x0] =	vst.idx.msk @p0 vm1, v33  }
0x2f: {  	[tilespmem:v31+s11+$0x0] =	vst.idx.msk vm2, v33  }
.LBB2_18:
0x30: {  	p0 =	slt.u32 s13, $0x3E  }
.Ltmp3:
0x31: {  	_ = 	snop;
	(pc) =	sbr.rel @!p0 .LBB2_19-.Ltmp3, $3  }
0x32: {  	_ =	sdelay $0x1  }
0x33: {  	s14 =	sadd.s32 $0x2, s13  }
0x34: {  	s13 =	smov.u32 s14  }
.LBB2_2:
0x35: {  	s14 =	smul.u32 $0xD0, s13;
	_ =	sdelay $0x1  }
0x36: {  	v37 =	vld [tilespmem:s14+$0x0]  }
0x37: {  	v32 =	vld [tilespmem:$0xB500];
	_ =	sdelay $0x1  }
0x38: {  	v31 =	vld [tilespmem:$0xB400];
	_ =	sdelay $0x1  }
0x39: {  	v33 =	vand.u32 $0xFFFF, v37  }
0x3a: {  	v34 =	vshrl.u32 v37, $0x10;
	v35 =	vmul.u32 v32, v33  }
0x3b: {  	v36 =	vmul.u32 v32, v34  }
0x3c: {  	v33 =	vmul.u32 v31, v33;
	v38 =	vshrl.u32 v35, $0x10  }
0x3d: {  	v34 =	vmul.u32 v31, v34;
	v36 =	vadd.s32 v36, v38  }
0x3e: {  	v40 =	vand.u32 $0xFFFF, v33;
	v35 =	vand.u32 $0xFFFF, v35;
	v36 =	vshll.u32 v36, $0x1  }
0x3f: {  	v33 =	vshrl.u32 v33, $0x10;
	v34 =	vadd.s32 v34, v35;
	v36 =	vadd.s32 v40, v36  }
0x40: {  	v33 =	vadd.s32 v33, v34;
	(xrf0) =	vadd.scan.msk.s32 $0xffff, v36  }
0x41: {  	(xrf0) =	vadd.scan.msk.s32 $0xffff, v33;
	_ =	sdelay $0x4  }
0x42: {  	v39, _, _ =	vpop (xrf0)  }
0x43: {  	v40, _, _ =	vpop (xrf0)  }
0x44: {  	v41 =	vadd.s32 $0x80B, v40  }
0x45: {  	v42 =	vshll.u32 v41, $0x10;
	v33 =	vshrl.u32 v41, $0xF  }
0x46: {  	v34 =	vand.u32 $0x7FFF0000, v42;
	v33 =	vadd.s32 v33, v39  }
0x47: {  	v33 =	vadd.s32 v34, v33  }
0x48: {  	v33 =	vadd.s32 $0xBE3E, v33  }
0x49: {  	v43 =	vand.u32 $0x7FFFFFFF, v33;
	v33 =	vshrl.u32 v33, $0x1F  }
0x4a: {  	v33 =	vadd.s32 v33, v43  }
0x4b: {  	v34 =	vadd.s32 $0x80000001, v33  }
0x4c: {  	v44 =	vmin.u32 v34, v33  }
0x4d: {  	v33 =	vcvt.s32.f32 v44;
	_ =	sdelay $0x1  }
0x4e: {  	v33 =	vmul.f32 $1.000009980e-05, v33;
	_ =	sdelay $0x1  }
0x4f: {  	v33 =	vtrunc.f32 v33  }
0x50: {  	v33 =	vcvt.f32.s32 v33  }
0x51: {  	v45 =	vmov s13  }
0x52: {  	v47 =	vshll.u32 v45, $0x7;
	v36 =	vshll.u32 v45, $0x9;
	v46 =	vmul.u32 $0xFFFE7961, v33  }
0x53: {  	v34 =	vand.u32 $0x7000, v36;
	v33 =	vand.u32 $0x300, v47  }
0x54: {  	v35 =	vor.u32 v33, v34;
	v38 =	vadd.s32 v44, v46  }
0x55: {  	v42 =	vor.u32 v1, v35;
	vm1 =	vlt.s32 v38, $0x0;
	v41 =	vadd.s32 $0x1869F, v38  }
0x56: {  	v48 =	vor.u32 v4, v35;
	v38 =	vsel vm1, v41, v38  }
0x57: {  	vm1 =	vgt.s32 v38, $0x1869E  }
0x58: {  	v43 =	vsel vm1, $0xFFFE7962, v3  }
0x59: {  	v38 =	vadd.s32 v38, v43  }
0x5a: {  	[tilespmem:v42+s11+$0x0] =	vst.idx.msk $0xffff, v38  }
0x5b: {  	[tilespmem:v48+s11+$0x0] =	vst.idx.msk $0xffff, v2  }
0x5c: {  	v38 =	vld [tilespmem:s14+$0x10]  }
0x5d: {  	v41 =	vld [tilespmem:$0xB510]  }
0x5e: {  	(v2sf) =	vpush v39, $0xF  }
0x5f: {  	(v2sf) =	vpush v40, $0xF;
	v49 =	vld [tilespmem:$0xB410];
	_ =	sdelay $0x1  }
0x60: {  	v50 =	vand.u32 $0xFFFF, v38  }
0x61: {  	v51 =	vshrl.u32 v38, $0x10;
	v52 =	vmul.u32 v41, v50  }
0x62: {  	v41 =	vmul.u32 v41, v51  }
0x63: {  	v40 =	vmul.u32 v49, v50;
	v44 =	vshrl.u32 v52, $0x10  }
0x64: {  	v39 =	vmul.u32 v49, v51;
	v41 =	vadd.s32 v41, v44  }
0x65: {  	v53 =	vand.u32 $0xFFFF, v40;
	v43 =	vand.u32 $0xFFFF, v52;
	v41 =	vshll.u32 v41, $0x1  }
0x66: {  	v40 =	vshrl.u32 v40, $0x10;
	v39 =	vadd.s32 v39, v43;
	v41 =	vadd.s32 v53, v41  }
0x67: {  	v39 =	vadd.s32 v40, v39;
	(xrf0) =	vadd.scan.msk.s32 $0xffff, v41  }
0x68: {  	(xrf0) =	vadd.scan.msk.s32 $0xffff, v39;
	_ =	sdelay $0x3  }
0x69: {  	s15 =	spop (v2sf)  }
0x6a: {  	s16 =	spop (v2sf);
	v54, _, _ =	vpop (xrf0)  }
0x6b: {  	s16 =	sadd.s32 $0x80B, s16;
	v55, _, _ =	vpop (xrf0)  }
0x6c: {  	s15 =	sadd.s32 $0xBE3E, s15;
	v56 =	vadd.s32 s16, v55  }
0x6d: {  	v58 =	vadd.s32 s15, v54;
	v57 =	vshll.u32 v56, $0x10;
	v39 =	vshrl.u32 v56, $0xF  }
0x6e: {  	v42 =	vand.u32 $0x7FFF0000, v57;
	v39 =	vadd.s32 v39, v58  }
0x6f: {  	v39 =	vadd.s32 v42, v39  }
0x70: {  	v42 =	vand.u32 $0x7FFFFFFF, v39;
	v39 =	vshrl.u32 v39, $0x1F  }
0x71: {  	v39 =	vadd.s32 v39, v42  }
0x72: {  	v42 =	vadd.s32 $0x80000001, v39  }
0x73: {  	v39 =	vmin.u32 v42, v39  }
0x74: {  	v42 =	vcvt.s32.f32 v39;
	_ =	sdelay $0x1  }
0x75: {  	v42 =	vmul.f32 $1.000009980e-05, v42;
	_ =	sdelay $0x1  }
0x76: {  	v42 =	vtrunc.f32 v42  }
0x77: {  	v42 =	vcvt.f32.s32 v42;
	_ =	sdelay $0x1  }
0x78: {  	v42 =	vmul.u32 $0xFFFE7961, v42;
	_ =	sdelay $0x1  }
0x79: {  	v39 =	vadd.s32 v39, v42  }
0x7a: {  	v59 =	vor.u32 v5, v35;
	vm1 =	vlt.s32 v39, $0x0;
	v42 =	vadd.s32 $0x1869F, v39  }
0x7b: {  	v60 =	vor.u32 v6, v35;
	v39 =	vsel vm1, v42, v39  }
0x7c: {  	vm1 =	vgt.s32 v39, $0x1869E  }
0x7d: {  	v61 =	vsel vm1, $0xFFFE7962, v3  }
0x7e: {  	v39 =	vadd.s32 v39, v61  }
0x7f: {  	[tilespmem:v59+s11+$0x0] =	vst.idx.msk $0xffff, v39  }
0x80: {  	[tilespmem:v60+s11+$0x0] =	vst.idx.msk $0xffff, v2  }
0x81: {  	v39 =	vld [tilespmem:s14+$0x20]  }
0x82: {  	v42 =	vld [tilespmem:$0xB520]  }
0x83: {  	(v2sf) =	vpush v54, $0xF  }
0x84: {  	(v2sf) =	vpush v55, $0xF;
	v62 =	vld [tilespmem:$0xB420];
	_ =	sdelay $0x1  }
0x85: {  	v63 =	vand.u32 $0xFFFF, v39  }
0x86: {  	v48 =	vshrl.u32 v39, $0x10;
	v49 =	vmul.u32 v42, v63  }
0x87: {  	v42 =	vmul.u32 v42, v48  }
0x88: {  	v41 =	vmul.u32 v62, v63;
	v45 =	vshrl.u32 v49, $0x10  }
0x89: {  	v40 =	vmul.u32 v62, v48;
	v42 =	vadd.s32 v42, v45  }
0x8a: {  	v50 =	vand.u32 $0xFFFF, v41;
	v44 =	vand.u32 $0xFFFF, v49;
	v42 =	vshll.u32 v42, $0x1  }
0x8b: {  	v41 =	vshrl.u32 v41, $0x10;
	v40 =	vadd.s32 v40, v44;
	v42 =	vadd.s32 v50, v42  }
0x8c: {  	v40 =	vadd.s32 v41, v40;
	(xrf0) =	vadd.scan.msk.s32 $0xffff, v42  }
0x8d: {  	(xrf0) =	vadd.scan.msk.s32 $0xffff, v40;
	_ =	sdelay $0x3  }
0x8e: {  	s17 =	spop (v2sf)  }
0x8f: {  	s18 =	spop (v2sf);
	v51, _, _ =	vpop (xrf0)  }
0x90: {  	s16 =	sadd.s32 s16, s18;
	v52, _, _ =	vpop (xrf0)  }
0x91: {  	s15 =	sadd.s32 s15, s17;
	v53 =	vadd.s32 s16, v52  }
0x92: {  	v55 =	vadd.s32 s15, v51;
	v54 =	vshll.u32 v53, $0x10;
	v40 =	vshrl.u32 v53, $0xF  }
0x93: {  	v43 =	vand.u32 $0x7FFF0000, v54;
	v40 =	vadd.s32 v40, v55  }
0x94: {  	v40 =	vadd.s32 v43, v40  }
0x95: {  	v43 =	vand.u32 $0x7FFFFFFF, v40;
	v40 =	vshrl.u32 v40, $0x1F  }
0x96: {  	v40 =	vadd.s32 v40, v43  }
0x97: {  	v43 =	vadd.s32 $0x80000001, v40  }
0x98: {  	v40 =	vmin.u32 v43, v40  }
0x99: {  	v43 =	vcvt.s32.f32 v40;
	_ =	sdelay $0x1  }
0x9a: {  	v43 =	vmul.f32 $1.000009980e-05, v43;
	_ =	sdelay $0x1  }
0x9b: {  	v43 =	vtrunc.f32 v43  }
0x9c: {  	v43 =	vcvt.f32.s32 v43;
	_ =	sdelay $0x1  }
0x9d: {  	v43 =	vmul.u32 $0xFFFE7961, v43;
	_ =	sdelay $0x1  }
0x9e: {  	v40 =	vadd.s32 v40, v43  }
0x9f: {  	v56 =	vor.u32 v7, v35;
	vm1 =	vlt.s32 v40, $0x0;
	v43 =	vadd.s32 $0x1869F, v40  }
0xa0: {  	v57 =	vor.u32 v8, v35;
	v40 =	vsel vm1, v43, v40  }
0xa1: {  	vm1 =	vgt.s32 v40, $0x1869E  }
0xa2: {  	v58 =	vsel vm1, $0xFFFE7962, v3  }
0xa3: {  	v40 =	vadd.s32 v40, v58  }
0xa4: {  	[tilespmem:v56+s11+$0x0] =	vst.idx.msk $0xffff, v40  }
0xa5: {  	[tilespmem:v57+s11+$0x0] =	vst.idx.msk $0xffff, v2  }
0xa6: {  	v40 =	vld [tilespmem:s14+$0x30]  }
0xa7: {  	v43 =	vld [tilespmem:$0xB530]  }
0xa8: {  	(v2sf) =	vpush v51, $0xF  }
0xa9: {  	(v2sf) =	vpush v52, $0xF;
	v59 =	vld [tilespmem:$0xB430];
	_ =	sdelay $0x1  }
0xaa: {  	v60 =	vand.u32 $0xFFFF, v40  }
0xab: {  	v61 =	vshrl.u32 v40, $0x10;
	v62 =	vmul.u32 v43, v60  }
0xac: {  	v43 =	vmul.u32 v43, v61  }
0xad: {  	v42 =	vmul.u32 v59, v60;
	v46 =	vshrl.u32 v62, $0x10  }
0xae: {  	v41 =	vmul.u32 v59, v61;
	v43 =	vadd.s32 v43, v46  }
0xaf: {  	v63 =	vand.u32 $0xFFFF, v42;
	v45 =	vand.u32 $0xFFFF, v62;
	v43 =	vshll.u32 v43, $0x1  }
0xb0: {  	v42 =	vshrl.u32 v42, $0x10;
	v41 =	vadd.s32 v41, v45;
	v43 =	vadd.s32 v63, v43  }
0xb1: {  	v41 =	vadd.s32 v42, v41;
	(xrf0) =	vadd.scan.msk.s32 $0xffff, v43  }
0xb2: {  	(xrf0) =	vadd.scan.msk.s32 $0xffff, v41;
	_ =	sdelay $0x3  }
0xb3: {  	s30 =	spop (v2sf)  }
0xb4: {  	s31 =	spop (v2sf);
	v48, _, _ =	vpop (xrf0)  }
0xb5: {  	s16 =	sadd.s32 s16, s31;
	v49, _, _ =	vpop (xrf0)  }
0xb6: {  	s15 =	sadd.s32 s15, s30;
	v50 =	vadd.s32 s16, v49  }
0xb7: {  	v52 =	vadd.s32 s15, v48;
	v51 =	vshll.u32 v50, $0x10;
	v41 =	vshrl.u32 v50, $0xF  }
0xb8: {  	v44 =	vand.u32 $0x7FFF0000, v51;
	v41 =	vadd.s32 v41, v52  }
0xb9: {  	v41 =	vadd.s32 v44, v41  }
0xba: {  	v44 =	vand.u32 $0x7FFFFFFF, v41;
	v41 =	vshrl.u32 v41, $0x1F  }
0xbb: {  	v41 =	vadd.s32 v41, v44  }
0xbc: {  	v44 =	vadd.s32 $0x80000001, v41  }
0xbd: {  	v41 =	vmin.u32 v44, v41  }
0xbe: {  	v44 =	vcvt.s32.f32 v41;
	_ =	sdelay $0x1  }
0xbf: {  	v44 =	vmul.f32 $1.000009980e-05, v44;
	_ =	sdelay $0x1  }
0xc0: {  	v44 =	vtrunc.f32 v44  }
0xc1: {  	v44 =	vcvt.f32.s32 v44;
	_ =	sdelay $0x1  }
0xc2: {  	v44 =	vmul.u32 $0xFFFE7961, v44;
	_ =	sdelay $0x1  }
0xc3: {  	v41 =	vadd.s32 v41, v44  }
0xc4: {  	v53 =	vor.u32 v9, v35;
	vm1 =	vlt.s32 v41, $0x0;
	v44 =	vadd.s32 $0x1869F, v41  }
0xc5: {  	v54 =	vor.u32 v10, v35;
	v41 =	vsel vm1, v44, v41  }
0xc6: {  	vm1 =	vgt.s32 v41, $0x1869E  }
0xc7: {  	v55 =	vsel vm1, $0xFFFE7962, v3  }
0xc8: {  	v41 =	vadd.s32 v41, v55  }
0xc9: {  	[tilespmem:v53+s11+$0x0] =	vst.idx.msk $0xffff, v41  }
0xca: {  	[tilespmem:v54+s11+$0x0] =	vst.idx.msk $0xffff, v2  }
0xcb: {  	v41 =	vld [tilespmem:s14+$0x40]  }
0xcc: {  	v44 =	vld [tilespmem:$0xB540]  }
0xcd: {  	(v2sf) =	vpush v48, $0xF  }
0xce: {  	(v2sf) =	vpush v49, $0xF;
	v56 =	vld [tilespmem:$0xB440];
	_ =	sdelay $0x1  }
0xcf: {  	v57 =	vand.u32 $0xFFFF, v41  }
0xd0: {  	v58 =	vshrl.u32 v41, $0x10;
	v59 =	vmul.u32 v44, v57  }
0xd1: {  	v44 =	vmul.u32 v44, v58  }
0xd2: {  	v43 =	vmul.u32 v56, v57;
	v47 =	vshrl.u32 v59, $0x10  }
0xd3: {  	v42 =	vmul.u32 v56, v58;
	v44 =	vadd.s32 v44, v47  }
0xd4: {  	v60 =	vand.u32 $0xFFFF, v43;
	v46 =	vand.u32 $0xFFFF, v59;
	v44 =	vshll.u32 v44, $0x1  }
0xd5: {  	v43 =	vshrl.u32 v43, $0x10;
	v42 =	vadd.s32 v42, v46;
	v44 =	vadd.s32 v60, v44  }
0xd6: {  	v42 =	vadd.s32 v43, v42;
	(xrf0) =	vadd.scan.msk.s32 $0xffff, v44  }
0xd7: {  	(xrf0) =	vadd.scan.msk.s32 $0xffff, v42;
	_ =	sdelay $0x3  }
0xd8: {  	s19 =	spop (v2sf)  }
0xd9: {  	s20 =	spop (v2sf);
	v61, _, _ =	vpop (xrf0)  }
0xda: {  	s16 =	sadd.s32 s16, s20;
	v62, _, _ =	vpop (xrf0)  }
0xdb: {  	s15 =	sadd.s32 s15, s19;
	v63 =	vadd.s32 s16, v62  }
0xdc: {  	v49 =	vadd.s32 s15, v61;
	v48 =	vshll.u32 v63, $0x10;
	v42 =	vshrl.u32 v63, $0xF  }
0xdd: {  	v45 =	vand.u32 $0x7FFF0000, v48;
	v42 =	vadd.s32 v42, v49  }
0xde: {  	v42 =	vadd.s32 v45, v42  }
0xdf: {  	v45 =	vand.u32 $0x7FFFFFFF, v42;
	v42 =	vshrl.u32 v42, $0x1F  }
0xe0: {  	v42 =	vadd.s32 v42, v45  }
0xe1: {  	v45 =	vadd.s32 $0x80000001, v42  }
0xe2: {  	v42 =	vmin.u32 v45, v42  }
0xe3: {  	v45 =	vcvt.s32.f32 v42;
	_ =	sdelay $0x1  }
0xe4: {  	v45 =	vmul.f32 $1.000009980e-05, v45;
	_ =	sdelay $0x1  }
0xe5: {  	v45 =	vtrunc.f32 v45  }
0xe6: {  	v45 =	vcvt.f32.s32 v45;
	_ =	sdelay $0x1  }
0xe7: {  	v45 =	vmul.u32 $0xFFFE7961, v45;
	_ =	sdelay $0x1  }
0xe8: {  	v42 =	vadd.s32 v42, v45  }
0xe9: {  	v50 =	vor.u32 v11, v35;
	vm1 =	vlt.s32 v42, $0x0;
	v45 =	vadd.s32 $0x1869F, v42  }
0xea: {  	v51 =	vor.u32 v12, v35;
	v42 =	vsel vm1, v45, v42  }
0xeb: {  	vm1 =	vgt.s32 v42, $0x1869E  }
0xec: {  	v52 =	vsel vm1, $0xFFFE7962, v3  }
0xed: {  	v42 =	vadd.s32 v42, v52  }
0xee: {  	[tilespmem:v50+s11+$0x0] =	vst.idx.msk $0xffff, v42  }
0xef: {  	[tilespmem:v51+s11+$0x0] =	vst.idx.msk $0xffff, v2  }
0xf0: {  	v42 =	vld [tilespmem:s14+$0x50]  }
0xf1: {  	v45 =	vld [tilespmem:$0xB550]  }
0xf2: {  	(v2sf) =	vpush v61, $0xF  }
0xf3: {  	(v2sf) =	vpush v62, $0xF;
	v53 =	vld [tilespmem:$0xB450];
	_ =	sdelay $0x1  }
0xf4: {  	v54 =	vand.u32 $0xFFFF, v42  }
0xf5: {  	v55 =	vshrl.u32 v42, $0x10;
	v56 =	vmul.u32 v45, v54  }
0xf6: {  	v45 =	vmul.u32 v45, v55  }
0xf7: {  	v44 =	vmul.u32 v53, v54;
	v48 =	vshrl.u32 v56, $0x10  }
0xf8: {  	v43 =	vmul.u32 v53, v55;
	v45 =	vadd.s32 v45, v48  }
0xf9: {  	v57 =	vand.u32 $0xFFFF, v44;
	v47 =	vand.u32 $0xFFFF, v56;
	v45 =	vshll.u32 v45, $0x1  }
0xfa: {  	v44 =	vshrl.u32 v44, $0x10;
	v43 =	vadd.s32 v43, v47;
	v45 =	vadd.s32 v57, v45  }
0xfb: {  	v43 =	vadd.s32 v44, v43;
	(xrf0) =	vadd.scan.msk.s32 $0xffff, v45  }
0xfc: {  	(xrf0) =	vadd.scan.msk.s32 $0xffff, v43;
	_ =	sdelay $0x3  }
0xfd: {  	s21 =	spop (v2sf)  }
0xfe: {  	s22 =	spop (v2sf);
	v58, _, _ =	vpop (xrf0)  }
0xff: {  	s16 =	sadd.s32 s16, s22;
	v59, _, _ =	vpop (xrf0)  }
0x100: {  	s15 =	sadd.s32 s15, s21;
	v60 =	vadd.s32 s16, v59  }
0x101: {  	v62 =	vadd.s32 s15, v58;
	v61 =	vshll.u32 v60, $0x10;
	v43 =	vshrl.u32 v60, $0xF  }
0x102: {  	v46 =	vand.u32 $0x7FFF0000, v61;
	v43 =	vadd.s32 v43, v62  }
0x103: {  	v43 =	vadd.s32 v46, v43  }
0x104: {  	v46 =	vand.u32 $0x7FFFFFFF, v43;
	v43 =	vshrl.u32 v43, $0x1F  }
0x105: {  	v43 =	vadd.s32 v43, v46  }
0x106: {  	v46 =	vadd.s32 $0x80000001, v43  }
0x107: {  	v43 =	vmin.u32 v46, v43  }
0x108: {  	v46 =	vcvt.s32.f32 v43;
	_ =	sdelay $0x1  }
0x109: {  	v46 =	vmul.f32 $1.000009980e-05, v46;
	_ =	sdelay $0x1  }
0x10a: {  	v46 =	vtrunc.f32 v46  }
0x10b: {  	v46 =	vcvt.f32.s32 v46;
	_ =	sdelay $0x1  }
0x10c: {  	v46 =	vmul.u32 $0xFFFE7961, v46;
	_ =	sdelay $0x1  }
0x10d: {  	v43 =	vadd.s32 v43, v46  }
0x10e: {  	v63 =	vor.u32 v13, v35;
	vm1 =	vlt.s32 v43, $0x0;
	v46 =	vadd.s32 $0x1869F, v43  }
0x10f: {  	v52 =	vor.u32 v14, v35;
	v43 =	vsel vm1, v46, v43  }
0x110: {  	vm1 =	vgt.s32 v43, $0x1869E  }
0x111: {  	v53 =	vsel vm1, $0xFFFE7962, v3  }
0x112: {  	v43 =	vadd.s32 v43, v53  }
0x113: {  	[tilespmem:v63+s11+$0x0] =	vst.idx.msk $0xffff, v43  }
0x114: {  	[tilespmem:v52+s11+$0x0] =	vst.idx.msk $0xffff, v2  }
0x115: {  	v43 =	vld [tilespmem:s14+$0x60]  }
0x116: {  	v46 =	vld [tilespmem:$0xB560]  }
0x117: {  	(v2sf) =	vpush v58, $0xF  }
0x118: {  	(v2sf) =	vpush v59, $0xF;
	v54 =	vld [tilespmem:$0xB460];
	_ =	sdelay $0x1  }
0x119: {  	v55 =	vand.u32 $0xFFFF, v43  }
0x11a: {  	v56 =	vshrl.u32 v43, $0x10;
	v57 =	vmul.u32 v46, v55  }
0x11b: {  	v46 =	vmul.u32 v46, v56  }
0x11c: {  	v45 =	vmul.u32 v54, v55;
	v49 =	vshrl.u32 v57, $0x10  }
0x11d: {  	v44 =	vmul.u32 v54, v56;
	v46 =	vadd.s32 v46, v49  }
0x11e: {  	v58 =	vand.u32 $0xFFFF, v45;
	v48 =	vand.u32 $0xFFFF, v57;
	v46 =	vshll.u32 v46, $0x1  }
0x11f: {  	v45 =	vshrl.u32 v45, $0x10;
	v44 =	vadd.s32 v44, v48;
	v46 =	vadd.s32 v58, v46  }
0x120: {  	v44 =	vadd.s32 v45, v44;
	(xrf0) =	vadd.scan.msk.s32 $0xffff, v46  }
0x121: {  	(xrf0) =	vadd.scan.msk.s32 $0xffff, v44;
	_ =	sdelay $0x3  }
0x122: {  	s23 =	spop (v2sf)  }
0x123: {  	s24 =	spop (v2sf);
	v59, _, _ =	vpop (xrf0)  }
0x124: {  	s16 =	sadd.s32 s16, s24;
	v60, _, _ =	vpop (xrf0)  }
0x125: {  	s15 =	sadd.s32 s15, s23;
	v61 =	vadd.s32 s16, v60  }
0x126: {  	v63 =	vadd.s32 s15, v59;
	v62 =	vshll.u32 v61, $0x10;
	v44 =	vshrl.u32 v61, $0xF  }
0x127: {  	v47 =	vand.u32 $0x7FFF0000, v62;
	v44 =	vadd.s32 v44, v63  }
0x128: {  	v44 =	vadd.s32 v47, v44  }
0x129: {  	v47 =	vand.u32 $0x7FFFFFFF, v44;
	v44 =	vshrl.u32 v44, $0x1F  }
0x12a: {  	v44 =	vadd.s32 v44, v47  }
0x12b: {  	v47 =	vadd.s32 $0x80000001, v44  }
0x12c: {  	v44 =	vmin.u32 v47, v44  }
0x12d: {  	v47 =	vcvt.s32.f32 v44;
	_ =	sdelay $0x1  }
0x12e: {  	v47 =	vmul.f32 $1.000009980e-05, v47;
	_ =	sdelay $0x1  }
0x12f: {  	v47 =	vtrunc.f32 v47  }
0x130: {  	v47 =	vcvt.f32.s32 v47;
	_ =	sdelay $0x1  }
0x131: {  	v47 =	vmul.u32 $0xFFFE7961, v47;
	_ =	sdelay $0x1  }
0x132: {  	v44 =	vadd.s32 v44, v47  }
0x133: {  	v52 =	vor.u32 v15, v35;
	vm1 =	vlt.s32 v44, $0x0;
	v47 =	vadd.s32 $0x1869F, v44  }
0x134: {  	v53 =	vor.u32 v16, v35;
	v44 =	vsel vm1, v47, v44  }
0x135: {  	vm1 =	vgt.s32 v44, $0x1869E  }
0x136: {  	v54 =	vsel vm1, $0xFFFE7962, v3  }
0x137: {  	v44 =	vadd.s32 v44, v54  }
0x138: {  	[tilespmem:v52+s11+$0x0] =	vst.idx.msk $0xffff, v44  }
0x139: {  	[tilespmem:v53+s11+$0x0] =	vst.idx.msk $0xffff, v2  }
0x13a: {  	v44 =	vld [tilespmem:s14+$0x70]  }
0x13b: {  	v47 =	vld [tilespmem:$0xB570]  }
0x13c: {  	(v2sf) =	vpush v59, $0xF  }
0x13d: {  	(v2sf) =	vpush v60, $0xF;
	v55 =	vld [tilespmem:$0xB470];
	_ =	sdelay $0x1  }
0x13e: {  	v56 =	vand.u32 $0xFFFF, v44  }
0x13f: {  	v57 =	vshrl.u32 v44, $0x10;
	v58 =	vmul.u32 v47, v56  }
0x140: {  	v47 =	vmul.u32 v47, v57  }
0x141: {  	v46 =	vmul.u32 v55, v56;
	v50 =	vshrl.u32 v58, $0x10  }
0x142: {  	v45 =	vmul.u32 v55, v57;
	v47 =	vadd.s32 v47, v50  }
0x143: {  	v59 =	vand.u32 $0xFFFF, v46;
	v49 =	vand.u32 $0xFFFF, v58;
	v47 =	vshll.u32 v47, $0x1  }
0x144: {  	v46 =	vshrl.u32 v46, $0x10;
	v45 =	vadd.s32 v45, v49;
	v47 =	vadd.s32 v59, v47  }
0x145: {  	v45 =	vadd.s32 v46, v45;
	(xrf0) =	vadd.scan.msk.s32 $0xffff, v47  }
0x146: {  	(xrf0) =	vadd.scan.msk.s32 $0xffff, v45;
	_ =	sdelay $0x3  }
0x147: {  	s25 =	spop (v2sf)  }
0x148: {  	s26 =	spop (v2sf);
	v60, _, _ =	vpop (xrf0)  }
0x149: {  	s16 =	sadd.s32 s16, s26;
	v61, _, _ =	vpop (xrf0)  }
0x14a: {  	s15 =	sadd.s32 s15, s25;
	v62 =	vadd.s32 s16, v61  }
0x14b: {  	v52 =	vadd.s32 s15, v60;
	v63 =	vshll.u32 v62, $0x10;
	v45 =	vshrl.u32 v62, $0xF  }
0x14c: {  	v48 =	vand.u32 $0x7FFF0000, v63;
	v45 =	vadd.s32 v45, v52  }
0x14d: {  	v45 =	vadd.s32 v48, v45  }
0x14e: {  	v48 =	vand.u32 $0x7FFFFFFF, v45;
	v45 =	vshrl.u32 v45, $0x1F  }
0x14f: {  	v45 =	vadd.s32 v45, v48  }
0x150: {  	v48 =	vadd.s32 $0x80000001, v45  }
0x151: {  	v45 =	vmin.u32 v48, v45  }
0x152: {  	v48 =	vcvt.s32.f32 v45;
	_ =	sdelay $0x1  }
0x153: {  	v48 =	vmul.f32 $1.000009980e-05, v48;
	_ =	sdelay $0x1  }
0x154: {  	v48 =	vtrunc.f32 v48  }
0x155: {  	v48 =	vcvt.f32.s32 v48;
	_ =	sdelay $0x1  }
0x156: {  	v48 =	vmul.u32 $0xFFFE7961, v48;
	_ =	sdelay $0x1  }
0x157: {  	v45 =	vadd.s32 v45, v48  }
0x158: {  	v53 =	vor.u32 v17, v35;
	vm1 =	vlt.s32 v45, $0x0;
	v48 =	vadd.s32 $0x1869F, v45  }
0x159: {  	v54 =	vor.u32 v18, v35;
	v45 =	vsel vm1, v48, v45  }
0x15a: {  	vm1 =	vgt.s32 v45, $0x1869E  }
0x15b: {  	v55 =	vsel vm1, $0xFFFE7962, v3  }
0x15c: {  	v45 =	vadd.s32 v45, v55  }
0x15d: {  	[tilespmem:v53+s11+$0x0] =	vst.idx.msk $0xffff, v45  }
0x15e: {  	s28 =	sand.u32 $0x3FE0, s14;
	[tilespmem:v54+s11+$0x0] =	vst.idx.msk $0xffff, v2  }
0x15f: {  	v45 =	vld [tilespmem:s28+$0x80]  }
0x160: {  	v48 =	vld [tilespmem:$0xB580]  }
0x161: {  	(v2sf) =	vpush v60, $0xF  }
0x162: {  	(v2sf) =	vpush v61, $0xF;
	v56 =	vld [tilespmem:$0xB480];
	_ =	sdelay $0x1  }
0x163: {  	v57 =	vand.u32 $0xFFFF, v45  }
0x164: {  	v58 =	vshrl.u32 v45, $0x10;
	v59 =	vmul.u32 v48, v57  }
0x165: {  	v48 =	vmul.u32 v48, v58  }
0x166: {  	v47 =	vmul.u32 v56, v57;
	v51 =	vshrl.u32 v59, $0x10  }
0x167: {  	v46 =	vmul.u32 v56, v58;
	v48 =	vadd.s32 v48, v51  }
0x168: {  	v60 =	vand.u32 $0xFFFF, v47;
	v50 =	vand.u32 $0xFFFF, v59;
	v48 =	vshll.u32 v48, $0x1  }
0x169: {  	v47 =	vshrl.u32 v47, $0x10;
	v46 =	vadd.s32 v46, v50;
	v48 =	vadd.s32 v60, v48  }
0x16a: {  	v46 =	vadd.s32 v47, v46;
	(xrf0) =	vadd.scan.msk.s32 $0xffff, v48  }
0x16b: {  	(xrf0) =	vadd.scan.msk.s32 $0xffff, v46;
	_ =	sdelay $0x3  }
0x16c: {  	s29 =	spop (v2sf)  }
0x16d: {  	s30 =	spop (v2sf);
	v61, _, _ =	vpop (xrf0)  }
0x16e: {  	s16 =	sadd.s32 s16, s30;
	v62, _, _ =	vpop (xrf0)  }
0x16f: {  	s15 =	sadd.s32 s15, s29;
	v63 =	vadd.s32 s16, v62  }
0x170: {  	v53 =	vadd.s32 s15, v61;
	v52 =	vshll.u32 v63, $0x10;
	v46 =	vshrl.u32 v63, $0xF  }
0x171: {  	v49 =	vand.u32 $0x7FFF0000, v52;
	v46 =	vadd.s32 v46, v53  }
0x172: {  	v46 =	vadd.s32 v49, v46  }
0x173: {  	v49 =	vand.u32 $0x7FFFFFFF, v46;
	v46 =	vshrl.u32 v46, $0x1F  }
0x174: {  	v46 =	vadd.s32 v46, v49  }
0x175: {  	v49 =	vadd.s32 $0x80000001, v46  }
0x176: {  	v46 =	vmin.u32 v49, v46  }
0x177: {  	v49 =	vcvt.s32.f32 v46;
	_ =	sdelay $0x1  }
0x178: {  	v49 =	vmul.f32 $1.000009980e-05, v49;
	_ =	sdelay $0x1  }
0x179: {  	v49 =	vtrunc.f32 v49  }
0x17a: {  	v49 =	vcvt.f32.s32 v49;
	_ =	sdelay $0x1  }
0x17b: {  	v49 =	vmul.u32 $0xFFFE7961, v49;
	_ =	sdelay $0x1  }
0x17c: {  	v46 =	vadd.s32 v46, v49  }
0x17d: {  	v54 =	vor.u32 v19, v35;
	vm1 =	vlt.s32 v46, $0x0;
	v49 =	vadd.s32 $0x1869F, v46  }
0x17e: {  	v55 =	vor.u32 v20, v35;
	v46 =	vsel vm1, v49, v46  }
0x17f: {  	vm1 =	vgt.s32 v46, $0x1869E  }
0x180: {  	v56 =	vsel vm1, $0xFFFE7962, v3  }
0x181: {  	v46 =	vadd.s32 v46, v56  }
0x182: {  	[tilespmem:v54+s11+$0x0] =	vst.idx.msk $0xffff, v46  }
0x183: {  	[tilespmem:v55+s11+$0x0] =	vst.idx.msk $0xffff, v2  }
0x184: {  	v46 =	vld [tilespmem:s14+$0x90]  }
0x185: {  	v49 =	vld [tilespmem:$0xB590]  }
0x186: {  	(v2sf) =	vpush v61, $0xF  }
0x187: {  	(v2sf) =	vpush v62, $0xF;
	v57 =	vld [tilespmem:$0xB490];
	_ =	sdelay $0x1  }
0x188: {  	v58 =	vand.u32 $0xFFFF, v46  }
0x189: {  	v59 =	vshrl.u32 v46, $0x10;
	v60 =	vmul.u32 v49, v58  }
0x18a: {  	v49 =	vmul.u32 v49, v59  }
0x18b: {  	v48 =	vmul.u32 v57, v58;
	v52 =	vshrl.u32 v60, $0x10  }
0x18c: {  	v47 =	vmul.u32 v57, v59;
	v49 =	vadd.s32 v49, v52  }
0x18d: {  	v61 =	vand.u32 $0xFFFF, v48;
	v51 =	vand.u32 $0xFFFF, v60;
	v49 =	vshll.u32 v49, $0x1  }
0x18e: {  	v48 =	vshrl.u32 v48, $0x10;
	v47 =	vadd.s32 v47, v51;
	v49 =	vadd.s32 v61, v49  }
0x18f: {  	v47 =	vadd.s32 v48, v47;
	(xrf0) =	vadd.scan.msk.s32 $0xffff, v49  }
0x190: {  	(xrf0) =	vadd.scan.msk.s32 $0xffff, v47;
	_ =	sdelay $0x3  }
0x191: {  	s31 =	spop (v2sf)  }
0x192: {  	s19 =	spop (v2sf);
	v62, _, _ =	vpop (xrf0)  }
0x193: {  	s16 =	sadd.s32 s16, s19;
	v63, _, _ =	vpop (xrf0)  }
0x194: {  	s15 =	sadd.s32 s15, s31;
	v55 =	vadd.s32 s16, v63  }
0x195: {  	v57 =	vadd.s32 s15, v62;
	v56 =	vshll.u32 v55, $0x10;
	v47 =	vshrl.u32 v55, $0xF  }
0x196: {  	v50 =	vand.u32 $0x7FFF0000, v56;
	v47 =	vadd.s32 v47, v57  }
0x197: {  	v47 =	vadd.s32 v50, v47  }
0x198: {  	v50 =	vand.u32 $0x7FFFFFFF, v47;
	v47 =	vshrl.u32 v47, $0x1F  }
0x199: {  	v47 =	vadd.s32 v47, v50  }
0x19a: {  	v50 =	vadd.s32 $0x80000001, v47  }
0x19b: {  	v47 =	vmin.u32 v50, v47  }
0x19c: {  	v50 =	vcvt.s32.f32 v47;
	_ =	sdelay $0x1  }
0x19d: {  	v50 =	vmul.f32 $1.000009980e-05, v50;
	_ =	sdelay $0x1  }
0x19e: {  	v50 =	vtrunc.f32 v50  }
0x19f: {  	v50 =	vcvt.f32.s32 v50;
	_ =	sdelay $0x1  }
0x1a0: {  	v50 =	vmul.u32 $0xFFFE7961, v50;
	_ =	sdelay $0x1  }
0x1a1: {  	v47 =	vadd.s32 v47, v50  }
0x1a2: {  	v58 =	vor.u32 v21, v35;
	vm1 =	vlt.s32 v47, $0x0;
	v50 =	vadd.s32 $0x1869F, v47  }
0x1a3: {  	v59 =	vor.u32 v22, v35;
	v47 =	vsel vm1, v50, v47  }
0x1a4: {  	vm1 =	vgt.s32 v47, $0x1869E  }
0x1a5: {  	v60 =	vsel vm1, $0xFFFE7962, v3  }
0x1a6: {  	v47 =	vadd.s32 v47, v60  }
0x1a7: {  	[tilespmem:v58+s11+$0x0] =	vst.idx.msk $0xffff, v47  }
0x1a8: {  	[tilespmem:v59+s11+$0x0] =	vst.idx.msk $0xffff, v2  }
0x1a9: {  	v47 =	vld [tilespmem:s14+$0xA0]  }
0x1aa: {  	v50 =	vld [tilespmem:$0xB5A0]  }
0x1ab: {  	(v2sf) =	vpush v62, $0xF  }
0x1ac: {  	(v2sf) =	vpush v63, $0xF;
	v61 =	vld [tilespmem:$0xB4A0];
	_ =	sdelay $0x1  }
0x1ad: {  	v62 =	vand.u32 $0xFFFF, v47  }
0x1ae: {  	v63 =	vshrl.u32 v47, $0x10;
	v56 =	vmul.u32 v50, v62  }
0x1af: {  	v50 =	vmul.u32 v50, v63  }
0x1b0: {  	v49 =	vmul.u32 v61, v62;
	v53 =	vshrl.u32 v56, $0x10  }
0x1b1: {  	v48 =	vmul.u32 v61, v63;
	v50 =	vadd.s32 v50, v53  }
0x1b2: {  	v57 =	vand.u32 $0xFFFF, v49;
	v52 =	vand.u32 $0xFFFF, v56;
	v50 =	vshll.u32 v50, $0x1  }
0x1b3: {  	v49 =	vshrl.u32 v49, $0x10;
	v48 =	vadd.s32 v48, v52;
	v50 =	vadd.s32 v57, v50  }
0x1b4: {  	v48 =	vadd.s32 v49, v48;
	(xrf0) =	vadd.scan.msk.s32 $0xffff, v50  }
0x1b5: {  	(xrf0) =	vadd.scan.msk.s32 $0xffff, v48;
	_ =	sdelay $0x3  }
0x1b6: {  	s20 =	spop (v2sf)  }
0x1b7: {  	s21 =	spop (v2sf);
	v58, _, _ =	vpop (xrf0)  }
0x1b8: {  	s16 =	sadd.s32 s16, s21;
	v59, _, _ =	vpop (xrf0)  }
0x1b9: {  	s17 =	sadd.s32 s15, s20;
	v60 =	vadd.s32 s16, v59  }
0x1ba: {  	v62 =	vadd.s32 s17, v58;
	v61 =	vshll.u32 v60, $0x10;
	v50 =	vshrl.u32 v60, $0xF  }
0x1bb: {  	v51 =	vand.u32 $0x7FFF0000, v61;
	v50 =	vadd.s32 v50, v62  }
0x1bc: {  	v50 =	vadd.s32 v51, v50  }
0x1bd: {  	v51 =	vand.u32 $0x7FFFFFFF, v50;
	v50 =	vshrl.u32 v50, $0x1F  }
0x1be: {  	v50 =	vadd.s32 v50, v51  }
0x1bf: {  	v51 =	vadd.s32 $0x80000001, v50  }
0x1c0: {  	v50 =	vmin.u32 v51, v50  }
0x1c1: {  	v51 =	vcvt.s32.f32 v50;
	_ =	sdelay $0x1  }
0x1c2: {  	v51 =	vmul.f32 $1.000009980e-05, v51;
	_ =	sdelay $0x1  }
0x1c3: {  	v51 =	vtrunc.f32 v51  }
0x1c4: {  	v51 =	vcvt.f32.s32 v51;
	_ =	sdelay $0x1  }
0x1c5: {  	v51 =	vmul.u32 $0xFFFE7961, v51;
	_ =	sdelay $0x1  }
0x1c6: {  	v50 =	vadd.s32 v50, v51  }
0x1c7: {  	v63 =	vor.u32 v23, v35;
	vm1 =	vlt.s32 v50, $0x0;
	v51 =	vadd.s32 $0x1869F, v50  }
0x1c8: {  	v56 =	vor.u32 v24, v35;
	v50 =	vsel vm1, v51, v50  }
0x1c9: {  	vm1 =	vgt.s32 v50, $0x1869E  }
0x1ca: {  	v57 =	vsel vm1, $0xFFFE7962, v3  }
0x1cb: {  	v50 =	vadd.s32 v50, v57  }
0x1cc: {  	[tilespmem:v63+s11+$0x0] =	vst.idx.msk $0xffff, v50  }
0x1cd: {  	[tilespmem:v56+s11+$0x0] =	vst.idx.msk $0xffff, v2  }
0x1ce: {  	v50 =	vld [tilespmem:s14+$0xB0]  }
0x1cf: {  	v51 =	vld [tilespmem:$0xB5B0]  }
0x1d0: {  	(v2sf) =	vpush v58, $0xF  }
0x1d1: {  	(v2sf) =	vpush v59, $0xF;
	v58 =	vld [tilespmem:$0xB4B0];
	_ =	sdelay $0x1  }
0x1d2: {  	v59 =	vand.u32 $0xFFFF, v50  }
0x1d3: {  	v60 =	vshrl.u32 v50, $0x10;
	v61 =	vmul.u32 v51, v59  }
0x1d4: {  	v51 =	vmul.u32 v51, v60  }
0x1d5: {  	v49 =	vmul.u32 v58, v59;
	v54 =	vshrl.u32 v61, $0x10  }
0x1d6: {  	v48 =	vmul.u32 v58, v60;
	v51 =	vadd.s32 v51, v54  }
0x1d7: {  	v62 =	vand.u32 $0xFFFF, v49;
	v53 =	vand.u32 $0xFFFF, v61;
	v51 =	vshll.u32 v51, $0x1  }
0x1d8: {  	v49 =	vshrl.u32 v49, $0x10;
	v48 =	vadd.s32 v48, v53;
	v51 =	vadd.s32 v62, v51  }
0x1d9: {  	v48 =	vadd.s32 v49, v48;
	(xrf0) =	vadd.scan.msk.s32 $0xffff, v51  }
0x1da: {  	(xrf0) =	vadd.scan.msk.s32 $0xffff, v48;
	_ =	sdelay $0x3  }
0x1db: {  	s22 =	spop (v2sf)  }
0x1dc: {  	s23 =	spop (v2sf);
	v48, _, _ =	vpop (xrf0)  }
0x1dd: {  	s15 =	sadd.s32 s16, s23;
	v49, _, _ =	vpop (xrf0)  }
0x1de: {  	s24 =	sadd.s32 s17, s22;
	v63 =	vadd.s32 s15, v49  }
0x1df: {  	v57 =	vadd.s32 s24, v48;
	v56 =	vshll.u32 v63, $0x10;
	v51 =	vshrl.u32 v63, $0xF  }
0x1e0: {  	v52 =	vand.u32 $0x7FFF0000, v56;
	v51 =	vadd.s32 v51, v57  }
0x1e1: {  	v51 =	vadd.s32 v52, v51  }
0x1e2: {  	v52 =	vand.u32 $0x7FFFFFFF, v51;
	v51 =	vshrl.u32 v51, $0x1F  }
0x1e3: {  	v51 =	vadd.s32 v51, v52  }
0x1e4: {  	v52 =	vadd.s32 $0x80000001, v51  }
0x1e5: {  	v51 =	vmin.u32 v52, v51  }
0x1e6: {  	v52 =	vcvt.s32.f32 v51;
	_ =	sdelay $0x1  }
0x1e7: {  	v52 =	vmul.f32 $1.000009980e-05, v52;
	_ =	sdelay $0x1  }
0x1e8: {  	v52 =	vtrunc.f32 v52  }
0x1e9: {  	v52 =	vcvt.f32.s32 v52;
	_ =	sdelay $0x1  }
0x1ea: {  	v52 =	vmul.u32 $0xFFFE7961, v52;
	_ =	sdelay $0x1  }
0x1eb: {  	v58 =	vor.u32 v25, v35;
	v59 =	vor.u32 v26, v35;
	v51 =	vadd.s32 v51, v52  }
0x1ec: {  	(v2sf) =	vpush v48, $0xF;
	vm1 =	vlt.s32 v51, $0x0;
	v52 =	vadd.s32 $0x1869F, v51  }
0x1ed: {  	(v2sf) =	vpush v49, $0xF;
	v51 =	vsel vm1, v52, v51;
	vm1 =	vne.s32 v37, $0x0  }
0x1ee: {  	vm2 =	vgt.s32 v51, $0x1869E;
	v37 =	vmpcnt.ones.xlane vm1;
	vm1 =	vne.s32 v38, $0x0  }
0x1ef: {  	v60 =	vsel vm2, $0xFFFE7962, v3;
	v38 =	vmpcnt.ones.xlane vm1;
	vm1 =	vne.s32 v39, $0x0  }
0x1f0: {  	v61 =	vadd.s32 v51, v60;
	v62 =	vmpcnt.ones.xlane vm1;
	vm1 =	vne.s32 v40, $0x0  }
0x1f1: {  	[tilespmem:v58+s11+$0x0] =	vst.idx.msk $0xffff, v61;
	v37 =	vadd.s32 v37, v38;
	v63 =	vmpcnt.ones.xlane vm1;
	vm1 =	vne.s32 v41, $0x0  }
0x1f2: {  	[tilespmem:v59+s11+$0x0] =	vst.idx.msk $0xffff, v2;
	v37 =	vadd.s32 v62, v37;
	v51 =	vmpcnt.ones.xlane vm1;
	vm1 =	vne.s32 v42, $0x0  }
0x1f3: {  	v40 =	vld [tilespmem:s14+$0xC0];
	v37 =	vadd.s32 v63, v37;
	v52 =	vmpcnt.ones.xlane vm1;
	vm1 =	vne.s32 v43, $0x0  }
0x1f4: {  	v53 =	vld [tilespmem:$0xB5C0];
	v37 =	vadd.s32 v51, v37;
	v54 =	vmpcnt.ones.xlane vm1;
	vm1 =	vne.s32 v44, $0x0  }
0x1f5: {  	v55 =	vld [tilespmem:$0xB4C0];
	v37 =	vadd.s32 v52, v37;
	v56 =	vmpcnt.ones.xlane vm1;
	vm1 =	vne.s32 v45, $0x0  }
0x1f6: {  	v37 =	vadd.s32 v54, v37;
	v60 =	vmpcnt.ones.xlane vm1;
	vm1 =	vne.s32 v46, $0x0  }
0x1f7: {  	v37 =	vadd.s32 v56, v37;
	v63 =	vmpcnt.ones.xlane vm1;
	vm1 =	vne.s32 v47, $0x0  }
0x1f8: {  	v57 =	vand.u32 $0xFFFF, v40;
	v58 =	vshrl.u32 v40, $0x10;
	v37 =	vadd.s32 v60, v37  }
0x1f9: {  	v49 =	vmpcnt.ones.xlane vm1;
	vm1 =	vne.s32 v50, $0x0;
	v59 =	vmul.u32 v53, v57  }
0x1fa: {  	v41 =	vmul.u32 v53, v58;
	v42 =	vmul.u32 v55, v57;
	v38 =	vmul.u32 v55, v58  }
0x1fb: {  	v51 =	vmpcnt.ones.xlane vm1;
	vm1 =	vne.s32 v40, $0x0;
	v37 =	vadd.s32 v63, v37  }
0x1fc: {  	vm1 =	vmand vm1, vm0;
	v37 =	vadd.s32 v49, v37;
	v61 =	vshrl.u32 v59, $0x10  }
0x1fd: {  	v46 =	vand.u32 $0xFFFF, v42;
	v48 =	vand.u32 $0xFFFF, v59;
	v62 =	vadd.s32 v41, v61  }
0x1fe: {  	v42 =	vshrl.u32 v42, $0x10;
	v52 =	vmpcnt.ones.xlane vm1;
	v39 =	vshll.u32 v62, $0x1  }
0x1ff: {  	v37 =	vadd.s32 v51, v37;
	v38 =	vadd.s32 v38, v48;
	v39 =	vadd.s32 v46, v39  }
0x200: {  	v38 =	vadd.s32 v42, v38;
	v37 =	vadd.s32 v52, v37;
	(xrf0) =	vadd.scan.msk.s32 $0xffff, v39  }
0x201: {  	(xrf0) =	vadd.scan.msk.s32 $0xffff, v38;
	v38 =	vxor.u32 $0x80000000, v37  }
0x202: {  	(xrf0) =	vmax.scan.msk.u32 $0xffff, v38;
	_ =	sdelay $0x3  }
0x203: {  	s25 =	spop (v2sf);
	v53, _, _ =	vpop (xrf0)  }
0x204: {  	s26 =	spop (v2sf);
	v54, _, _ =	vpop (xrf0)  }
0x205: {  	s15 =	sadd.s32 s15, s26;
	v56, _, _ =	vpop (xrf0)  }
0x206: {  	s14 =	sadd.s32 s24, s25;
	v39 =	vadd.s32 s15, v54;
	(v2sf) =	vpush v56, $0xF  }
0x207: {  	v38 =	vadd.s32 s14, v53;
	v55 =	vshll.u32 v39, $0x10;
	v39 =	vshrl.u32 v39, $0xF  }
0x208: {  	v40 =	vand.u32 $0x7FFF0000, v55;
	v38 =	vadd.s32 v39, v38  }
0x209: {  	v38 =	vadd.s32 v40, v38  }
0x20a: {  	v40 =	vand.u32 $0x7FFFFFFF, v38;
	v38 =	vshrl.u32 v38, $0x1F  }
0x20b: {  	v38 =	vadd.s32 v38, v40  }
0x20c: {  	v57 =	vadd.s32 $0x80000001, v38  }
0x20d: {  	v38 =	vmin.u32 v57, v38  }
0x20e: {  	v39 =	vcvt.s32.f32 v38;
	_ =	sdelay $0x1  }
0x20f: {  	v39 =	vmul.f32 $1.000009980e-05, v39;
	_ =	sdelay $0x1  }
0x210: {  	v39 =	vtrunc.f32 v39  }
0x211: {  	v39 =	vcvt.f32.s32 v39  }
0x212: {  	v58 =	vadd.s32 $0xFFFFFFFF, v37  }
0x213: {  	v36 =	vor.u32 v33, v36;
	vm1 =	vgt.s32 v58, $0x0;
	v39 =	vmul.u32 $0xFFFE7961, v39;
	s28 =	spop (v2sf)  }
0x214: {  	v36 =	vor.u32 $0xC00, v36;
	v59 =	vnsel vm1, $0x0, v58;
	s29 =	sxor.u32 $0x80000000, s28  }
0x215: {  	v62 =	vor.u32 v27, v36;
	v38 =	vadd.s32 v38, v39;
	v39 =	vmin.u32 v59, $0xC7;
	p1 =	sgt.s32 s28, $0xFFFFFFFF;
	s14 =	sand.u32 $0xF, s28;
	p0 =	slt.s32 s29, $0x1  }
0x216: {  	vm1 =	vlt.s32 v38, $0x0;
	v61 =	vshll.u32 v39, $0x1;
	v39 =	vshll.u32 v39, $0x4;
	s30 =	sshra.s32 s29, $0x1F;
	p6 =	sne.s32 s14, $0x0;
	p0 =	por p1, p0  }
0x217: {  	v60 =	vadd.s32 $0x1869F, v38;
	v41 =	vand.u32 $0x7E, v61;
	v39 =	vand.u32 $0xC00, v39;
	s31 =	sshrl.u32 s30, $0x1C;
	p0 =	por !p6, !p0  }
0x218: {  	v36 =	vor.u32 v28, v36;
	s15 =	simm.s32 $0x1;
	v38 =	vsel vm1, v60, v38;
	v39 =	vor.u32 v39, v41;
	s14 =	sadd.s32 s31, s29;
	p0 =	por !p0, !p0  }
0x219: {  	vm1 =	vgt.s32 v38, $0x1869E;
	v35 =	vor.u32 v39, v35;
	s14 =	sshra.s32 s14, $0x4;
	s15 =	simm.s32 @!p0 $0x0  }
0x21a: {  	v63 =	vsel vm1, $0xFFFE7962, v3;
	s14 =	ssub.s32 s14, s15  }
0x21b: {  	v38 =	vadd.s32 v38, v63;
	p0 =	sgt.s32 s14, $0xC  }
.Ltmp4:
0x21c: {  	[tilespmem:v62+s11+$0x0] =	vst.idx.msk $0xff, v38;
	(pc) =	sbr.rel @p0 .LBB2_10-.Ltmp4, $2  }
0x21d: {  	[tilespmem:v36+s11+$0x0] =	vst.idx.msk $0xff, v2  }
0x21e: {  	v35 =	vld.idx.msk [tilespmem:v35+s11+$0x0], $0xffff;
	_ =	sdelay $0x2  }
0x21f: {  	s31 =	ssub.s32 $0xD, s14  }
0x220: {  	s15 =	sshll.u32 s14, $0x4;
	p1 =	sne.s32 s31, $0x1  }
.Ltmp5:
0x221: {  	v40 =	vor.u32 s15, v0;
	(pc) =	sbr.rel @!p1 .LBB2_4-.Ltmp5, $4  }
0x222: {  	v36 =	vshll.u32 v40, $0x1  }
0x223: {  	vm1 =	vlt.s32 v36, $0x18E  }
0x224: {  	v36 =	vnsel vm1, $0x18E, v36  }
0x225: {  	p0 =	por $0x0, $0x0;
	s14 =	sadd.s32 $0xFFFFFFFF, s31;
	s15 =	sadd.s32 $0x10, s15;
	v41 =	vshll.u32 v36, $0x3  }
0x226: {  	v38 =	vor.u32 s15, v0  }
0x227: {  	v41 =	vand.u32 $0xFFFFFC00, v41;
	v39 =	vshll.u32 v38, $0x1  }
0x228: {  	v42 =	vand.u32 $0x7E, v36;
	vm2 =	vlt.s32 v40, $0xC8;
	p1 =	sne.s32 s14, $0x1;
	vm1 =	vlt.s32 v39, $0x18E  }
.Ltmp6:
0x229: {  	v41 =	vadd.s32 v34, v41;
	v36 =	vnsel vm1, $0x18E, v39;
	vm1 =	vge.s32 v40, v37;
	(pc) =	sbr.rel @!p1 .LBB2_6-.Ltmp6, $3  }
0x22a: {  	v63 =	vor.u32 v42, v41;
	vm1 =	vmand vm1, vm2  }
0x22b: {  	v39 =	vor.u32 v33, v63;
	_ =	sdelay $0x1  }
0x22c: {  	s14 =	sadd.s32 $0xFFFFFFFF, s14;
	s15 =	sadd.s32 $0x10, s15;
	p0 =	por $0x1, $0x1;
	v41 =	vshll.u32 v36, $0x3  }
.LBB2_7:
0x22d: {  	v40 =	vor.u32 s15, v0;
	vm2 =	vge.s32 v38, v37;
	v41 =	vand.u32 $0xFFFFFC00, v41;
	p1 =	sne.s32 s14, $0x1  }
.Ltmp7:
0x22e: {  	s14 =	sadd.s32 $0xFFFFFFFF, s14;
	vm3 =	vlt.s32 v38, $0xC8;
	v36 =	vand.u32 $0x7E, v36;
	v41 =	vadd.s32 v34, v41;
	v38 =	vmovc v40;
	(pc) =	sbr.rel @p1 .LBB2_7-.Ltmp7, $4  }
0x22f: {  	v40 =	vshll.u32 v38, $0x1;
	v36 =	vor.u32 v36, v41;
	[tilespmem:v39+s11+$0x0] =	vst.idx.msk vm1, v35;
	vm1 =	vmand vm2, vm3  }
0x230: {  	vm2 =	vlt.s32 v40, $0x18E;
	v39 =	vor.u32 v33, v36  }
0x231: {  	v36 =	vnsel vm2, $0x18E, v40  }
0x232: {  	s15 =	sadd.s32 $0x10, s15;
	v41 =	vshll.u32 v36, $0x3  }
0x233: {  	v40 =	vmov v38  }
.LBB2_9:
0x234: {  	vm2 =	vge.s32 v40, v37;
	v63 =	vand.u32 $0xFFFFFC00, v41  }
0x235: {  	vm3 =	vlt.s32 v40, $0xC8;
	v36 =	vand.u32 $0x7E, v36;
	v34 =	vadd.s32 v34, v63  }
0x236: {  	vm2 =	vmand vm2, vm3;
	v34 =	vor.u32 v36, v34  }
0x237: {  	v33 =	vor.u32 v33, v34;
	_ =	sdelay $0x3  }
0x238: {  	[tilespmem:v39+s11+$0x0] =	vst.idx.msk @p0 vm1, v35  }
0x239: {  	[tilespmem:v33+s11+$0x0] =	vst.idx.msk vm2, v35  }
.LBB2_10:
0x23a: {  	s15 =	sor.u32 $0x1, s13  }
0x23b: {  	s14 =	smul.u32 $0xD0, s15;
	_ =	sdelay $0x1  }
0x23c: {  	v34 =	vld [tilespmem:s14+$0x0];
	_ =	sdelay $0x4  }
0x23d: {  	v33 =	vand.u32 $0xFFFF, v34  }
0x23e: {  	v35 =	vshrl.u32 v34, $0x10;
	v36 =	vmul.u32 v32, v33  }
0x23f: {  	v46 =	vmul.u32 v32, v35  }
0x240: {  	v33 =	vmul.u32 v31, v33;
	v37 =	vshrl.u32 v36, $0x10  }
0x241: {  	v31 =	vmul.u32 v31, v35;
	v32 =	vadd.s32 v46, v37  }
0x242: {  	v47 =	vand.u32 $0xFFFF, v33;
	v36 =	vand.u32 $0xFFFF, v36;
	v32 =	vshll.u32 v32, $0x1  }
0x243: {  	v33 =	vshrl.u32 v33, $0x10;
	v31 =	vadd.s32 v31, v36;
	v32 =	vadd.s32 v47, v32  }
0x244: {  	v31 =	vadd.s32 v33, v31;
	(xrf0) =	vadd.scan.msk.s32 $0xffff, v32  }
0x245: {  	(xrf0) =	vadd.scan.msk.s32 $0xffff, v31;
	_ =	sdelay $0x4  }
0x246: {  	v48, _, _ =	vpop (xrf0)  }
0x247: {  	v49, _, _ =	vpop (xrf0)  }
0x248: {  	v31 =	vadd.s32 $0x80B, v49  }
0x249: {  	v50 =	vshll.u32 v31, $0x10;
	v31 =	vshrl.u32 v31, $0xF  }
0x24a: {  	v32 =	vand.u32 $0x7FFF0000, v50;
	v31 =	vadd.s32 v31, v48  }
0x24b: {  	v31 =	vadd.s32 v32, v31  }
0x24c: {  	v31 =	vadd.s32 $0xBE3E, v31  }
0x24d: {  	v51 =	vand.u32 $0x7FFFFFFF, v31;
	v31 =	vshrl.u32 v31, $0x1F  }
0x24e: {  	v31 =	vadd.s32 v31, v51  }
0x24f: {  	v32 =	vadd.s32 $0x80000001, v31  }
0x250: {  	v52 =	vmin.u32 v32, v31  }
0x251: {  	v31 =	vcvt.s32.f32 v52;
	_ =	sdelay $0x1  }
0x252: {  	v31 =	vmul.f32 $1.000009980e-05, v31;
	_ =	sdelay $0x1  }
0x253: {  	v31 =	vtrunc.f32 v31  }
0x254: {  	v31 =	vcvt.f32.s32 v31  }
0x255: {  	v53 =	vmov s15  }
0x256: {  	v38 =	vshll.u32 v53, $0x7;
	v54 =	vmul.u32 $0xFFFE7961, v31;
	v31 =	vshll.u32 v53, $0x9  }
0x257: {  	v32 =	vand.u32 $0x7000, v31;
	v31 =	vand.u32 $0x380, v38  }
0x258: {  	v35 =	vadd.s32 v52, v54;
	v33 =	vor.u32 v31, v32  }
0x259: {  	vm1 =	vlt.s32 v35, $0x0;
	v55 =	vadd.s32 $0x1869F, v35;
	v39 =	vor.u32 v1, v33  }
0x25a: {  	v56 =	vor.u32 v4, v33;
	v35 =	vsel vm1, v55, v35  }
0x25b: {  	vm1 =	vgt.s32 v35, $0x1869E  }
0x25c: {  	v40 =	vsel vm1, $0xFFFE7962, v3  }
0x25d: {  	v35 =	vadd.s32 v35, v40  }
0x25e: {  	[tilespmem:v39+s11+$0x0] =	vst.idx.msk $0xffff, v35  }
0x25f: {  	[tilespmem:v56+s11+$0x0] =	vst.idx.msk $0xffff, v2  }
0x260: {  	v35 =	vld [tilespmem:s14+$0x10]  }
0x261: {  	v38 =	vld [tilespmem:$0xB510]  }
0x262: {  	(v2sf) =	vpush v48, $0xF  }
0x263: {  	(v2sf) =	vpush v49, $0xF;
	v57 =	vld [tilespmem:$0xB410];
	_ =	sdelay $0x1  }
0x264: {  	v58 =	vand.u32 $0xFFFF, v35  }
0x265: {  	v59 =	vshrl.u32 v35, $0x10;
	v60 =	vmul.u32 v38, v58  }
0x266: {  	v38 =	vmul.u32 v38, v59  }
0x267: {  	v37 =	vmul.u32 v57, v58;
	v41 =	vshrl.u32 v60, $0x10  }
0x268: {  	v36 =	vmul.u32 v57, v59;
	v38 =	vadd.s32 v38, v41  }
0x269: {  	v61 =	vand.u32 $0xFFFF, v37;
	v40 =	vand.u32 $0xFFFF, v60;
	v38 =	vshll.u32 v38, $0x1  }
0x26a: {  	v37 =	vshrl.u32 v37, $0x10;
	v36 =	vadd.s32 v36, v40;
	v38 =	vadd.s32 v61, v38  }
0x26b: {  	v36 =	vadd.s32 v37, v36;
	(xrf0) =	vadd.scan.msk.s32 $0xffff, v38  }
0x26c: {  	(xrf0) =	vadd.scan.msk.s32 $0xffff, v36;
	_ =	sdelay $0x3  }
0x26d: {  	s29 =	spop (v2sf)  }
0x26e: {  	s16 =	spop (v2sf);
	v62, _, _ =	vpop (xrf0)  }
0x26f: {  	s16 =	sadd.s32 $0x80B, s16;
	v63, _, _ =	vpop (xrf0)  }
0x270: {  	s15 =	sadd.s32 $0xBE3E, s29;
	v44 =	vadd.s32 s16, v63  }
0x271: {  	v46 =	vadd.s32 s15, v62;
	v45 =	vshll.u32 v44, $0x10;
	v36 =	vshrl.u32 v44, $0xF  }
0x272: {  	v39 =	vand.u32 $0x7FFF0000, v45;
	v36 =	vadd.s32 v36, v46  }
0x273: {  	v36 =	vadd.s32 v39, v36  }
0x274: {  	v39 =	vand.u32 $0x7FFFFFFF, v36;
	v36 =	vshrl.u32 v36, $0x1F  }
0x275: {  	v36 =	vadd.s32 v36, v39  }
0x276: {  	v39 =	vadd.s32 $0x80000001, v36  }
0x277: {  	v36 =	vmin.u32 v39, v36  }
0x278: {  	v39 =	vcvt.s32.f32 v36;
	_ =	sdelay $0x1  }
0x279: {  	v39 =	vmul.f32 $1.000009980e-05, v39;
	_ =	sdelay $0x1  }
0x27a: {  	v39 =	vtrunc.f32 v39  }
0x27b: {  	v39 =	vcvt.f32.s32 v39;
	_ =	sdelay $0x1  }
0x27c: {  	v39 =	vmul.u32 $0xFFFE7961, v39;
	_ =	sdelay $0x1  }
0x27d: {  	v36 =	vadd.s32 v36, v39  }
0x27e: {  	v47 =	vor.u32 v5, v33;
	vm1 =	vlt.s32 v36, $0x0;
	v39 =	vadd.s32 $0x1869F, v36  }
0x27f: {  	v48 =	vor.u32 v6, v33;
	v36 =	vsel vm1, v39, v36  }
0x280: {  	vm1 =	vgt.s32 v36, $0x1869E  }
0x281: {  	v49 =	vsel vm1, $0xFFFE7962, v3  }
0x282: {  	v36 =	vadd.s32 v36, v49  }
0x283: {  	[tilespmem:v47+s11+$0x0] =	vst.idx.msk $0xffff, v36  }
0x284: {  	[tilespmem:v48+s11+$0x0] =	vst.idx.msk $0xffff, v2  }
0x285: {  	v36 =	vld [tilespmem:s14+$0x20]  }
0x286: {  	v39 =	vld [tilespmem:$0xB520]  }
0x287: {  	(v2sf) =	vpush v62, $0xF  }
0x288: {  	(v2sf) =	vpush v63, $0xF;
	v50 =	vld [tilespmem:$0xB420];
	_ =	sdelay $0x1  }
0x289: {  	v51 =	vand.u32 $0xFFFF, v36  }
0x28a: {  	v52 =	vshrl.u32 v36, $0x10;
	v53 =	vmul.u32 v39, v51  }
0x28b: {  	v39 =	vmul.u32 v39, v52  }
0x28c: {  	v38 =	vmul.u32 v50, v51;
	v42 =	vshrl.u32 v53, $0x10  }
0x28d: {  	v37 =	vmul.u32 v50, v52;
	v39 =	vadd.s32 v39, v42  }
0x28e: {  	v54 =	vand.u32 $0xFFFF, v38;
	v41 =	vand.u32 $0xFFFF, v53;
	v39 =	vshll.u32 v39, $0x1  }
0x28f: {  	v38 =	vshrl.u32 v38, $0x10;
	v37 =	vadd.s32 v37, v41;
	v39 =	vadd.s32 v54, v39  }
0x290: {  	v37 =	vadd.s32 v38, v37;
	(xrf0) =	vadd.scan.msk.s32 $0xffff, v39  }
0x291: {  	(xrf0) =	vadd.scan.msk.s32 $0xffff, v37;
	_ =	sdelay $0x3  }
0x292: {  	s17 =	spop (v2sf)  }
0x293: {  	s18 =	spop (v2sf);
	v55, _, _ =	vpop (xrf0)  }
0x294: {  	s16 =	sadd.s32 s16, s18;
	v56, _, _ =	vpop (xrf0)  }
0x295: {  	s15 =	sadd.s32 s15, s17;
	v57 =	vadd.s32 s16, v56  }
0x296: {  	v59 =	vadd.s32 s15, v55;
	v58 =	vshll.u32 v57, $0x10;
	v37 =	vshrl.u32 v57, $0xF  }
0x297: {  	v40 =	vand.u32 $0x7FFF0000, v58;
	v37 =	vadd.s32 v37, v59  }
0x298: {  	v37 =	vadd.s32 v40, v37  }
0x299: {  	v40 =	vand.u32 $0x7FFFFFFF, v37;
	v37 =	vshrl.u32 v37, $0x1F  }
0x29a: {  	v37 =	vadd.s32 v37, v40  }
0x29b: {  	v40 =	vadd.s32 $0x80000001, v37  }
0x29c: {  	v37 =	vmin.u32 v40, v37  }
0x29d: {  	v40 =	vcvt.s32.f32 v37;
	_ =	sdelay $0x1  }
0x29e: {  	v40 =	vmul.f32 $1.000009980e-05, v40;
	_ =	sdelay $0x1  }
0x29f: {  	v40 =	vtrunc.f32 v40  }
0x2a0: {  	v40 =	vcvt.f32.s32 v40;
	_ =	sdelay $0x1  }
0x2a1: {  	v40 =	vmul.u32 $0xFFFE7961, v40;
	_ =	sdelay $0x1  }
0x2a2: {  	v37 =	vadd.s32 v37, v40  }
0x2a3: {  	v60 =	vor.u32 v7, v33;
	vm1 =	vlt.s32 v37, $0x0;
	v40 =	vadd.s32 $0x1869F, v37  }
0x2a4: {  	v61 =	vor.u32 v8, v33;
	v37 =	vsel vm1, v40, v37  }
0x2a5: {  	vm1 =	vgt.s32 v37, $0x1869E  }
0x2a6: {  	v62 =	vsel vm1, $0xFFFE7962, v3  }
0x2a7: {  	v37 =	vadd.s32 v37, v62  }
0x2a8: {  	[tilespmem:v60+s11+$0x0] =	vst.idx.msk $0xffff, v37  }
0x2a9: {  	[tilespmem:v61+s11+$0x0] =	vst.idx.msk $0xffff, v2  }
0x2aa: {  	v37 =	vld [tilespmem:s14+$0x30]  }
0x2ab: {  	v40 =	vld [tilespmem:$0xB530]  }
0x2ac: {  	(v2sf) =	vpush v55, $0xF  }
0x2ad: {  	(v2sf) =	vpush v56, $0xF;
	v63 =	vld [tilespmem:$0xB430];
	_ =	sdelay $0x1  }
0x2ae: {  	v45 =	vand.u32 $0xFFFF, v37  }
0x2af: {  	v46 =	vshrl.u32 v37, $0x10;
	v47 =	vmul.u32 v40, v45  }
0x2b0: {  	v40 =	vmul.u32 v40, v46  }
0x2b1: {  	v39 =	vmul.u32 v63, v45;
	v43 =	vshrl.u32 v47, $0x10  }
0x2b2: {  	v38 =	vmul.u32 v63, v46;
	v40 =	vadd.s32 v40, v43  }
0x2b3: {  	v48 =	vand.u32 $0xFFFF, v39;
	v42 =	vand.u32 $0xFFFF, v47;
	v40 =	vshll.u32 v40, $0x1  }
0x2b4: {  	v39 =	vshrl.u32 v39, $0x10;
	v38 =	vadd.s32 v38, v42;
	v40 =	vadd.s32 v48, v40  }
0x2b5: {  	v38 =	vadd.s32 v39, v38;
	(xrf0) =	vadd.scan.msk.s32 $0xffff, v40  }
0x2b6: {  	(xrf0) =	vadd.scan.msk.s32 $0xffff, v38;
	_ =	sdelay $0x3  }
0x2b7: {  	s30 =	spop (v2sf)  }
0x2b8: {  	s31 =	spop (v2sf);
	v49, _, _ =	vpop (xrf0)  }
0x2b9: {  	s16 =	sadd.s32 s16, s31;
	v50, _, _ =	vpop (xrf0)  }
0x2ba: {  	s15 =	sadd.s32 s15, s30;
	v51 =	vadd.s32 s16, v50  }
0x2bb: {  	v53 =	vadd.s32 s15, v49;
	v52 =	vshll.u32 v51, $0x10;
	v38 =	vshrl.u32 v51, $0xF  }
0x2bc: {  	v41 =	vand.u32 $0x7FFF0000, v52;
	v38 =	vadd.s32 v38, v53  }
0x2bd: {  	v38 =	vadd.s32 v41, v38  }
0x2be: {  	v41 =	vand.u32 $0x7FFFFFFF, v38;
	v38 =	vshrl.u32 v38, $0x1F  }
0x2bf: {  	v38 =	vadd.s32 v38, v41  }
0x2c0: {  	v41 =	vadd.s32 $0x80000001, v38  }
0x2c1: {  	v38 =	vmin.u32 v41, v38  }
0x2c2: {  	v41 =	vcvt.s32.f32 v38;
	_ =	sdelay $0x1  }
0x2c3: {  	v41 =	vmul.f32 $1.000009980e-05, v41;
	_ =	sdelay $0x1  }
0x2c4: {  	v41 =	vtrunc.f32 v41  }
0x2c5: {  	v41 =	vcvt.f32.s32 v41;
	_ =	sdelay $0x1  }
0x2c6: {  	v41 =	vmul.u32 $0xFFFE7961, v41;
	_ =	sdelay $0x1  }
0x2c7: {  	v38 =	vadd.s32 v38, v41  }
0x2c8: {  	v54 =	vor.u32 v9, v33;
	vm1 =	vlt.s32 v38, $0x0;
	v41 =	vadd.s32 $0x1869F, v38  }
0x2c9: {  	v55 =	vor.u32 v10, v33;
	v38 =	vsel vm1, v41, v38  }
0x2ca: {  	vm1 =	vgt.s32 v38, $0x1869E  }
0x2cb: {  	v56 =	vsel vm1, $0xFFFE7962, v3  }
0x2cc: {  	v38 =	vadd.s32 v38, v56  }
0x2cd: {  	[tilespmem:v54+s11+$0x0] =	vst.idx.msk $0xffff, v38  }
0x2ce: {  	[tilespmem:v55+s11+$0x0] =	vst.idx.msk $0xffff, v2  }
0x2cf: {  	v38 =	vld [tilespmem:s14+$0x40]  }
0x2d0: {  	v41 =	vld [tilespmem:$0xB540]  }
0x2d1: {  	(v2sf) =	vpush v49, $0xF  }
0x2d2: {  	(v2sf) =	vpush v50, $0xF;
	v57 =	vld [tilespmem:$0xB440];
	_ =	sdelay $0x1  }
0x2d3: {  	v58 =	vand.u32 $0xFFFF, v38  }
0x2d4: {  	v59 =	vshrl.u32 v38, $0x10;
	v60 =	vmul.u32 v41, v58  }
0x2d5: {  	v41 =	vmul.u32 v41, v59  }
0x2d6: {  	v40 =	vmul.u32 v57, v58;
	v44 =	vshrl.u32 v60, $0x10  }
0x2d7: {  	v39 =	vmul.u32 v57, v59;
	v41 =	vadd.s32 v41, v44  }
0x2d8: {  	v61 =	vand.u32 $0xFFFF, v40;
	v43 =	vand.u32 $0xFFFF, v60;
	v41 =	vshll.u32 v41, $0x1  }
0x2d9: {  	v40 =	vshrl.u32 v40, $0x10;
	v39 =	vadd.s32 v39, v43;
	v41 =	vadd.s32 v61, v41  }
0x2da: {  	v39 =	vadd.s32 v40, v39;
	(xrf0) =	vadd.scan.msk.s32 $0xffff, v41  }
0x2db: {  	(xrf0) =	vadd.scan.msk.s32 $0xffff, v39;
	_ =	sdelay $0x3  }
0x2dc: {  	s19 =	spop (v2sf)  }
0x2dd: {  	s20 =	spop (v2sf);
	v62, _, _ =	vpop (xrf0)  }
0x2de: {  	s16 =	sadd.s32 s16, s20;
	v63, _, _ =	vpop (xrf0)  }
0x2df: {  	s15 =	sadd.s32 s15, s19;
	v45 =	vadd.s32 s16, v63  }
0x2e0: {  	v47 =	vadd.s32 s15, v62;
	v46 =	vshll.u32 v45, $0x10;
	v39 =	vshrl.u32 v45, $0xF  }
0x2e1: {  	v42 =	vand.u32 $0x7FFF0000, v46;
	v39 =	vadd.s32 v39, v47  }
0x2e2: {  	v39 =	vadd.s32 v42, v39  }
0x2e3: {  	v42 =	vand.u32 $0x7FFFFFFF, v39;
	v39 =	vshrl.u32 v39, $0x1F  }
0x2e4: {  	v39 =	vadd.s32 v39, v42  }
0x2e5: {  	v42 =	vadd.s32 $0x80000001, v39  }
0x2e6: {  	v39 =	vmin.u32 v42, v39  }
0x2e7: {  	v42 =	vcvt.s32.f32 v39;
	_ =	sdelay $0x1  }
0x2e8: {  	v42 =	vmul.f32 $1.000009980e-05, v42;
	_ =	sdelay $0x1  }
0x2e9: {  	v42 =	vtrunc.f32 v42  }
0x2ea: {  	v42 =	vcvt.f32.s32 v42;
	_ =	sdelay $0x1  }
0x2eb: {  	v42 =	vmul.u32 $0xFFFE7961, v42;
	_ =	sdelay $0x1  }
0x2ec: {  	v39 =	vadd.s32 v39, v42  }
0x2ed: {  	v48 =	vor.u32 v11, v33;
	vm1 =	vlt.s32 v39, $0x0;
	v42 =	vadd.s32 $0x1869F, v39  }
0x2ee: {  	v49 =	vor.u32 v12, v33;
	v39 =	vsel vm1, v42, v39  }
0x2ef: {  	vm1 =	vgt.s32 v39, $0x1869E  }
0x2f0: {  	v50 =	vsel vm1, $0xFFFE7962, v3  }
0x2f1: {  	v39 =	vadd.s32 v39, v50  }
0x2f2: {  	[tilespmem:v48+s11+$0x0] =	vst.idx.msk $0xffff, v39  }
0x2f3: {  	[tilespmem:v49+s11+$0x0] =	vst.idx.msk $0xffff, v2  }
0x2f4: {  	v39 =	vld [tilespmem:s14+$0x50]  }
0x2f5: {  	v42 =	vld [tilespmem:$0xB550]  }
0x2f6: {  	(v2sf) =	vpush v62, $0xF  }
0x2f7: {  	(v2sf) =	vpush v63, $0xF;
	v51 =	vld [tilespmem:$0xB450];
	_ =	sdelay $0x1  }
0x2f8: {  	v52 =	vand.u32 $0xFFFF, v39  }
0x2f9: {  	v53 =	vshrl.u32 v39, $0x10;
	v54 =	vmul.u32 v42, v52  }
0x2fa: {  	v42 =	vmul.u32 v42, v53  }
0x2fb: {  	v41 =	vmul.u32 v51, v52;
	v45 =	vshrl.u32 v54, $0x10  }
0x2fc: {  	v40 =	vmul.u32 v51, v53;
	v42 =	vadd.s32 v42, v45  }
0x2fd: {  	v55 =	vand.u32 $0xFFFF, v41;
	v44 =	vand.u32 $0xFFFF, v54;
	v42 =	vshll.u32 v42, $0x1  }
0x2fe: {  	v41 =	vshrl.u32 v41, $0x10;
	v40 =	vadd.s32 v40, v44;
	v42 =	vadd.s32 v55, v42  }
0x2ff: {  	v40 =	vadd.s32 v41, v40;
	(xrf0) =	vadd.scan.msk.s32 $0xffff, v42  }
0x300: {  	(xrf0) =	vadd.scan.msk.s32 $0xffff, v40;
	_ =	sdelay $0x3  }
0x301: {  	s21 =	spop (v2sf)  }
0x302: {  	s22 =	spop (v2sf);
	v56, _, _ =	vpop (xrf0)  }
0x303: {  	s16 =	sadd.s32 s16, s22;
	v57, _, _ =	vpop (xrf0)  }
0x304: {  	s15 =	sadd.s32 s15, s21;
	v58 =	vadd.s32 s16, v57  }
0x305: {  	v60 =	vadd.s32 s15, v56;
	v59 =	vshll.u32 v58, $0x10;
	v40 =	vshrl.u32 v58, $0xF  }
0x306: {  	v43 =	vand.u32 $0x7FFF0000, v59;
	v40 =	vadd.s32 v40, v60  }
0x307: {  	v40 =	vadd.s32 v43, v40  }
0x308: {  	v43 =	vand.u32 $0x7FFFFFFF, v40;
	v40 =	vshrl.u32 v40, $0x1F  }
0x309: {  	v40 =	vadd.s32 v40, v43  }
0x30a: {  	v43 =	vadd.s32 $0x80000001, v40  }
0x30b: {  	v40 =	vmin.u32 v43, v40  }
0x30c: {  	v43 =	vcvt.s32.f32 v40;
	_ =	sdelay $0x1  }
0x30d: {  	v43 =	vmul.f32 $1.000009980e-05, v43;
	_ =	sdelay $0x1  }
0x30e: {  	v43 =	vtrunc.f32 v43  }
0x30f: {  	v43 =	vcvt.f32.s32 v43;
	_ =	sdelay $0x1  }
0x310: {  	v43 =	vmul.u32 $0xFFFE7961, v43;
	_ =	sdelay $0x1  }
0x311: {  	v40 =	vadd.s32 v40, v43  }
0x312: {  	v61 =	vor.u32 v13, v33;
	vm1 =	vlt.s32 v40, $0x0;
	v43 =	vadd.s32 $0x1869F, v40  }
0x313: {  	v62 =	vor.u32 v14, v33;
	v40 =	vsel vm1, v43, v40  }
0x314: {  	vm1 =	vgt.s32 v40, $0x1869E  }
0x315: {  	v63 =	vsel vm1, $0xFFFE7962, v3  }
0x316: {  	v40 =	vadd.s32 v40, v63  }
0x317: {  	[tilespmem:v61+s11+$0x0] =	vst.idx.msk $0xffff, v40  }
0x318: {  	[tilespmem:v62+s11+$0x0] =	vst.idx.msk $0xffff, v2  }
0x319: {  	v40 =	vld [tilespmem:s14+$0x60]  }
0x31a: {  	v43 =	vld [tilespmem:$0xB560]  }
0x31b: {  	(v2sf) =	vpush v56, $0xF  }
0x31c: {  	(v2sf) =	vpush v57, $0xF;
	v48 =	vld [tilespmem:$0xB460];
	_ =	sdelay $0x1  }
0x31d: {  	v49 =	vand.u32 $0xFFFF, v40  }
0x31e: {  	v50 =	vshrl.u32 v40, $0x10;
	v51 =	vmul.u32 v43, v49  }
0x31f: {  	v43 =	vmul.u32 v43, v50  }
0x320: {  	v42 =	vmul.u32 v48, v49;
	v46 =	vshrl.u32 v51, $0x10  }
0x321: {  	v41 =	vmul.u32 v48, v50;
	v43 =	vadd.s32 v43, v46  }
0x322: {  	v52 =	vand.u32 $0xFFFF, v42;
	v45 =	vand.u32 $0xFFFF, v51;
	v43 =	vshll.u32 v43, $0x1  }
0x323: {  	v42 =	vshrl.u32 v42, $0x10;
	v41 =	vadd.s32 v41, v45;
	v43 =	vadd.s32 v52, v43  }
0x324: {  	v41 =	vadd.s32 v42, v41;
	(xrf0) =	vadd.scan.msk.s32 $0xffff, v43  }
0x325: {  	(xrf0) =	vadd.scan.msk.s32 $0xffff, v41;
	_ =	sdelay $0x3  }
0x326: {  	s23 =	spop (v2sf)  }
0x327: {  	s24 =	spop (v2sf);
	v53, _, _ =	vpop (xrf0)  }
0x328: {  	s16 =	sadd.s32 s16, s24;
	v54, _, _ =	vpop (xrf0)  }
0x329: {  	s15 =	sadd.s32 s15, s23;
	v55 =	vadd.s32 s16, v54  }
0x32a: {  	v57 =	vadd.s32 s15, v53;
	v56 =	vshll.u32 v55, $0x10;
	v41 =	vshrl.u32 v55, $0xF  }
0x32b: {  	v44 =	vand.u32 $0x7FFF0000, v56;
	v41 =	vadd.s32 v41, v57  }
0x32c: {  	v41 =	vadd.s32 v44, v41  }
0x32d: {  	v44 =	vand.u32 $0x7FFFFFFF, v41;
	v41 =	vshrl.u32 v41, $0x1F  }
0x32e: {  	v41 =	vadd.s32 v41, v44  }
0x32f: {  	v44 =	vadd.s32 $0x80000001, v41  }
0x330: {  	v41 =	vmin.u32 v44, v41  }
0x331: {  	v44 =	vcvt.s32.f32 v41;
	_ =	sdelay $0x1  }
0x332: {  	v44 =	vmul.f32 $1.000009980e-05, v44;
	_ =	sdelay $0x1  }
0x333: {  	v44 =	vtrunc.f32 v44  }
0x334: {  	v44 =	vcvt.f32.s32 v44;
	_ =	sdelay $0x1  }
0x335: {  	v44 =	vmul.u32 $0xFFFE7961, v44;
	_ =	sdelay $0x1  }
0x336: {  	v41 =	vadd.s32 v41, v44  }
0x337: {  	v58 =	vor.u32 v15, v33;
	vm1 =	vlt.s32 v41, $0x0;
	v44 =	vadd.s32 $0x1869F, v41  }
0x338: {  	v59 =	vor.u32 v16, v33;
	v41 =	vsel vm1, v44, v41  }
0x339: {  	vm1 =	vgt.s32 v41, $0x1869E  }
0x33a: {  	v60 =	vsel vm1, $0xFFFE7962, v3  }
0x33b: {  	v41 =	vadd.s32 v41, v60  }
0x33c: {  	[tilespmem:v58+s11+$0x0] =	vst.idx.msk $0xffff, v41  }
0x33d: {  	[tilespmem:v59+s11+$0x0] =	vst.idx.msk $0xffff, v2  }
0x33e: {  	v41 =	vld [tilespmem:s14+$0x70]  }
0x33f: {  	v44 =	vld [tilespmem:$0xB570]  }
0x340: {  	(v2sf) =	vpush v53, $0xF  }
0x341: {  	(v2sf) =	vpush v54, $0xF;
	v61 =	vld [tilespmem:$0xB470];
	_ =	sdelay $0x1  }
0x342: {  	v62 =	vand.u32 $0xFFFF, v41  }
0x343: {  	v63 =	vshrl.u32 v41, $0x10;
	v48 =	vmul.u32 v44, v62  }
0x344: {  	v44 =	vmul.u32 v44, v63  }
0x345: {  	v43 =	vmul.u32 v61, v62;
	v47 =	vshrl.u32 v48, $0x10  }
0x346: {  	v42 =	vmul.u32 v61, v63;
	v44 =	vadd.s32 v44, v47  }
0x347: {  	v49 =	vand.u32 $0xFFFF, v43;
	v46 =	vand.u32 $0xFFFF, v48;
	v44 =	vshll.u32 v44, $0x1  }
0x348: {  	v43 =	vshrl.u32 v43, $0x10;
	v42 =	vadd.s32 v42, v46;
	v44 =	vadd.s32 v49, v44  }
0x349: {  	v42 =	vadd.s32 v43, v42;
	(xrf0) =	vadd.scan.msk.s32 $0xffff, v44  }
0x34a: {  	(xrf0) =	vadd.scan.msk.s32 $0xffff, v42;
	_ =	sdelay $0x3  }
0x34b: {  	s25 =	spop (v2sf)  }
0x34c: {  	s26 =	spop (v2sf);
	v50, _, _ =	vpop (xrf0)  }
0x34d: {  	s16 =	sadd.s32 s16, s26;
	v51, _, _ =	vpop (xrf0)  }
0x34e: {  	s15 =	sadd.s32 s15, s25;
	v52 =	vadd.s32 s16, v51  }
0x34f: {  	v54 =	vadd.s32 s15, v50;
	v53 =	vshll.u32 v52, $0x10;
	v42 =	vshrl.u32 v52, $0xF  }
0x350: {  	v45 =	vand.u32 $0x7FFF0000, v53;
	v42 =	vadd.s32 v42, v54  }
0x351: {  	v42 =	vadd.s32 v45, v42  }
0x352: {  	v45 =	vand.u32 $0x7FFFFFFF, v42;
	v42 =	vshrl.u32 v42, $0x1F  }
0x353: {  	v42 =	vadd.s32 v42, v45  }
0x354: {  	v45 =	vadd.s32 $0x80000001, v42  }
0x355: {  	v42 =	vmin.u32 v45, v42  }
0x356: {  	v45 =	vcvt.s32.f32 v42;
	_ =	sdelay $0x1  }
0x357: {  	v45 =	vmul.f32 $1.000009980e-05, v45;
	_ =	sdelay $0x1  }
0x358: {  	v45 =	vtrunc.f32 v45  }
0x359: {  	v45 =	vcvt.f32.s32 v45;
	_ =	sdelay $0x1  }
0x35a: {  	v45 =	vmul.u32 $0xFFFE7961, v45;
	_ =	sdelay $0x1  }
0x35b: {  	v42 =	vadd.s32 v42, v45  }
0x35c: {  	v55 =	vor.u32 v17, v33;
	vm1 =	vlt.s32 v42, $0x0;
	v45 =	vadd.s32 $0x1869F, v42  }
0x35d: {  	v56 =	vor.u32 v18, v33;
	v42 =	vsel vm1, v45, v42  }
0x35e: {  	vm1 =	vgt.s32 v42, $0x1869E  }
0x35f: {  	v57 =	vsel vm1, $0xFFFE7962, v3  }
0x360: {  	v42 =	vadd.s32 v42, v57  }
0x361: {  	[tilespmem:v55+s11+$0x0] =	vst.idx.msk $0xffff, v42  }
0x362: {  	s28 =	sand.u32 $0x3FF0, s14;
	[tilespmem:v56+s11+$0x0] =	vst.idx.msk $0xffff, v2  }
0x363: {  	v42 =	vld [tilespmem:s28+$0x80]  }
0x364: {  	v45 =	vld [tilespmem:$0xB580]  }
0x365: {  	(v2sf) =	vpush v50, $0xF  }
0x366: {  	(v2sf) =	vpush v51, $0xF;
	v58 =	vld [tilespmem:$0xB480];
	_ =	sdelay $0x1  }
0x367: {  	v59 =	vand.u32 $0xFFFF, v42  }
0x368: {  	v60 =	vshrl.u32 v42, $0x10;
	v61 =	vmul.u32 v45, v59  }
0x369: {  	v45 =	vmul.u32 v45, v60  }
0x36a: {  	v44 =	vmul.u32 v58, v59;
	v48 =	vshrl.u32 v61, $0x10  }
0x36b: {  	v43 =	vmul.u32 v58, v60;
	v45 =	vadd.s32 v45, v48  }
0x36c: {  	v62 =	vand.u32 $0xFFFF, v44;
	v47 =	vand.u32 $0xFFFF, v61;
	v45 =	vshll.u32 v45, $0x1  }
0x36d: {  	v44 =	vshrl.u32 v44, $0x10;
	v43 =	vadd.s32 v43, v47;
	v45 =	vadd.s32 v62, v45  }
0x36e: {  	v43 =	vadd.s32 v44, v43;
	(xrf0) =	vadd.scan.msk.s32 $0xffff, v45  }
0x36f: {  	(xrf0) =	vadd.scan.msk.s32 $0xffff, v43;
	_ =	sdelay $0x3  }
0x370: {  	s29 =	spop (v2sf)  }
0x371: {  	s30 =	spop (v2sf);
	v63, _, _ =	vpop (xrf0)  }
0x372: {  	s16 =	sadd.s32 s16, s30;
	v52, _, _ =	vpop (xrf0)  }
0x373: {  	s15 =	sadd.s32 s15, s29;
	v53 =	vadd.s32 s16, v52  }
0x374: {  	v55 =	vadd.s32 s15, v63;
	v54 =	vshll.u32 v53, $0x10;
	v43 =	vshrl.u32 v53, $0xF  }
0x375: {  	v46 =	vand.u32 $0x7FFF0000, v54;
	v43 =	vadd.s32 v43, v55  }
0x376: {  	v43 =	vadd.s32 v46, v43  }
0x377: {  	v46 =	vand.u32 $0x7FFFFFFF, v43;
	v43 =	vshrl.u32 v43, $0x1F  }
0x378: {  	v43 =	vadd.s32 v43, v46  }
0x379: {  	v46 =	vadd.s32 $0x80000001, v43  }
0x37a: {  	v43 =	vmin.u32 v46, v43  }
0x37b: {  	v46 =	vcvt.s32.f32 v43;
	_ =	sdelay $0x1  }
0x37c: {  	v46 =	vmul.f32 $1.000009980e-05, v46;
	_ =	sdelay $0x1  }
0x37d: {  	v46 =	vtrunc.f32 v46  }
0x37e: {  	v46 =	vcvt.f32.s32 v46;
	_ =	sdelay $0x1  }
0x37f: {  	v46 =	vmul.u32 $0xFFFE7961, v46;
	_ =	sdelay $0x1  }
0x380: {  	v43 =	vadd.s32 v43, v46  }
0x381: {  	v56 =	vor.u32 v19, v33;
	vm1 =	vlt.s32 v43, $0x0;
	v46 =	vadd.s32 $0x1869F, v43  }
0x382: {  	v57 =	vor.u32 v20, v33;
	v43 =	vsel vm1, v46, v43  }
0x383: {  	vm1 =	vgt.s32 v43, $0x1869E  }
0x384: {  	v58 =	vsel vm1, $0xFFFE7962, v3  }
0x385: {  	v43 =	vadd.s32 v43, v58  }
0x386: {  	[tilespmem:v56+s11+$0x0] =	vst.idx.msk $0xffff, v43  }
0x387: {  	[tilespmem:v57+s11+$0x0] =	vst.idx.msk $0xffff, v2  }
0x388: {  	v43 =	vld [tilespmem:s14+$0x90]  }
0x389: {  	v46 =	vld [tilespmem:$0xB590]  }
0x38a: {  	(v2sf) =	vpush v63, $0xF  }
0x38b: {  	(v2sf) =	vpush v52, $0xF;
	v59 =	vld [tilespmem:$0xB490];
	_ =	sdelay $0x1  }
0x38c: {  	v60 =	vand.u32 $0xFFFF, v43  }
0x38d: {  	v61 =	vshrl.u32 v43, $0x10;
	v62 =	vmul.u32 v46, v60  }
0x38e: {  	v46 =	vmul.u32 v46, v61  }
0x38f: {  	v45 =	vmul.u32 v59, v60;
	v49 =	vshrl.u32 v62, $0x10  }
0x390: {  	v44 =	vmul.u32 v59, v61;
	v46 =	vadd.s32 v46, v49  }
0x391: {  	v63 =	vand.u32 $0xFFFF, v45;
	v48 =	vand.u32 $0xFFFF, v62;
	v46 =	vshll.u32 v46, $0x1  }
0x392: {  	v45 =	vshrl.u32 v45, $0x10;
	v44 =	vadd.s32 v44, v48;
	v46 =	vadd.s32 v63, v46  }
0x393: {  	v44 =	vadd.s32 v45, v44;
	(xrf0) =	vadd.scan.msk.s32 $0xffff, v46  }
0x394: {  	(xrf0) =	vadd.scan.msk.s32 $0xffff, v44;
	_ =	sdelay $0x3  }
0x395: {  	s31 =	spop (v2sf)  }
0x396: {  	s19 =	spop (v2sf);
	v52, _, _ =	vpop (xrf0)  }
0x397: {  	s16 =	sadd.s32 s16, s19;
	v53, _, _ =	vpop (xrf0)  }
0x398: {  	s15 =	sadd.s32 s15, s31;
	v54 =	vadd.s32 s16, v53  }
0x399: {  	v56 =	vadd.s32 s15, v52;
	v55 =	vshll.u32 v54, $0x10;
	v44 =	vshrl.u32 v54, $0xF  }
0x39a: {  	v47 =	vand.u32 $0x7FFF0000, v55;
	v44 =	vadd.s32 v44, v56  }
0x39b: {  	v44 =	vadd.s32 v47, v44  }
0x39c: {  	v47 =	vand.u32 $0x7FFFFFFF, v44;
	v44 =	vshrl.u32 v44, $0x1F  }
0x39d: {  	v44 =	vadd.s32 v44, v47  }
0x39e: {  	v47 =	vadd.s32 $0x80000001, v44  }
0x39f: {  	v44 =	vmin.u32 v47, v44  }
0x3a0: {  	v47 =	vcvt.s32.f32 v44;
	_ =	sdelay $0x1  }
0x3a1: {  	v47 =	vmul.f32 $1.000009980e-05, v47;
	_ =	sdelay $0x1  }
0x3a2: {  	v47 =	vtrunc.f32 v47  }
0x3a3: {  	v47 =	vcvt.f32.s32 v47;
	_ =	sdelay $0x1  }
0x3a4: {  	v47 =	vmul.u32 $0xFFFE7961, v47;
	_ =	sdelay $0x1  }
0x3a5: {  	v44 =	vadd.s32 v44, v47  }
0x3a6: {  	v57 =	vor.u32 v21, v33;
	vm1 =	vlt.s32 v44, $0x0;
	v47 =	vadd.s32 $0x1869F, v44  }
0x3a7: {  	v58 =	vor.u32 v22, v33;
	v44 =	vsel vm1, v47, v44  }
0x3a8: {  	vm1 =	vgt.s32 v44, $0x1869E  }
0x3a9: {  	v59 =	vsel vm1, $0xFFFE7962, v3  }
0x3aa: {  	v44 =	vadd.s32 v44, v59  }
0x3ab: {  	[tilespmem:v57+s11+$0x0] =	vst.idx.msk $0xffff, v44  }
0x3ac: {  	[tilespmem:v58+s11+$0x0] =	vst.idx.msk $0xffff, v2  }
0x3ad: {  	v44 =	vld [tilespmem:s14+$0xA0]  }
0x3ae: {  	v47 =	vld [tilespmem:$0xB5A0]  }
0x3af: {  	(v2sf) =	vpush v52, $0xF  }
0x3b0: {  	(v2sf) =	vpush v53, $0xF;
	v60 =	vld [tilespmem:$0xB4A0];
	_ =	sdelay $0x1  }
0x3b1: {  	v61 =	vand.u32 $0xFFFF, v44  }
0x3b2: {  	v62 =	vshrl.u32 v44, $0x10;
	v63 =	vmul.u32 v47, v61  }
0x3b3: {  	v47 =	vmul.u32 v47, v62  }
0x3b4: {  	v46 =	vmul.u32 v60, v61;
	v50 =	vshrl.u32 v63, $0x10  }
0x3b5: {  	v45 =	vmul.u32 v60, v62;
	v47 =	vadd.s32 v47, v50  }
0x3b6: {  	v52 =	vand.u32 $0xFFFF, v46;
	v49 =	vand.u32 $0xFFFF, v63;
	v47 =	vshll.u32 v47, $0x1  }
0x3b7: {  	v46 =	vshrl.u32 v46, $0x10;
	v45 =	vadd.s32 v45, v49;
	v47 =	vadd.s32 v52, v47  }
0x3b8: {  	v45 =	vadd.s32 v46, v45;
	(xrf0) =	vadd.scan.msk.s32 $0xffff, v47  }
0x3b9: {  	(xrf0) =	vadd.scan.msk.s32 $0xffff, v45;
	_ =	sdelay $0x3  }
0x3ba: {  	s20 =	spop (v2sf)  }
0x3bb: {  	s21 =	spop (v2sf);
	v53, _, _ =	vpop (xrf0)  }
0x3bc: {  	s16 =	sadd.s32 s16, s21;
	v54, _, _ =	vpop (xrf0)  }
0x3bd: {  	s17 =	sadd.s32 s15, s20;
	v55 =	vadd.s32 s16, v54  }
0x3be: {  	v57 =	vadd.s32 s17, v53;
	v56 =	vshll.u32 v55, $0x10;
	v47 =	vshrl.u32 v55, $0xF  }
0x3bf: {  	v48 =	vand.u32 $0x7FFF0000, v56;
	v47 =	vadd.s32 v47, v57  }
0x3c0: {  	v47 =	vadd.s32 v48, v47  }
0x3c1: {  	v48 =	vand.u32 $0x7FFFFFFF, v47;
	v47 =	vshrl.u32 v47, $0x1F  }
0x3c2: {  	v47 =	vadd.s32 v47, v48  }
0x3c3: {  	v48 =	vadd.s32 $0x80000001, v47  }
0x3c4: {  	v47 =	vmin.u32 v48, v47  }
0x3c5: {  	v48 =	vcvt.s32.f32 v47;
	_ =	sdelay $0x1  }
0x3c6: {  	v48 =	vmul.f32 $1.000009980e-05, v48;
	_ =	sdelay $0x1  }
0x3c7: {  	v48 =	vtrunc.f32 v48  }
0x3c8: {  	v48 =	vcvt.f32.s32 v48;
	_ =	sdelay $0x1  }
0x3c9: {  	v48 =	vmul.u32 $0xFFFE7961, v48;
	_ =	sdelay $0x1  }
0x3ca: {  	v47 =	vadd.s32 v47, v48  }
0x3cb: {  	v58 =	vor.u32 v23, v33;
	vm1 =	vlt.s32 v47, $0x0;
	v48 =	vadd.s32 $0x1869F, v47  }
0x3cc: {  	v59 =	vor.u32 v24, v33;
	v47 =	vsel vm1, v48, v47  }
0x3cd: {  	vm1 =	vgt.s32 v47, $0x1869E  }
0x3ce: {  	v60 =	vsel vm1, $0xFFFE7962, v3  }
0x3cf: {  	v47 =	vadd.s32 v47, v60  }
0x3d0: {  	[tilespmem:v58+s11+$0x0] =	vst.idx.msk $0xffff, v47  }
0x3d1: {  	[tilespmem:v59+s11+$0x0] =	vst.idx.msk $0xffff, v2  }
0x3d2: {  	v47 =	vld [tilespmem:s14+$0xB0]  }
0x3d3: {  	v48 =	vld [tilespmem:$0xB5B0]  }
0x3d4: {  	(v2sf) =	vpush v53, $0xF  }
0x3d5: {  	(v2sf) =	vpush v54, $0xF;
	v61 =	vld [tilespmem:$0xB4B0];
	_ =	sdelay $0x1  }
0x3d6: {  	v62 =	vand.u32 $0xFFFF, v47  }
0x3d7: {  	v63 =	vshrl.u32 v47, $0x10;
	v54 =	vmul.u32 v48, v62  }
0x3d8: {  	v48 =	vmul.u32 v48, v63  }
0x3d9: {  	v46 =	vmul.u32 v61, v62;
	v51 =	vshrl.u32 v54, $0x10  }
0x3da: {  	v45 =	vmul.u32 v61, v63;
	v48 =	vadd.s32 v48, v51  }
0x3db: {  	v55 =	vand.u32 $0xFFFF, v46;
	v50 =	vand.u32 $0xFFFF, v54;
	v48 =	vshll.u32 v48, $0x1  }
0x3dc: {  	v46 =	vshrl.u32 v46, $0x10;
	v45 =	vadd.s32 v45, v50;
	v48 =	vadd.s32 v55, v48  }
0x3dd: {  	v45 =	vadd.s32 v46, v45;
	(xrf0) =	vadd.scan.msk.s32 $0xffff, v48  }
0x3de: {  	(xrf0) =	vadd.scan.msk.s32 $0xffff, v45;
	_ =	sdelay $0x3  }
0x3df: {  	s22 =	spop (v2sf)  }
0x3e0: {  	s23 =	spop (v2sf);
	v45, _, _ =	vpop (xrf0)  }
0x3e1: {  	s15 =	sadd.s32 s16, s23;
	v46, _, _ =	vpop (xrf0)  }
0x3e2: {  	s24 =	sadd.s32 s17, s22;
	v56 =	vadd.s32 s15, v46  }
0x3e3: {  	v58 =	vadd.s32 s24, v45;
	v57 =	vshll.u32 v56, $0x10;
	v48 =	vshrl.u32 v56, $0xF  }
0x3e4: {  	v49 =	vand.u32 $0x7FFF0000, v57;
	v48 =	vadd.s32 v48, v58  }
0x3e5: {  	v48 =	vadd.s32 v49, v48  }
0x3e6: {  	v49 =	vand.u32 $0x7FFFFFFF, v48;
	v48 =	vshrl.u32 v48, $0x1F  }
0x3e7: {  	v48 =	vadd.s32 v48, v49  }
0x3e8: {  	v49 =	vadd.s32 $0x80000001, v48  }
0x3e9: {  	v48 =	vmin.u32 v49, v48  }
0x3ea: {  	v49 =	vcvt.s32.f32 v48;
	_ =	sdelay $0x1  }
0x3eb: {  	v49 =	vmul.f32 $1.000009980e-05, v49;
	_ =	sdelay $0x1  }
0x3ec: {  	v49 =	vtrunc.f32 v49  }
0x3ed: {  	v49 =	vcvt.f32.s32 v49;
	_ =	sdelay $0x1  }
0x3ee: {  	v49 =	vmul.u32 $0xFFFE7961, v49;
	_ =	sdelay $0x1  }
0x3ef: {  	vm2 =	vne.s32 v34, $0x0;
	v59 =	vor.u32 v25, v33;
	v48 =	vadd.s32 v48, v49  }
0x3f0: {  	v61 =	vor.u32 v26, v33;
	vm1 =	vlt.s32 v48, $0x0;
	v49 =	vadd.s32 $0x1869F, v48  }
0x3f1: {  	v62 =	vmpcnt.ones.xlane vm2;
	(v2sf) =	vpush v45, $0xF;
	v60 =	vsel vm1, v49, v48  }
0x3f2: {  	(v2sf) =	vpush v46, $0xF;
	vm1 =	vne.s32 v35, $0x0;
	vm2 =	vgt.s32 v60, $0x1869E  }
0x3f3: {  	v35 =	vmpcnt.ones.xlane vm1;
	vm1 =	vne.s32 v36, $0x0;
	v63 =	vsel vm2, $0xFFFE7962, v3  }
0x3f4: {  	v36 =	vmpcnt.ones.xlane vm1;
	vm1 =	vne.s32 v37, $0x0;
	v34 =	vadd.s32 v60, v63  }
0x3f5: {  	v37 =	vadd.s32 v62, v35;
	v49 =	vmpcnt.ones.xlane vm1;
	vm1 =	vne.s32 v38, $0x0  }
0x3f6: {  	[tilespmem:v59+s11+$0x0] =	vst.idx.msk $0xffff, v34;
	v34 =	vadd.s32 v36, v37;
	v50 =	vmpcnt.ones.xlane vm1;
	vm1 =	vne.s32 v39, $0x0  }
0x3f7: {  	[tilespmem:v61+s11+$0x0] =	vst.idx.msk $0xffff, v2;
	v34 =	vadd.s32 v49, v34;
	v51 =	vmpcnt.ones.xlane vm1;
	vm1 =	vne.s32 v40, $0x0  }
0x3f8: {  	v52 =	vld [tilespmem:s14+$0xC0];
	v34 =	vadd.s32 v50, v34;
	v53 =	vmpcnt.ones.xlane vm1;
	vm1 =	vne.s32 v41, $0x0  }
0x3f9: {  	v54 =	vld [tilespmem:$0xB5C0];
	v34 =	vadd.s32 v51, v34;
	v56 =	vmpcnt.ones.xlane vm1;
	vm1 =	vne.s32 v42, $0x0  }
0x3fa: {  	v55 =	vld [tilespmem:$0xB4C0];
	v34 =	vadd.s32 v53, v34;
	v57 =	vmpcnt.ones.xlane vm1;
	vm1 =	vne.s32 v43, $0x0  }
0x3fb: {  	v34 =	vadd.s32 v56, v34;
	v61 =	vmpcnt.ones.xlane vm1;
	vm1 =	vne.s32 v44, $0x0  }
0x3fc: {  	v34 =	vadd.s32 v57, v34;
	v46 =	vmpcnt.ones.xlane vm1;
	vm1 =	vne.s32 v47, $0x0  }
0x3fd: {  	v58 =	vand.u32 $0xFFFF, v52;
	v59 =	vshrl.u32 v52, $0x10;
	v34 =	vadd.s32 v61, v34  }
0x3fe: {  	v47 =	vmpcnt.ones.xlane vm1;
	vm1 =	vne.s32 v52, $0x0;
	v60 =	vmul.u32 v54, v58  }
0x3ff: {  	v38 =	vmul.u32 v54, v59;
	v62 =	vmul.u32 v55, v58;
	v35 =	vmul.u32 v55, v59  }
0x400: {  	vm1 =	vmand vm1, vm0;
	v34 =	vadd.s32 v46, v34;
	v63 =	vshrl.u32 v60, $0x10  }
0x401: {  	v50 =	vmpcnt.ones.xlane vm1;
	v34 =	vadd.s32 v47, v34;
	v44 =	vadd.s32 v38, v63  }
0x402: {  	v45 =	vand.u32 $0xFFFF, v62;
	v48 =	vand.u32 $0xFFFF, v60;
	v36 =	vshll.u32 v44, $0x1  }
0x403: {  	v49 =	vshrl.u32 v62, $0x10;
	v35 =	vadd.s32 v35, v48;
	v36 =	vadd.s32 v45, v36  }
0x404: {  	v34 =	vadd.s32 v50, v34;
	v35 =	vadd.s32 v49, v35;
	(xrf0) =	vadd.scan.msk.s32 $0xffff, v36  }
0x405: {  	v51 =	vxor.u32 $0x80000000, v34;
	(xrf0) =	vadd.scan.msk.s32 $0xffff, v35  }
0x406: {  	(xrf0) =	vmax.scan.msk.u32 $0xffff, v51;
	_ =	sdelay $0x3  }
0x407: {  	s25 =	spop (v2sf);
	v52, _, _ =	vpop (xrf0)  }
0x408: {  	s26 =	spop (v2sf);
	v53, _, _ =	vpop (xrf0)  }
0x409: {  	s15 =	sadd.s32 s15, s26;
	v55, _, _ =	vpop (xrf0)  }
0x40a: {  	s14 =	sadd.s32 s24, s25;
	v36 =	vadd.s32 s15, v53;
	(v2sf) =	vpush v55, $0xF  }
0x40b: {  	v35 =	vadd.s32 s14, v52;
	v54 =	vshll.u32 v36, $0x10;
	v36 =	vshrl.u32 v36, $0xF  }
0x40c: {  	v37 =	vand.u32 $0x7FFF0000, v54;
	v35 =	vadd.s32 v36, v35  }
0x40d: {  	v35 =	vadd.s32 v37, v35  }
0x40e: {  	v56 =	vand.u32 $0x7FFFFFFF, v35;
	v35 =	vshrl.u32 v35, $0x1F  }
0x40f: {  	v35 =	vadd.s32 v35, v56  }
0x410: {  	v36 =	vadd.s32 $0x80000001, v35  }
0x411: {  	v35 =	vmin.u32 v36, v35  }
0x412: {  	v36 =	vcvt.s32.f32 v35;
	_ =	sdelay $0x1  }
0x413: {  	v36 =	vmul.f32 $1.000009980e-05, v36;
	_ =	sdelay $0x1  }
0x414: {  	v36 =	vtrunc.f32 v36  }
0x415: {  	v36 =	vcvt.f32.s32 v36  }
0x416: {  	v57 =	vadd.s32 $0xFFFFFFFF, v34  }
0x417: {  	vm1 =	vgt.s32 v57, $0x0;
	v36 =	vmul.u32 $0xFFFE7961, v36;
	s28 =	spop (v2sf)  }
0x418: {  	v58 =	vnsel vm1, $0x0, v57;
	s29 =	sxor.u32 $0x80000000, s28  }
0x419: {  	v61 =	vor.u32 v29, v33;
	v35 =	vadd.s32 v35, v36;
	v36 =	vmin.u32 v58, $0xC7;
	p1 =	sgt.s32 s28, $0xFFFFFFFF;
	s14 =	sand.u32 $0xF, s28;
	p0 =	slt.s32 s29, $0x1  }
0x41a: {  	vm1 =	vlt.s32 v35, $0x0;
	v60 =	vshll.u32 v36, $0x1;
	v36 =	vshll.u32 v36, $0x4;
	s30 =	sshra.s32 s29, $0x1F;
	p6 =	sne.s32 s14, $0x0;
	p0 =	por p1, p0  }
0x41b: {  	v59 =	vadd.s32 $0x1869F, v35;
	v38 =	vand.u32 $0x7E, v60;
	v36 =	vand.u32 $0xC00, v36;
	s31 =	sshrl.u32 s30, $0x1C;
	p0 =	por !p6, !p0  }
0x41c: {  	v62 =	vor.u32 v30, v33;
	s15 =	simm.s32 $0x1;
	v35 =	vsel vm1, v59, v35;
	v36 =	vor.u32 v36, v38;
	s14 =	sadd.s32 s31, s29;
	p0 =	por !p0, !p0  }
0x41d: {  	vm1 =	vgt.s32 v35, $0x1869E;
	v33 =	vor.u32 v36, v33;
	s14 =	sshra.s32 s14, $0x4;
	s15 =	simm.s32 @!p0 $0x0  }
0x41e: {  	v63 =	vsel vm1, $0xFFFE7962, v3;
	s14 =	ssub.s32 s14, s15  }
0x41f: {  	v35 =	vadd.s32 v35, v63;
	p0 =	sgt.s32 s14, $0xC  }
.Ltmp8:
0x420: {  	[tilespmem:v61+s11+$0x0] =	vst.idx.msk $0xff, v35;
	(pc) =	sbr.rel @p0 .LBB2_18-.Ltmp8, $2  }
0x421: {  	[tilespmem:v62+s11+$0x0] =	vst.idx.msk $0xff, v2  }
0x422: {  	v33 =	vld.idx.msk [tilespmem:v33+s11+$0x0], $0xffff;
	_ =	sdelay $0x2  }
0x423: {  	s31 =	ssub.s32 $0xD, s14  }
0x424: {  	s15 =	sshll.u32 s14, $0x4;
	p1 =	sne.s32 s31, $0x1  }
.Ltmp9:
0x425: {  	v38 =	vor.u32 s15, v0;
	(pc) =	sbr.rel @!p1 .LBB2_12-.Ltmp9, $4  }
0x426: {  	v35 =	vshll.u32 v38, $0x1  }
0x427: {  	vm1 =	vlt.s32 v35, $0x18E  }
0x428: {  	v35 =	vnsel vm1, $0x18E, v35  }
0x429: {  	p0 =	por $0x0, $0x0;
	s14 =	sadd.s32 $0xFFFFFFFF, s31;
	s15 =	sadd.s32 $0x10, s15;
	v39 =	vshll.u32 v35, $0x3  }
0x42a: {  	v36 =	vor.u32 s15, v0  }
0x42b: {  	v39 =	vand.u32 $0xFFFFFC00, v39;
	v37 =	vshll.u32 v36, $0x1  }
0x42c: {  	v40 =	vand.u32 $0x7E, v35;
	vm2 =	vlt.s32 v38, $0xC8;
	p1 =	sne.s32 s14, $0x1;
	vm1 =	vlt.s32 v37, $0x18E  }
.Ltmp10:
0x42d: {  	v39 =	vadd.s32 v32, v39;
	v35 =	vnsel vm1, $0x18E, v37;
	vm1 =	vge.s32 v38, v34;
	(pc) =	sbr.rel @!p1 .LBB2_14-.Ltmp10, $3  }
0x42e: {  	v63 =	vor.u32 v40, v39;
	vm1 =	vmand vm1, vm2  }
0x42f: {  	v37 =	vor.u32 v31, v63;
	_ =	sdelay $0x1  }
0x430: {  	s14 =	sadd.s32 $0xFFFFFFFF, s14;
	s15 =	sadd.s32 $0x10, s15;
	p0 =	por $0x1, $0x1;
	v39 =	vshll.u32 v35, $0x3  }
.LBB2_15:
0x431: {  	v38 =	vor.u32 s15, v0;
	vm2 =	vge.s32 v36, v34;
	v39 =	vand.u32 $0xFFFFFC00, v39;
	p1 =	sne.s32 s14, $0x1  }
.Ltmp11:
0x432: {  	s14 =	sadd.s32 $0xFFFFFFFF, s14;
	vm3 =	vlt.s32 v36, $0xC8;
	v35 =	vand.u32 $0x7E, v35;
	v39 =	vadd.s32 v32, v39;
	v36 =	vmovc v38;
	(pc) =	sbr.rel @p1 .LBB2_15-.Ltmp11, $4  }
0x433: {  	v38 =	vshll.u32 v36, $0x1;
	v35 =	vor.u32 v35, v39;
	[tilespmem:v37+s11+$0x0] =	vst.idx.msk vm1, v33;
	vm1 =	vmand vm2, vm3  }
0x434: {  	vm2 =	vlt.s32 v38, $0x18E;
	v37 =	vor.u32 v31, v35  }
0x435: {  	v35 =	vnsel vm2, $0x18E, v38  }
0x436: {  	s15 =	sadd.s32 $0x10, s15;
	v39 =	vshll.u32 v35, $0x3  }
.Ltmp12:
0x437: {  	(pc) =	sbr.rel .LBB2_17-.Ltmp12, $2  }
0x438: {  	_ =	sdelay $0x2  }
0x439: {  	v38 =	vmov v36  }
.LBB2_4:
.Ltmp13:
0x43a: {  	(pc) =	sbr.rel .LBB2_9-.Ltmp13, $2  }
0x43b: {  	_ =	sdelay $0x2  }
0x43c: {  	_ = 	snop  }
.LBB2_6:
.Ltmp14:
0x43d: {  	(pc) =	sbr.rel .LBB2_9-.Ltmp14, $2  }
0x43e: {  	_ =	sdelay $0x2  }
0x43f: {  	v40 =	vmov v38  }
.LBB2_14:
.Ltmp15:
0x440: {  	(pc) =	sbr.rel .LBB2_17-.Ltmp15, $2  }
0x441: {  	_ =	sdelay $0x2  }
0x442: {  	v38 =	vmov v36  }
.LBB2_20:
0x443: {  	_ =	sfence.sel $0x180000  }
0x444: {  	[bflag:$0x0] =	sbarrier.arrive $0xFFFF  }
0x445: {  	p0 =	sne.s32 s1, $0x0;
	_ =	strace $0x90000047  }
0x446: {  	s0 =	sadd.s32 @!p0 $0x100000, s0;
	[bflag:$0x2] =	sbarrier.arrive $0xFFFF  }
0x447: {  	[sflag:s0] =	ssyncadd.tile.s32 @!p0 $0x1;
	_ =	shalt  }
.Lfunc_end2:
_tile_overlayer_lowered:
.L_overlay_start_2:
0x448: {  	(tag) =	ssettag $0x2  }
0x449: {  	s0 =	rddreg [dreg:$0x0];
	s2 =	stileid.u32  }
0x44a: {  	s1 =	rddreg [dreg:$0x1];
	p0 =	sne.s32 s2, $0x0  }
0x44b: {  	s3 =	rddreg [dreg:$0x2];
	[bflag:$0x3] =	sbarrier.arrive $0xFFFF;
	s2 =	simm.s32 @!p0 $0x1C01  }
0x44c: {  	[timem:s3], [sflag:s2] =	dma.local @!p0 [hbm:s0], s1  }
0x44d: {  	s0 =	simm.s32 @!p0 $0x1  }
0x44e: {  	_ =	swait.ge @!p0 [sflag:s0], s1  }
0x44f: {  	s1 =	ssub.s32 @!p0 $0x0, s1;
	[sflag:s0] =	ssyncset.done @!p0 $0x0  }
0x450: {  	[sflag:s0] =	ssyncadd.s32 @!p0 s1  }
0x451: {  	[bflag:$0x3] =	sbarrier.arrive $0xFFFF  }
0x452: {  	_ =	shalt  }

</sc_bundles>
